<compile_context>
chip_gen: v7x
topology: tpu7x:2x2x1
jax: 0.10.2.dev20260603
libtpu: 0.0.44.dev20260713+nightly
codegen_flags: <defaults>
</compile_context>

<pallas_src>
import functools

import jax
import jax.numpy as jnp
from jax import lax
from jax.experimental import pallas as pl
from jax.experimental.pallas import tpu as pltpu
from jax.experimental.pallas import tpu_sc as plsc

_CW = 33
_AW = 24
_NW = 32
_GCH = 1024
_SCH = 2048
_TRASH = 48


def _sc_gather(px, py, pz, src1d, dst1d, EP, N):
    nchunk = EP // _GCH
    per_w = nchunk // _NW
    mesh = plsc.VectorSubcoreMesh(core_axis_name="c", subcore_axis_name="s")

    @functools.partial(
        pl.kernel,
        out_type=(jax.ShapeDtypeStruct((EP,), jnp.float32),
                  jax.ShapeDtypeStruct((EP,), jnp.float32),
                  jax.ShapeDtypeStruct((EP,), jnp.float32)),
        mesh=mesh,
        scratch_types=[
            pltpu.VMEM((_GCH,), jnp.int32),
            pltpu.VMEM((_GCH,), jnp.int32),
            pltpu.VMEM((_GCH,), jnp.float32),
            pltpu.VMEM((_GCH,), jnp.float32),
            pltpu.VMEM((_GCH,), jnp.float32),
            pltpu.VMEM((_GCH,), jnp.float32),
            pltpu.VMEM((_GCH,), jnp.float32),
            pltpu.VMEM((_GCH,), jnp.float32),
            pltpu.VMEM_SHARED((N,), jnp.float32),
            pltpu.VMEM_SHARED((N,), jnp.float32),
            pltpu.VMEM_SHARED((N,), jnp.float32),
            pltpu.SemaphoreType.DMA,
        ],
    )
    def k(px_hbm, py_hbm, pz_hbm, src_hbm, dst_hbm, ox, oy, oz,
          si_v, di_v, sx, sy, sz, dx, dy, dz, pxs, pys, pzs, sem):
        c = lax.axis_index("c")
        s = lax.axis_index("s")
        wid = s * 2 + c

        @pl.when(s == 0)
        def _():
            pltpu.sync_copy(px_hbm, pxs)

        @pl.when(s == 1)
        def _():
            pltpu.sync_copy(py_hbm, pys)

        @pl.when(s == 2)
        def _():
            pltpu.sync_copy(pz_hbm, pzs)

        plsc.subcore_barrier()

        def body(t, carry):
            ct = wid * per_w + t
            e0 = ct * _GCH
            pltpu.sync_copy(src_hbm.at[pl.ds(e0, _GCH)], si_v)
            pltpu.sync_copy(dst_hbm.at[pl.ds(e0, _GCH)], di_v)
            cps = [
                pltpu.async_copy(pxs.at[si_v], sx, sem),
                pltpu.async_copy(pys.at[si_v], sy, sem),
                pltpu.async_copy(pzs.at[si_v], sz, sem),
                pltpu.async_copy(pxs.at[di_v], dx, sem),
                pltpu.async_copy(pys.at[di_v], dy, sem),
                pltpu.async_copy(pzs.at[di_v], dz, sem),
            ]
            for cp in cps:
                cp.wait()
            for i in range(_GCH // 16):
                v = pl.ds(i * 16, 16)
                dx[v] = dx[v] - sx[v]
                dy[v] = dy[v] - sy[v]
                dz[v] = dz[v] - sz[v]
            pltpu.sync_copy(dx, ox.at[pl.ds(e0, _GCH)])
            pltpu.sync_copy(dy, oy.at[pl.ds(e0, _GCH)])
            pltpu.sync_copy(dz, oz.at[pl.ds(e0, _GCH)])
            return carry

        lax.fori_loop(0, per_w, body, 0)

    return k(px, py, pz, src1d, dst1d)


def _tc_mlp(relx, rely, relz, w1x, w1y, w1z, b1, g1, be1, W2T, b2, EP):
    BE = 8192
    grid = EP // BE
    rsqrt2 = 0.7071067811865476

    def body(rx_ref, ry_ref, rz_ref, w1x_ref, w1y_ref, w1z_ref, b1_ref,
             g1_ref, be1_ref, w2t_ref, b2_ref, o_ref):
        x = rx_ref[...].reshape(1, BE)
        y = ry_ref[...].reshape(1, BE)
        z = rz_ref[...].reshape(1, BE)
        d = jnp.sqrt(x * x + y * y + z * z) + 1e-6
        ux, uy, uz = x / d, y / d, z / d
        h = (w1x_ref[...] * ux + w1y_ref[...] * uy + w1z_ref[...] * uz
             + b1_ref[...])
        mu = jnp.mean(h, axis=0, keepdims=True)
        hc = h - mu
        var = jnp.mean(hc * hc, axis=0, keepdims=True)
        hn = g1_ref[...] * hc / jnp.sqrt(var + 1e-5) + be1_ref[...]
        hg = 0.5 * hn * (1.0 + lax.erf(hn * rsqrt2))
        code = jnp.dot(w2t_ref[...], hg,
                       preferred_element_type=jnp.float32) + b2_ref[...]
        o_ref[...] = jnp.concatenate(
            [code, jnp.ones((1, BE), jnp.float32)], axis=0)

    full = lambda shape: pl.BlockSpec(shape, lambda i: tuple(0 for _ in shape))
    return pl.pallas_call(
        body,
        grid=(grid,),
        in_specs=[
            pl.BlockSpec((BE,), lambda i: (i,)),
            pl.BlockSpec((BE,), lambda i: (i,)),
            pl.BlockSpec((BE,), lambda i: (i,)),
            full((32, 1)), full((32, 1)), full((32, 1)), full((32, 1)),
            full((32, 1)), full((32, 1)), full((32, 32)), full((32, 1)),
        ],
        out_specs=pl.BlockSpec((_CW, BE), lambda i: (0, i)),
        out_shape=jax.ShapeDtypeStruct((_CW, EP), jnp.float32),
    )(relx, rely, relz, w1x, w1y, w1z, b1, g1, be1, W2T, b2)


def _sc_scatter(codeT3, dst1d, zeros, NP, EP):
    nchunk = EP // _SCH
    per_w = -(-nchunk // _NW)
    mesh = plsc.VectorSubcoreMesh(core_axis_name="c", subcore_axis_name="s")

    @functools.partial(
        pl.kernel,
        out_type=jax.ShapeDtypeStruct((4 * _AW, 1, NP), jnp.float32),
        mesh=mesh,
        scratch_types=[
            pltpu.VMEM((_SCH,), jnp.int32),
            pltpu.VMEM((17, 1, _SCH), jnp.float32),
            pltpu.VMEM_SHARED((_AW, 1, NP), jnp.float32),
            pltpu.SemaphoreType.DMA,
        ],
    )
    def k(code_hbm, dst_hbm, z_hbm, out_hbm, idx_v, data_v, accum, sem):
        c = lax.axis_index("c")
        s = lax.axis_index("s")
        wid = s * 2 + c

        for p, (f0, nf) in enumerate(((0, 16), (16, 17))):
            @pl.when(s < _AW // 8)
            def _():
                pltpu.sync_copy(z_hbm.at[pl.ds(s * 8, 8)],
                                accum.at[pl.ds(s * 8, 8)])
            plsc.subcore_barrier()

            def body(t, carry):
                ct = wid + t * _NW

                @pl.when(ct < nchunk)
                def _():
                    pltpu.sync_copy(dst_hbm.at[pl.ds(ct * _SCH, _SCH)], idx_v)
                    pltpu.sync_copy(
                        code_hbm.at[pl.ds(f0, nf), :, pl.ds(ct * _SCH, _SCH)],
                        data_v.at[pl.ds(0, nf)])
                    cps = []
                    for f in range(nf):
                        cps.append(pltpu.async_copy(
                            data_v.at[f, 0],
                            accum.at[f, 0].at[idx_v],
                            sem, add=True))
                    for cp in cps:
                        cp.wait()
                return carry

            lax.fori_loop(0, per_w, body, 0)
            plsc.subcore_barrier()

            @pl.when(s < _AW // 8)
            def _():
                pltpu.sync_copy(
                    accum.at[pl.ds(s * 8, 8)],
                    out_hbm.at[pl.ds((c * 2 + p) * _AW + s * 8, 8)])
            plsc.subcore_barrier()

    return k(codeT3, dst1d, zeros)


def _tc_combine(x, parts, N, NP):
    BN = 2176
    grid = NP // BN

    def body(x_ref, p_ref, eye_ref, o_ref):
        xb = x_ref[...]
        col = lax.broadcasted_iota(jnp.int32, xb.shape, 1)

        def binf(v, lo, hi):
            vc = jnp.clip(v, lo, hi)
            vn = (vc - lo) / (hi - lo)
            return jnp.floor(vn * 10.0) / 10.0

        xn = jnp.where(col == 0, binf(xb, -4.5, 4.5), xb)
        xn = jnp.where(col == 1, binf(xb, -1.0, 1.0), xn)
        xn = jnp.where(col == 3, binf(xb, 75.0, 204.0), xn)
        p = p_ref[...]
        psA = p[0:_AW] + p[2 * _AW:3 * _AW]
        psB = p[_AW:2 * _AW] + p[3 * _AW:4 * _AW]
        cs = jnp.concatenate([psA[0:16], psB[0:17]], axis=0)
        cnt = cs[32:33]
        peT = cs[0:32] / jnp.maximum(cnt, 1.0)
        pe = lax.dot_general(peT, eye_ref[...],
                             dimension_numbers=(((0,), (0,)), ((), ())),
                             preferred_element_type=jnp.float32)
        o_ref[...] = jnp.concatenate([xn, pe], axis=1)

    eye = jnp.eye(32, dtype=jnp.float32)
    return pl.pallas_call(
        body,
        grid=(grid,),
        in_specs=[
            pl.BlockSpec((BN, 26), lambda i: (i, 0)),
            pl.BlockSpec((4 * _AW, BN), lambda i: (0, i)),
            pl.BlockSpec((32, 32), lambda i: (0, 0)),
        ],
        out_specs=pl.BlockSpec((BN, 58), lambda i: (i, 0)),
        out_shape=jax.ShapeDtypeStruct((N, 58), jnp.float32),
    )(x, parts, eye)


def kernel(x, pos, edge_index, batch, W1, b1, g1, be1, W2, b2):
    N = x.shape[0]
    E = edge_index.shape[1]
    EP = -(-E // (_GCH * _NW)) * (_GCH * _NW)
    NP = N + _TRASH
    npad = EP - E
    src = edge_index[0].astype(jnp.int32)
    dst = edge_index[1].astype(jnp.int32)
    pad_i = jnp.arange(npad, dtype=jnp.int32)
    src_p = jnp.concatenate([src, pad_i % N])
    dst_p = jnp.concatenate([dst, N + (pad_i % _TRASH)])
    px, py, pz = pos[:, 0], pos[:, 1], pos[:, 2]
    relx, rely, relz = _sc_gather(px, py, pz, src_p, dst_p, EP, N)
    W1T = W1.T
    codeT = _tc_mlp(
        relx, rely, relz,
        W1T[:, 0:1], W1T[:, 1:2], W1T[:, 2:3],
        b1.reshape(32, 1), g1.reshape(32, 1), be1.reshape(32, 1),
        W2.T, b2.reshape(32, 1), EP)
    codeT3 = codeT.reshape(_CW, 1, EP)
    zeros = jnp.zeros((_AW, 1, NP), jnp.float32)
    parts = _sc_scatter(codeT3, dst_p, zeros, NP, EP)
    return _tc_combine(x, parts.reshape(4 * _AW, NP), N, NP)

# --- scband reference (transcript-rebuilt; emitter-appended) ---
"""Pipeline reference for scband-protein-gatv2-encoder-12068858101899 (READ-ONLY COPY).

The authoritative reference and input builder live on the scoring server;
editing this copy changes nothing except your own understanding.
"""

import jax, jax.numpy as jnp
import numpy as np

N = 50000
E = 800000
NODE_DIM = 26
SUB = 32  # hidden_dim//2 of the pos_encoder (pos_encoder hidden = 128//2 = 64; its internal sub-dim = 32)
NUM_BINS = 10


def _bin_and_normalize(values, lo, hi):
    vc = jnp.clip(values, lo, hi)
    vn = (vc - lo) / (hi - lo)
    return jnp.floor(vn * NUM_BINS) / NUM_BINS


def property_normalize(x):
    x = x.at[:, 0].set(_bin_and_normalize(x[:, 0], -4.5, 4.5))
    x = x.at[:, 1].set(_bin_and_normalize(x[:, 1], -1.0, 1.0))
    x = x.at[:, 3].set(_bin_and_normalize(x[:, 3], 75.0, 204.0))
    return x


def setup_inputs(seed: int = 0) -> dict:
    key = jax.random.key(seed)
    ks = jax.random.split(key, 8)
    x = jax.random.normal(ks[0], (N, NODE_DIM), dtype=jnp.float32)
    pos = jax.random.normal(ks[1], (N, 3), dtype=jnp.float32)
    edge_index = jax.random.randint(ks[2], (2, E), 0, N)
    batch = jnp.zeros((N,), dtype=jnp.int32)
    # spatial_encoder params: Linear(3,32) -> LayerNorm(32) -> GELU -> Linear(32,32)
    W1 = jax.random.normal(ks[3], (3, SUB), dtype=jnp.float32) * 0.1
    b1 = jnp.zeros((SUB,), dtype=jnp.float32)
    g1 = jnp.ones((SUB,), dtype=jnp.float32)
    be1 = jnp.zeros((SUB,), dtype=jnp.float32)
    W2 = jax.random.normal(ks[4], (SUB, SUB), dtype=jnp.float32) * 0.1
    b2 = jnp.zeros((SUB,), dtype=jnp.float32)
    return {"x": x, "pos": pos, "edge_index": edge_index, "batch": batch,
            "W1": W1, "b1": b1, "g1": g1, "be1": be1, "W2": W2, "b2": b2}


def _layernorm(h, g, b):
    mu = jnp.mean(h, axis=-1, keepdims=True)
    var = jnp.var(h, axis=-1, keepdims=True)
    return g * (h - mu) / jnp.sqrt(var + 1e-5) + b


def reference(x, pos, edge_index, batch, W1, b1, g1, be1, W2, b2):
    # PropertyNormalizer
    xn = property_normalize(x)
    # RelativePositionEncoder (vectorized scatter-add instead of python loop)
    src = edge_index[0]
    dst = edge_index[1]
    rel_pos = pos[dst] - pos[src]
    dist = jnp.linalg.norm(rel_pos, axis=1, keepdims=True)
    rel_pos_norm = rel_pos / (dist + 1e-6)
    h = rel_pos_norm @ W1 + b1
    h = _layernorm(h, g1, be1)
    h = jax.nn.gelu(h, approximate=False)
    spatial_code = h @ W2 + b2  # [E, 32]
    pos_emb = jax.ops.segment_sum(spatial_code, dst, num_segments=N)
    deg = jax.ops.segment_sum(jnp.ones((E,), dtype=jnp.float32), dst, num_segments=N)
    deg = jnp.maximum(deg, 1.0)
    pos_emb = pos_emb / deg[:, None]
    # node encoder input: concat of normalized features and positional encoding
    out = jnp.concatenate([xn, pos_emb], axis=1)  # [N, 26+32]
    return out

if __name__ == "__main__":
    import jax
    _d = setup_inputs()
    print(jax.jit(kernel)(*tuple(_d.values())))

</pallas_src>

<mosaic_0001>
#map = affine_map<(d0, d1) -> (0)>
module attributes {stable_mosaic.version = 14 : i64} {
  func.func @k(%arg0: i32, %arg1: i32, %arg2: memref<50000xf32, #tpu.memory_space<hbm>>, %arg3: memref<50000xf32, #tpu.memory_space<hbm>>, %arg4: memref<50000xf32, #tpu.memory_space<hbm>>, %arg5: memref<819200xi32, #tpu.memory_space<hbm>>, %arg6: memref<819200xi32, #tpu.memory_space<hbm>>, %arg7: memref<819200xf32, #tpu.memory_space<hbm>>, %arg8: memref<819200xf32, #tpu.memory_space<hbm>>, %arg9: memref<819200xf32, #tpu.memory_space<hbm>>, %arg10: memref<1024xi32, #tpu.memory_space<vmem>>, %arg11: memref<1024xi32, #tpu.memory_space<vmem>>, %arg12: memref<1024xf32, #tpu.memory_space<vmem>>, %arg13: memref<1024xf32, #tpu.memory_space<vmem>>, %arg14: memref<1024xf32, #tpu.memory_space<vmem>>, %arg15: memref<1024xf32, #tpu.memory_space<vmem>>, %arg16: memref<1024xf32, #tpu.memory_space<vmem>>, %arg17: memref<1024xf32, #tpu.memory_space<vmem>>, %arg18: memref<50000xf32, #tpu.memory_space<vmem_shared>>, %arg19: memref<50000xf32, #tpu.memory_space<vmem_shared>>, %arg20: memref<50000xf32, #tpu.memory_space<vmem_shared>>, %arg21: memref<!tpu.dma_semaphore, #tpu.memory_space<semaphore_mem>>) attributes {dimension_semantics = [#tpu.dimension_semantics<core_parallel>, #tpu.dimension_semantics<subcore_parallel>], iteration_bounds = array<i64: 2, 16>, scalar_prefetch = 0 : i64, scratch_operands = 12 : i64, tpu.core_type = #tpu.core_type<sc_vector_subcore>, window_params = [{transform_indices = #map}, {transform_indices = #map}, {transform_indices = #map}, {transform_indices = #map}, {transform_indices = #map}, {transform_indices = #map}, {transform_indices = #map}, {transform_indices = #map}]} {
    %mul3A = arith.constant 2 : i32
    %mul3A_0 = arith.muli %arg1, %mul3A : i32
    %add3A = arith.addi %mul3A_0, %arg0 : i32
    %eq3A = arith.constant 0 : i32
    %eq3A_1 = arith.cmpi eq, %arg1, %eq3A : i32
    %convert_element_type3A = arith.extui %eq3A_1 : i1 to i32
    %cond3A = arith.constant 0 : i32
    %cond3A_2 = arith.cmpi ne, %convert_element_type3A, %cond3A : i32
    scf.if %cond3A_2 {
      "tpu.region"() ({
        %run_scoped3A = tpu.sem_alloc : memref<!tpu.dma_semaphore, #tpu.memory_space<semaphore_mem>>
        tpu.enqueue_dma source(%arg2 : memref<50000xf32, #tpu.memory_space<hbm>>) target(%arg18 : memref<50000xf32, #tpu.memory_space<vmem_shared>>) target_semaphore(%run_scoped3A : memref<!tpu.dma_semaphore, #tpu.memory_space<semaphore_mem>>)
        tpu.wait_dma2 semaphore(%run_scoped3A : memref<!tpu.dma_semaphore, #tpu.memory_space<semaphore_mem>>) src(%arg2 : memref<50000xf32, #tpu.memory_space<hbm>>) dst(%arg18 : memref<50000xf32, #tpu.memory_space<vmem_shared>>)
        tpu.yield
      }) : () -> ()
    } else {
    }
    %eq3A_3 = arith.constant 1 : i32
    %eq3A_4 = arith.cmpi eq, %arg1, %eq3A_3 : i32
    %convert_element_type3A_5 = arith.extui %eq3A_4 : i1 to i32
    %cond3A_6 = arith.constant 0 : i32
    %cond3A_7 = arith.cmpi ne, %convert_element_type3A_5, %cond3A_6 : i32
    scf.if %cond3A_7 {
      "tpu.region"() ({
        %run_scoped3A = tpu.sem_alloc : memref<!tpu.dma_semaphore, #tpu.memory_space<semaphore_mem>>
        tpu.enqueue_dma source(%arg3 : memref<50000xf32, #tpu.memory_space<hbm>>) target(%arg19 : memref<50000xf32, #tpu.memory_space<vmem_shared>>) target_semaphore(%run_scoped3A : memref<!tpu.dma_semaphore, #tpu.memory_space<semaphore_mem>>)
        tpu.wait_dma2 semaphore(%run_scoped3A : memref<!tpu.dma_semaphore, #tpu.memory_space<semaphore_mem>>) src(%arg3 : memref<50000xf32, #tpu.memory_space<hbm>>) dst(%arg19 : memref<50000xf32, #tpu.memory_space<vmem_shared>>)
        tpu.yield
      }) : () -> ()
    } else {
    }
    %eq3A_8 = arith.constant 2 : i32
    %eq3A_9 = arith.cmpi eq, %arg1, %eq3A_8 : i32
    %convert_element_type3A_10 = arith.extui %eq3A_9 : i1 to i32
    %cond3A_11 = arith.constant 0 : i32
    %cond3A_12 = arith.cmpi ne, %convert_element_type3A_10, %cond3A_11 : i32
    scf.if %cond3A_12 {
      "tpu.region"() ({
        %run_scoped3A = tpu.sem_alloc : memref<!tpu.dma_semaphore, #tpu.memory_space<semaphore_mem>>
        tpu.enqueue_dma source(%arg4 : memref<50000xf32, #tpu.memory_space<hbm>>) target(%arg20 : memref<50000xf32, #tpu.memory_space<vmem_shared>>) target_semaphore(%run_scoped3A : memref<!tpu.dma_semaphore, #tpu.memory_space<semaphore_mem>>)
        tpu.wait_dma2 semaphore(%run_scoped3A : memref<!tpu.dma_semaphore, #tpu.memory_space<semaphore_mem>>) src(%arg4 : memref<50000xf32, #tpu.memory_space<hbm>>) dst(%arg20 : memref<50000xf32, #tpu.memory_space<vmem_shared>>)
        tpu.yield
      }) : () -> ()
    } else {
    }
    %barrier3A = arith.constant 0 : index
    tpu.barrier barrier_id(%barrier3A)
    %scan3A = arith.constant 0 : i32
    %scan3A_13 = arith.constant 0 : i32
    %scan3A_14 = arith.constant 25 : i32
    %scan3A_15 = arith.addi %scan3A_13, %scan3A_14 : i32
    %scan3A_16 = arith.constant 1 : i32
    scf.for %scan3A_18 = %scan3A_13 to %scan3A_15 step %scan3A_16  : i32 {
      %mul3A_19 = arith.constant 25 : i32
      %mul3A_20 = arith.muli %add3A, %mul3A_19 : i32
      %add3A_21 = arith.addi %mul3A_20, %scan3A_18 : i32
      %mul3A_22 = arith.constant 1024 : i32
      %mul3A_23 = arith.muli %add3A_21, %mul3A_22 : i32
      "tpu.region"() ({
        %run_scoped3A = tpu.sem_alloc : memref<!tpu.dma_semaphore, #tpu.memory_space<semaphore_mem>>
        %dma_start3A_2155 = tpu.memref_slice %arg5[%mul3A_23] : memref<819200xi32, #tpu.memory_space<hbm>> -> memref<1024xi32, #tpu.memory_space<hbm>>
        %dma_start3A_2156 = tpu.memref_slice %arg5[%mul3A_23] : memref<819200xi32, #tpu.memory_space<hbm>> -> memref<1024xi32, #tpu.memory_space<hbm>>
        tpu.enqueue_dma source(%dma_start3A_2156 : memref<1024xi32, #tpu.memory_space<hbm>>) target(%arg10 : memref<1024xi32, #tpu.memory_space<vmem>>) target_semaphore(%run_scoped3A : memref<!tpu.dma_semaphore, #tpu.memory_space<semaphore_mem>>)
        %dma_wait3A_2157 = tpu.memref_slice %arg5[%mul3A_23] : memref<819200xi32, #tpu.memory_space<hbm>> -> memref<1024xi32, #tpu.memory_space<hbm>>
        %dma_wait3A_2158 = tpu.memref_slice %arg5[%mul3A_23] : memref<819200xi32, #tpu.memory_space<hbm>> -> memref<1024xi32, #tpu.memory_space<hbm>>
        tpu.wait_dma2 semaphore(%run_scoped3A : memref<!tpu.dma_semaphore, #tpu.memory_space<semaphore_mem>>) src(%dma_wait3A_2158 : memref<1024xi32, #tpu.memory_space<hbm>>) dst(%arg10 : memref<1024xi32, #tpu.memory_space<vmem>>)
        tpu.yield
      }) : () -> ()
      "tpu.region"() ({
        %run_scoped3A = tpu.sem_alloc : memref<!tpu.dma_semaphore, #tpu.memory_space<semaphore_mem>>
        %dma_start3A_2155 = tpu.memref_slice %arg6[%mul3A_23] : memref<819200xi32, #tpu.memory_space<hbm>> -> memref<1024xi32, #tpu.memory_space<hbm>>
        %dma_start3A_2156 = tpu.memref_slice %arg6[%mul3A_23] : memref<819200xi32, #tpu.memory_space<hbm>> -> memref<1024xi32, #tpu.memory_space<hbm>>
        tpu.enqueue_dma source(%dma_start3A_2156 : memref<1024xi32, #tpu.memory_space<hbm>>) target(%arg11 : memref<1024xi32, #tpu.memory_space<vmem>>) target_semaphore(%run_scoped3A : memref<!tpu.dma_semaphore, #tpu.memory_space<semaphore_mem>>)
        %dma_wait3A_2157 = tpu.memref_slice %arg6[%mul3A_23] : memref<819200xi32, #tpu.memory_space<hbm>> -> memref<1024xi32, #tpu.memory_space<hbm>>
        %dma_wait3A_2158 = tpu.memref_slice %arg6[%mul3A_23] : memref<819200xi32, #tpu.memory_space<hbm>> -> memref<1024xi32, #tpu.memory_space<hbm>>
        tpu.wait_dma2 semaphore(%run_scoped3A : memref<!tpu.dma_semaphore, #tpu.memory_space<semaphore_mem>>) src(%dma_wait3A_2158 : memref<1024xi32, #tpu.memory_space<hbm>>) dst(%arg11 : memref<1024xi32, #tpu.memory_space<vmem>>)
        tpu.yield
      }) : () -> ()
      %dma_start3A = arith.constant 0 : i32
      %dma_start3A_24 = tpu.memref_slice %arg18[%dma_start3A] : memref<50000xf32, #tpu.memory_space<vmem_shared>> -> memref<50000xf32, #tpu.memory_space<vmem_shared>>
      tpu.enqueue_indirect_dma source(%dma_start3A_24 : memref<50000xf32, #tpu.memory_space<vmem_shared>>) target(%arg12 : memref<1024xf32, #tpu.memory_space<vmem>>) offsets(%arg10 : memref<1024xi32, #tpu.memory_space<vmem>>) semaphore(%arg21 : memref<!tpu.dma_semaphore, #tpu.memory_space<semaphore_mem>>)
      %dma_start3A_25 = arith.constant 0 : i32
      %dma_start3A_26 = tpu.memref_slice %arg19[%dma_start3A_25] : memref<50000xf32, #tpu.memory_space<vmem_shared>> -> memref<50000xf32, #tpu.memory_space<vmem_shared>>
      tpu.enqueue_indirect_dma source(%dma_start3A_26 : memref<50000xf32, #tpu.memory_space<vmem_shared>>) target(%arg13 : memref<1024xf32, #tpu.memory_space<vmem>>) offsets(%arg10 : memref<1024xi32, #tpu.memory_space<vmem>>) semaphore(%arg21 : memref<!tpu.dma_semaphore, #tpu.memory_space<semaphore_mem>>)
      %dma_start3A_27 = arith.constant 0 : i32
      %dma_start3A_28 = tpu.memref_slice %arg20[%dma_start3A_27] : memref<50000xf32, #tpu.memory_space<vmem_shared>> -> memref<50000xf32, #tpu.memory_space<vmem_shared>>
      tpu.enqueue_indirect_dma source(%dma_start3A_28 : memref<50000xf32, #tpu.memory_space<vmem_shared>>) target(%arg14 : memref<1024xf32, #tpu.memory_space<vmem>>) offsets(%arg10 : memref<1024xi32, #tpu.memory_space<vmem>>) semaphore(%arg21 : memref<!tpu.dma_semaphore, #tpu.memory_space<semaphore_mem>>)
      %dma_start3A_29 = arith.constant 0 : i32
      %dma_start3A_30 = tpu.memref_slice %arg18[%dma_start3A_29] : memref<50000xf32, #tpu.memory_space<vmem_shared>> -> memref<50000xf32, #tpu.memory_space<vmem_shared>>
      tpu.enqueue_indirect_dma source(%dma_start3A_30 : memref<50000xf32, #tpu.memory_space<vmem_shared>>) target(%arg15 : memref<1024xf32, #tpu.memory_space<vmem>>) offsets(%arg11 : memref<1024xi32, #tpu.memory_space<vmem>>) semaphore(%arg21 : memref<!tpu.dma_semaphore, #tpu.memory_space<semaphore_mem>>)
      %dma_start3A_31 = arith.constant 0 : i32
      %dma_start3A_32 = tpu.memref_slice %arg19[%dma_start3A_31] : memref<50000xf32, #tpu.memory_space<vmem_shared>> -> memref<50000xf32, #tpu.memory_space<vmem_shared>>
      tpu.enqueue_indirect_dma source(%dma_start3A_32 : memref<50000xf32, #tpu.memory_space<vmem_shared>>) target(%arg16 : memref<1024xf32, #tpu.memory_space<vmem>>) offsets(%arg11 : memref<1024xi32, #tpu.memory_space<vmem>>) semaphore(%arg21 : memref<!tpu.dma_semaphore, #tpu.memory_space<semaphore_mem>>)
      %dma_start3A_33 = arith.constant 0 : i32
      %dma_start3A_34 = tpu.memref_slice %arg20[%dma_start3A_33] : memref<50000xf32, #tpu.memory_space<vmem_shared>> -> memref<50000xf32, #tpu.memory_space<vmem_shared>>
      tpu.enqueue_indirect_dma source(%dma_start3A_34 : memref<50000xf32, #tpu.memory_space<vmem_shared>>) target(%arg17 : memref<1024xf32, #tpu.memory_space<vmem>>) offsets(%arg11 : memref<1024xi32, #tpu.memory_space<vmem>>) semaphore(%arg21 : memref<!tpu.dma_semaphore, #tpu.memory_space<semaphore_mem>>)
      %dma_wait3A = arith.constant 0 : i32
      %dma_wait3A_35 = tpu.memref_slice %arg18[%dma_wait3A] : memref<50000xf32, #tpu.memory_space<vmem_shared>> -> memref<50000xf32, #tpu.memory_space<vmem_shared>>
      tpu.wait_indirect_dma semaphore(%arg21 : memref<!tpu.dma_semaphore, #tpu.memory_space<semaphore_mem>>) src(%dma_wait3A_35 : memref<50000xf32, #tpu.memory_space<vmem_shared>>) dst(%arg12 : memref<1024xf32, #tpu.memory_space<vmem>>)
      %dma_wait3A_36 = arith.constant 0 : i32
      %dma_wait3A_37 = tpu.memref_slice %arg19[%dma_wait3A_36] : memref<50000xf32, #tpu.memory_space<vmem_shared>> -> memref<50000xf32, #tpu.memory_space<vmem_shared>>
      tpu.wait_indirect_dma semaphore(%arg21 : memref<!tpu.dma_semaphore, #tpu.memory_space<semaphore_mem>>) src(%dma_wait3A_37 : memref<50000xf32, #tpu.memory_space<vmem_shared>>) dst(%arg13 : memref<1024xf32, #tpu.memory_space<vmem>>)
      %dma_wait3A_38 = arith.constant 0 : i32
      %dma_wait3A_39 = tpu.memref_slice %arg20[%dma_wait3A_38] : memref<50000xf32, #tpu.memory_space<vmem_shared>> -> memref<50000xf32, #tpu.memory_space<vmem_shared>>
      tpu.wait_indirect_dma semaphore(%arg21 : memref<!tpu.dma_semaphore, #tpu.memory_space<semaphore_mem>>) src(%dma_wait3A_39 : memref<50000xf32, #tpu.memory_space<vmem_shared>>) dst(%arg14 : memref<1024xf32, #tpu.memory_space<vmem>>)
      %dma_wait3A_40 = arith.constant 0 : i32
      %dma_wait3A_41 = tpu.memref_slice %arg18[%dma_wait3A_40] : memref<50000xf32, #tpu.memory_space<vmem_shared>> -> memref<50000xf32, #tpu.memory_space<vmem_shared>>
      tpu.wait_indirect_dma semaphore(%arg21 : memref<!tpu.dma_semaphore, #tpu.memory_space<semaphore_mem>>) src(%dma_wait3A_41 : memref<50000xf32, #tpu.memory_space<vmem_shared>>) dst(%arg15 : memref<1024xf32, #tpu.memory_space<vmem>>)
      %dma_wait3A_42 = arith.constant 0 : i32
      %dma_wait3A_43 = tpu.memref_slice %arg19[%dma_wait3A_42] : memref<50000xf32, #tpu.memory_space<vmem_shared>> -> memref<50000xf32, #tpu.memory_space<vmem_shared>>
      tpu.wait_indirect_dma semaphore(%arg21 : memref<!tpu.dma_semaphore, #tpu.memory_space<semaphore_mem>>) src(%dma_wait3A_43 : memref<50000xf32, #tpu.memory_space<vmem_shared>>) dst(%arg16 : memref<1024xf32, #tpu.memory_space<vmem>>)
      %dma_wait3A_44 = arith.constant 0 : i32
      %dma_wait3A_45 = tpu.memref_slice %arg20[%dma_wait3A_44] : memref<50000xf32, #tpu.memory_space<vmem_shared>> -> memref<50000xf32, #tpu.memory_space<vmem_shared>>
      tpu.wait_indirect_dma semaphore(%arg21 : memref<!tpu.dma_semaphore, #tpu.memory_space<semaphore_mem>>) src(%dma_wait3A_45 : memref<50000xf32, #tpu.memory_space<vmem_shared>>) dst(%arg17 : memref<1024xf32, #tpu.memory_space<vmem>>)
      %get3A = arith.constant 0 : index
      %get3A_46 = tpu.vector_load %arg15[%get3A] {strides = array<i32>} : memref<1024xf32, #tpu.memory_space<vmem>>, vector<16xf32>,
      %get3A_47 = vector.shape_cast %get3A_46 : vector<16xf32> to vector<16xf32>
      %get3A_48 = arith.constant 0 : index
      %get3A_49 = tpu.vector_load %arg12[%get3A_48] {strides = array<i32>} : memref<1024xf32, #tpu.memory_space<vmem>>, vector<16xf32>,
      %get3A_50 = vector.shape_cast %get3A_49 : vector<16xf32> to vector<16xf32>
      %sub3A = arith.subf %get3A_47, %get3A_50 : vector<16xf32>
      %swap3A = arith.constant 0 : index
      %swap3A_51 = tpu.vector_load %arg15[%swap3A] {strides = array<i32>} : memref<1024xf32, #tpu.memory_space<vmem>>, vector<16xf32>,
      %swap3A_52 = vector.shape_cast %swap3A_51 : vector<16xf32> to vector<16xf32>
      %swap3A_53 = vector.shape_cast %sub3A : vector<16xf32> to vector<16xf32>
      tpu.vector_store %arg15[%swap3A], %swap3A_53 {strides = array<i32>} : memref<1024xf32, #tpu.memory_space<vmem>>, vector<16xf32>,
      %get3A_54 = arith.constant 0 : index
      %get3A_55 = tpu.vector_load %arg16[%get3A_54] {strides = array<i32>} : memref<1024xf32, #tpu.memory_space<vmem>>, vector<16xf32>,
      %get3A_56 = vector.shape_cast %get3A_55 : vector<16xf32> to vector<16xf32>
      %get3A_57 = arith.constant 0 : index
      %get3A_58 = tpu.vector_load %arg13[%get3A_57] {strides = array<i32>} : memref<1024xf32, #tpu.memory_space<vmem>>, vector<16xf32>,
      %get3A_59 = vector.shape_cast %get3A_58 : vector<16xf32> to vector<16xf32>
      %sub3A_60 = arith.subf %get3A_56, %get3A_59 : vector<16xf32>
      %swap3A_61 = arith.constant 0 : index
      %swap3A_62 = tpu.vector_load %arg16[%swap3A_61] {strides = array<i32>} : memref<1024xf32, #tpu.memory_space<vmem>>, vector<16xf32>,
      %swap3A_63 = vector.shape_cast %swap3A_62 : vector<16xf32> to vector<16xf32>
      %swap3A_64 = vector.shape_cast %sub3A_60 : vector<16xf32> to vector<16xf32>
      tpu.vector_store %arg16[%swap3A_61], %swap3A_64 {strides = array<i32>} : memref<1024xf32, #tpu.memory_space<vmem>>, vector<16xf32>,
      %get3A_65 = arith.constant 0 : index
      %get3A_66 = tpu.vector_load %arg17[%get3A_65] {strides = array<i32>} : memref<1024xf32, #tpu.memory_space<vmem>>, vector<16xf32>,
      %get3A_67 = vector.shape_cast %get3A_66 : vector<16xf32> to vector<16xf32>
      %get3A_68 = arith.constant 0 : index
      %get3A_69 = tpu.vector_load %arg14[%get3A_68] {strides = array<i32>} : memref<1024xf32, #tpu.memory_space<vmem>>, vector<16xf32>,
      %get3A_70 = vector.shape_cast %get3A_69 : vector<16xf32> to vector<16xf32>
      %sub3A_71 = arith.subf %get3A_67, %get3A_70 : vector<16xf32>
      %swap3A_72 = arith.constant 0 : index
      %swap3A_73 = tpu.vector_load %arg17[%swap3A_72] {strides = array<i32>} : memref<1024xf32, #tpu.memory_space<vmem>>, vector<16xf32>,
      %swap3A_74 = vector.shape_cast %swap3A_73 : vector<16xf32> to vector<16xf32>
      %swap3A_75 = vector.shape_cast %sub3A_71 : vector<16xf32> to vector<16xf32>
      tpu.vector_store %arg17[%swap3A_72], %swap3A_75 {strides = array<i32>} : memref<1024xf32, #tpu.memory_space<vmem>>, vector<16xf32>,
      %get3A_76 = arith.constant 16 : index
      %get3A_77 = tpu.vector_load %arg15[%get3A_76] {strides = array<i32>} : memref<1024xf32, #tpu.memory_space<vmem>>, vector<16xf32>,
      %get3A_78 = vector.shape_cast %get3A_77 : vector<16xf32> to vector<16xf32>
      %get3A_79 = arith.constant 16 : index
      %get3A_80 = tpu.vector_load %arg12[%get3A_79] {strides = array<i32>} : memref<1024xf32, #tpu.memory_space<vmem>>, vector<16xf32>,
      %get3A_81 = vector.shape_cast %get3A_80 : vector<16xf32> to vector<16xf32>
      %sub3A_82 = arith.subf %get3A_78, %get3A_81 : vector<16xf32>
      %swap3A_83 = arith.constant 16 : index
      %swap3A_84 = tpu.vector_load %arg15[%swap3A_83] {strides = array<i32>} : memref<1024xf32, #tpu.memory_space<vmem>>, vector<16xf32>,
      %swap3A_85 = vector.shape_cast %swap3A_84 : vector<16xf32> to vector<16xf32>
      %swap3A_86 = vector.shape_cast %sub3A_82 : vector<16xf32> to vector<16xf32>
      tpu.vector_store %arg15[%swap3A_83], %swap3A_86 {strides = array<i32>} : memref<1024xf32, #tpu.memory_space<vmem>>, vector<16xf32>,
      %get3A_87 = arith.constant 16 : index
      %get3A_88 = tpu.vector_load %arg16[%get3A_87] {strides = array<i32>} : memref<1024xf32, #tpu.memory_space<vmem>>, vector<16xf32>,
      %get3A_89 = vector.shape_cast %get3A_88 : vector<16xf32> to vector<16xf32>
      %get3A_90 = arith.constant 16 : index
      %get3A_91 = tpu.vector_load %arg13[%get3A_90] {strides = array<i32>} : memref<1024xf32, #tpu.memory_space<vmem>>, vector<16xf32>,
      %get3A_92 = vector.shape_cast %get3A_91 : vector<16xf32> to vector<16xf32>
      %sub3A_93 = arith.subf %get3A_89, %get3A_92 : vector<16xf32>
      %swap3A_94 = arith.constant 16 : index
      %swap3A_95 = tpu.vector_load %arg16[%swap3A_94] {strides = array<i32>} : memref<1024xf32, #tpu.memory_space<vmem>>, vector<16xf32>,
      %swap3A_96 = vector.shape_cast %swap3A_95 : vector<16xf32> to vector<16xf32>
      %swap3A_97 = vector.shape_cast %sub3A_93 : vector<16xf32> to vector<16xf32>
      tpu.vector_store %arg16[%swap3A_94], %swap3A_97 {strides = array<i32>} : memref<1024xf32, #tpu.memory_space<vmem>>, vector<16xf32>,
      %get3A_98 = arith.constant 16 : index
      %get3A_99 = tpu.vector_load %arg17[%get3A_98] {strides = array<i32>} : memref<1024xf32, #tpu.memory_space<vmem>>, vector<16xf32>,
      %get3A_100 = vector.shape_cast %get3A_99 : vector<16xf32> to vector<16xf32>
      %get3A_101 = arith.constant 16 : index
      %get3A_102 = tpu.vector_load %arg14[%get3A_101] {strides = array<i32>} : memref<1024xf32, #tpu.memory_space<vmem>>, vector<16xf32>,
      %get3A_103 = vector.shape_cast %get3A_102 : vector<16xf32> to vector<16xf32>
      %sub3A_104 = arith.subf %get3A_100, %get3A_103 : vector<16xf32>
      %swap3A_105 = arith.constant 16 : index
      %swap3A_106 = tpu.vector_load %arg17[%swap3A_105] {strides = array<i32>} : memref<1024xf32, #tpu.memory_space<vmem>>, vector<16xf32>,
      %swap3A_107 = vector.shape_cast %swap3A_106 : vector<16xf32> to vector<16xf32>
      %swap3A_108 = vector.shape_cast %sub3A_104 : vector<16xf32> to vector<16xf32>
      tpu.vector_store %arg17[%swap3A_105], %swap3A_108 {strides = array<i32>} : memref<1024xf32, #tpu.memory_space<vmem>>, vector<16xf32>,
      %get3A_109 = arith.constant 32 : index
      %get3A_110 = tpu.vector_load %arg15[%get3A_109] {strides = array<i32>} : memref<1024xf32, #tpu.memory_space<vmem>>, vector<16xf32>,
      %get3A_111 = vector.shape_cast %get3A_110 : vector<16xf32> to vector<16xf32>
      %get3A_112 = arith.constant 32 : index
      %get3A_113 = tpu.vector_load %arg12[%get3A_112] {strides = array<i32>} : memref<1024xf32, #tpu.memory_space<vmem>>, vector<16xf32>,
      %get3A_114 = vector.shape_cast %get3A_113 : vector<16xf32> to vector<16xf32>
      %sub3A_115 = arith.subf %get3A_111, %get3A_114 : vector<16xf32>
      %swap3A_116 = arith.constant 32 : index
      %swap3A_117 = tpu.vector_load %arg15[%swap3A_116] {strides = array<i32>} : memref<1024xf32, #tpu.memory_space<vmem>>, vector<16xf32>,
      %swap3A_118 = vector.shape_cast %swap3A_117 : vector<16xf32> to vector<16xf32>
      %swap3A_119 = vector.shape_cast %sub3A_115 : vector<16xf32> to vector<16xf32>
      tpu.vector_store %arg15[%swap3A_116], %swap3A_119 {strides = array<i32>} : memref<1024xf32, #tpu.memory_space<vmem>>, vector<16xf32>,
      %get3A_120 = arith.constant 32 : index
      %get3A_121 = tpu.vector_load %arg16[%get3A_120] {strides = array<i32>} : memref<1024xf32, #tpu.memory_space<vmem>>, vector<16xf32>,
      %get3A_122 = vector.shape_cast %get3A_121 : vector<16xf32> to vector<16xf32>
      %get3A_123 = arith.constant 32 : index
      %get3A_124 = tpu.vector_load %arg13[%get3A_123] {strides = array<i32>} : memref<1024xf32, #tpu.memory_space<vmem>>, vector<16xf32>,
      %get3A_125 = vector.shape_cast %get3A_124 : vector<16xf32> to vector<16xf32>
      %sub3A_126 = arith.subf %get3A_122, %get3A_125 : vector<16xf32>
      %swap3A_127 = arith.constant 32 : index
      %swap3A_128 = tpu.vector_load %arg16[%swap3A_127] {strides = array<i32>} : memref<1024xf32, #tpu.memory_space<vmem>>, vector<16xf32>,
      %swap3A_129 = vector.shape_cast %swap3A_128 : vector<16xf32> to vector<16xf32>
      %swap3A_130 = vector.shape_cast %sub3A_126 : vector<16xf32> to vector<16xf32>
      tpu.vector_store %arg16[%swap3A_127], %swap3A_130 {strides = array<i32>} : memref<1024xf32, #tpu.memory_space<vmem>>, vector<16xf32>,
      %get3A_131 = arith.constant 32 : index
      %get3A_132 = tpu.vector_load %arg17[%get3A_131] {strides = array<i32>} : memref<1024xf32, #tpu.memory_space<vmem>>, vector<16xf32>,
      %get3A_133 = vector.shape_cast %get3A_132 : vector<16xf32> to vector<16xf32>
      %get3A_134 = arith.constant 32 : index
      %get3A_135 = tpu.vector_load %arg14[%get3A_134] {strides = array<i32>} : memref<1024xf32, #tpu.memory_space<vmem>>, vector<16xf32>,
      %get3A_136 = vector.shape_cast %get3A_135 : vector<16xf32> to vector<16xf32>
      %sub3A_137 = arith.subf %get3A_133, %get3A_136 : vector<16xf32>
      %swap3A_138 = arith.constant 32 : index
      %swap3A_139 = tpu.vector_load %arg17[%swap3A_138] {strides = array<i32>} : memref<1024xf32, #tpu.memory_space<vmem>>, vector<16xf32>,
      %swap3A_140 = vector.shape_cast %swap3A_139 : vector<16xf32> to vector<16xf32>
      %swap3A_141 = vector.shape_cast %sub3A_137 : vector<16xf32> to vector<16xf32>
      tpu.vector_store %arg17[%swap3A_138], %swap3A_141 {strides = array<i32>} : memref<1024xf32, #tpu.memory_space<vmem>>, vector<16xf32>,
      %get3A_142 = arith.constant 48 : index
      %get3A_143 = tpu.vector_load %arg15[%get3A_142] {strides = array<i32>} : memref<1024xf32, #tpu.memory_space<vmem>>, vector<16xf32>,
      %get3A_144 = vector.shape_cast %get3A_143 : vector<16xf32> to vector<16xf32>
      %get3A_145 = arith.constant 48 : index
      %get3A_146 = tpu.vector_load %arg12[%get3A_145] {strides = array<i32>} : memref<1024xf32, #tpu.memory_space<vmem>>, vector<16xf32>,
      %get3A_147 = vector.shape_cast %get3A_146 : vector<16xf32> to vector<16xf32>
      %sub3A_148 = arith.subf %get3A_144, %get3A_147 : vector<16xf32>
      %swap3A_149 = arith.constant 48 : index
      %swap3A_150 = tpu.vector_load %arg15[%swap3A_149] {strides = array<i32>} : memref<1024xf32, #tpu.memory_space<vmem>>, vector<16xf32>,
      %swap3A_151 = vector.shape_cast %swap3A_150 : vector<16xf32> to vector<16xf32>
      %swap3A_152 = vector.shape_cast %sub3A_148 : vector<16xf32> to vector<16xf32>
      tpu.vector_store %arg15[%swap3A_149], %swap3A_152 {strides = array<i32>} : memref<1024xf32, #tpu.memory_space<vmem>>, vector<16xf32>,
      %get3A_153 = arith.constant 48 : index
      %get3A_154 = tpu.vector_load %arg16[%get3A_153] {strides = array<i32>} : memref<1024xf32, #tpu.memory_space<vmem>>, vector<16xf32>,
      %get3A_155 = vector.shape_cast %get3A_154 : vector<16xf32> to vector<16xf32>
      %get3A_156 = arith.constant 48 : index
      %get3A_157 = tpu.vector_load %arg13[%get3A_156] {strides = array<i32>} : memref<1024xf32, #tpu.memory_space<vmem>>, vector<16xf32>,
      %get3A_158 = vector.shape_cast %get3A_157 : vector<16xf32> to vector<16xf32>
      %sub3A_159 = arith.subf %get3A_155, %get3A_158 : vector<16xf32>
      %swap3A_160 = arith.constant 48 : index
      %swap3A_161 = tpu.vector_load %arg16[%swap3A_160] {strides = array<i32>} : memref<1024xf32, #tpu.memory_space<vmem>>, vector<16xf32>,
      %swap3A_162 = vector.shape_cast %swap3A_161 : vector<16xf32> to vector<16xf32>
      %swap3A_163 = vector.shape_cast %sub3A_159 : vector<16xf32> to vector<16xf32>
      tpu.vector_store %arg16[%swap3A_160], %swap3A_163 {strides = array<i32>} : memref<1024xf32, #tpu.memory_space<vmem>>, vector<16xf32>,
      %get3A_164 = arith.constant 48 : index
      %get3A_165 = tpu.vector_load %arg17[%get3A_164] {strides = array<i32>} : memref<1024xf32, #tpu.memory_space<vmem>>, vector<16xf32>,
      %get3A_166 = vector.shape_cast %get3A_165 : vector<16xf32> to vector<16xf32>
      %get3A_167 = arith.constant 48 : index
      %get3A_168 = tpu.vector_load %arg14[%get3A_167] {strides = array<i32>} : memref<1024xf32, #tpu.memory_space<vmem>>, vector<16xf32>,
      %get3A_169 = vector.shape_cast %get3A_168 : vector<16xf32> to vector<16xf32>
      %sub3A_170 = arith.subf %get3A_166, %get3A_169 : vector<16xf32>
      %swap3A_171 = arith.constant 48 : index
      %swap3A_172 = tpu.vector_load %arg17[%swap3A_171] {strides = array<i32>} : memref<1024xf32, #tpu.memory_space<vmem>>, vector<16xf32>,
      %swap3A_173 = vector.shape_cast %swap3A_172 : vector<16xf32> to vector<16xf32>
      %swap3A_174 = vector.shape_cast %sub3A_170 : vector<16xf32> to vector<16xf32>
      tpu.vector_store %arg17[%swap3A_171], %swap3A_174 {strides = array<i32>} : memref<1024xf32, #tpu.memory_space<vmem>>, vector<16xf32>,
      %get3A_175 = arith.constant 64 : index
      %get3A_176 = tpu.vector_load %arg15[%get3A_175] {strides = array<i32>} : memref<1024xf32, #tpu.memory_space<vmem>>, vector<16xf32>,
      %get3A_177 = vector.shape_cast %get3A_176 : vector<16xf32> to vector<16xf32>
      %get3A_178 = arith.constant 64 : index
      %get3A_179 = tpu.vector_load %arg12[%get3A_178] {strides = array<i32>} : memref<1024xf32, #tpu.memory_space<vmem>>, vector<16xf32>,
      %get3A_180 = vector.shape_cast %get3A_179 : vector<16xf32> to vector<16xf32>
      %sub3A_181 = arith.subf %get3A_177, %get3A_180 : vector<16xf32>
      %swap3A_182 = arith.constant 64 : index
      %swap3A_183 = tpu.vector_load %arg15[%swap3A_182] {strides = array<i32>} : memref<1024xf32, #tpu.memory_space<vmem>>, vector<16xf32>,
      %swap3A_184 = vector.shape_cast %swap3A_183 : vector<16xf32> to vector<16xf32>
      %swap3A_185 = vector.shape_cast %sub3A_181 : vector<16xf32> to vector<16xf32>
      tpu.vector_store %arg15[%swap3A_182], %swap3A_185 {strides = array<i32>} : memref<1024xf32, #tpu.memory_space<vmem>>, vector<16xf32>,
      %get3A_186 = arith.constant 64 : index
      %get3A_187 = tpu.vector_load %arg16[%get3A_186] {strides = array<i32>} : memref<1024xf32, #tpu.memory_space<vmem>>, vector<16xf32>,
      %get3A_188 = vector.shape_cast %get3A_187 : vector<16xf32> to vector<16xf32>
      %get3A_189 = arith.constant 64 : index
      %get3A_190 = tpu.vector_load %arg13[%get3A_189] {strides = array<i32>} : memref<1024xf32, #tpu.memory_space<vmem>>, vector<16xf32>,
      %get3A_191 = vector.shape_cast %get3A_190 : vector<16xf32> to vector<16xf32>
      %sub3A_192 = arith.subf %get3A_188, %get3A_191 : vector<16xf32>
      %swap3A_193 = arith.constant 64 : index
      %swap3A_194 = tpu.vector_load %arg16[%swap3A_193] {strides = array<i32>} : memref<1024xf32, #tpu.memory_space<vmem>>, vector<16xf32>,
      %swap3A_195 = vector.shape_cast %swap3A_194 : vector<16xf32> to vector<16xf32>
      %swap3A_196 = vector.shape_cast %sub3A_192 : vector<16xf32> to vector<16xf32>
      tpu.vector_store %arg16[%swap3A_193], %swap3A_196 {strides = array<i32>} : memref<1024xf32, #tpu.memory_space<vmem>>, vector<16xf32>,
      %get3A_197 = arith.constant 64 : index
      %get3A_198 = tpu.vector_load %arg17[%get3A_197] {strides = array<i32>} : memref<1024xf32, #tpu.memory_space<vmem>>, vector<16xf32>,
      %get3A_199 = vector.shape_cast %get3A_198 : vector<16xf32> to vector<16xf32>
      %get3A_200 = arith.constant 64 : index
      %get3A_201 = tpu.vector_load %arg14[%get3A_200] {strides = array<i32>} : memref<1024xf32, #tpu.memory_space<vmem>>, vector<16xf32>,
      %get3A_202 = vector.shape_cast %get3A_201 : vector<16xf32> to vector<16xf32>
      %sub3A_203 = arith.subf %get3A_199, %get3A_202 : vector<16xf32>
      %swap3A_204 = arith.constant 64 : index
      %swap3A_205 = tpu.vector_load %arg17[%swap3A_204] {strides = array<i32>} : memref<1024xf32, #tpu.memory_space<vmem>>, vector<16xf32>,
      %swap3A_206 = vector.shape_cast %swap3A_205 : vector<16xf32> to vector<16xf32>
      %swap3A_207 = vector.shape_cast %sub3A_203 : vector<16xf32> to vector<16xf32>
      tpu.vector_store %arg17[%swap3A_204], %swap3A_207 {strides = array<i32>} : memref<1024xf32, #tpu.memory_space<vmem>>, vector<16xf32>,
      %get3A_208 = arith.constant 80 : index
      %get3A_209 = tpu.vector_load %arg15[%get3A_208] {strides = array<i32>} : memref<1024xf32, #tpu.memory_space<vmem>>, vector<16xf32>,
      %get3A_210 = vector.shape_cast %get3A_209 : vector<16xf32> to vector<16xf32>
      %get3A_211 = arith.constant 80 : index
      %get3A_212 = tpu.vector_load %arg12[%get3A_211] {strides = array<i32>} : memref<1024xf32, #tpu.memory_space<vmem>>, vector<16xf32>,
      %get3A_213 = vector.shape_cast %get3A_212 : vector<16xf32> to vector<16xf32>
      %sub3A_214 = arith.subf %get3A_210, %get3A_213 : vector<16xf32>
      %swap3A_215 = arith.constant 80 : index
      %swap3A_216 = tpu.vector_load %arg15[%swap3A_215] {strides = array<i32>} : memref<1024xf32, #tpu.memory_space<vmem>>, vector<16xf32>,
      %swap3A_217 = vector.shape_cast %swap3A_216 : vector<16xf32> to vector<16xf32>
      %swap3A_218 = vector.shape_cast %sub3A_214 : vector<16xf32> to vector<16xf32>
      tpu.vector_store %arg15[%swap3A_215], %swap3A_218 {strides = array<i32>} : memref<1024xf32, #tpu.memory_space<vmem>>, vector<16xf32>,
      %get3A_219 = arith.constant 80 : index
      %get3A_220 = tpu.vector_load %arg16[%get3A_219] {strides = array<i32>} : memref<1024xf32, #tpu.memory_space<vmem>>, vector<16xf32>,
      %get3A_221 = vector.shape_cast %get3A_220 : vector<16xf32> to vector<16xf32>
      %get3A_222 = arith.constant 80 : index
      %get3A_223 = tpu.vector_load %arg13[%get3A_222] {strides = array<i32>} : memref<1024xf32, #tpu.memory_space<vmem>>, vector<16xf32>,
      %get3A_224 = vector.shape_cast %get3A_223 : vector<16xf32> to vector<16xf32>
      %sub3A_225 = arith.subf %get3A_221, %get3A_224 : vector<16xf32>
      %swap3A_226 = arith.constant 80 : index
      %swap3A_227 = tpu.vector_load %arg16[%swap3A_226] {strides = array<i32>} : memref<1024xf32, #tpu.memory_space<vmem>>, vector<16xf32>,
      %swap3A_228 = vector.shape_cast %swap3A_227 : vector<16xf32> to vector<16xf32>
      %swap3A_229 = vector.shape_cast %sub3A_225 : vector<16xf32> to vector<16xf32>
      tpu.vector_store %arg16[%swap3A_226], %swap3A_229 {strides = array<i32>} : memref<1024xf32, #tpu.memory_space<vmem>>, vector<16xf32>,
      %get3A_230 = arith.constant 80 : index
      %get3A_231 = tpu.vector_load %arg17[%get3A_230] {strides = array<i32>} : memref<1024xf32, #tpu.memory_space<vmem>>, vector<16xf32>,
      %get3A_232 = vector.shape_cast %get3A_231 : vector<16xf32> to vector<16xf32>
      %get3A_233 = arith.constant 80 : index
      %get3A_234 = tpu.vector_load %arg14[%get3A_233] {strides = array<i32>} : memref<1024xf32, #tpu.memory_space<vmem>>, vector<16xf32>,
      %get3A_235 = vector.shape_cast %get3A_234 : vector<16xf32> to vector<16xf32>
      %sub3A_236 = arith.subf %get3A_232, %get3A_235 : vector<16xf32>
      %swap3A_237 = arith.constant 80 : index
      %swap3A_238 = tpu.vector_load %arg17[%swap3A_237] {strides = array<i32>} : memref<1024xf32, #tpu.memory_space<vmem>>, vector<16xf32>,
      %swap3A_239 = vector.shape_cast %swap3A_238 : vector<16xf32> to vector<16xf32>
      %swap3A_240 = vector.shape_cast %sub3A_236 : vector<16xf32> to vector<16xf32>
      tpu.vector_store %arg17[%swap3A_237], %swap3A_240 {strides = array<i32>} : memref<1024xf32, #tpu.memory_space<vmem>>, vector<16xf32>,
      %get3A_241 = arith.constant 96 : index
      %get3A_242 = tpu.vector_load %arg15[%get3A_241] {strides = array<i32>} : memref<1024xf32, #tpu.memory_space<vmem>>, vector<16xf32>,
      %get3A_243 = vector.shape_cast %get3A_242 : vector<16xf32> to vector<16xf32>
      %get3A_244 = arith.constant 96 : index
      %get3A_245 = tpu.vector_load %arg12[%get3A_244] {strides = array<i32>} : memref<1024xf32, #tpu.memory_space<vmem>>, vector<16xf32>,
      %get3A_246 = vector.shape_cast %get3A_245 : vector<16xf32> to vector<16xf32>
      %sub3A_247 = arith.subf %get3A_243, %get3A_246 : vector<16xf32>
      %swap3A_248 = arith.constant 96 : index
      %swap3A_249 = tpu.vector_load %arg15[%swap3A_248] {strides = array<i32>} : memref<1024xf32, #tpu.memory_space<vmem>>, vector<16xf32>,
      %swap3A_250 = vector.shape_cast %swap3A_249 : vector<16xf32> to vector<16xf32>
      %swap3A_251 = vector.shape_cast %sub3A_247 : vector<16xf32> to vector<16xf32>
      tpu.vector_store %arg15[%swap3A_248], %swap3A_251 {strides = array<i32>} : memref<1024xf32, #tpu.memory_space<vmem>>, vector<16xf32>,
      %get3A_252 = arith.constant 96 : index
      %get3A_253 = tpu.vector_load %arg16[%get3A_252] {strides = array<i32>} : memref<1024xf32, #tpu.memory_space<vmem>>, vector<16xf32>,
      %get3A_254 = vector.shape_cast %get3A_253 : vector<16xf32> to vector<16xf32>
      %get3A_255 = arith.constant 96 : index
      %get3A_256 = tpu.vector_load %arg13[%get3A_255] {strides = array<i32>} : memref<1024xf32, #tpu.memory_space<vmem>>, vector<16xf32>,
      %get3A_257 = vector.shape_cast %get3A_256 : vector<16xf32> to vector<16xf32>
      %sub3A_258 = arith.subf %get3A_254, %get3A_257 : vector<16xf32>
      %swap3A_259 = arith.constant 96 : index
      %swap3A_260 = tpu.vector_load %arg16[%swap3A_259] {strides = array<i32>} : memref<1024xf32, #tpu.memory_space<vmem>>, vector<16xf32>,
      %swap3A_261 = vector.shape_cast %swap3A_260 : vector<16xf32> to vector<16xf32>
      %swap3A_262 = vector.shape_cast %sub3A_258 : vector<16xf32> to vector<16xf32>
      tpu.vector_store %arg16[%swap3A_259], %swap3A_262 {strides = array<i32>} : memref<1024xf32, #tpu.memory_space<vmem>>, vector<16xf32>,
      %get3A_263 = arith.constant 96 : index
      %get3A_264 = tpu.vector_load %arg17[%get3A_263] {strides = array<i32>} : memref<1024xf32, #tpu.memory_space<vmem>>, vector<16xf32>,
      %get3A_265 = vector.shape_cast %get3A_264 : vector<16xf32> to vector<16xf32>
      %get3A_266 = arith.constant 96 : index
      %get3A_267 = tpu.vector_load %arg14[%get3A_266] {strides = array<i32>} : memref<1024xf32, #tpu.memory_space<vmem>>, vector<16xf32>,
      %get3A_268 = vector.shape_cast %get3A_267 : vector<16xf32> to vector<16xf32>
      %sub3A_269 = arith.subf %get3A_265, %get3A_268 : vector<16xf32>
      %swap3A_270 = arith.constant 96 : index
      %swap3A_271 = tpu.vector_load %arg17[%swap3A_270] {strides = array<i32>} : memref<1024xf32, #tpu.memory_space<vmem>>, vector<16xf32>,
      %swap3A_272 = vector.shape_cast %swap3A_271 : vector<16xf32> to vector<16xf32>
      %swap3A_273 = vector.shape_cast %sub3A_269 : vector<16xf32> to vector<16xf32>
      tpu.vector_store %arg17[%swap3A_270], %swap3A_273 {strides = array<i32>} : memref<1024xf32, #tpu.memory_space<vmem>>, vector<16xf32>,
      %get3A_274 = arith.constant 112 : index
      %get3A_275 = tpu.vector_load %arg15[%get3A_274] {strides = array<i32>} : memref<1024xf32, #tpu.memory_space<vmem>>, vector<16xf32>,
      %get3A_276 = vector.shape_cast %get3A_275 : vector<16xf32> to vector<16xf32>
      %get3A_277 = arith.constant 112 : index
      %get3A_278 = tpu.vector_load %arg12[%get3A_277] {strides = array<i32>} : memref<1024xf32, #tpu.memory_space<vmem>>, vector<16xf32>,
      %get3A_279 = vector.shape_cast %get3A_278 : vector<16xf32> to vector<16xf32>
      %sub3A_280 = arith.subf %get3A_276, %get3A_279 : vector<16xf32>
      %swap3A_281 = arith.constant 112 : index
      %swap3A_282 = tpu.vector_load %arg15[%swap3A_281] {strides = array<i32>} : memref<1024xf32, #tpu.memory_space<vmem>>, vector<16xf32>,
      %swap3A_283 = vector.shape_cast %swap3A_282 : vector<16xf32> to vector<16xf32>
      %swap3A_284 = vector.shape_cast %sub3A_280 : vector<16xf32> to vector<16xf32>
      tpu.vector_store %arg15[%swap3A_281], %swap3A_284 {strides = array<i32>} : memref<1024xf32, #tpu.memory_space<vmem>>, vector<16xf32>,
      %get3A_285 = arith.constant 112 : index
      %get3A_286 = tpu.vector_load %arg16[%get3A_285] {strides = array<i32>} : memref<1024xf32, #tpu.memory_space<vmem>>, vector<16xf32>,
      %get3A_287 = vector.shape_cast %get3A_286 : vector<16xf32> to vector<16xf32>
      %get3A_288 = arith.constant 112 : index
      %get3A_289 = tpu.vector_load %arg13[%get3A_288] {strides = array<i32>} : memref<1024xf32, #tpu.memory_space<vmem>>, vector<16xf32>,
      %get3A_290 = vector.shape_cast %get3A_289 : vector<16xf32> to vector<16xf32>
      %sub3A_291 = arith.subf %get3A_287, %get3A_290 : vector<16xf32>
      %swap3A_292 = arith.constant 112 : index
      %swap3A_293 = tpu.vector_load %arg16[%swap3A_292] {strides = array<i32>} : memref<1024xf32, #tpu.memory_space<vmem>>, vector<16xf32>,
      %swap3A_294 = vector.shape_cast %swap3A_293 : vector<16xf32> to vector<16xf32>
      %swap3A_295 = vector.shape_cast %sub3A_291 : vector<16xf32> to vector<16xf32>
      tpu.vector_store %arg16[%swap3A_292], %swap3A_295 {strides = array<i32>} : memref<1024xf32, #tpu.memory_space<vmem>>, vector<16xf32>,
      %get3A_296 = arith.constant 112 : index
      %get3A_297 = tpu.vector_load %arg17[%get3A_296] {strides = array<i32>} : memref<1024xf32, #tpu.memory_space<vmem>>, vector<16xf32>,
      %get3A_298 = vector.shape_cast %get3A_297 : vector<16xf32> to vector<16xf32>
      %get3A_299 = arith.constant 112 : index
      %get3A_300 = tpu.vector_load %arg14[%get3A_299] {strides = array<i32>} : memref<1024xf32, #tpu.memory_space<vmem>>, vector<16xf32>,
      %get3A_301 = vector.shape_cast %get3A_300 : vector<16xf32> to vector<16xf32>
      %sub3A_302 = arith.subf %get3A_298, %get3A_301 : vector<16xf32>
      %swap3A_303 = arith.constant 112 : index
      %swap3A_304 = tpu.vector_load %arg17[%swap3A_303] {strides = array<i32>} : memref<1024xf32, #tpu.memory_space<vmem>>, vector<16xf32>,
      %swap3A_305 = vector.shape_cast %swap3A_304 : vector<16xf32> to vector<16xf32>
      %swap3A_306 = vector.shape_cast %sub3A_302 : vector<16xf32> to vector<16xf32>
      tpu.vector_store %arg17[%swap3A_303], %swap3A_306 {strides = array<i32>} : memref<1024xf32, #tpu.memory_space<vmem>>, vector<16xf32>,
      %get3A_307 = arith.constant 128 : index
      %get3A_308 = tpu.vector_load %arg15[%get3A_307] {strides = array<i32>} : memref<1024xf32, #tpu.memory_space<vmem>>, vector<16xf32>,
      %get3A_309 = vector.shape_cast %get3A_308 : vector<16xf32> to vector<16xf32>
      %get3A_310 = arith.constant 128 : index
      %get3A_311 = tpu.vector_load %arg12[%get3A_310] {strides = array<i32>} : memref<1024xf32, #tpu.memory_space<vmem>>, vector<16xf32>,
      %get3A_312 = vector.shape_cast %get3A_311 : vector<16xf32> to vector<16xf32>
      %sub3A_313 = arith.subf %get3A_309, %get3A_312 : vector<16xf32>
      %swap3A_314 = arith.constant 128 : index
      %swap3A_315 = tpu.vector_load %arg15[%swap3A_314] {strides = array<i32>} : memref<1024xf32, #tpu.memory_space<vmem>>, vector<16xf32>,
      %swap3A_316 = vector.shape_cast %swap3A_315 : vector<16xf32> to vector<16xf32>
      %swap3A_317 = vector.shape_cast %sub3A_313 : vector<16xf32> to vector<16xf32>
      tpu.vector_store %arg15[%swap3A_314], %swap3A_317 {strides = array<i32>} : memref<1024xf32, #tpu.memory_space<vmem>>, vector<16xf32>,
      %get3A_318 = arith.constant 128 : index
      %get3A_319 = tpu.vector_load %arg16[%get3A_318] {strides = array<i32>} : memref<1024xf32, #tpu.memory_space<vmem>>, vector<16xf32>,
      %get3A_320 = vector.shape_cast %get3A_319 : vector<16xf32> to vector<16xf32>
      %get3A_321 = arith.constant 128 : index
      %get3A_322 = tpu.vector_load %arg13[%get3A_321] {strides = array<i32>} : memref<1024xf32, #tpu.memory_space<vmem>>, vector<16xf32>,
      %get3A_323 = vector.shape_cast %get3A_322 : vector<16xf32> to vector<16xf32>
      %sub3A_324 = arith.subf %get3A_320, %get3A_323 : vector<16xf32>
      %swap3A_325 = arith.constant 128 : index
      %swap3A_326 = tpu.vector_load %arg16[%swap3A_325] {strides = array<i32>} : memref<1024xf32, #tpu.memory_space<vmem>>, vector<16xf32>,
      %swap3A_327 = vector.shape_cast %swap3A_326 : vector<16xf32> to vector<16xf32>
      %swap3A_328 = vector.shape_cast %sub3A_324 : vector<16xf32> to vector<16xf32>
      tpu.vector_store %arg16[%swap3A_325], %swap3A_328 {strides = array<i32>} : memref<1024xf32, #tpu.memory_space<vmem>>, vector<16xf32>,
      %get3A_329 = arith.constant 128 : index
      %get3A_330 = tpu.vector_load %arg17[%get3A_329] {strides = array<i32>} : memref<1024xf32, #tpu.memory_space<vmem>>, vector<16xf32>,
      %get3A_331 = vector.shape_cast %get3A_330 : vector<16xf32> to vector<16xf32>
      %get3A_332 = arith.constant 128 : index
      %get3A_333 = tpu.vector_load %arg14[%get3A_332] {strides = array<i32>} : memref<1024xf32, #tpu.memory_space<vmem>>, vector<16xf32>,
      %get3A_334 = vector.shape_cast %get3A_333 : vector<16xf32> to vector<16xf32>
      %sub3A_335 = arith.subf %get3A_331, %get3A_334 : vector<16xf32>
      %swap3A_336 = arith.constant 128 : index
      %swap3A_337 = tpu.vector_load %arg17[%swap3A_336] {strides = array<i32>} : memref<1024xf32, #tpu.memory_space<vmem>>, vector<16xf32>,
      %swap3A_338 = vector.shape_cast %swap3A_337 : vector<16xf32> to vector<16xf32>
      %swap3A_339 = vector.shape_cast %sub3A_335 : vector<16xf32> to vector<16xf32>
      tpu.vector_store %arg17[%swap3A_336], %swap3A_339 {strides = array<i32>} : memref<1024xf32, #tpu.memory_space<vmem>>, vector<16xf32>,
      %get3A_340 = arith.constant 144 : index
      %get3A_341 = tpu.vector_load %arg15[%get3A_340] {strides = array<i32>} : memref<1024xf32, #tpu.memory_space<vmem>>, vector<16xf32>,
      %get3A_342 = vector.shape_cast %get3A_341 : vector<16xf32> to vector<16xf32>
      %get3A_343 = arith.constant 144 : index
      %get3A_344 = tpu.vector_load %arg12[%get3A_343] {strides = array<i32>} : memref<1024xf32, #tpu.memory_space<vmem>>, vector<16xf32>,
      %get3A_345 = vector.shape_cast %get3A_344 : vector<16xf32> to vector<16xf32>
      %sub3A_346 = arith.subf %get3A_342, %get3A_345 : vector<16xf32>
      %swap3A_347 = arith.constant 144 : index
      %swap3A_348 = tpu.vector_load %arg15[%swap3A_347] {strides = array<i32>} : memref<1024xf32, #tpu.memory_space<vmem>>, vector<16xf32>,
      %swap3A_349 = vector.shape_cast %swap3A_348 : vector<16xf32> to vector<16xf32>
      %swap3A_350 = vector.shape_cast %sub3A_346 : vector<16xf32> to vector<16xf32>
      tpu.vector_store %arg15[%swap3A_347], %swap3A_350 {strides = array<i32>} : memref<1024xf32, #tpu.memory_space<vmem>>, vector<16xf32>,
      %get3A_351 = arith.constant 144 : index
      %get3A_352 = tpu.vector_load %arg16[%get3A_351] {strides = array<i32>} : memref<1024xf32, #tpu.memory_space<vmem>>, vector<16xf32>,
      %get3A_353 = vector.shape_cast %get3A_352 : vector<16xf32> to vector<16xf32>
      %get3A_354 = arith.constant 144 : index
      %get3A_355 = tpu.vector_load %arg13[%get3A_354] {strides = array<i32>} : memref<1024xf32, #tpu.memory_space<vmem>>, vector<16xf32>,
      %get3A_356 = vector.shape_cast %get3A_355 : vector<16xf32> to vector<16xf32>
      %sub3A_357 = arith.subf %get3A_353, %get3A_356 : vector<16xf32>
      %swap3A_358 = arith.constant 144 : index
      %swap3A_359 = tpu.vector_load %arg16[%swap3A_358] {strides = array<i32>} : memref<1024xf32, #tpu.memory_space<vmem>>, vector<16xf32>,
      %swap3A_360 = vector.shape_cast %swap3A_359 : vector<16xf32> to vector<16xf32>
      %swap3A_361 = vector.shape_cast %sub3A_357 : vector<16xf32> to vector<16xf32>
      tpu.vector_store %arg16[%swap3A_358], %swap3A_361 {strides = array<i32>} : memref<1024xf32, #tpu.memory_space<vmem>>, vector<16xf32>,
      %get3A_362 = arith.constant 144 : index
      %get3A_363 = tpu.vector_load %arg17[%get3A_362] {strides = array<i32>} : memref<1024xf32, #tpu.memory_space<vmem>>, vector<16xf32>,
      %get3A_364 = vector.shape_cast %get3A_363 : vector<16xf32> to vector<16xf32>
      %get3A_365 = arith.constant 144 : index
      %get3A_366 = tpu.vector_load %arg14[%get3A_365] {strides = array<i32>} : memref<1024xf32, #tpu.memory_space<vmem>>, vector<16xf32>,
      %get3A_367 = vector.shape_cast %get3A_366 : vector<16xf32> to vector<16xf32>
      %sub3A_368 = arith.subf %get3A_364, %get3A_367 : vector<16xf32>
      %swap3A_369 = arith.constant 144 : index
      %swap3A_370 = tpu.vector_load %arg17[%swap3A_369] {strides = array<i32>} : memref<1024xf32, #tpu.memory_space<vmem>>, vector<16xf32>,
      %swap3A_371 = vector.shape_cast %swap3A_370 : vector<16xf32> to vector<16xf32>
      %swap3A_372 = vector.shape_cast %sub3A_368 : vector<16xf32> to vector<16xf32>
      tpu.vector_store %arg17[%swap3A_369], %swap3A_372 {strides = array<i32>} : memref<1024xf32, #tpu.memory_space<vmem>>, vector<16xf32>,
      %get3A_373 = arith.constant 160 : index
      %get3A_374 = tpu.vector_load %arg15[%get3A_373] {strides = array<i32>} : memref<1024xf32, #tpu.memory_space<vmem>>, vector<16xf32>,
      %get3A_375 = vector.shape_cast %get3A_374 : vector<16xf32> to vector<16xf32>
      %get3A_376 = arith.constant 160 : index
      %get3A_377 = tpu.vector_load %arg12[%get3A_376] {strides = array<i32>} : memref<1024xf32, #tpu.memory_space<vmem>>, vector<16xf32>,
      %get3A_378 = vector.shape_cast %get3A_377 : vector<16xf32> to vector<16xf32>
      %sub3A_379 = arith.subf %get3A_375, %get3A_378 : vector<16xf32>
      %swap3A_380 = arith.constant 160 : index
      %swap3A_381 = tpu.vector_load %arg15[%swap3A_380] {strides = array<i32>} : memref<1024xf32, #tpu.memory_space<vmem>>, vector<16xf32>,
      %swap3A_382 = vector.shape_cast %swap3A_381 : vector<16xf32> to vector<16xf32>
      %swap3A_383 = vector.shape_cast %sub3A_379 : vector<16xf32> to vector<16xf32>
      tpu.vector_store %arg15[%swap3A_380], %swap3A_383 {strides = array<i32>} : memref<1024xf32, #tpu.memory_space<vmem>>, vector<16xf32>,
      %get3A_384 = arith.constant 160 : index
      %get3A_385 = tpu.vector_load %arg16[%get3A_384] {strides = array<i32>} : memref<1024xf32, #tpu.memory_space<vmem>>, vector<16xf32>,
      %get3A_386 = vector.shape_cast %get3A_385 : vector<16xf32> to vector<16xf32>
      %get3A_387 = arith.constant 160 : index
      %get3A_388 = tpu.vector_load %arg13[%get3A_387] {strides = array<i32>} : memref<1024xf32, #tpu.memory_space<vmem>>, vector<16xf32>,
      %get3A_389 = vector.shape_cast %get3A_388 : vector<16xf32> to vector<16xf32>
      %sub3A_390 = arith.subf %get3A_386, %get3A_389 : vector<16xf32>
      %swap3A_391 = arith.constant 160 : index
      %swap3A_392 = tpu.vector_load %arg16[%swap3A_391] {strides = array<i32>} : memref<1024xf32, #tpu.memory_space<vmem>>, vector<16xf32>,
      %swap3A_393 = vector.shape_cast %swap3A_392 : vector<16xf32> to vector<16xf32>
      %swap3A_394 = vector.shape_cast %sub3A_390 : vector<16xf32> to vector<16xf32>
      tpu.vector_store %arg16[%swap3A_391], %swap3A_394 {strides = array<i32>} : memref<1024xf32, #tpu.memory_space<vmem>>, vector<16xf32>,
      %get3A_395 = arith.constant 160 : index
      %get3A_396 = tpu.vector_load %arg17[%get3A_395] {strides = array<i32>} : memref<1024xf32, #tpu.memory_space<vmem>>, vector<16xf32>,
      %get3A_397 = vector.shape_cast %get3A_396 : vector<16xf32> to vector<16xf32>
      %get3A_398 = arith.constant 160 : index
      %get3A_399 = tpu.vector_load %arg14[%get3A_398] {strides = array<i32>} : memref<1024xf32, #tpu.memory_space<vmem>>, vector<16xf32>,
      %get3A_400 = vector.shape_cast %get3A_399 : vector<16xf32> to vector<16xf32>
      %sub3A_401 = arith.subf %get3A_397, %get3A_400 : vector<16xf32>
      %swap3A_402 = arith.constant 160 : index
      %swap3A_403 = tpu.vector_load %arg17[%swap3A_402] {strides = array<i32>} : memref<1024xf32, #tpu.memory_space<vmem>>, vector<16xf32>,
      %swap3A_404 = vector.shape_cast %swap3A_403 : vector<16xf32> to vector<16xf32>
      %swap3A_405 = vector.shape_cast %sub3A_401 : vector<16xf32> to vector<16xf32>
      tpu.vector_store %arg17[%swap3A_402], %swap3A_405 {strides = array<i32>} : memref<1024xf32, #tpu.memory_space<vmem>>, vector<16xf32>,
      %get3A_406 = arith.constant 176 : index
      %get3A_407 = tpu.vector_load %arg15[%get3A_406] {strides = array<i32>} : memref<1024xf32, #tpu.memory_space<vmem>>, vector<16xf32>,
      %get3A_408 = vector.shape_cast %get3A_407 : vector<16xf32> to vector<16xf32>
      %get3A_409 = arith.constant 176 : index
      %get3A_410 = tpu.vector_load %arg12[%get3A_409] {strides = array<i32>} : memref<1024xf32, #tpu.memory_space<vmem>>, vector<16xf32>,
      %get3A_411 = vector.shape_cast %get3A_410 : vector<16xf32> to vector<16xf32>
      %sub3A_412 = arith.subf %get3A_408, %get3A_411 : vector<16xf32>
      %swap3A_413 = arith.constant 176 : index
      %swap3A_414 = tpu.vector_load %arg15[%swap3A_413] {strides = array<i32>} : memref<1024xf32, #tpu.memory_space<vmem>>, vector<16xf32>,
      %swap3A_415 = vector.shape_cast %swap3A_414 : vector<16xf32> to vector<16xf32>
      %swap3A_416 = vector.shape_cast %sub3A_412 : vector<16xf32> to vector<16xf32>
      tpu.vector_store %arg15[%swap3A_413], %swap3A_416 {strides = array<i32>} : memref<1024xf32, #tpu.memory_space<vmem>>, vector<16xf32>,
      %get3A_417 = arith.constant 176 : index
      %get3A_418 = tpu.vector_load %arg16[%get3A_417] {strides = array<i32>} : memref<1024xf32, #tpu.memory_space<vmem>>, vector<16xf32>,
      %get3A_419 = vector.shape_cast %get3A_418 : vector<16xf32> to vector<16xf32>
      %get3A_420 = arith.constant 176 : index
      %get3A_421 = tpu.vector_load %arg13[%get3A_420] {strides = array<i32>} : memref<1024xf32, #tpu.memory_space<vmem>>, vector<16xf32>,
      %get3A_422 = vector.shape_cast %get3A_421 : vector<16xf32> to vector<16xf32>
      %sub3A_423 = arith.subf %get3A_419, %get3A_422 : vector<16xf32>
      %swap3A_424 = arith.constant 176 : index
      %swap3A_425 = tpu.vector_load %arg16[%swap3A_424] {strides = array<i32>} : memref<1024xf32, #tpu.memory_space<vmem>>, vector<16xf32>,
      %swap3A_426 = vector.shape_cast %swap3A_425 : vector<16xf32> to vector<16xf32>
      %swap3A_427 = vector.shape_cast %sub3A_423 : vector<16xf32> to vector<16xf32>
      tpu.vector_store %arg16[%swap3A_424], %swap3A_427 {strides = array<i32>} : memref<1024xf32, #tpu.memory_space<vmem>>, vector<16xf32>,
      %get3A_428 = arith.constant 176 : index
      %get3A_429 = tpu.vector_load %arg17[%get3A_428] {strides = array<i32>} : memref<1024xf32, #tpu.memory_space<vmem>>, vector<16xf32>,
      %get3A_430 = vector.shape_cast %get3A_429 : vector<16xf32> to vector<16xf32>
      %get3A_431 = arith.constant 176 : index
      %get3A_432 = tpu.vector_load %arg14[%get3A_431] {strides = array<i32>} : memref<1024xf32, #tpu.memory_space<vmem>>, vector<16xf32>,
      %get3A_433 = vector.shape_cast %get3A_432 : vector<16xf32> to vector<16xf32>
      %sub3A_434 = arith.subf %get3A_430, %get3A_433 : vector<16xf32>
      %swap3A_435 = arith.constant 176 : index
      %swap3A_436 = tpu.vector_load %arg17[%swap3A_435] {strides = array<i32>} : memref<1024xf32, #tpu.memory_space<vmem>>, vector<16xf32>,
      %swap3A_437 = vector.shape_cast %swap3A_436 : vector<16xf32> to vector<16xf32>
      %swap3A_438 = vector.shape_cast %sub3A_434 : vector<16xf32> to vector<16xf32>
      tpu.vector_store %arg17[%swap3A_435], %swap3A_438 {strides = array<i32>} : memref<1024xf32, #tpu.memory_space<vmem>>, vector<16xf32>,
      %get3A_439 = arith.constant 192 : index
      %get3A_440 = tpu.vector_load %arg15[%get3A_439] {strides = array<i32>} : memref<1024xf32, #tpu.memory_space<vmem>>, vector<16xf32>,
      %get3A_441 = vector.shape_cast %get3A_440 : vector<16xf32> to vector<16xf32>
      %get3A_442 = arith.constant 192 : index
      %get3A_443 = tpu.vector_load %arg12[%get3A_442] {strides = array<i32>} : memref<1024xf32, #tpu.memory_space<vmem>>, vector<16xf32>,
      %get3A_444 = vector.shape_cast %get3A_443 : vector<16xf32> to vector<16xf32>
      %sub3A_445 = arith.subf %get3A_441, %get3A_444 : vector<16xf32>
      %swap3A_446 = arith.constant 192 : index
      %swap3A_447 = tpu.vector_load %arg15[%swap3A_446] {strides = array<i32>} : memref<1024xf32, #tpu.memory_space<vmem>>, vector<16xf32>,
      %swap3A_448 = vector.shape_cast %swap3A_447 : vector<16xf32> to vector<16xf32>
      %swap3A_449 = vector.shape_cast %sub3A_445 : vector<16xf32> to vector<16xf32>
      tpu.vector_store %arg15[%swap3A_446], %swap3A_449 {strides = array<i32>} : memref<1024xf32, #tpu.memory_space<vmem>>, vector<16xf32>,
      %get3A_450 = arith.constant 192 : index
      %get3A_451 = tpu.vector_load %arg16[%get3A_450] {strides = array<i32>} : memref<1024xf32, #tpu.memory_space<vmem>>, vector<16xf32>,
      %get3A_452 = vector.shape_cast %get3A_451 : vector<16xf32> to vector<16xf32>
      %get3A_453 = arith.constant 192 : index
      %get3A_454 = tpu.vector_load %arg13[%get3A_453] {strides = array<i32>} : memref<1024xf32, #tpu.memory_space<vmem>>, vector<16xf32>,
      %get3A_455 = vector.shape_cast %get3A_454 : vector<16xf32> to vector<16xf32>
      %sub3A_456 = arith.subf %get3A_452, %get3A_455 : vector<16xf32>
      %swap3A_457 = arith.constant 192 : index
      %swap3A_458 = tpu.vector_load %arg16[%swap3A_457] {strides = array<i32>} : memref<1024xf32, #tpu.memory_space<vmem>>, vector<16xf32>,
      %swap3A_459 = vector.shape_cast %swap3A_458 : vector<16xf32> to vector<16xf32>
      %swap3A_460 = vector.shape_cast %sub3A_456 : vector<16xf32> to vector<16xf32>
      tpu.vector_store %arg16[%swap3A_457], %swap3A_460 {strides = array<i32>} : memref<1024xf32, #tpu.memory_space<vmem>>, vector<16xf32>,
      %get3A_461 = arith.constant 192 : index
      %get3A_462 = tpu.vector_load %arg17[%get3A_461] {strides = array<i32>} : memref<1024xf32, #tpu.memory_space<vmem>>, vector<16xf32>,
      %get3A_463 = vector.shape_cast %get3A_462 : vector<16xf32> to vector<16xf32>
      %get3A_464 = arith.constant 192 : index
      %get3A_465 = tpu.vector_load %arg14[%get3A_464] {strides = array<i32>} : memref<1024xf32, #tpu.memory_space<vmem>>, vector<16xf32>,
      %get3A_466 = vector.shape_cast %get3A_465 : vector<16xf32> to vector<16xf32>
      %sub3A_467 = arith.subf %get3A_463, %get3A_466 : vector<16xf32>
      %swap3A_468 = arith.constant 192 : index
      %swap3A_469 = tpu.vector_load %arg17[%swap3A_468] {strides = array<i32>} : memref<1024xf32, #tpu.memory_space<vmem>>, vector<16xf32>,
      %swap3A_470 = vector.shape_cast %swap3A_469 : vector<16xf32> to vector<16xf32>
      %swap3A_471 = vector.shape_cast %sub3A_467 : vector<16xf32> to vector<16xf32>
      tpu.vector_store %arg17[%swap3A_468], %swap3A_471 {strides = array<i32>} : memref<1024xf32, #tpu.memory_space<vmem>>, vector<16xf32>,
      %get3A_472 = arith.constant 208 : index
      %get3A_473 = tpu.vector_load %arg15[%get3A_472] {strides = array<i32>} : memref<1024xf32, #tpu.memory_space<vmem>>, vector<16xf32>,
      %get3A_474 = vector.shape_cast %get3A_473 : vector<16xf32> to vector<16xf32>
      %get3A_475 = arith.constant 208 : index
      %get3A_476 = tpu.vector_load %arg12[%get3A_475] {strides = array<i32>} : memref<1024xf32, #tpu.memory_space<vmem>>, vector<16xf32>,
      %get3A_477 = vector.shape_cast %get3A_476 : vector<16xf32> to vector<16xf32>
      %sub3A_478 = arith.subf %get3A_474, %get3A_477 : vector<16xf32>
      %swap3A_479 = arith.constant 208 : index
      %swap3A_480 = tpu.vector_load %arg15[%swap3A_479] {strides = array<i32>} : memref<1024xf32, #tpu.memory_space<vmem>>, vector<16xf32>,
      %swap3A_481 = vector.shape_cast %swap3A_480 : vector<16xf32> to vector<16xf32>
      %swap3A_482 = vector.shape_cast %sub3A_478 : vector<16xf32> to vector<16xf32>
      tpu.vector_store %arg15[%swap3A_479], %swap3A_482 {strides = array<i32>} : memref<1024xf32, #tpu.memory_space<vmem>>, vector<16xf32>,
      %get3A_483 = arith.constant 208 : index
      %get3A_484 = tpu.vector_load %arg16[%get3A_483] {strides = array<i32>} : memref<1024xf32, #tpu.memory_space<vmem>>, vector<16xf32>,
      %get3A_485 = vector.shape_cast %get3A_484 : vector<16xf32> to vector<16xf32>
      %get3A_486 = arith.constant 208 : index
      %get3A_487 = tpu.vector_load %arg13[%get3A_486] {strides = array<i32>} : memref<1024xf32, #tpu.memory_space<vmem>>, vector<16xf32>,
      %get3A_488 = vector.shape_cast %get3A_487 : vector<16xf32> to vector<16xf32>
      %sub3A_489 = arith.subf %get3A_485, %get3A_488 : vector<16xf32>
      %swap3A_490 = arith.constant 208 : index
      %swap3A_491 = tpu.vector_load %arg16[%swap3A_490] {strides = array<i32>} : memref<1024xf32, #tpu.memory_space<vmem>>, vector<16xf32>,
      %swap3A_492 = vector.shape_cast %swap3A_491 : vector<16xf32> to vector<16xf32>
      %swap3A_493 = vector.shape_cast %sub3A_489 : vector<16xf32> to vector<16xf32>
      tpu.vector_store %arg16[%swap3A_490], %swap3A_493 {strides = array<i32>} : memref<1024xf32, #tpu.memory_space<vmem>>, vector<16xf32>,
      %get3A_494 = arith.constant 208 : index
      %get3A_495 = tpu.vector_load %arg17[%get3A_494] {strides = array<i32>} : memref<1024xf32, #tpu.memory_space<vmem>>, vector<16xf32>,
      %get3A_496 = vector.shape_cast %get3A_495 : vector<16xf32> to vector<16xf32>
      %get3A_497 = arith.constant 208 : index
      %get3A_498 = tpu.vector_load %arg14[%get3A_497] {strides = array<i32>} : memref<1024xf32, #tpu.memory_space<vmem>>, vector<16xf32>,
      %get3A_499 = vector.shape_cast %get3A_498 : vector<16xf32> to vector<16xf32>
      %sub3A_500 = arith.subf %get3A_496, %get3A_499 : vector<16xf32>
      %swap3A_501 = arith.constant 208 : index
      %swap3A_502 = tpu.vector_load %arg17[%swap3A_501] {strides = array<i32>} : memref<1024xf32, #tpu.memory_space<vmem>>, vector<16xf32>,
      %swap3A_503 = vector.shape_cast %swap3A_502 : vector<16xf32> to vector<16xf32>
      %swap3A_504 = vector.shape_cast %sub3A_500 : vector<16xf32> to vector<16xf32>
      tpu.vector_store %arg17[%swap3A_501], %swap3A_504 {strides = array<i32>} : memref<1024xf32, #tpu.memory_space<vmem>>, vector<16xf32>,
      %get3A_505 = arith.constant 224 : index
      %get3A_506 = tpu.vector_load %arg15[%get3A_505] {strides = array<i32>} : memref<1024xf32, #tpu.memory_space<vmem>>, vector<16xf32>,
      %get3A_507 = vector.shape_cast %get3A_506 : vector<16xf32> to vector<16xf32>
      %get3A_508 = arith.constant 224 : index
      %get3A_509 = tpu.vector_load %arg12[%get3A_508] {strides = array<i32>} : memref<1024xf32, #tpu.memory_space<vmem>>, vector<16xf32>,
      %get3A_510 = vector.shape_cast %get3A_509 : vector<16xf32> to vector<16xf32>
      %sub3A_511 = arith.subf %get3A_507, %get3A_510 : vector<16xf32>
      %swap3A_512 = arith.constant 224 : index
      %swap3A_513 = tpu.vector_load %arg15[%swap3A_512] {strides = array<i32>} : memref<1024xf32, #tpu.memory_space<vmem>>, vector<16xf32>,
      %swap3A_514 = vector.shape_cast %swap3A_513 : vector<16xf32> to vector<16xf32>
      %swap3A_515 = vector.shape_cast %sub3A_511 : vector<16xf32> to vector<16xf32>
      tpu.vector_store %arg15[%swap3A_512], %swap3A_515 {strides = array<i32>} : memref<1024xf32, #tpu.memory_space<vmem>>, vector<16xf32>,
      %get3A_516 = arith.constant 224 : index
      %get3A_517 = tpu.vector_load %arg16[%get3A_516] {strides = array<i32>} : memref<1024xf32, #tpu.memory_space<vmem>>, vector<16xf32>,
      %get3A_518 = vector.shape_cast %get3A_517 : vector<16xf32> to vector<16xf32>
      %get3A_519 = arith.constant 224 : index
      %get3A_520 = tpu.vector_load %arg13[%get3A_519] {strides = array<i32>} : memref<1024xf32, #tpu.memory_space<vmem>>, vector<16xf32>,
      %get3A_521 = vector.shape_cast %get3A_520 : vector<16xf32> to vector<16xf32>
      %sub3A_522 = arith.subf %get3A_518, %get3A_521 : vector<16xf32>
      %swap3A_523 = arith.constant 224 : index
      %swap3A_524 = tpu.vector_load %arg16[%swap3A_523] {strides = array<i32>} : memref<1024xf32, #tpu.memory_space<vmem>>, vector<16xf32>,
      %swap3A_525 = vector.shape_cast %swap3A_524 : vector<16xf32> to vector<16xf32>
      %swap3A_526 = vector.shape_cast %sub3A_522 : vector<16xf32> to vector<16xf32>
      tpu.vector_store %arg16[%swap3A_523], %swap3A_526 {strides = array<i32>} : memref<1024xf32, #tpu.memory_space<vmem>>, vector<16xf32>,
      %get3A_527 = arith.constant 224 : index
      %get3A_528 = tpu.vector_load %arg17[%get3A_527] {strides = array<i32>} : memref<1024xf32, #tpu.memory_space<vmem>>, vector<16xf32>,
      %get3A_529 = vector.shape_cast %get3A_528 : vector<16xf32> to vector<16xf32>
      %get3A_530 = arith.constant 224 : index
      %get3A_531 = tpu.vector_load %arg14[%get3A_530] {strides = array<i32>} : memref<1024xf32, #tpu.memory_space<vmem>>, vector<16xf32>,
      %get3A_532 = vector.shape_cast %get3A_531 : vector<16xf32> to vector<16xf32>
      %sub3A_533 = arith.subf %get3A_529, %get3A_532 : vector<16xf32>
      %swap3A_534 = arith.constant 224 : index
      %swap3A_535 = tpu.vector_load %arg17[%swap3A_534] {strides = array<i32>} : memref<1024xf32, #tpu.memory_space<vmem>>, vector<16xf32>,
      %swap3A_536 = vector.shape_cast %swap3A_535 : vector<16xf32> to vector<16xf32>
      %swap3A_537 = vector.shape_cast %sub3A_533 : vector<16xf32> to vector<16xf32>
      tpu.vector_store %arg17[%swap3A_534], %swap3A_537 {strides = array<i32>} : memref<1024xf32, #tpu.memory_space<vmem>>, vector<16xf32>,
      %get3A_538 = arith.constant 240 : index
      %get3A_539 = tpu.vector_load %arg15[%get3A_538] {strides = array<i32>} : memref<1024xf32, #tpu.memory_space<vmem>>, vector<16xf32>,
      %get3A_540 = vector.shape_cast %get3A_539 : vector<16xf32> to vector<16xf32>
      %get3A_541 = arith.constant 240 : index
      %get3A_542 = tpu.vector_load %arg12[%get3A_541] {strides = array<i32>} : memref<1024xf32, #tpu.memory_space<vmem>>, vector<16xf32>,
      %get3A_543 = vector.shape_cast %get3A_542 : vector<16xf32> to vector<16xf32>
      %sub3A_544 = arith.subf %get3A_540, %get3A_543 : vector<16xf32>
      %swap3A_545 = arith.constant 240 : index
      %swap3A_546 = tpu.vector_load %arg15[%swap3A_545] {strides = array<i32>} : memref<1024xf32, #tpu.memory_space<vmem>>, vector<16xf32>,
      %swap3A_547 = vector.shape_cast %swap3A_546 : vector<16xf32> to vector<16xf32>
      %swap3A_548 = vector.shape_cast %sub3A_544 : vector<16xf32> to vector<16xf32>
      tpu.vector_store %arg15[%swap3A_545], %swap3A_548 {strides = array<i32>} : memref<1024xf32, #tpu.memory_space<vmem>>, vector<16xf32>,
      %get3A_549 = arith.constant 240 : index
      %get3A_550 = tpu.vector_load %arg16[%get3A_549] {strides = array<i32>} : memref<1024xf32, #tpu.memory_space<vmem>>, vector<16xf32>,
      %get3A_551 = vector.shape_cast %get3A_550 : vector<16xf32> to vector<16xf32>
      %get3A_552 = arith.constant 240 : index
      %get3A_553 = tpu.vector_load %arg13[%get3A_552] {strides = array<i32>} : memref<1024xf32, #tpu.memory_space<vmem>>, vector<16xf32>,
      %get3A_554 = vector.shape_cast %get3A_553 : vector<16xf32> to vector<16xf32>
      %sub3A_555 = arith.subf %get3A_551, %get3A_554 : vector<16xf32>
      %swap3A_556 = arith.constant 240 : index
      %swap3A_557 = tpu.vector_load %arg16[%swap3A_556] {strides = array<i32>} : memref<1024xf32, #tpu.memory_space<vmem>>, vector<16xf32>,
      %swap3A_558 = vector.shape_cast %swap3A_557 : vector<16xf32> to vector<16xf32>
      %swap3A_559 = vector.shape_cast %sub3A_555 : vector<16xf32> to vector<16xf32>
      tpu.vector_store %arg16[%swap3A_556], %swap3A_559 {strides = array<i32>} : memref<1024xf32, #tpu.memory_space<vmem>>, vector<16xf32>,
      %get3A_560 = arith.constant 240 : index
      %get3A_561 = tpu.vector_load %arg17[%get3A_560] {strides = array<i32>} : memref<1024xf32, #tpu.memory_space<vmem>>, vector<16xf32>,
      %get3A_562 = vector.shape_cast %get3A_561 : vector<16xf32> to vector<16xf32>
      %get3A_563 = arith.constant 240 : index
      %get3A_564 = tpu.vector_load %arg14[%get3A_563] {strides = array<i32>} : memref<1024xf32, #tpu.memory_space<vmem>>, vector<16xf32>,
      %get3A_565 = vector.shape_cast %get3A_564 : vector<16xf32> to vector<16xf32>
      %sub3A_566 = arith.subf %get3A_562, %get3A_565 : vector<16xf32>
      %swap3A_567 = arith.constant 240 : index
      %swap3A_568 = tpu.vector_load %arg17[%swap3A_567] {strides = array<i32>} : memref<1024xf32, #tpu.memory_space<vmem>>, vector<16xf32>,
      %swap3A_569 = vector.shape_cast %swap3A_568 : vector<16xf32> to vector<16xf32>
      %swap3A_570 = vector.shape_cast %sub3A_566 : vector<16xf32> to vector<16xf32>
      tpu.vector_store %arg17[%swap3A_567], %swap3A_570 {strides = array<i32>} : memref<1024xf32, #tpu.memory_space<vmem>>, vector<16xf32>,
      %get3A_571 = arith.constant 256 : index
      %get3A_572 = tpu.vector_load %arg15[%get3A_571] {strides = array<i32>} : memref<1024xf32, #tpu.memory_space<vmem>>, vector<16xf32>,
      %get3A_573 = vector.shape_cast %get3A_572 : vector<16xf32> to vector<16xf32>
      %get3A_574 = arith.constant 256 : index
      %get3A_575 = tpu.vector_load %arg12[%get3A_574] {strides = array<i32>} : memref<1024xf32, #tpu.memory_space<vmem>>, vector<16xf32>,
      %get3A_576 = vector.shape_cast %get3A_575 : vector<16xf32> to vector<16xf32>
      %sub3A_577 = arith.subf %get3A_573, %get3A_576 : vector<16xf32>
      %swap3A_578 = arith.constant 256 : index
      %swap3A_579 = tpu.vector_load %arg15[%swap3A_578] {strides = array<i32>} : memref<1024xf32, #tpu.memory_space<vmem>>, vector<16xf32>,
      %swap3A_580 = vector.shape_cast %swap3A_579 : vector<16xf32> to vector<16xf32>
      %swap3A_581 = vector.shape_cast %sub3A_577 : vector<16xf32> to vector<16xf32>
      tpu.vector_store %arg15[%swap3A_578], %swap3A_581 {strides = array<i32>} : memref<1024xf32, #tpu.memory_space<vmem>>, vector<16xf32>,
      %get3A_582 = arith.constant 256 : index
      %get3A_583 = tpu.vector_load %arg16[%get3A_582] {strides = array<i32>} : memref<1024xf32, #tpu.memory_space<vmem>>, vector<16xf32>,
      %get3A_584 = vector.shape_cast %get3A_583 : vector<16xf32> to vector<16xf32>
      %get3A_585 = arith.constant 256 : index
      %get3A_586 = tpu.vector_load %arg13[%get3A_585] {strides = array<i32>} : memref<1024xf32, #tpu.memory_space<vmem>>, vector<16xf32>,
      %get3A_587 = vector.shape_cast %get3A_586 : vector<16xf32> to vector<16xf32>
      %sub3A_588 = arith.subf %get3A_584, %get3A_587 : vector<16xf32>
      %swap3A_589 = arith.constant 256 : index
      %swap3A_590 = tpu.vector_load %arg16[%swap3A_589] {strides = array<i32>} : memref<1024xf32, #tpu.memory_space<vmem>>, vector<16xf32>,
      %swap3A_591 = vector.shape_cast %swap3A_590 : vector<16xf32> to vector<16xf32>
      %swap3A_592 = vector.shape_cast %sub3A_588 : vector<16xf32> to vector<16xf32>
      tpu.vector_store %arg16[%swap3A_589], %swap3A_592 {strides = array<i32>} : memref<1024xf32, #tpu.memory_space<vmem>>, vector<16xf32>,
      %get3A_593 = arith.constant 256 : index
      %get3A_594 = tpu.vector_load %arg17[%get3A_593] {strides = array<i32>} : memref<1024xf32, #tpu.memory_space<vmem>>, vector<16xf32>,
      %get3A_595 = vector.shape_cast %get3A_594 : vector<16xf32> to vector<16xf32>
      %get3A_596 = arith.constant 256 : index
      %get3A_597 = tpu.vector_load %arg14[%get3A_596] {strides = array<i32>} : memref<1024xf32, #tpu.memory_space<vmem>>, vector<16xf32>,
      %get3A_598 = vector.shape_cast %get3A_597 : vector<16xf32> to vector<16xf32>
      %sub3A_599 = arith.subf %get3A_595, %get3A_598 : vector<16xf32>
      %swap3A_600 = arith.constant 256 : index
      %swap3A_601 = tpu.vector_load %arg17[%swap3A_600] {strides = array<i32>} : memref<1024xf32, #tpu.memory_space<vmem>>, vector<16xf32>,
      %swap3A_602 = vector.shape_cast %swap3A_601 : vector<16xf32> to vector<16xf32>
      %swap3A_603 = vector.shape_cast %sub3A_599 : vector<16xf32> to vector<16xf32>
      tpu.vector_store %arg17[%swap3A_600], %swap3A_603 {strides = array<i32>} : memref<1024xf32, #tpu.memory_space<vmem>>, vector<16xf32>,
      %get3A_604 = arith.constant 272 : index
      %get3A_605 = tpu.vector_load %arg15[%get3A_604] {strides = array<i32>} : memref<1024xf32, #tpu.memory_space<vmem>>, vector<16xf32>,
      %get3A_606 = vector.shape_cast %get3A_605 : vector<16xf32> to vector<16xf32>
      %get3A_607 = arith.constant 272 : index
      %get3A_608 = tpu.vector_load %arg12[%get3A_607] {strides = array<i32>} : memref<1024xf32, #tpu.memory_space<vmem>>, vector<16xf32>,
      %get3A_609 = vector.shape_cast %get3A_608 : vector<16xf32> to vector<16xf32>
      %sub3A_610 = arith.subf %get3A_606, %get3A_609 : vector<16xf32>
      %swap3A_611 = arith.constant 272 : index
      %swap3A_612 = tpu.vector_load %arg15[%swap3A_611] {strides = array<i32>} : memref<1024xf32, #tpu.memory_space<vmem>>, vector<16xf32>,
      %swap3A_613 = vector.shape_cast %swap3A_612 : vector<16xf32> to vector<16xf32>
      %swap3A_614 = vector.shape_cast %sub3A_610 : vector<16xf32> to vector<16xf32>
      tpu.vector_store %arg15[%swap3A_611], %swap3A_614 {strides = array<i32>} : memref<1024xf32, #tpu.memory_space<vmem>>, vector<16xf32>,
      %get3A_615 = arith.constant 272 : index
      %get3A_616 = tpu.vector_load %arg16[%get3A_615] {strides = array<i32>} : memref<1024xf32, #tpu.memory_space<vmem>>, vector<16xf32>,
      %get3A_617 = vector.shape_cast %get3A_616 : vector<16xf32> to vector<16xf32>
      %get3A_618 = arith.constant 272 : index
      %get3A_619 = tpu.vector_load %arg13[%get3A_618] {strides = array<i32>} : memref<1024xf32, #tpu.memory_space<vmem>>, vector<16xf32>,
      %get3A_620 = vector.shape_cast %get3A_619 : vector<16xf32> to vector<16xf32>
      %sub3A_621 = arith.subf %get3A_617, %get3A_620 : vector<16xf32>
      %swap3A_622 = arith.constant 272 : index
      %swap3A_623 = tpu.vector_load %arg16[%swap3A_622] {strides = array<i32>} : memref<1024xf32, #tpu.memory_space<vmem>>, vector<16xf32>,
      %swap3A_624 = vector.shape_cast %swap3A_623 : vector<16xf32> to vector<16xf32>
      %swap3A_625 = vector.shape_cast %sub3A_621 : vector<16xf32> to vector<16xf32>
      tpu.vector_store %arg16[%swap3A_622], %swap3A_625 {strides = array<i32>} : memref<1024xf32, #tpu.memory_space<vmem>>, vector<16xf32>,
      %get3A_626 = arith.constant 272 : index
      %get3A_627 = tpu.vector_load %arg17[%get3A_626] {strides = array<i32>} : memref<1024xf32, #tpu.memory_space<vmem>>, vector<16xf32>,
      %get3A_628 = vector.shape_cast %get3A_627 : vector<16xf32> to vector<16xf32>
      %get3A_629 = arith.constant 272 : index
      %get3A_630 = tpu.vector_load %arg14[%get3A_629] {strides = array<i32>} : memref<1024xf32, #tpu.memory_space<vmem>>, vector<16xf32>,
      %get3A_631 = vector.shape_cast %get3A_630 : vector<16xf32> to vector<16xf32>
      %sub3A_632 = arith.subf %get3A_628, %get3A_631 : vector<16xf32>
      %swap3A_633 = arith.constant 272 : index
      %swap3A_634 = tpu.vector_load %arg17[%swap3A_633] {strides = array<i32>} : memref<1024xf32, #tpu.memory_space<vmem>>, vector<16xf32>,
      %swap3A_635 = vector.shape_cast %swap3A_634 : vector<16xf32> to vector<16xf32>
      %swap3A_636 = vector.shape_cast %sub3A_632 : vector<16xf32> to vector<16xf32>
      tpu.vector_store %arg17[%swap3A_633], %swap3A_636 {strides = array<i32>} : memref<1024xf32, #tpu.memory_space<vmem>>, vector<16xf32>,
      %get3A_637 = arith.constant 288 : index
      %get3A_638 = tpu.vector_load %arg15[%get3A_637] {strides = array<i32>} : memref<1024xf32, #tpu.memory_space<vmem>>, vector<16xf32>,
      %get3A_639 = vector.shape_cast %get3A_638 : vector<16xf32> to vector<16xf32>
      %get3A_640 = arith.constant 288 : index
      %get3A_641 = tpu.vector_load %arg12[%get3A_640] {strides = array<i32>} : memref<1024xf32, #tpu.memory_space<vmem>>, vector<16xf32>,
      %get3A_642 = vector.shape_cast %get3A_641 : vector<16xf32> to vector<16xf32>
      %sub3A_643 = arith.subf %get3A_639, %get3A_642 : vector<16xf32>
      %swap3A_644 = arith.constant 288 : index
      %swap3A_645 = tpu.vector_load %arg15[%swap3A_644] {strides = array<i32>} : memref<1024xf32, #tpu.memory_space<vmem>>, vector<16xf32>,
      %swap3A_646 = vector.shape_cast %swap3A_645 : vector<16xf32> to vector<16xf32>
      %swap3A_647 = vector.shape_cast %sub3A_643 : vector<16xf32> to vector<16xf32>
      tpu.vector_store %arg15[%swap3A_644], %swap3A_647 {strides = array<i32>} : memref<1024xf32, #tpu.memory_space<vmem>>, vector<16xf32>,
      %get3A_648 = arith.constant 288 : index
      %get3A_649 = tpu.vector_load %arg16[%get3A_648] {strides = array<i32>} : memref<1024xf32, #tpu.memory_space<vmem>>, vector<16xf32>,
      %get3A_650 = vector.shape_cast %get3A_649 : vector<16xf32> to vector<16xf32>
      %get3A_651 = arith.constant 288 : index
      %get3A_652 = tpu.vector_load %arg13[%get3A_651] {strides = array<i32>} : memref<1024xf32, #tpu.memory_space<vmem>>, vector<16xf32>,
      %get3A_653 = vector.shape_cast %get3A_652 : vector<16xf32> to vector<16xf32>
      %sub3A_654 = arith.subf %get3A_650, %get3A_653 : vector<16xf32>
      %swap3A_655 = arith.constant 288 : index
      %swap3A_656 = tpu.vector_load %arg16[%swap3A_655] {strides = array<i32>} : memref<1024xf32, #tpu.memory_space<vmem>>, vector<16xf32>,
      %swap3A_657 = vector.shape_cast %swap3A_656 : vector<16xf32> to vector<16xf32>
      %swap3A_658 = vector.shape_cast %sub3A_654 : vector<16xf32> to vector<16xf32>
      tpu.vector_store %arg16[%swap3A_655], %swap3A_658 {strides = array<i32>} : memref<1024xf32, #tpu.memory_space<vmem>>, vector<16xf32>,
      %get3A_659 = arith.constant 288 : index
      %get3A_660 = tpu.vector_load %arg17[%get3A_659] {strides = array<i32>} : memref<1024xf32, #tpu.memory_space<vmem>>, vector<16xf32>,
      %get3A_661 = vector.shape_cast %get3A_660 : vector<16xf32> to vector<16xf32>
      %get3A_662 = arith.constant 288 : index
      %get3A_663 = tpu.vector_load %arg14[%get3A_662] {strides = array<i32>} : memref<1024xf32, #tpu.memory_space<vmem>>, vector<16xf32>,
      %get3A_664 = vector.shape_cast %get3A_663 : vector<16xf32> to vector<16xf32>
      %sub3A_665 = arith.subf %get3A_661, %get3A_664 : vector<16xf32>
      %swap3A_666 = arith.constant 288 : index
      %swap3A_667 = tpu.vector_load %arg17[%swap3A_666] {strides = array<i32>} : memref<1024xf32, #tpu.memory_space<vmem>>, vector<16xf32>,
      %swap3A_668 = vector.shape_cast %swap3A_667 : vector<16xf32> to vector<16xf32>
      %swap3A_669 = vector.shape_cast %sub3A_665 : vector<16xf32> to vector<16xf32>
      tpu.vector_store %arg17[%swap3A_666], %swap3A_669 {strides = array<i32>} : memref<1024xf32, #tpu.memory_space<vmem>>, vector<16xf32>,
      %get3A_670 = arith.constant 304 : index
      %get3A_671 = tpu.vector_load %arg15[%get3A_670] {strides = array<i32>} : memref<1024xf32, #tpu.memory_space<vmem>>, vector<16xf32>,
      %get3A_672 = vector.shape_cast %get3A_671 : vector<16xf32> to vector<16xf32>
      %get3A_673 = arith.constant 304 : index
      %get3A_674 = tpu.vector_load %arg12[%get3A_673] {strides = array<i32>} : memref<1024xf32, #tpu.memory_space<vmem>>, vector<16xf32>,
      %get3A_675 = vector.shape_cast %get3A_674 : vector<16xf32> to vector<16xf32>
      %sub3A_676 = arith.subf %get3A_672, %get3A_675 : vector<16xf32>
      %swap3A_677 = arith.constant 304 : index
      %swap3A_678 = tpu.vector_load %arg15[%swap3A_677] {strides = array<i32>} : memref<1024xf32, #tpu.memory_space<vmem>>, vector<16xf32>,
      %swap3A_679 = vector.shape_cast %swap3A_678 : vector<16xf32> to vector<16xf32>
      %swap3A_680 = vector.shape_cast %sub3A_676 : vector<16xf32> to vector<16xf32>
      tpu.vector_store %arg15[%swap3A_677], %swap3A_680 {strides = array<i32>} : memref<1024xf32, #tpu.memory_space<vmem>>, vector<16xf32>,
      %get3A_681 = arith.constant 304 : index
      %get3A_682 = tpu.vector_load %arg16[%get3A_681] {strides = array<i32>} : memref<1024xf32, #tpu.memory_space<vmem>>, vector<16xf32>,
      %get3A_683 = vector.shape_cast %get3A_682 : vector<16xf32> to vector<16xf32>
      %get3A_684 = arith.constant 304 : index
      %get3A_685 = tpu.vector_load %arg13[%get3A_684] {strides = array<i32>} : memref<1024xf32, #tpu.memory_space<vmem>>, vector<16xf32>,
      %get3A_686 = vector.shape_cast %get3A_685 : vector<16xf32> to vector<16xf32>
      %sub3A_687 = arith.subf %get3A_683, %get3A_686 : vector<16xf32>
      %swap3A_688 = arith.constant 304 : index
      %swap3A_689 = tpu.vector_load %arg16[%swap3A_688] {strides = array<i32>} : memref<1024xf32, #tpu.memory_space<vmem>>, vector<16xf32>,
      %swap3A_690 = vector.shape_cast %swap3A_689 : vector<16xf32> to vector<16xf32>
      %swap3A_691 = vector.shape_cast %sub3A_687 : vector<16xf32> to vector<16xf32>
      tpu.vector_store %arg16[%swap3A_688], %swap3A_691 {strides = array<i32>} : memref<1024xf32, #tpu.memory_space<vmem>>, vector<16xf32>,
      %get3A_692 = arith.constant 304 : index
      %get3A_693 = tpu.vector_load %arg17[%get3A_692] {strides = array<i32>} : memref<1024xf32, #tpu.memory_space<vmem>>, vector<16xf32>,
      %get3A_694 = vector.shape_cast %get3A_693 : vector<16xf32> to vector<16xf32>
      %get3A_695 = arith.constant 304 : index
      %get3A_696 = tpu.vector_load %arg14[%get3A_695] {strides = array<i32>} : memref<1024xf32, #tpu.memory_space<vmem>>, vector<16xf32>,
      %get3A_697 = vector.shape_cast %get3A_696 : vector<16xf32> to vector<16xf32>
      %sub3A_698 = arith.subf %get3A_694, %get3A_697 : vector<16xf32>
      %swap3A_699 = arith.constant 304 : index
      %swap3A_700 = tpu.vector_load %arg17[%swap3A_699] {strides = array<i32>} : memref<1024xf32, #tpu.memory_space<vmem>>, vector<16xf32>,
      %swap3A_701 = vector.shape_cast %swap3A_700 : vector<16xf32> to vector<16xf32>
      %swap3A_702 = vector.shape_cast %sub3A_698 : vector<16xf32> to vector<16xf32>
      tpu.vector_store %arg17[%swap3A_699], %swap3A_702 {strides = array<i32>} : memref<1024xf32, #tpu.memory_space<vmem>>, vector<16xf32>,
      %get3A_703 = arith.constant 320 : index
      %get3A_704 = tpu.vector_load %arg15[%get3A_703] {strides = array<i32>} : memref<1024xf32, #tpu.memory_space<vmem>>, vector<16xf32>,
      %get3A_705 = vector.shape_cast %get3A_704 : vector<16xf32> to vector<16xf32>
      %get3A_706 = arith.constant 320 : index
      %get3A_707 = tpu.vector_load %arg12[%get3A_706] {strides = array<i32>} : memref<1024xf32, #tpu.memory_space<vmem>>, vector<16xf32>,
      %get3A_708 = vector.shape_cast %get3A_707 : vector<16xf32> to vector<16xf32>
      %sub3A_709 = arith.subf %get3A_705, %get3A_708 : vector<16xf32>
      %swap3A_710 = arith.constant 320 : index
      %swap3A_711 = tpu.vector_load %arg15[%swap3A_710] {strides = array<i32>} : memref<1024xf32, #tpu.memory_space<vmem>>, vector<16xf32>,
      %swap3A_712 = vector.shape_cast %swap3A_711 : vector<16xf32> to vector<16xf32>
      %swap3A_713 = vector.shape_cast %sub3A_709 : vector<16xf32> to vector<16xf32>
      tpu.vector_store %arg15[%swap3A_710], %swap3A_713 {strides = array<i32>} : memref<1024xf32, #tpu.memory_space<vmem>>, vector<16xf32>,
      %get3A_714 = arith.constant 320 : index
      %get3A_715 = tpu.vector_load %arg16[%get3A_714] {strides = array<i32>} : memref<1024xf32, #tpu.memory_space<vmem>>, vector<16xf32>,
      %get3A_716 = vector.shape_cast %get3A_715 : vector<16xf32> to vector<16xf32>
      %get3A_717 = arith.constant 320 : index
      %get3A_718 = tpu.vector_load %arg13[%get3A_717] {strides = array<i32>} : memref<1024xf32, #tpu.memory_space<vmem>>, vector<16xf32>,
      %get3A_719 = vector.shape_cast %get3A_718 : vector<16xf32> to vector<16xf32>
      %sub3A_720 = arith.subf %get3A_716, %get3A_719 : vector<16xf32>
      %swap3A_721 = arith.constant 320 : index
      %swap3A_722 = tpu.vector_load %arg16[%swap3A_721] {strides = array<i32>} : memref<1024xf32, #tpu.memory_space<vmem>>, vector<16xf32>,
      %swap3A_723 = vector.shape_cast %swap3A_722 : vector<16xf32> to vector<16xf32>
      %swap3A_724 = vector.shape_cast %sub3A_720 : vector<16xf32> to vector<16xf32>
      tpu.vector_store %arg16[%swap3A_721], %swap3A_724 {strides = array<i32>} : memref<1024xf32, #tpu.memory_space<vmem>>, vector<16xf32>,
      %get3A_725 = arith.constant 320 : index
      %get3A_726 = tpu.vector_load %arg17[%get3A_725] {strides = array<i32>} : memref<1024xf32, #tpu.memory_space<vmem>>, vector<16xf32>,
      %get3A_727 = vector.shape_cast %get3A_726 : vector<16xf32> to vector<16xf32>
      %get3A_728 = arith.constant 320 : index
      %get3A_729 = tpu.vector_load %arg14[%get3A_728] {strides = array<i32>} : memref<1024xf32, #tpu.memory_space<vmem>>, vector<16xf32>,
      %get3A_730 = vector.shape_cast %get3A_729 : vector<16xf32> to vector<16xf32>
      %sub3A_731 = arith.subf %get3A_727, %get3A_730 : vector<16xf32>
      %swap3A_732 = arith.constant 320 : index
      %swap3A_733 = tpu.vector_load %arg17[%swap3A_732] {strides = array<i32>} : memref<1024xf32, #tpu.memory_space<vmem>>, vector<16xf32>,
      %swap3A_734 = vector.shape_cast %swap3A_733 : vector<16xf32> to vector<16xf32>
      %swap3A_735 = vector.shape_cast %sub3A_731 : vector<16xf32> to vector<16xf32>
      tpu.vector_store %arg17[%swap3A_732], %swap3A_735 {strides = array<i32>} : memref<1024xf32, #tpu.memory_space<vmem>>, vector<16xf32>,
      %get3A_736 = arith.constant 336 : index
      %get3A_737 = tpu.vector_load %arg15[%get3A_736] {strides = array<i32>} : memref<1024xf32, #tpu.memory_space<vmem>>, vector<16xf32>,
      %get3A_738 = vector.shape_cast %get3A_737 : vector<16xf32> to vector<16xf32>
      %get3A_739 = arith.constant 336 : index
      %get3A_740 = tpu.vector_load %arg12[%get3A_739] {strides = array<i32>} : memref<1024xf32, #tpu.memory_space<vmem>>, vector<16xf32>,
      %get3A_741 = vector.shape_cast %get3A_740 : vector<16xf32> to vector<16xf32>
      %sub3A_742 = arith.subf %get3A_738, %get3A_741 : vector<16xf32>
      %swap3A_743 = arith.constant 336 : index
      %swap3A_744 = tpu.vector_load %arg15[%swap3A_743] {strides = array<i32>} : memref<1024xf32, #tpu.memory_space<vmem>>, vector<16xf32>,
      %swap3A_745 = vector.shape_cast %swap3A_744 : vector<16xf32> to vector<16xf32>
      %swap3A_746 = vector.shape_cast %sub3A_742 : vector<16xf32> to vector<16xf32>
      tpu.vector_store %arg15[%swap3A_743], %swap3A_746 {strides = array<i32>} : memref<1024xf32, #tpu.memory_space<vmem>>, vector<16xf32>,
      %get3A_747 = arith.constant 336 : index
      %get3A_748 = tpu.vector_load %arg16[%get3A_747] {strides = array<i32>} : memref<1024xf32, #tpu.memory_space<vmem>>, vector<16xf32>,
      %get3A_749 = vector.shape_cast %get3A_748 : vector<16xf32> to vector<16xf32>
      %get3A_750 = arith.constant 336 : index
      %get3A_751 = tpu.vector_load %arg13[%get3A_750] {strides = array<i32>} : memref<1024xf32, #tpu.memory_space<vmem>>, vector<16xf32>,
      %get3A_752 = vector.shape_cast %get3A_751 : vector<16xf32> to vector<16xf32>
      %sub3A_753 = arith.subf %get3A_749, %get3A_752 : vector<16xf32>
      %swap3A_754 = arith.constant 336 : index
      %swap3A_755 = tpu.vector_load %arg16[%swap3A_754] {strides = array<i32>} : memref<1024xf32, #tpu.memory_space<vmem>>, vector<16xf32>,
      %swap3A_756 = vector.shape_cast %swap3A_755 : vector<16xf32> to vector<16xf32>
      %swap3A_757 = vector.shape_cast %sub3A_753 : vector<16xf32> to vector<16xf32>
      tpu.vector_store %arg16[%swap3A_754], %swap3A_757 {strides = array<i32>} : memref<1024xf32, #tpu.memory_space<vmem>>, vector<16xf32>,
      %get3A_758 = arith.constant 336 : index
      %get3A_759 = tpu.vector_load %arg17[%get3A_758] {strides = array<i32>} : memref<1024xf32, #tpu.memory_space<vmem>>, vector<16xf32>,
      %get3A_760 = vector.shape_cast %get3A_759 : vector<16xf32> to vector<16xf32>
      %get3A_761 = arith.constant 336 : index
      %get3A_762 = tpu.vector_load %arg14[%get3A_761] {strides = array<i32>} : memref<1024xf32, #tpu.memory_space<vmem>>, vector<16xf32>,
      %get3A_763 = vector.shape_cast %get3A_762 : vector<16xf32> to vector<16xf32>
      %sub3A_764 = arith.subf %get3A_760, %get3A_763 : vector<16xf32>
      %swap3A_765 = arith.constant 336 : index
      %swap3A_766 = tpu.vector_load %arg17[%swap3A_765] {strides = array<i32>} : memref<1024xf32, #tpu.memory_space<vmem>>, vector<16xf32>,
      %swap3A_767 = vector.shape_cast %swap3A_766 : vector<16xf32> to vector<16xf32>
      %swap3A_768 = vector.shape_cast %sub3A_764 : vector<16xf32> to vector<16xf32>
      tpu.vector_store %arg17[%swap3A_765], %swap3A_768 {strides = array<i32>} : memref<1024xf32, #tpu.memory_space<vmem>>, vector<16xf32>,
      %get3A_769 = arith.constant 352 : index
      %get3A_770 = tpu.vector_load %arg15[%get3A_769] {strides = array<i32>} : memref<1024xf32, #tpu.memory_space<vmem>>, vector<16xf32>,
      %get3A_771 = vector.shape_cast %get3A_770 : vector<16xf32> to vector<16xf32>
      %get3A_772 = arith.constant 352 : index
      %get3A_773 = tpu.vector_load %arg12[%get3A_772] {strides = array<i32>} : memref<1024xf32, #tpu.memory_space<vmem>>, vector<16xf32>,
      %get3A_774 = vector.shape_cast %get3A_773 : vector<16xf32> to vector<16xf32>
      %sub3A_775 = arith.subf %get3A_771, %get3A_774 : vector<16xf32>
      %swap3A_776 = arith.constant 352 : index
      %swap3A_777 = tpu.vector_load %arg15[%swap3A_776] {strides = array<i32>} : memref<1024xf32, #tpu.memory_space<vmem>>, vector<16xf32>,
      %swap3A_778 = vector.shape_cast %swap3A_777 : vector<16xf32> to vector<16xf32>
      %swap3A_779 = vector.shape_cast %sub3A_775 : vector<16xf32> to vector<16xf32>
      tpu.vector_store %arg15[%swap3A_776], %swap3A_779 {strides = array<i32>} : memref<1024xf32, #tpu.memory_space<vmem>>, vector<16xf32>,
      %get3A_780 = arith.constant 352 : index
      %get3A_781 = tpu.vector_load %arg16[%get3A_780] {strides = array<i32>} : memref<1024xf32, #tpu.memory_space<vmem>>, vector<16xf32>,
      %get3A_782 = vector.shape_cast %get3A_781 : vector<16xf32> to vector<16xf32>
      %get3A_783 = arith.constant 352 : index
      %get3A_784 = tpu.vector_load %arg13[%get3A_783] {strides = array<i32>} : memref<1024xf32, #tpu.memory_space<vmem>>, vector<16xf32>,
      %get3A_785 = vector.shape_cast %get3A_784 : vector<16xf32> to vector<16xf32>
      %sub3A_786 = arith.subf %get3A_782, %get3A_785 : vector<16xf32>
      %swap3A_787 = arith.constant 352 : index
      %swap3A_788 = tpu.vector_load %arg16[%swap3A_787] {strides = array<i32>} : memref<1024xf32, #tpu.memory_space<vmem>>, vector<16xf32>,
      %swap3A_789 = vector.shape_cast %swap3A_788 : vector<16xf32> to vector<16xf32>
      %swap3A_790 = vector.shape_cast %sub3A_786 : vector<16xf32> to vector<16xf32>
      tpu.vector_store %arg16[%swap3A_787], %swap3A_790 {strides = array<i32>} : memref<1024xf32, #tpu.memory_space<vmem>>, vector<16xf32>,
      %get3A_791 = arith.constant 352 : index
      %get3A_792 = tpu.vector_load %arg17[%get3A_791] {strides = array<i32>} : memref<1024xf32, #tpu.memory_space<vmem>>, vector<16xf32>,
      %get3A_793 = vector.shape_cast %get3A_792 : vector<16xf32> to vector<16xf32>
      %get3A_794 = arith.constant 352 : index
      %get3A_795 = tpu.vector_load %arg14[%get3A_794] {strides = array<i32>} : memref<1024xf32, #tpu.memory_space<vmem>>, vector<16xf32>,
      %get3A_796 = vector.shape_cast %get3A_795 : vector<16xf32> to vector<16xf32>
      %sub3A_797 = arith.subf %get3A_793, %get3A_796 : vector<16xf32>
      %swap3A_798 = arith.constant 352 : index
      %swap3A_799 = tpu.vector_load %arg17[%swap3A_798] {strides = array<i32>} : memref<1024xf32, #tpu.memory_space<vmem>>, vector<16xf32>,
      %swap3A_800 = vector.shape_cast %swap3A_799 : vector<16xf32> to vector<16xf32>
      %swap3A_801 = vector.shape_cast %sub3A_797 : vector<16xf32> to vector<16xf32>
      tpu.vector_store %arg17[%swap3A_798], %swap3A_801 {strides = array<i32>} : memref<1024xf32, #tpu.memory_space<vmem>>, vector<16xf32>,
      %get3A_802 = arith.constant 368 : index
      %get3A_803 = tpu.vector_load %arg15[%get3A_802] {strides = array<i32>} : memref<1024xf32, #tpu.memory_space<vmem>>, vector<16xf32>,
      %get3A_804 = vector.shape_cast %get3A_803 : vector<16xf32> to vector<16xf32>
      %get3A_805 = arith.constant 368 : index
      %get3A_806 = tpu.vector_load %arg12[%get3A_805] {strides = array<i32>} : memref<1024xf32, #tpu.memory_space<vmem>>, vector<16xf32>,
      %get3A_807 = vector.shape_cast %get3A_806 : vector<16xf32> to vector<16xf32>
      %sub3A_808 = arith.subf %get3A_804, %get3A_807 : vector<16xf32>
      %swap3A_809 = arith.constant 368 : index
      %swap3A_810 = tpu.vector_load %arg15[%swap3A_809] {strides = array<i32>} : memref<1024xf32, #tpu.memory_space<vmem>>, vector<16xf32>,
      %swap3A_811 = vector.shape_cast %swap3A_810 : vector<16xf32> to vector<16xf32>
      %swap3A_812 = vector.shape_cast %sub3A_808 : vector<16xf32> to vector<16xf32>
      tpu.vector_store %arg15[%swap3A_809], %swap3A_812 {strides = array<i32>} : memref<1024xf32, #tpu.memory_space<vmem>>, vector<16xf32>,
      %get3A_813 = arith.constant 368 : index
      %get3A_814 = tpu.vector_load %arg16[%get3A_813] {strides = array<i32>} : memref<1024xf32, #tpu.memory_space<vmem>>, vector<16xf32>,
      %get3A_815 = vector.shape_cast %get3A_814 : vector<16xf32> to vector<16xf32>
      %get3A_816 = arith.constant 368 : index
      %get3A_817 = tpu.vector_load %arg13[%get3A_816] {strides = array<i32>} : memref<1024xf32, #tpu.memory_space<vmem>>, vector<16xf32>,
      %get3A_818 = vector.shape_cast %get3A_817 : vector<16xf32> to vector<16xf32>
      %sub3A_819 = arith.subf %get3A_815, %get3A_818 : vector<16xf32>
      %swap3A_820 = arith.constant 368 : index
      %swap3A_821 = tpu.vector_load %arg16[%swap3A_820] {strides = array<i32>} : memref<1024xf32, #tpu.memory_space<vmem>>, vector<16xf32>,
      %swap3A_822 = vector.shape_cast %swap3A_821 : vector<16xf32> to vector<16xf32>
      %swap3A_823 = vector.shape_cast %sub3A_819 : vector<16xf32> to vector<16xf32>
      tpu.vector_store %arg16[%swap3A_820], %swap3A_823 {strides = array<i32>} : memref<1024xf32, #tpu.memory_space<vmem>>, vector<16xf32>,
      %get3A_824 = arith.constant 368 : index
      %get3A_825 = tpu.vector_load %arg17[%get3A_824] {strides = array<i32>} : memref<1024xf32, #tpu.memory_space<vmem>>, vector<16xf32>,
      %get3A_826 = vector.shape_cast %get3A_825 : vector<16xf32> to vector<16xf32>
      %get3A_827 = arith.constant 368 : index
      %get3A_828 = tpu.vector_load %arg14[%get3A_827] {strides = array<i32>} : memref<1024xf32, #tpu.memory_space<vmem>>, vector<16xf32>,
      %get3A_829 = vector.shape_cast %get3A_828 : vector<16xf32> to vector<16xf32>
      %sub3A_830 = arith.subf %get3A_826, %get3A_829 : vector<16xf32>
      %swap3A_831 = arith.constant 368 : index
      %swap3A_832 = tpu.vector_load %arg17[%swap3A_831] {strides = array<i32>} : memref<1024xf32, #tpu.memory_space<vmem>>, vector<16xf32>,
      %swap3A_833 = vector.shape_cast %swap3A_832 : vector<16xf32> to vector<16xf32>
      %swap3A_834 = vector.shape_cast %sub3A_830 : vector<16xf32> to vector<16xf32>
      tpu.vector_store %arg17[%swap3A_831], %swap3A_834 {strides = array<i32>} : memref<1024xf32, #tpu.memory_space<vmem>>, vector<16xf32>,
      %get3A_835 = arith.constant 384 : index
      %get3A_836 = tpu.vector_load %arg15[%get3A_835] {strides = array<i32>} : memref<1024xf32, #tpu.memory_space<vmem>>, vector<16xf32>,
      %get3A_837 = vector.shape_cast %get3A_836 : vector<16xf32> to vector<16xf32>
      %get3A_838 = arith.constant 384 : index
      %get3A_839 = tpu.vector_load %arg12[%get3A_838] {strides = array<i32>} : memref<1024xf32, #tpu.memory_space<vmem>>, vector<16xf32>,
      %get3A_840 = vector.shape_cast %get3A_839 : vector<16xf32> to vector<16xf32>
      %sub3A_841 = arith.subf %get3A_837, %get3A_840 : vector<16xf32>
      %swap3A_842 = arith.constant 384 : index
      %swap3A_843 = tpu.vector_load %arg15[%swap3A_842] {strides = array<i32>} : memref<1024xf32, #tpu.memory_space<vmem>>, vector<16xf32>,
      %swap3A_844 = vector.shape_cast %swap3A_843 : vector<16xf32> to vector<16xf32>
      %swap3A_845 = vector.shape_cast %sub3A_841 : vector<16xf32> to vector<16xf32>
      tpu.vector_store %arg15[%swap3A_842], %swap3A_845 {strides = array<i32>} : memref<1024xf32, #tpu.memory_space<vmem>>, vector<16xf32>,
      %get3A_846 = arith.constant 384 : index
      %get3A_847 = tpu.vector_load %arg16[%get3A_846] {strides = array<i32>} : memref<1024xf32, #tpu.memory_space<vmem>>, vector<16xf32>,
      %get3A_848 = vector.shape_cast %get3A_847 : vector<16xf32> to vector<16xf32>
      %get3A_849 = arith.constant 384 : index
      %get3A_850 = tpu.vector_load %arg13[%get3A_849] {strides = array<i32>} : memref<1024xf32, #tpu.memory_space<vmem>>, vector<16xf32>,
      %get3A_851 = vector.shape_cast %get3A_850 : vector<16xf32> to vector<16xf32>
      %sub3A_852 = arith.subf %get3A_848, %get3A_851 : vector<16xf32>
      %swap3A_853 = arith.constant 384 : index
      %swap3A_854 = tpu.vector_load %arg16[%swap3A_853] {strides = array<i32>} : memref<1024xf32, #tpu.memory_space<vmem>>, vector<16xf32>,
      %swap3A_855 = vector.shape_cast %swap3A_854 : vector<16xf32> to vector<16xf32>
      %swap3A_856 = vector.shape_cast %sub3A_852 : vector<16xf32> to vector<16xf32>
      tpu.vector_store %arg16[%swap3A_853], %swap3A_856 {strides = array<i32>} : memref<1024xf32, #tpu.memory_space<vmem>>, vector<16xf32>,
      %get3A_857 = arith.constant 384 : index
      %get3A_858 = tpu.vector_load %arg17[%get3A_857] {strides = array<i32>} : memref<1024xf32, #tpu.memory_space<vmem>>, vector<16xf32>,
      %get3A_859 = vector.shape_cast %get3A_858 : vector<16xf32> to vector<16xf32>
      %get3A_860 = arith.constant 384 : index
      %get3A_861 = tpu.vector_load %arg14[%get3A_860] {strides = array<i32>} : memref<1024xf32, #tpu.memory_space<vmem>>, vector<16xf32>,
      %get3A_862 = vector.shape_cast %get3A_861 : vector<16xf32> to vector<16xf32>
      %sub3A_863 = arith.subf %get3A_859, %get3A_862 : vector<16xf32>
      %swap3A_864 = arith.constant 384 : index
      %swap3A_865 = tpu.vector_load %arg17[%swap3A_864] {strides = array<i32>} : memref<1024xf32, #tpu.memory_space<vmem>>, vector<16xf32>,
      %swap3A_866 = vector.shape_cast %swap3A_865 : vector<16xf32> to vector<16xf32>
      %swap3A_867 = vector.shape_cast %sub3A_863 : vector<16xf32> to vector<16xf32>
      tpu.vector_store %arg17[%swap3A_864], %swap3A_867 {strides = array<i32>} : memref<1024xf32, #tpu.memory_space<vmem>>, vector<16xf32>,
      %get3A_868 = arith.constant 400 : index
      %get3A_869 = tpu.vector_load %arg15[%get3A_868] {strides = array<i32>} : memref<1024xf32, #tpu.memory_space<vmem>>, vector<16xf32>,
      %get3A_870 = vector.shape_cast %get3A_869 : vector<16xf32> to vector<16xf32>
      %get3A_871 = arith.constant 400 : index
      %get3A_872 = tpu.vector_load %arg12[%get3A_871] {strides = array<i32>} : memref<1024xf32, #tpu.memory_space<vmem>>, vector<16xf32>,
      %get3A_873 = vector.shape_cast %get3A_872 : vector<16xf32> to vector<16xf32>
      %sub3A_874 = arith.subf %get3A_870, %get3A_873 : vector<16xf32>
      %swap3A_875 = arith.constant 400 : index
      %swap3A_876 = tpu.vector_load %arg15[%swap3A_875] {strides = array<i32>} : memref<1024xf32, #tpu.memory_space<vmem>>, vector<16xf32>,
      %swap3A_877 = vector.shape_cast %swap3A_876 : vector<16xf32> to vector<16xf32>
      %swap3A_878 = vector.shape_cast %sub3A_874 : vector<16xf32> to vector<16xf32>
      tpu.vector_store %arg15[%swap3A_875], %swap3A_878 {strides = array<i32>} : memref<1024xf32, #tpu.memory_space<vmem>>, vector<16xf32>,
      %get3A_879 = arith.constant 400 : index
      %get3A_880 = tpu.vector_load %arg16[%get3A_879] {strides = array<i32>} : memref<1024xf32, #tpu.memory_space<vmem>>, vector<16xf32>,
      %get3A_881 = vector.shape_cast %get3A_880 : vector<16xf32> to vector<16xf32>
      %get3A_882 = arith.constant 400 : index
      %get3A_883 = tpu.vector_load %arg13[%get3A_882] {strides = array<i32>} : memref<1024xf32, #tpu.memory_space<vmem>>, vector<16xf32>,
      %get3A_884 = vector.shape_cast %get3A_883 : vector<16xf32> to vector<16xf32>
      %sub3A_885 = arith.subf %get3A_881, %get3A_884 : vector<16xf32>
      %swap3A_886 = arith.constant 400 : index
      %swap3A_887 = tpu.vector_load %arg16[%swap3A_886] {strides = array<i32>} : memref<1024xf32, #tpu.memory_space<vmem>>, vector<16xf32>,
      %swap3A_888 = vector.shape_cast %swap3A_887 : vector<16xf32> to vector<16xf32>
      %swap3A_889 = vector.shape_cast %sub3A_885 : vector<16xf32> to vector<16xf32>
      tpu.vector_store %arg16[%swap3A_886], %swap3A_889 {strides = array<i32>} : memref<1024xf32, #tpu.memory_space<vmem>>, vector<16xf32>,
      %get3A_890 = arith.constant 400 : index
      %get3A_891 = tpu.vector_load %arg17[%get3A_890] {strides = array<i32>} : memref<1024xf32, #tpu.memory_space<vmem>>, vector<16xf32>,
      %get3A_892 = vector.shape_cast %get3A_891 : vector<16xf32> to vector<16xf32>
      %get3A_893 = arith.constant 400 : index
      %get3A_894 = tpu.vector_load %arg14[%get3A_893] {strides = array<i32>} : memref<1024xf32, #tpu.memory_space<vmem>>, vector<16xf32>,
      %get3A_895 = vector.shape_cast %get3A_894 : vector<16xf32> to vector<16xf32>
      %sub3A_896 = arith.subf %get3A_892, %get3A_895 : vector<16xf32>
      %swap3A_897 = arith.constant 400 : index
      %swap3A_898 = tpu.vector_load %arg17[%swap3A_897] {strides = array<i32>} : memref<1024xf32, #tpu.memory_space<vmem>>, vector<16xf32>,
      %swap3A_899 = vector.shape_cast %swap3A_898 : vector<16xf32> to vector<16xf32>
      %swap3A_900 = vector.shape_cast %sub3A_896 : vector<16xf32> to vector<16xf32>
      tpu.vector_store %arg17[%swap3A_897], %swap3A_900 {strides = array<i32>} : memref<1024xf32, #tpu.memory_space<vmem>>, vector<16xf32>,
      %get3A_901 = arith.constant 416 : index
      %get3A_902 = tpu.vector_load %arg15[%get3A_901] {strides = array<i32>} : memref<1024xf32, #tpu.memory_space<vmem>>, vector<16xf32>,
      %get3A_903 = vector.shape_cast %get3A_902 : vector<16xf32> to vector<16xf32>
      %get3A_904 = arith.constant 416 : index
      %get3A_905 = tpu.vector_load %arg12[%get3A_904] {strides = array<i32>} : memref<1024xf32, #tpu.memory_space<vmem>>, vector<16xf32>,
      %get3A_906 = vector.shape_cast %get3A_905 : vector<16xf32> to vector<16xf32>
      %sub3A_907 = arith.subf %get3A_903, %get3A_906 : vector<16xf32>
      %swap3A_908 = arith.constant 416 : index
      %swap3A_909 = tpu.vector_load %arg15[%swap3A_908] {strides = array<i32>} : memref<1024xf32, #tpu.memory_space<vmem>>, vector<16xf32>,
      %swap3A_910 = vector.shape_cast %swap3A_909 : vector<16xf32> to vector<16xf32>
      %swap3A_911 = vector.shape_cast %sub3A_907 : vector<16xf32> to vector<16xf32>
      tpu.vector_store %arg15[%swap3A_908], %swap3A_911 {strides = array<i32>} : memref<1024xf32, #tpu.memory_space<vmem>>, vector<16xf32>,
      %get3A_912 = arith.constant 416 : index
      %get3A_913 = tpu.vector_load %arg16[%get3A_912] {strides = array<i32>} : memref<1024xf32, #tpu.memory_space<vmem>>, vector<16xf32>,
      %get3A_914 = vector.shape_cast %get3A_913 : vector<16xf32> to vector<16xf32>
      %get3A_915 = arith.constant 416 : index
      %get3A_916 = tpu.vector_load %arg13[%get3A_915] {strides = array<i32>} : memref<1024xf32, #tpu.memory_space<vmem>>, vector<16xf32>,
      %get3A_917 = vector.shape_cast %get3A_916 : vector<16xf32> to vector<16xf32>
      %sub3A_918 = arith.subf %get3A_914, %get3A_917 : vector<16xf32>
      %swap3A_919 = arith.constant 416 : index
      %swap3A_920 = tpu.vector_load %arg16[%swap3A_919] {strides = array<i32>} : memref<1024xf32, #tpu.memory_space<vmem>>, vector<16xf32>,
      %swap3A_921 = vector.shape_cast %swap3A_920 : vector<16xf32> to vector<16xf32>
      %swap3A_922 = vector.shape_cast %sub3A_918 : vector<16xf32> to vector<16xf32>
      tpu.vector_store %arg16[%swap3A_919], %swap3A_922 {strides = array<i32>} : memref<1024xf32, #tpu.memory_space<vmem>>, vector<16xf32>,
      %get3A_923 = arith.constant 416 : index
      %get3A_924 = tpu.vector_load %arg17[%get3A_923] {strides = array<i32>} : memref<1024xf32, #tpu.memory_space<vmem>>, vector<16xf32>,
      %get3A_925 = vector.shape_cast %get3A_924 : vector<16xf32> to vector<16xf32>
      %get3A_926 = arith.constant 416 : index
      %get3A_927 = tpu.vector_load %arg14[%get3A_926] {strides = array<i32>} : memref<1024xf32, #tpu.memory_space<vmem>>, vector<16xf32>,
      %get3A_928 = vector.shape_cast %get3A_927 : vector<16xf32> to vector<16xf32>
      %sub3A_929 = arith.subf %get3A_925, %get3A_928 : vector<16xf32>
      %swap3A_930 = arith.constant 416 : index
      %swap3A_931 = tpu.vector_load %arg17[%swap3A_930] {strides = array<i32>} : memref<1024xf32, #tpu.memory_space<vmem>>, vector<16xf32>,
      %swap3A_932 = vector.shape_cast %swap3A_931 : vector<16xf32> to vector<16xf32>
      %swap3A_933 = vector.shape_cast %sub3A_929 : vector<16xf32> to vector<16xf32>
      tpu.vector_store %arg17[%swap3A_930], %swap3A_933 {strides = array<i32>} : memref<1024xf32, #tpu.memory_space<vmem>>, vector<16xf32>,
      %get3A_934 = arith.constant 432 : index
      %get3A_935 = tpu.vector_load %arg15[%get3A_934] {strides = array<i32>} : memref<1024xf32, #tpu.memory_space<vmem>>, vector<16xf32>,
      %get3A_936 = vector.shape_cast %get3A_935 : vector<16xf32> to vector<16xf32>
      %get3A_937 = arith.constant 432 : index
      %get3A_938 = tpu.vector_load %arg12[%get3A_937] {strides = array<i32>} : memref<1024xf32, #tpu.memory_space<vmem>>, vector<16xf32>,
      %get3A_939 = vector.shape_cast %get3A_938 : vector<16xf32> to vector<16xf32>
      %sub3A_940 = arith.subf %get3A_936, %get3A_939 : vector<16xf32>
      %swap3A_941 = arith.constant 432 : index
      %swap3A_942 = tpu.vector_load %arg15[%swap3A_941] {strides = array<i32>} : memref<1024xf32, #tpu.memory_space<vmem>>, vector<16xf32>,
      %swap3A_943 = vector.shape_cast %swap3A_942 : vector<16xf32> to vector<16xf32>
      %swap3A_944 = vector.shape_cast %sub3A_940 : vector<16xf32> to vector<16xf32>
      tpu.vector_store %arg15[%swap3A_941], %swap3A_944 {strides = array<i32>} : memref<1024xf32, #tpu.memory_space<vmem>>, vector<16xf32>,
      %get3A_945 = arith.constant 432 : index
      %get3A_946 = tpu.vector_load %arg16[%get3A_945] {strides = array<i32>} : memref<1024xf32, #tpu.memory_space<vmem>>, vector<16xf32>,
      %get3A_947 = vector.shape_cast %get3A_946 : vector<16xf32> to vector<16xf32>
      %get3A_948 = arith.constant 432 : index
      %get3A_949 = tpu.vector_load %arg13[%get3A_948] {strides = array<i32>} : memref<1024xf32, #tpu.memory_space<vmem>>, vector<16xf32>,
      %get3A_950 = vector.shape_cast %get3A_949 : vector<16xf32> to vector<16xf32>
      %sub3A_951 = arith.subf %get3A_947, %get3A_950 : vector<16xf32>
      %swap3A_952 = arith.constant 432 : index
      %swap3A_953 = tpu.vector_load %arg16[%swap3A_952] {strides = array<i32>} : memref<1024xf32, #tpu.memory_space<vmem>>, vector<16xf32>,
      %swap3A_954 = vector.shape_cast %swap3A_953 : vector<16xf32> to vector<16xf32>
      %swap3A_955 = vector.shape_cast %sub3A_951 : vector<16xf32> to vector<16xf32>
      tpu.vector_store %arg16[%swap3A_952], %swap3A_955 {strides = array<i32>} : memref<1024xf32, #tpu.memory_space<vmem>>, vector<16xf32>,
      %get3A_956 = arith.constant 432 : index
      %get3A_957 = tpu.vector_load %arg17[%get3A_956] {strides = array<i32>} : memref<1024xf32, #tpu.memory_space<vmem>>, vector<16xf32>,
      %get3A_958 = vector.shape_cast %get3A_957 : vector<16xf32> to vector<16xf32>
      %get3A_959 = arith.constant 432 : index
      %get3A_960 = tpu.vector_load %arg14[%get3A_959] {strides = array<i32>} : memref<1024xf32, #tpu.memory_space<vmem>>, vector<16xf32>,
      %get3A_961 = vector.shape_cast %get3A_960 : vector<16xf32> to vector<16xf32>
      %sub3A_962 = arith.subf %get3A_958, %get3A_961 : vector<16xf32>
      %swap3A_963 = arith.constant 432 : index
      %swap3A_964 = tpu.vector_load %arg17[%swap3A_963] {strides = array<i32>} : memref<1024xf32, #tpu.memory_space<vmem>>, vector<16xf32>,
      %swap3A_965 = vector.shape_cast %swap3A_964 : vector<16xf32> to vector<16xf32>
      %swap3A_966 = vector.shape_cast %sub3A_962 : vector<16xf32> to vector<16xf32>
      tpu.vector_store %arg17[%swap3A_963], %swap3A_966 {strides = array<i32>} : memref<1024xf32, #tpu.memory_space<vmem>>, vector<16xf32>,
      %get3A_967 = arith.constant 448 : index
      %get3A_968 = tpu.vector_load %arg15[%get3A_967] {strides = array<i32>} : memref<1024xf32, #tpu.memory_space<vmem>>, vector<16xf32>,
      %get3A_969 = vector.shape_cast %get3A_968 : vector<16xf32> to vector<16xf32>
      %get3A_970 = arith.constant 448 : index
      %get3A_971 = tpu.vector_load %arg12[%get3A_970] {strides = array<i32>} : memref<1024xf32, #tpu.memory_space<vmem>>, vector<16xf32>,
      %get3A_972 = vector.shape_cast %get3A_971 : vector<16xf32> to vector<16xf32>
      %sub3A_973 = arith.subf %get3A_969, %get3A_972 : vector<16xf32>
      %swap3A_974 = arith.constant 448 : index
      %swap3A_975 = tpu.vector_load %arg15[%swap3A_974] {strides = array<i32>} : memref<1024xf32, #tpu.memory_space<vmem>>, vector<16xf32>,
      %swap3A_976 = vector.shape_cast %swap3A_975 : vector<16xf32> to vector<16xf32>
      %swap3A_977 = vector.shape_cast %sub3A_973 : vector<16xf32> to vector<16xf32>
      tpu.vector_store %arg15[%swap3A_974], %swap3A_977 {strides = array<i32>} : memref<1024xf32, #tpu.memory_space<vmem>>, vector<16xf32>,
      %get3A_978 = arith.constant 448 : index
      %get3A_979 = tpu.vector_load %arg16[%get3A_978] {strides = array<i32>} : memref<1024xf32, #tpu.memory_space<vmem>>, vector<16xf32>,
      %get3A_980 = vector.shape_cast %get3A_979 : vector<16xf32> to vector<16xf32>
      %get3A_981 = arith.constant 448 : index
      %get3A_982 = tpu.vector_load %arg13[%get3A_981] {strides = array<i32>} : memref<1024xf32, #tpu.memory_space<vmem>>, vector<16xf32>,
      %get3A_983 = vector.shape_cast %get3A_982 : vector<16xf32> to vector<16xf32>
      %sub3A_984 = arith.subf %get3A_980, %get3A_983 : vector<16xf32>
      %swap3A_985 = arith.constant 448 : index
      %swap3A_986 = tpu.vector_load %arg16[%swap3A_985] {strides = array<i32>} : memref<1024xf32, #tpu.memory_space<vmem>>, vector<16xf32>,
      %swap3A_987 = vector.shape_cast %swap3A_986 : vector<16xf32> to vector<16xf32>
      %swap3A_988 = vector.shape_cast %sub3A_984 : vector<16xf32> to vector<16xf32>
      tpu.vector_store %arg16[%swap3A_985], %swap3A_988 {strides = array<i32>} : memref<1024xf32, #tpu.memory_space<vmem>>, vector<16xf32>,
      %get3A_989 = arith.constant 448 : index
      %get3A_990 = tpu.vector_load %arg17[%get3A_989] {strides = array<i32>} : memref<1024xf32, #tpu.memory_space<vmem>>, vector<16xf32>,
      %get3A_991 = vector.shape_cast %get3A_990 : vector<16xf32> to vector<16xf32>
      %get3A_992 = arith.constant 448 : index
      %get3A_993 = tpu.vector_load %arg14[%get3A_992] {strides = array<i32>} : memref<1024xf32, #tpu.memory_space<vmem>>, vector<16xf32>,
      %get3A_994 = vector.shape_cast %get3A_993 : vector<16xf32> to vector<16xf32>
      %sub3A_995 = arith.subf %get3A_991, %get3A_994 : vector<16xf32>
      %swap3A_996 = arith.constant 448 : index
      %swap3A_997 = tpu.vector_load %arg17[%swap3A_996] {strides = array<i32>} : memref<1024xf32, #tpu.memory_space<vmem>>, vector<16xf32>,
      %swap3A_998 = vector.shape_cast %swap3A_997 : vector<16xf32> to vector<16xf32>
      %swap3A_999 = vector.shape_cast %sub3A_995 : vector<16xf32> to vector<16xf32>
      tpu.vector_store %arg17[%swap3A_996], %swap3A_999 {strides = array<i32>} : memref<1024xf32, #tpu.memory_space<vmem>>, vector<16xf32>,
      %get3A_1000 = arith.constant 464 : index
      %get3A_1001 = tpu.vector_load %arg15[%get3A_1000] {strides = array<i32>} : memref<1024xf32, #tpu.memory_space<vmem>>, vector<16xf32>,
      %get3A_1002 = vector.shape_cast %get3A_1001 : vector<16xf32> to vector<16xf32>
      %get3A_1003 = arith.constant 464 : index
      %get3A_1004 = tpu.vector_load %arg12[%get3A_1003] {strides = array<i32>} : memref<1024xf32, #tpu.memory_space<vmem>>, vector<16xf32>,
      %get3A_1005 = vector.shape_cast %get3A_1004 : vector<16xf32> to vector<16xf32>
      %sub3A_1006 = arith.subf %get3A_1002, %get3A_1005 : vector<16xf32>
      %swap3A_1007 = arith.constant 464 : index
      %swap3A_1008 = tpu.vector_load %arg15[%swap3A_1007] {strides = array<i32>} : memref<1024xf32, #tpu.memory_space<vmem>>, vector<16xf32>,
      %swap3A_1009 = vector.shape_cast %swap3A_1008 : vector<16xf32> to vector<16xf32>
      %swap3A_1010 = vector.shape_cast %sub3A_1006 : vector<16xf32> to vector<16xf32>
      tpu.vector_store %arg15[%swap3A_1007], %swap3A_1010 {strides = array<i32>} : memref<1024xf32, #tpu.memory_space<vmem>>, vector<16xf32>,
      %get3A_1011 = arith.constant 464 : index
      %get3A_1012 = tpu.vector_load %arg16[%get3A_1011] {strides = array<i32>} : memref<1024xf32, #tpu.memory_space<vmem>>, vector<16xf32>,
      %get3A_1013 = vector.shape_cast %get3A_1012 : vector<16xf32> to vector<16xf32>
      %get3A_1014 = arith.constant 464 : index
      %get3A_1015 = tpu.vector_load %arg13[%get3A_1014] {strides = array<i32>} : memref<1024xf32, #tpu.memory_space<vmem>>, vector<16xf32>,
      %get3A_1016 = vector.shape_cast %get3A_1015 : vector<16xf32> to vector<16xf32>
      %sub3A_1017 = arith.subf %get3A_1013, %get3A_1016 : vector<16xf32>
      %swap3A_1018 = arith.constant 464 : index
      %swap3A_1019 = tpu.vector_load %arg16[%swap3A_1018] {strides = array<i32>} : memref<1024xf32, #tpu.memory_space<vmem>>, vector<16xf32>,
      %swap3A_1020 = vector.shape_cast %swap3A_1019 : vector<16xf32> to vector<16xf32>
      %swap3A_1021 = vector.shape_cast %sub3A_1017 : vector<16xf32> to vector<16xf32>
      tpu.vector_store %arg16[%swap3A_1018], %swap3A_1021 {strides = array<i32>} : memref<1024xf32, #tpu.memory_space<vmem>>, vector<16xf32>,
      %get3A_1022 = arith.constant 464 : index
      %get3A_1023 = tpu.vector_load %arg17[%get3A_1022] {strides = array<i32>} : memref<1024xf32, #tpu.memory_space<vmem>>, vector<16xf32>,
      %get3A_1024 = vector.shape_cast %get3A_1023 : vector<16xf32> to vector<16xf32>
      %get3A_1025 = arith.constant 464 : index
      %get3A_1026 = tpu.vector_load %arg14[%get3A_1025] {strides = array<i32>} : memref<1024xf32, #tpu.memory_space<vmem>>, vector<16xf32>,
      %get3A_1027 = vector.shape_cast %get3A_1026 : vector<16xf32> to vector<16xf32>
      %sub3A_1028 = arith.subf %get3A_1024, %get3A_1027 : vector<16xf32>
      %swap3A_1029 = arith.constant 464 : index
      %swap3A_1030 = tpu.vector_load %arg17[%swap3A_1029] {strides = array<i32>} : memref<1024xf32, #tpu.memory_space<vmem>>, vector<16xf32>,
      %swap3A_1031 = vector.shape_cast %swap3A_1030 : vector<16xf32> to vector<16xf32>
      %swap3A_1032 = vector.shape_cast %sub3A_1028 : vector<16xf32> to vector<16xf32>
      tpu.vector_store %arg17[%swap3A_1029], %swap3A_1032 {strides = array<i32>} : memref<1024xf32, #tpu.memory_space<vmem>>, vector<16xf32>,
      %get3A_1033 = arith.constant 480 : index
      %get3A_1034 = tpu.vector_load %arg15[%get3A_1033] {strides = array<i32>} : memref<1024xf32, #tpu.memory_space<vmem>>, vector<16xf32>,
      %get3A_1035 = vector.shape_cast %get3A_1034 : vector<16xf32> to vector<16xf32>
      %get3A_1036 = arith.constant 480 : index
      %get3A_1037 = tpu.vector_load %arg12[%get3A_1036] {strides = array<i32>} : memref<1024xf32, #tpu.memory_space<vmem>>, vector<16xf32>,
      %get3A_1038 = vector.shape_cast %get3A_1037 : vector<16xf32> to vector<16xf32>
      %sub3A_1039 = arith.subf %get3A_1035, %get3A_1038 : vector<16xf32>
      %swap3A_1040 = arith.constant 480 : index
      %swap3A_1041 = tpu.vector_load %arg15[%swap3A_1040] {strides = array<i32>} : memref<1024xf32, #tpu.memory_space<vmem>>, vector<16xf32>,
      %swap3A_1042 = vector.shape_cast %swap3A_1041 : vector<16xf32> to vector<16xf32>
      %swap3A_1043 = vector.shape_cast %sub3A_1039 : vector<16xf32> to vector<16xf32>
      tpu.vector_store %arg15[%swap3A_1040], %swap3A_1043 {strides = array<i32>} : memref<1024xf32, #tpu.memory_space<vmem>>, vector<16xf32>,
      %get3A_1044 = arith.constant 480 : index
      %get3A_1045 = tpu.vector_load %arg16[%get3A_1044] {strides = array<i32>} : memref<1024xf32, #tpu.memory_space<vmem>>, vector<16xf32>,
      %get3A_1046 = vector.shape_cast %get3A_1045 : vector<16xf32> to vector<16xf32>
      %get3A_1047 = arith.constant 480 : index
      %get3A_1048 = tpu.vector_load %arg13[%get3A_1047] {strides = array<i32>} : memref<1024xf32, #tpu.memory_space<vmem>>, vector<16xf32>,
      %get3A_1049 = vector.shape_cast %get3A_1048 : vector<16xf32> to vector<16xf32>
      %sub3A_1050 = arith.subf %get3A_1046, %get3A_1049 : vector<16xf32>
      %swap3A_1051 = arith.constant 480 : index
      %swap3A_1052 = tpu.vector_load %arg16[%swap3A_1051] {strides = array<i32>} : memref<1024xf32, #tpu.memory_space<vmem>>, vector<16xf32>,
      %swap3A_1053 = vector.shape_cast %swap3A_1052 : vector<16xf32> to vector<16xf32>
      %swap3A_1054 = vector.shape_cast %sub3A_1050 : vector<16xf32> to vector<16xf32>
      tpu.vector_store %arg16[%swap3A_1051], %swap3A_1054 {strides = array<i32>} : memref<1024xf32, #tpu.memory_space<vmem>>, vector<16xf32>,
      %get3A_1055 = arith.constant 480 : index
      %get3A_1056 = tpu.vector_load %arg17[%get3A_1055] {strides = array<i32>} : memref<1024xf32, #tpu.memory_space<vmem>>, vector<16xf32>,
      %get3A_1057 = vector.shape_cast %get3A_1056 : vector<16xf32> to vector<16xf32>
      %get3A_1058 = arith.constant 480 : index
      %get3A_1059 = tpu.vector_load %arg14[%get3A_1058] {strides = array<i32>} : memref<1024xf32, #tpu.memory_space<vmem>>, vector<16xf32>,
      %get3A_1060 = vector.shape_cast %get3A_1059 : vector<16xf32> to vector<16xf32>
      %sub3A_1061 = arith.subf %get3A_1057, %get3A_1060 : vector<16xf32>
      %swap3A_1062 = arith.constant 480 : index
      %swap3A_1063 = tpu.vector_load %arg17[%swap3A_1062] {strides = array<i32>} : memref<1024xf32, #tpu.memory_space<vmem>>, vector<16xf32>,
      %swap3A_1064 = vector.shape_cast %swap3A_1063 : vector<16xf32> to vector<16xf32>
      %swap3A_1065 = vector.shape_cast %sub3A_1061 : vector<16xf32> to vector<16xf32>
      tpu.vector_store %arg17[%swap3A_1062], %swap3A_1065 {strides = array<i32>} : memref<1024xf32, #tpu.memory_space<vmem>>, vector<16xf32>,
      %get3A_1066 = arith.constant 496 : index
      %get3A_1067 = tpu.vector_load %arg15[%get3A_1066] {strides = array<i32>} : memref<1024xf32, #tpu.memory_space<vmem>>, vector<16xf32>,
      %get3A_1068 = vector.shape_cast %get3A_1067 : vector<16xf32> to vector<16xf32>
      %get3A_1069 = arith.constant 496 : index
      %get3A_1070 = tpu.vector_load %arg12[%get3A_1069] {strides = array<i32>} : memref<1024xf32, #tpu.memory_space<vmem>>, vector<16xf32>,
      %get3A_1071 = vector.shape_cast %get3A_1070 : vector<16xf32> to vector<16xf32>
      %sub3A_1072 = arith.subf %get3A_1068, %get3A_1071 : vector<16xf32>
      %swap3A_1073 = arith.constant 496 : index
      %swap3A_1074 = tpu.vector_load %arg15[%swap3A_1073] {strides = array<i32>} : memref<1024xf32, #tpu.memory_space<vmem>>, vector<16xf32>,
      %swap3A_1075 = vector.shape_cast %swap3A_1074 : vector<16xf32> to vector<16xf32>
      %swap3A_1076 = vector.shape_cast %sub3A_1072 : vector<16xf32> to vector<16xf32>
      tpu.vector_store %arg15[%swap3A_1073], %swap3A_1076 {strides = array<i32>} : memref<1024xf32, #tpu.memory_space<vmem>>, vector<16xf32>,
      %get3A_1077 = arith.constant 496 : index
      %get3A_1078 = tpu.vector_load %arg16[%get3A_1077] {strides = array<i32>} : memref<1024xf32, #tpu.memory_space<vmem>>, vector<16xf32>,
      %get3A_1079 = vector.shape_cast %get3A_1078 : vector<16xf32> to vector<16xf32>
      %get3A_1080 = arith.constant 496 : index
      %get3A_1081 = tpu.vector_load %arg13[%get3A_1080] {strides = array<i32>} : memref<1024xf32, #tpu.memory_space<vmem>>, vector<16xf32>,
      %get3A_1082 = vector.shape_cast %get3A_1081 : vector<16xf32> to vector<16xf32>
      %sub3A_1083 = arith.subf %get3A_1079, %get3A_1082 : vector<16xf32>
      %swap3A_1084 = arith.constant 496 : index
      %swap3A_1085 = tpu.vector_load %arg16[%swap3A_1084] {strides = array<i32>} : memref<1024xf32, #tpu.memory_space<vmem>>, vector<16xf32>,
      %swap3A_1086 = vector.shape_cast %swap3A_1085 : vector<16xf32> to vector<16xf32>
      %swap3A_1087 = vector.shape_cast %sub3A_1083 : vector<16xf32> to vector<16xf32>
      tpu.vector_store %arg16[%swap3A_1084], %swap3A_1087 {strides = array<i32>} : memref<1024xf32, #tpu.memory_space<vmem>>, vector<16xf32>,
      %get3A_1088 = arith.constant 496 : index
      %get3A_1089 = tpu.vector_load %arg17[%get3A_1088] {strides = array<i32>} : memref<1024xf32, #tpu.memory_space<vmem>>, vector<16xf32>,
      %get3A_1090 = vector.shape_cast %get3A_1089 : vector<16xf32> to vector<16xf32>
      %get3A_1091 = arith.constant 496 : index
      %get3A_1092 = tpu.vector_load %arg14[%get3A_1091] {strides = array<i32>} : memref<1024xf32, #tpu.memory_space<vmem>>, vector<16xf32>,
      %get3A_1093 = vector.shape_cast %get3A_1092 : vector<16xf32> to vector<16xf32>
      %sub3A_1094 = arith.subf %get3A_1090, %get3A_1093 : vector<16xf32>
      %swap3A_1095 = arith.constant 496 : index
      %swap3A_1096 = tpu.vector_load %arg17[%swap3A_1095] {strides = array<i32>} : memref<1024xf32, #tpu.memory_space<vmem>>, vector<16xf32>,
      %swap3A_1097 = vector.shape_cast %swap3A_1096 : vector<16xf32> to vector<16xf32>
      %swap3A_1098 = vector.shape_cast %sub3A_1094 : vector<16xf32> to vector<16xf32>
      tpu.vector_store %arg17[%swap3A_1095], %swap3A_1098 {strides = array<i32>} : memref<1024xf32, #tpu.memory_space<vmem>>, vector<16xf32>,
      %get3A_1099 = arith.constant 512 : index
      %get3A_1100 = tpu.vector_load %arg15[%get3A_1099] {strides = array<i32>} : memref<1024xf32, #tpu.memory_space<vmem>>, vector<16xf32>,
      %get3A_1101 = vector.shape_cast %get3A_1100 : vector<16xf32> to vector<16xf32>
      %get3A_1102 = arith.constant 512 : index
      %get3A_1103 = tpu.vector_load %arg12[%get3A_1102] {strides = array<i32>} : memref<1024xf32, #tpu.memory_space<vmem>>, vector<16xf32>,
      %get3A_1104 = vector.shape_cast %get3A_1103 : vector<16xf32> to vector<16xf32>
      %sub3A_1105 = arith.subf %get3A_1101, %get3A_1104 : vector<16xf32>
      %swap3A_1106 = arith.constant 512 : index
      %swap3A_1107 = tpu.vector_load %arg15[%swap3A_1106] {strides = array<i32>} : memref<1024xf32, #tpu.memory_space<vmem>>, vector<16xf32>,
      %swap3A_1108 = vector.shape_cast %swap3A_1107 : vector<16xf32> to vector<16xf32>
      %swap3A_1109 = vector.shape_cast %sub3A_1105 : vector<16xf32> to vector<16xf32>
      tpu.vector_store %arg15[%swap3A_1106], %swap3A_1109 {strides = array<i32>} : memref<1024xf32, #tpu.memory_space<vmem>>, vector<16xf32>,
      %get3A_1110 = arith.constant 512 : index
      %get3A_1111 = tpu.vector_load %arg16[%get3A_1110] {strides = array<i32>} : memref<1024xf32, #tpu.memory_space<vmem>>, vector<16xf32>,
      %get3A_1112 = vector.shape_cast %get3A_1111 : vector<16xf32> to vector<16xf32>
      %get3A_1113 = arith.constant 512 : index
      %get3A_1114 = tpu.vector_load %arg13[%get3A_1113] {strides = array<i32>} : memref<1024xf32, #tpu.memory_space<vmem>>, vector<16xf32>,
      %get3A_1115 = vector.shape_cast %get3A_1114 : vector<16xf32> to vector<16xf32>
      %sub3A_1116 = arith.subf %get3A_1112, %get3A_1115 : vector<16xf32>
      %swap3A_1117 = arith.constant 512 : index
      %swap3A_1118 = tpu.vector_load %arg16[%swap3A_1117] {strides = array<i32>} : memref<1024xf32, #tpu.memory_space<vmem>>, vector<16xf32>,
      %swap3A_1119 = vector.shape_cast %swap3A_1118 : vector<16xf32> to vector<16xf32>
      %swap3A_1120 = vector.shape_cast %sub3A_1116 : vector<16xf32> to vector<16xf32>
      tpu.vector_store %arg16[%swap3A_1117], %swap3A_1120 {strides = array<i32>} : memref<1024xf32, #tpu.memory_space<vmem>>, vector<16xf32>,
      %get3A_1121 = arith.constant 512 : index
      %get3A_1122 = tpu.vector_load %arg17[%get3A_1121] {strides = array<i32>} : memref<1024xf32, #tpu.memory_space<vmem>>, vector<16xf32>,
      %get3A_1123 = vector.shape_cast %get3A_1122 : vector<16xf32> to vector<16xf32>
      %get3A_1124 = arith.constant 512 : index
      %get3A_1125 = tpu.vector_load %arg14[%get3A_1124] {strides = array<i32>} : memref<1024xf32, #tpu.memory_space<vmem>>, vector<16xf32>,
      %get3A_1126 = vector.shape_cast %get3A_1125 : vector<16xf32> to vector<16xf32>
      %sub3A_1127 = arith.subf %get3A_1123, %get3A_1126 : vector<16xf32>
      %swap3A_1128 = arith.constant 512 : index
      %swap3A_1129 = tpu.vector_load %arg17[%swap3A_1128] {strides = array<i32>} : memref<1024xf32, #tpu.memory_space<vmem>>, vector<16xf32>,
      %swap3A_1130 = vector.shape_cast %swap3A_1129 : vector<16xf32> to vector<16xf32>
      %swap3A_1131 = vector.shape_cast %sub3A_1127 : vector<16xf32> to vector<16xf32>
      tpu.vector_store %arg17[%swap3A_1128], %swap3A_1131 {strides = array<i32>} : memref<1024xf32, #tpu.memory_space<vmem>>, vector<16xf32>,
      %get3A_1132 = arith.constant 528 : index
      %get3A_1133 = tpu.vector_load %arg15[%get3A_1132] {strides = array<i32>} : memref<1024xf32, #tpu.memory_space<vmem>>, vector<16xf32>,
      %get3A_1134 = vector.shape_cast %get3A_1133 : vector<16xf32> to vector<16xf32>
      %get3A_1135 = arith.constant 528 : index
      %get3A_1136 = tpu.vector_load %arg12[%get3A_1135] {strides = array<i32>} : memref<1024xf32, #tpu.memory_space<vmem>>, vector<16xf32>,
      %get3A_1137 = vector.shape_cast %get3A_1136 : vector<16xf32> to vector<16xf32>
      %sub3A_1138 = arith.subf %get3A_1134, %get3A_1137 : vector<16xf32>
      %swap3A_1139 = arith.constant 528 : index
      %swap3A_1140 = tpu.vector_load %arg15[%swap3A_1139] {strides = array<i32>} : memref<1024xf32, #tpu.memory_space<vmem>>, vector<16xf32>,
      %swap3A_1141 = vector.shape_cast %swap3A_1140 : vector<16xf32> to vector<16xf32>
      %swap3A_1142 = vector.shape_cast %sub3A_1138 : vector<16xf32> to vector<16xf32>
      tpu.vector_store %arg15[%swap3A_1139], %swap3A_1142 {strides = array<i32>} : memref<1024xf32, #tpu.memory_space<vmem>>, vector<16xf32>,
      %get3A_1143 = arith.constant 528 : index
      %get3A_1144 = tpu.vector_load %arg16[%get3A_1143] {strides = array<i32>} : memref<1024xf32, #tpu.memory_space<vmem>>, vector<16xf32>,
      %get3A_1145 = vector.shape_cast %get3A_1144 : vector<16xf32> to vector<16xf32>
      %get3A_1146 = arith.constant 528 : index
      %get3A_1147 = tpu.vector_load %arg13[%get3A_1146] {strides = array<i32>} : memref<1024xf32, #tpu.memory_space<vmem>>, vector<16xf32>,
      %get3A_1148 = vector.shape_cast %get3A_1147 : vector<16xf32> to vector<16xf32>
      %sub3A_1149 = arith.subf %get3A_1145, %get3A_1148 : vector<16xf32>
      %swap3A_1150 = arith.constant 528 : index
      %swap3A_1151 = tpu.vector_load %arg16[%swap3A_1150] {strides = array<i32>} : memref<1024xf32, #tpu.memory_space<vmem>>, vector<16xf32>,
      %swap3A_1152 = vector.shape_cast %swap3A_1151 : vector<16xf32> to vector<16xf32>
      %swap3A_1153 = vector.shape_cast %sub3A_1149 : vector<16xf32> to vector<16xf32>
      tpu.vector_store %arg16[%swap3A_1150], %swap3A_1153 {strides = array<i32>} : memref<1024xf32, #tpu.memory_space<vmem>>, vector<16xf32>,
      %get3A_1154 = arith.constant 528 : index
      %get3A_1155 = tpu.vector_load %arg17[%get3A_1154] {strides = array<i32>} : memref<1024xf32, #tpu.memory_space<vmem>>, vector<16xf32>,
      %get3A_1156 = vector.shape_cast %get3A_1155 : vector<16xf32> to vector<16xf32>
      %get3A_1157 = arith.constant 528 : index
      %get3A_1158 = tpu.vector_load %arg14[%get3A_1157] {strides = array<i32>} : memref<1024xf32, #tpu.memory_space<vmem>>, vector<16xf32>,
      %get3A_1159 = vector.shape_cast %get3A_1158 : vector<16xf32> to vector<16xf32>
      %sub3A_1160 = arith.subf %get3A_1156, %get3A_1159 : vector<16xf32>
      %swap3A_1161 = arith.constant 528 : index
      %swap3A_1162 = tpu.vector_load %arg17[%swap3A_1161] {strides = array<i32>} : memref<1024xf32, #tpu.memory_space<vmem>>, vector<16xf32>,
      %swap3A_1163 = vector.shape_cast %swap3A_1162 : vector<16xf32> to vector<16xf32>
      %swap3A_1164 = vector.shape_cast %sub3A_1160 : vector<16xf32> to vector<16xf32>
      tpu.vector_store %arg17[%swap3A_1161], %swap3A_1164 {strides = array<i32>} : memref<1024xf32, #tpu.memory_space<vmem>>, vector<16xf32>,
      %get3A_1165 = arith.constant 544 : index
      %get3A_1166 = tpu.vector_load %arg15[%get3A_1165] {strides = array<i32>} : memref<1024xf32, #tpu.memory_space<vmem>>, vector<16xf32>,
      %get3A_1167 = vector.shape_cast %get3A_1166 : vector<16xf32> to vector<16xf32>
      %get3A_1168 = arith.constant 544 : index
      %get3A_1169 = tpu.vector_load %arg12[%get3A_1168] {strides = array<i32>} : memref<1024xf32, #tpu.memory_space<vmem>>, vector<16xf32>,
      %get3A_1170 = vector.shape_cast %get3A_1169 : vector<16xf32> to vector<16xf32>
      %sub3A_1171 = arith.subf %get3A_1167, %get3A_1170 : vector<16xf32>
      %swap3A_1172 = arith.constant 544 : index
      %swap3A_1173 = tpu.vector_load %arg15[%swap3A_1172] {strides = array<i32>} : memref<1024xf32, #tpu.memory_space<vmem>>, vector<16xf32>,
      %swap3A_1174 = vector.shape_cast %swap3A_1173 : vector<16xf32> to vector<16xf32>
      %swap3A_1175 = vector.shape_cast %sub3A_1171 : vector<16xf32> to vector<16xf32>
      tpu.vector_store %arg15[%swap3A_1172], %swap3A_1175 {strides = array<i32>} : memref<1024xf32, #tpu.memory_space<vmem>>, vector<16xf32>,
      %get3A_1176 = arith.constant 544 : index
      %get3A_1177 = tpu.vector_load %arg16[%get3A_1176] {strides = array<i32>} : memref<1024xf32, #tpu.memory_space<vmem>>, vector<16xf32>,
      %get3A_1178 = vector.shape_cast %get3A_1177 : vector<16xf32> to vector<16xf32>
      %get3A_1179 = arith.constant 544 : index
      %get3A_1180 = tpu.vector_load %arg13[%get3A_1179] {strides = array<i32>} : memref<1024xf32, #tpu.memory_space<vmem>>, vector<16xf32>,
      %get3A_1181 = vector.shape_cast %get3A_1180 : vector<16xf32> to vector<16xf32>
      %sub3A_1182 = arith.subf %get3A_1178, %get3A_1181 : vector<16xf32>
      %swap3A_1183 = arith.constant 544 : index
      %swap3A_1184 = tpu.vector_load %arg16[%swap3A_1183] {strides = array<i32>} : memref<1024xf32, #tpu.memory_space<vmem>>, vector<16xf32>,
      %swap3A_1185 = vector.shape_cast %swap3A_1184 : vector<16xf32> to vector<16xf32>
      %swap3A_1186 = vector.shape_cast %sub3A_1182 : vector<16xf32> to vector<16xf32>
      tpu.vector_store %arg16[%swap3A_1183], %swap3A_1186 {strides = array<i32>} : memref<1024xf32, #tpu.memory_space<vmem>>, vector<16xf32>,
      %get3A_1187 = arith.constant 544 : index
      %get3A_1188 = tpu.vector_load %arg17[%get3A_1187] {strides = array<i32>} : memref<1024xf32, #tpu.memory_space<vmem>>, vector<16xf32>,
      %get3A_1189 = vector.shape_cast %get3A_1188 : vector<16xf32> to vector<16xf32>
      %get3A_1190 = arith.constant 544 : index
      %get3A_1191 = tpu.vector_load %arg14[%get3A_1190] {strides = array<i32>} : memref<1024xf32, #tpu.memory_space<vmem>>, vector<16xf32>,
      %get3A_1192 = vector.shape_cast %get3A_1191 : vector<16xf32> to vector<16xf32>
      %sub3A_1193 = arith.subf %get3A_1189, %get3A_1192 : vector<16xf32>
      %swap3A_1194 = arith.constant 544 : index
      %swap3A_1195 = tpu.vector_load %arg17[%swap3A_1194] {strides = array<i32>} : memref<1024xf32, #tpu.memory_space<vmem>>, vector<16xf32>,
      %swap3A_1196 = vector.shape_cast %swap3A_1195 : vector<16xf32> to vector<16xf32>
      %swap3A_1197 = vector.shape_cast %sub3A_1193 : vector<16xf32> to vector<16xf32>
      tpu.vector_store %arg17[%swap3A_1194], %swap3A_1197 {strides = array<i32>} : memref<1024xf32, #tpu.memory_space<vmem>>, vector<16xf32>,
      %get3A_1198 = arith.constant 560 : index
      %get3A_1199 = tpu.vector_load %arg15[%get3A_1198] {strides = array<i32>} : memref<1024xf32, #tpu.memory_space<vmem>>, vector<16xf32>,
      %get3A_1200 = vector.shape_cast %get3A_1199 : vector<16xf32> to vector<16xf32>
      %get3A_1201 = arith.constant 560 : index
      %get3A_1202 = tpu.vector_load %arg12[%get3A_1201] {strides = array<i32>} : memref<1024xf32, #tpu.memory_space<vmem>>, vector<16xf32>,
      %get3A_1203 = vector.shape_cast %get3A_1202 : vector<16xf32> to vector<16xf32>
      %sub3A_1204 = arith.subf %get3A_1200, %get3A_1203 : vector<16xf32>
      %swap3A_1205 = arith.constant 560 : index
      %swap3A_1206 = tpu.vector_load %arg15[%swap3A_1205] {strides = array<i32>} : memref<1024xf32, #tpu.memory_space<vmem>>, vector<16xf32>,
      %swap3A_1207 = vector.shape_cast %swap3A_1206 : vector<16xf32> to vector<16xf32>
      %swap3A_1208 = vector.shape_cast %sub3A_1204 : vector<16xf32> to vector<16xf32>
      tpu.vector_store %arg15[%swap3A_1205], %swap3A_1208 {strides = array<i32>} : memref<1024xf32, #tpu.memory_space<vmem>>, vector<16xf32>,
      %get3A_1209 = arith.constant 560 : index
      %get3A_1210 = tpu.vector_load %arg16[%get3A_1209] {strides = array<i32>} : memref<1024xf32, #tpu.memory_space<vmem>>, vector<16xf32>,
      %get3A_1211 = vector.shape_cast %get3A_1210 : vector<16xf32> to vector<16xf32>
      %get3A_1212 = arith.constant 560 : index
      %get3A_1213 = tpu.vector_load %arg13[%get3A_1212] {strides = array<i32>} : memref<1024xf32, #tpu.memory_space<vmem>>, vector<16xf32>,
      %get3A_1214 = vector.shape_cast %get3A_1213 : vector<16xf32> to vector<16xf32>
      %sub3A_1215 = arith.subf %get3A_1211, %get3A_1214 : vector<16xf32>
      %swap3A_1216 = arith.constant 560 : index
      %swap3A_1217 = tpu.vector_load %arg16[%swap3A_1216] {strides = array<i32>} : memref<1024xf32, #tpu.memory_space<vmem>>, vector<16xf32>,
      %swap3A_1218 = vector.shape_cast %swap3A_1217 : vector<16xf32> to vector<16xf32>
      %swap3A_1219 = vector.shape_cast %sub3A_1215 : vector<16xf32> to vector<16xf32>
      tpu.vector_store %arg16[%swap3A_1216], %swap3A_1219 {strides = array<i32>} : memref<1024xf32, #tpu.memory_space<vmem>>, vector<16xf32>,
      %get3A_1220 = arith.constant 560 : index
      %get3A_1221 = tpu.vector_load %arg17[%get3A_1220] {strides = array<i32>} : memref<1024xf32, #tpu.memory_space<vmem>>, vector<16xf32>,
      %get3A_1222 = vector.shape_cast %get3A_1221 : vector<16xf32> to vector<16xf32>
      %get3A_1223 = arith.constant 560 : index
      %get3A_1224 = tpu.vector_load %arg14[%get3A_1223] {strides = array<i32>} : memref<1024xf32, #tpu.memory_space<vmem>>, vector<16xf32>,
      %get3A_1225 = vector.shape_cast %get3A_1224 : vector<16xf32> to vector<16xf32>
      %sub3A_1226 = arith.subf %get3A_1222, %get3A_1225 : vector<16xf32>
      %swap3A_1227 = arith.constant 560 : index
      %swap3A_1228 = tpu.vector_load %arg17[%swap3A_1227] {strides = array<i32>} : memref<1024xf32, #tpu.memory_space<vmem>>, vector<16xf32>,
      %swap3A_1229 = vector.shape_cast %swap3A_1228 : vector<16xf32> to vector<16xf32>
      %swap3A_1230 = vector.shape_cast %sub3A_1226 : vector<16xf32> to vector<16xf32>
      tpu.vector_store %arg17[%swap3A_1227], %swap3A_1230 {strides = array<i32>} : memref<1024xf32, #tpu.memory_space<vmem>>, vector<16xf32>,
      %get3A_1231 = arith.constant 576 : index
      %get3A_1232 = tpu.vector_load %arg15[%get3A_1231] {strides = array<i32>} : memref<1024xf32, #tpu.memory_space<vmem>>, vector<16xf32>,
      %get3A_1233 = vector.shape_cast %get3A_1232 : vector<16xf32> to vector<16xf32>
      %get3A_1234 = arith.constant 576 : index
      %get3A_1235 = tpu.vector_load %arg12[%get3A_1234] {strides = array<i32>} : memref<1024xf32, #tpu.memory_space<vmem>>, vector<16xf32>,
      %get3A_1236 = vector.shape_cast %get3A_1235 : vector<16xf32> to vector<16xf32>
      %sub3A_1237 = arith.subf %get3A_1233, %get3A_1236 : vector<16xf32>
      %swap3A_1238 = arith.constant 576 : index
      %swap3A_1239 = tpu.vector_load %arg15[%swap3A_1238] {strides = array<i32>} : memref<1024xf32, #tpu.memory_space<vmem>>, vector<16xf32>,
      %swap3A_1240 = vector.shape_cast %swap3A_1239 : vector<16xf32> to vector<16xf32>
      %swap3A_1241 = vector.shape_cast %sub3A_1237 : vector<16xf32> to vector<16xf32>
      tpu.vector_store %arg15[%swap3A_1238], %swap3A_1241 {strides = array<i32>} : memref<1024xf32, #tpu.memory_space<vmem>>, vector<16xf32>,
      %get3A_1242 = arith.constant 576 : index
      %get3A_1243 = tpu.vector_load %arg16[%get3A_1242] {strides = array<i32>} : memref<1024xf32, #tpu.memory_space<vmem>>, vector<16xf32>,
      %get3A_1244 = vector.shape_cast %get3A_1243 : vector<16xf32> to vector<16xf32>
      %get3A_1245 = arith.constant 576 : index
      %get3A_1246 = tpu.vector_load %arg13[%get3A_1245] {strides = array<i32>} : memref<1024xf32, #tpu.memory_space<vmem>>, vector<16xf32>,
      %get3A_1247 = vector.shape_cast %get3A_1246 : vector<16xf32> to vector<16xf32>
      %sub3A_1248 = arith.subf %get3A_1244, %get3A_1247 : vector<16xf32>
      %swap3A_1249 = arith.constant 576 : index
      %swap3A_1250 = tpu.vector_load %arg16[%swap3A_1249] {strides = array<i32>} : memref<1024xf32, #tpu.memory_space<vmem>>, vector<16xf32>,
      %swap3A_1251 = vector.shape_cast %swap3A_1250 : vector<16xf32> to vector<16xf32>
      %swap3A_1252 = vector.shape_cast %sub3A_1248 : vector<16xf32> to vector<16xf32>
      tpu.vector_store %arg16[%swap3A_1249], %swap3A_1252 {strides = array<i32>} : memref<1024xf32, #tpu.memory_space<vmem>>, vector<16xf32>,
      %get3A_1253 = arith.constant 576 : index
      %get3A_1254 = tpu.vector_load %arg17[%get3A_1253] {strides = array<i32>} : memref<1024xf32, #tpu.memory_space<vmem>>, vector<16xf32>,
      %get3A_1255 = vector.shape_cast %get3A_1254 : vector<16xf32> to vector<16xf32>
      %get3A_1256 = arith.constant 576 : index
      %get3A_1257 = tpu.vector_load %arg14[%get3A_1256] {strides = array<i32>} : memref<1024xf32, #tpu.memory_space<vmem>>, vector<16xf32>,
      %get3A_1258 = vector.shape_cast %get3A_1257 : vector<16xf32> to vector<16xf32>
      %sub3A_1259 = arith.subf %get3A_1255, %get3A_1258 : vector<16xf32>
      %swap3A_1260 = arith.constant 576 : index
      %swap3A_1261 = tpu.vector_load %arg17[%swap3A_1260] {strides = array<i32>} : memref<1024xf32, #tpu.memory_space<vmem>>, vector<16xf32>,
      %swap3A_1262 = vector.shape_cast %swap3A_1261 : vector<16xf32> to vector<16xf32>
      %swap3A_1263 = vector.shape_cast %sub3A_1259 : vector<16xf32> to vector<16xf32>
      tpu.vector_store %arg17[%swap3A_1260], %swap3A_1263 {strides = array<i32>} : memref<1024xf32, #tpu.memory_space<vmem>>, vector<16xf32>,
      %get3A_1264 = arith.constant 592 : index
      %get3A_1265 = tpu.vector_load %arg15[%get3A_1264] {strides = array<i32>} : memref<1024xf32, #tpu.memory_space<vmem>>, vector<16xf32>,
      %get3A_1266 = vector.shape_cast %get3A_1265 : vector<16xf32> to vector<16xf32>
      %get3A_1267 = arith.constant 592 : index
      %get3A_1268 = tpu.vector_load %arg12[%get3A_1267] {strides = array<i32>} : memref<1024xf32, #tpu.memory_space<vmem>>, vector<16xf32>,
      %get3A_1269 = vector.shape_cast %get3A_1268 : vector<16xf32> to vector<16xf32>
      %sub3A_1270 = arith.subf %get3A_1266, %get3A_1269 : vector<16xf32>
      %swap3A_1271 = arith.constant 592 : index
      %swap3A_1272 = tpu.vector_load %arg15[%swap3A_1271] {strides = array<i32>} : memref<1024xf32, #tpu.memory_space<vmem>>, vector<16xf32>,
      %swap3A_1273 = vector.shape_cast %swap3A_1272 : vector<16xf32> to vector<16xf32>
      %swap3A_1274 = vector.shape_cast %sub3A_1270 : vector<16xf32> to vector<16xf32>
      tpu.vector_store %arg15[%swap3A_1271], %swap3A_1274 {strides = array<i32>} : memref<1024xf32, #tpu.memory_space<vmem>>, vector<16xf32>,
      %get3A_1275 = arith.constant 592 : index
      %get3A_1276 = tpu.vector_load %arg16[%get3A_1275] {strides = array<i32>} : memref<1024xf32, #tpu.memory_space<vmem>>, vector<16xf32>,
      %get3A_1277 = vector.shape_cast %get3A_1276 : vector<16xf32> to vector<16xf32>
      %get3A_1278 = arith.constant 592 : index
      %get3A_1279 = tpu.vector_load %arg13[%get3A_1278] {strides = array<i32>} : memref<1024xf32, #tpu.memory_space<vmem>>, vector<16xf32>,
      %get3A_1280 = vector.shape_cast %get3A_1279 : vector<16xf32> to vector<16xf32>
      %sub3A_1281 = arith.subf %get3A_1277, %get3A_1280 : vector<16xf32>
      %swap3A_1282 = arith.constant 592 : index
      %swap3A_1283 = tpu.vector_load %arg16[%swap3A_1282] {strides = array<i32>} : memref<1024xf32, #tpu.memory_space<vmem>>, vector<16xf32>,
      %swap3A_1284 = vector.shape_cast %swap3A_1283 : vector<16xf32> to vector<16xf32>
      %swap3A_1285 = vector.shape_cast %sub3A_1281 : vector<16xf32> to vector<16xf32>
      tpu.vector_store %arg16[%swap3A_1282], %swap3A_1285 {strides = array<i32>} : memref<1024xf32, #tpu.memory_space<vmem>>, vector<16xf32>,
      %get3A_1286 = arith.constant 592 : index
      %get3A_1287 = tpu.vector_load %arg17[%get3A_1286] {strides = array<i32>} : memref<1024xf32, #tpu.memory_space<vmem>>, vector<16xf32>,
      %get3A_1288 = vector.shape_cast %get3A_1287 : vector<16xf32> to vector<16xf32>
      %get3A_1289 = arith.constant 592 : index
      %get3A_1290 = tpu.vector_load %arg14[%get3A_1289] {strides = array<i32>} : memref<1024xf32, #tpu.memory_space<vmem>>, vector<16xf32>,
      %get3A_1291 = vector.shape_cast %get3A_1290 : vector<16xf32> to vector<16xf32>
      %sub3A_1292 = arith.subf %get3A_1288, %get3A_1291 : vector<16xf32>
      %swap3A_1293 = arith.constant 592 : index
      %swap3A_1294 = tpu.vector_load %arg17[%swap3A_1293] {strides = array<i32>} : memref<1024xf32, #tpu.memory_space<vmem>>, vector<16xf32>,
      %swap3A_1295 = vector.shape_cast %swap3A_1294 : vector<16xf32> to vector<16xf32>
      %swap3A_1296 = vector.shape_cast %sub3A_1292 : vector<16xf32> to vector<16xf32>
      tpu.vector_store %arg17[%swap3A_1293], %swap3A_1296 {strides = array<i32>} : memref<1024xf32, #tpu.memory_space<vmem>>, vector<16xf32>,
      %get3A_1297 = arith.constant 608 : index
      %get3A_1298 = tpu.vector_load %arg15[%get3A_1297] {strides = array<i32>} : memref<1024xf32, #tpu.memory_space<vmem>>, vector<16xf32>,
      %get3A_1299 = vector.shape_cast %get3A_1298 : vector<16xf32> to vector<16xf32>
      %get3A_1300 = arith.constant 608 : index
      %get3A_1301 = tpu.vector_load %arg12[%get3A_1300] {strides = array<i32>} : memref<1024xf32, #tpu.memory_space<vmem>>, vector<16xf32>,
      %get3A_1302 = vector.shape_cast %get3A_1301 : vector<16xf32> to vector<16xf32>
      %sub3A_1303 = arith.subf %get3A_1299, %get3A_1302 : vector<16xf32>
      %swap3A_1304 = arith.constant 608 : index
      %swap3A_1305 = tpu.vector_load %arg15[%swap3A_1304] {strides = array<i32>} : memref<1024xf32, #tpu.memory_space<vmem>>, vector<16xf32>,
      %swap3A_1306 = vector.shape_cast %swap3A_1305 : vector<16xf32> to vector<16xf32>
      %swap3A_1307 = vector.shape_cast %sub3A_1303 : vector<16xf32> to vector<16xf32>
      tpu.vector_store %arg15[%swap3A_1304], %swap3A_1307 {strides = array<i32>} : memref<1024xf32, #tpu.memory_space<vmem>>, vector<16xf32>,
      %get3A_1308 = arith.constant 608 : index
      %get3A_1309 = tpu.vector_load %arg16[%get3A_1308] {strides = array<i32>} : memref<1024xf32, #tpu.memory_space<vmem>>, vector<16xf32>,
      %get3A_1310 = vector.shape_cast %get3A_1309 : vector<16xf32> to vector<16xf32>
      %get3A_1311 = arith.constant 608 : index
      %get3A_1312 = tpu.vector_load %arg13[%get3A_1311] {strides = array<i32>} : memref<1024xf32, #tpu.memory_space<vmem>>, vector<16xf32>,
      %get3A_1313 = vector.shape_cast %get3A_1312 : vector<16xf32> to vector<16xf32>
      %sub3A_1314 = arith.subf %get3A_1310, %get3A_1313 : vector<16xf32>
      %swap3A_1315 = arith.constant 608 : index
      %swap3A_1316 = tpu.vector_load %arg16[%swap3A_1315] {strides = array<i32>} : memref<1024xf32, #tpu.memory_space<vmem>>, vector<16xf32>,
      %swap3A_1317 = vector.shape_cast %swap3A_1316 : vector<16xf32> to vector<16xf32>
      %swap3A_1318 = vector.shape_cast %sub3A_1314 : vector<16xf32> to vector<16xf32>
      tpu.vector_store %arg16[%swap3A_1315], %swap3A_1318 {strides = array<i32>} : memref<1024xf32, #tpu.memory_space<vmem>>, vector<16xf32>,
      %get3A_1319 = arith.constant 608 : index
      %get3A_1320 = tpu.vector_load %arg17[%get3A_1319] {strides = array<i32>} : memref<1024xf32, #tpu.memory_space<vmem>>, vector<16xf32>,
      %get3A_1321 = vector.shape_cast %get3A_1320 : vector<16xf32> to vector<16xf32>
      %get3A_1322 = arith.constant 608 : index
      %get3A_1323 = tpu.vector_load %arg14[%get3A_1322] {strides = array<i32>} : memref<1024xf32, #tpu.memory_space<vmem>>, vector<16xf32>,
      %get3A_1324 = vector.shape_cast %get3A_1323 : vector<16xf32> to vector<16xf32>
      %sub3A_1325 = arith.subf %get3A_1321, %get3A_1324 : vector<16xf32>
      %swap3A_1326 = arith.constant 608 : index
      %swap3A_1327 = tpu.vector_load %arg17[%swap3A_1326] {strides = array<i32>} : memref<1024xf32, #tpu.memory_space<vmem>>, vector<16xf32>,
      %swap3A_1328 = vector.shape_cast %swap3A_1327 : vector<16xf32> to vector<16xf32>
      %swap3A_1329 = vector.shape_cast %sub3A_1325 : vector<16xf32> to vector<16xf32>
      tpu.vector_store %arg17[%swap3A_1326], %swap3A_1329 {strides = array<i32>} : memref<1024xf32, #tpu.memory_space<vmem>>, vector<16xf32>,
      %get3A_1330 = arith.constant 624 : index
      %get3A_1331 = tpu.vector_load %arg15[%get3A_1330] {strides = array<i32>} : memref<1024xf32, #tpu.memory_space<vmem>>, vector<16xf32>,
      %get3A_1332 = vector.shape_cast %get3A_1331 : vector<16xf32> to vector<16xf32>
      %get3A_1333 = arith.constant 624 : index
      %get3A_1334 = tpu.vector_load %arg12[%get3A_1333] {strides = array<i32>} : memref<1024xf32, #tpu.memory_space<vmem>>, vector<16xf32>,
      %get3A_1335 = vector.shape_cast %get3A_1334 : vector<16xf32> to vector<16xf32>
      %sub3A_1336 = arith.subf %get3A_1332, %get3A_1335 : vector<16xf32>
      %swap3A_1337 = arith.constant 624 : index
      %swap3A_1338 = tpu.vector_load %arg15[%swap3A_1337] {strides = array<i32>} : memref<1024xf32, #tpu.memory_space<vmem>>, vector<16xf32>,
      %swap3A_1339 = vector.shape_cast %swap3A_1338 : vector<16xf32> to vector<16xf32>
      %swap3A_1340 = vector.shape_cast %sub3A_1336 : vector<16xf32> to vector<16xf32>
      tpu.vector_store %arg15[%swap3A_1337], %swap3A_1340 {strides = array<i32>} : memref<1024xf32, #tpu.memory_space<vmem>>, vector<16xf32>,
      %get3A_1341 = arith.constant 624 : index
      %get3A_1342 = tpu.vector_load %arg16[%get3A_1341] {strides = array<i32>} : memref<1024xf32, #tpu.memory_space<vmem>>, vector<16xf32>,
      %get3A_1343 = vector.shape_cast %get3A_1342 : vector<16xf32> to vector<16xf32>
      %get3A_1344 = arith.constant 624 : index
      %get3A_1345 = tpu.vector_load %arg13[%get3A_1344] {strides = array<i32>} : memref<1024xf32, #tpu.memory_space<vmem>>, vector<16xf32>,
      %get3A_1346 = vector.shape_cast %get3A_1345 : vector<16xf32> to vector<16xf32>
      %sub3A_1347 = arith.subf %get3A_1343, %get3A_1346 : vector<16xf32>
      %swap3A_1348 = arith.constant 624 : index
      %swap3A_1349 = tpu.vector_load %arg16[%swap3A_1348] {strides = array<i32>} : memref<1024xf32, #tpu.memory_space<vmem>>, vector<16xf32>,
      %swap3A_1350 = vector.shape_cast %swap3A_1349 : vector<16xf32> to vector<16xf32>
      %swap3A_1351 = vector.shape_cast %sub3A_1347 : vector<16xf32> to vector<16xf32>
      tpu.vector_store %arg16[%swap3A_1348], %swap3A_1351 {strides = array<i32>} : memref<1024xf32, #tpu.memory_space<vmem>>, vector<16xf32>,
      %get3A_1352 = arith.constant 624 : index
      %get3A_1353 = tpu.vector_load %arg17[%get3A_1352] {strides = array<i32>} : memref<1024xf32, #tpu.memory_space<vmem>>, vector<16xf32>,
      %get3A_1354 = vector.shape_cast %get3A_1353 : vector<16xf32> to vector<16xf32>
      %get3A_1355 = arith.constant 624 : index
      %get3A_1356 = tpu.vector_load %arg14[%get3A_1355] {strides = array<i32>} : memref<1024xf32, #tpu.memory_space<vmem>>, vector<16xf32>,
      %get3A_1357 = vector.shape_cast %get3A_1356 : vector<16xf32> to vector<16xf32>
      %sub3A_1358 = arith.subf %get3A_1354, %get3A_1357 : vector<16xf32>
      %swap3A_1359 = arith.constant 624 : index
      %swap3A_1360 = tpu.vector_load %arg17[%swap3A_1359] {strides = array<i32>} : memref<1024xf32, #tpu.memory_space<vmem>>, vector<16xf32>,
      %swap3A_1361 = vector.shape_cast %swap3A_1360 : vector<16xf32> to vector<16xf32>
      %swap3A_1362 = vector.shape_cast %sub3A_1358 : vector<16xf32> to vector<16xf32>
      tpu.vector_store %arg17[%swap3A_1359], %swap3A_1362 {strides = array<i32>} : memref<1024xf32, #tpu.memory_space<vmem>>, vector<16xf32>,
      %get3A_1363 = arith.constant 640 : index
      %get3A_1364 = tpu.vector_load %arg15[%get3A_1363] {strides = array<i32>} : memref<1024xf32, #tpu.memory_space<vmem>>, vector<16xf32>,
      %get3A_1365 = vector.shape_cast %get3A_1364 : vector<16xf32> to vector<16xf32>
      %get3A_1366 = arith.constant 640 : index
      %get3A_1367 = tpu.vector_load %arg12[%get3A_1366] {strides = array<i32>} : memref<1024xf32, #tpu.memory_space<vmem>>, vector<16xf32>,
      %get3A_1368 = vector.shape_cast %get3A_1367 : vector<16xf32> to vector<16xf32>
      %sub3A_1369 = arith.subf %get3A_1365, %get3A_1368 : vector<16xf32>
      %swap3A_1370 = arith.constant 640 : index
      %swap3A_1371 = tpu.vector_load %arg15[%swap3A_1370] {strides = array<i32>} : memref<1024xf32, #tpu.memory_space<vmem>>, vector<16xf32>,
      %swap3A_1372 = vector.shape_cast %swap3A_1371 : vector<16xf32> to vector<16xf32>
      %swap3A_1373 = vector.shape_cast %sub3A_1369 : vector<16xf32> to vector<16xf32>
      tpu.vector_store %arg15[%swap3A_1370], %swap3A_1373 {strides = array<i32>} : memref<1024xf32, #tpu.memory_space<vmem>>, vector<16xf32>,
      %get3A_1374 = arith.constant 640 : index
      %get3A_1375 = tpu.vector_load %arg16[%get3A_1374] {strides = array<i32>} : memref<1024xf32, #tpu.memory_space<vmem>>, vector<16xf32>,
      %get3A_1376 = vector.shape_cast %get3A_1375 : vector<16xf32> to vector<16xf32>
      %get3A_1377 = arith.constant 640 : index
      %get3A_1378 = tpu.vector_load %arg13[%get3A_1377] {strides = array<i32>} : memref<1024xf32, #tpu.memory_space<vmem>>, vector<16xf32>,
      %get3A_1379 = vector.shape_cast %get3A_1378 : vector<16xf32> to vector<16xf32>
      %sub3A_1380 = arith.subf %get3A_1376, %get3A_1379 : vector<16xf32>
      %swap3A_1381 = arith.constant 640 : index
      %swap3A_1382 = tpu.vector_load %arg16[%swap3A_1381] {strides = array<i32>} : memref<1024xf32, #tpu.memory_space<vmem>>, vector<16xf32>,
      %swap3A_1383 = vector.shape_cast %swap3A_1382 : vector<16xf32> to vector<16xf32>
      %swap3A_1384 = vector.shape_cast %sub3A_1380 : vector<16xf32> to vector<16xf32>
      tpu.vector_store %arg16[%swap3A_1381], %swap3A_1384 {strides = array<i32>} : memref<1024xf32, #tpu.memory_space<vmem>>, vector<16xf32>,
      %get3A_1385 = arith.constant 640 : index
      %get3A_1386 = tpu.vector_load %arg17[%get3A_1385] {strides = array<i32>} : memref<1024xf32, #tpu.memory_space<vmem>>, vector<16xf32>,
      %get3A_1387 = vector.shape_cast %get3A_1386 : vector<16xf32> to vector<16xf32>
      %get3A_1388 = arith.constant 640 : index
      %get3A_1389 = tpu.vector_load %arg14[%get3A_1388] {strides = array<i32>} : memref<1024xf32, #tpu.memory_space<vmem>>, vector<16xf32>,
      %get3A_1390 = vector.shape_cast %get3A_1389 : vector<16xf32> to vector<16xf32>
      %sub3A_1391 = arith.subf %get3A_1387, %get3A_1390 : vector<16xf32>
      %swap3A_1392 = arith.constant 640 : index
      %swap3A_1393 = tpu.vector_load %arg17[%swap3A_1392] {strides = array<i32>} : memref<1024xf32, #tpu.memory_space<vmem>>, vector<16xf32>,
      %swap3A_1394 = vector.shape_cast %swap3A_1393 : vector<16xf32> to vector<16xf32>
      %swap3A_1395 = vector.shape_cast %sub3A_1391 : vector<16xf32> to vector<16xf32>
      tpu.vector_store %arg17[%swap3A_1392], %swap3A_1395 {strides = array<i32>} : memref<1024xf32, #tpu.memory_space<vmem>>, vector<16xf32>,
      %get3A_1396 = arith.constant 656 : index
      %get3A_1397 = tpu.vector_load %arg15[%get3A_1396] {strides = array<i32>} : memref<1024xf32, #tpu.memory_space<vmem>>, vector<16xf32>,
      %get3A_1398 = vector.shape_cast %get3A_1397 : vector<16xf32> to vector<16xf32>
      %get3A_1399 = arith.constant 656 : index
      %get3A_1400 = tpu.vector_load %arg12[%get3A_1399] {strides = array<i32>} : memref<1024xf32, #tpu.memory_space<vmem>>, vector<16xf32>,
      %get3A_1401 = vector.shape_cast %get3A_1400 : vector<16xf32> to vector<16xf32>
      %sub3A_1402 = arith.subf %get3A_1398, %get3A_1401 : vector<16xf32>
      %swap3A_1403 = arith.constant 656 : index
      %swap3A_1404 = tpu.vector_load %arg15[%swap3A_1403] {strides = array<i32>} : memref<1024xf32, #tpu.memory_space<vmem>>, vector<16xf32>,
      %swap3A_1405 = vector.shape_cast %swap3A_1404 : vector<16xf32> to vector<16xf32>
      %swap3A_1406 = vector.shape_cast %sub3A_1402 : vector<16xf32> to vector<16xf32>
      tpu.vector_store %arg15[%swap3A_1403], %swap3A_1406 {strides = array<i32>} : memref<1024xf32, #tpu.memory_space<vmem>>, vector<16xf32>,
      %get3A_1407 = arith.constant 656 : index
      %get3A_1408 = tpu.vector_load %arg16[%get3A_1407] {strides = array<i32>} : memref<1024xf32, #tpu.memory_space<vmem>>, vector<16xf32>,
      %get3A_1409 = vector.shape_cast %get3A_1408 : vector<16xf32> to vector<16xf32>
      %get3A_1410 = arith.constant 656 : index
      %get3A_1411 = tpu.vector_load %arg13[%get3A_1410] {strides = array<i32>} : memref<1024xf32, #tpu.memory_space<vmem>>, vector<16xf32>,
      %get3A_1412 = vector.shape_cast %get3A_1411 : vector<16xf32> to vector<16xf32>
      %sub3A_1413 = arith.subf %get3A_1409, %get3A_1412 : vector<16xf32>
      %swap3A_1414 = arith.constant 656 : index
      %swap3A_1415 = tpu.vector_load %arg16[%swap3A_1414] {strides = array<i32>} : memref<1024xf32, #tpu.memory_space<vmem>>, vector<16xf32>,
      %swap3A_1416 = vector.shape_cast %swap3A_1415 : vector<16xf32> to vector<16xf32>
      %swap3A_1417 = vector.shape_cast %sub3A_1413 : vector<16xf32> to vector<16xf32>
      tpu.vector_store %arg16[%swap3A_1414], %swap3A_1417 {strides = array<i32>} : memref<1024xf32, #tpu.memory_space<vmem>>, vector<16xf32>,
      %get3A_1418 = arith.constant 656 : index
      %get3A_1419 = tpu.vector_load %arg17[%get3A_1418] {strides = array<i32>} : memref<1024xf32, #tpu.memory_space<vmem>>, vector<16xf32>,
      %get3A_1420 = vector.shape_cast %get3A_1419 : vector<16xf32> to vector<16xf32>
      %get3A_1421 = arith.constant 656 : index
      %get3A_1422 = tpu.vector_load %arg14[%get3A_1421] {strides = array<i32>} : memref<1024xf32, #tpu.memory_space<vmem>>, vector<16xf32>,
      %get3A_1423 = vector.shape_cast %get3A_1422 : vector<16xf32> to vector<16xf32>
      %sub3A_1424 = arith.subf %get3A_1420, %get3A_1423 : vector<16xf32>
      %swap3A_1425 = arith.constant 656 : index
      %swap3A_1426 = tpu.vector_load %arg17[%swap3A_1425] {strides = array<i32>} : memref<1024xf32, #tpu.memory_space<vmem>>, vector<16xf32>,
      %swap3A_1427 = vector.shape_cast %swap3A_1426 : vector<16xf32> to vector<16xf32>
      %swap3A_1428 = vector.shape_cast %sub3A_1424 : vector<16xf32> to vector<16xf32>
      tpu.vector_store %arg17[%swap3A_1425], %swap3A_1428 {strides = array<i32>} : memref<1024xf32, #tpu.memory_space<vmem>>, vector<16xf32>,
      %get3A_1429 = arith.constant 672 : index
      %get3A_1430 = tpu.vector_load %arg15[%get3A_1429] {strides = array<i32>} : memref<1024xf32, #tpu.memory_space<vmem>>, vector<16xf32>,
      %get3A_1431 = vector.shape_cast %get3A_1430 : vector<16xf32> to vector<16xf32>
      %get3A_1432 = arith.constant 672 : index
      %get3A_1433 = tpu.vector_load %arg12[%get3A_1432] {strides = array<i32>} : memref<1024xf32, #tpu.memory_space<vmem>>, vector<16xf32>,
      %get3A_1434 = vector.shape_cast %get3A_1433 : vector<16xf32> to vector<16xf32>
      %sub3A_1435 = arith.subf %get3A_1431, %get3A_1434 : vector<16xf32>
      %swap3A_1436 = arith.constant 672 : index
      %swap3A_1437 = tpu.vector_load %arg15[%swap3A_1436] {strides = array<i32>} : memref<1024xf32, #tpu.memory_space<vmem>>, vector<16xf32>,
      %swap3A_1438 = vector.shape_cast %swap3A_1437 : vector<16xf32> to vector<16xf32>
      %swap3A_1439 = vector.shape_cast %sub3A_1435 : vector<16xf32> to vector<16xf32>
      tpu.vector_store %arg15[%swap3A_1436], %swap3A_1439 {strides = array<i32>} : memref<1024xf32, #tpu.memory_space<vmem>>, vector<16xf32>,
      %get3A_1440 = arith.constant 672 : index
      %get3A_1441 = tpu.vector_load %arg16[%get3A_1440] {strides = array<i32>} : memref<1024xf32, #tpu.memory_space<vmem>>, vector<16xf32>,
      %get3A_1442 = vector.shape_cast %get3A_1441 : vector<16xf32> to vector<16xf32>
      %get3A_1443 = arith.constant 672 : index
      %get3A_1444 = tpu.vector_load %arg13[%get3A_1443] {strides = array<i32>} : memref<1024xf32, #tpu.memory_space<vmem>>, vector<16xf32>,
      %get3A_1445 = vector.shape_cast %get3A_1444 : vector<16xf32> to vector<16xf32>
      %sub3A_1446 = arith.subf %get3A_1442, %get3A_1445 : vector<16xf32>
      %swap3A_1447 = arith.constant 672 : index
      %swap3A_1448 = tpu.vector_load %arg16[%swap3A_1447] {strides = array<i32>} : memref<1024xf32, #tpu.memory_space<vmem>>, vector<16xf32>,
      %swap3A_1449 = vector.shape_cast %swap3A_1448 : vector<16xf32> to vector<16xf32>
      %swap3A_1450 = vector.shape_cast %sub3A_1446 : vector<16xf32> to vector<16xf32>
      tpu.vector_store %arg16[%swap3A_1447], %swap3A_1450 {strides = array<i32>} : memref<1024xf32, #tpu.memory_space<vmem>>, vector<16xf32>,
      %get3A_1451 = arith.constant 672 : index
      %get3A_1452 = tpu.vector_load %arg17[%get3A_1451] {strides = array<i32>} : memref<1024xf32, #tpu.memory_space<vmem>>, vector<16xf32>,
      %get3A_1453 = vector.shape_cast %get3A_1452 : vector<16xf32> to vector<16xf32>
      %get3A_1454 = arith.constant 672 : index
      %get3A_1455 = tpu.vector_load %arg14[%get3A_1454] {strides = array<i32>} : memref<1024xf32, #tpu.memory_space<vmem>>, vector<16xf32>,
      %get3A_1456 = vector.shape_cast %get3A_1455 : vector<16xf32> to vector<16xf32>
      %sub3A_1457 = arith.subf %get3A_1453, %get3A_1456 : vector<16xf32>
      %swap3A_1458 = arith.constant 672 : index
      %swap3A_1459 = tpu.vector_load %arg17[%swap3A_1458] {strides = array<i32>} : memref<1024xf32, #tpu.memory_space<vmem>>, vector<16xf32>,
      %swap3A_1460 = vector.shape_cast %swap3A_1459 : vector<16xf32> to vector<16xf32>
      %swap3A_1461 = vector.shape_cast %sub3A_1457 : vector<16xf32> to vector<16xf32>
      tpu.vector_store %arg17[%swap3A_1458], %swap3A_1461 {strides = array<i32>} : memref<1024xf32, #tpu.memory_space<vmem>>, vector<16xf32>,
      %get3A_1462 = arith.constant 688 : index
      %get3A_1463 = tpu.vector_load %arg15[%get3A_1462] {strides = array<i32>} : memref<1024xf32, #tpu.memory_space<vmem>>, vector<16xf32>,
      %get3A_1464 = vector.shape_cast %get3A_1463 : vector<16xf32> to vector<16xf32>
      %get3A_1465 = arith.constant 688 : index
      %get3A_1466 = tpu.vector_load %arg12[%get3A_1465] {strides = array<i32>} : memref<1024xf32, #tpu.memory_space<vmem>>, vector<16xf32>,
      %get3A_1467 = vector.shape_cast %get3A_1466 : vector<16xf32> to vector<16xf32>
      %sub3A_1468 = arith.subf %get3A_1464, %get3A_1467 : vector<16xf32>
      %swap3A_1469 = arith.constant 688 : index
      %swap3A_1470 = tpu.vector_load %arg15[%swap3A_1469] {strides = array<i32>} : memref<1024xf32, #tpu.memory_space<vmem>>, vector<16xf32>,
      %swap3A_1471 = vector.shape_cast %swap3A_1470 : vector<16xf32> to vector<16xf32>
      %swap3A_1472 = vector.shape_cast %sub3A_1468 : vector<16xf32> to vector<16xf32>
      tpu.vector_store %arg15[%swap3A_1469], %swap3A_1472 {strides = array<i32>} : memref<1024xf32, #tpu.memory_space<vmem>>, vector<16xf32>,
      %get3A_1473 = arith.constant 688 : index
      %get3A_1474 = tpu.vector_load %arg16[%get3A_1473] {strides = array<i32>} : memref<1024xf32, #tpu.memory_space<vmem>>, vector<16xf32>,
      %get3A_1475 = vector.shape_cast %get3A_1474 : vector<16xf32> to vector<16xf32>
      %get3A_1476 = arith.constant 688 : index
      %get3A_1477 = tpu.vector_load %arg13[%get3A_1476] {strides = array<i32>} : memref<1024xf32, #tpu.memory_space<vmem>>, vector<16xf32>,
      %get3A_1478 = vector.shape_cast %get3A_1477 : vector<16xf32> to vector<16xf32>
      %sub3A_1479 = arith.subf %get3A_1475, %get3A_1478 : vector<16xf32>
      %swap3A_1480 = arith.constant 688 : index
      %swap3A_1481 = tpu.vector_load %arg16[%swap3A_1480] {strides = array<i32>} : memref<1024xf32, #tpu.memory_space<vmem>>, vector<16xf32>,
      %swap3A_1482 = vector.shape_cast %swap3A_1481 : vector<16xf32> to vector<16xf32>
      %swap3A_1483 = vector.shape_cast %sub3A_1479 : vector<16xf32> to vector<16xf32>
      tpu.vector_store %arg16[%swap3A_1480], %swap3A_1483 {strides = array<i32>} : memref<1024xf32, #tpu.memory_space<vmem>>, vector<16xf32>,
      %get3A_1484 = arith.constant 688 : index
      %get3A_1485 = tpu.vector_load %arg17[%get3A_1484] {strides = array<i32>} : memref<1024xf32, #tpu.memory_space<vmem>>, vector<16xf32>,
      %get3A_1486 = vector.shape_cast %get3A_1485 : vector<16xf32> to vector<16xf32>
      %get3A_1487 = arith.constant 688 : index
      %get3A_1488 = tpu.vector_load %arg14[%get3A_1487] {strides = array<i32>} : memref<1024xf32, #tpu.memory_space<vmem>>, vector<16xf32>,
      %get3A_1489 = vector.shape_cast %get3A_1488 : vector<16xf32> to vector<16xf32>
      %sub3A_1490 = arith.subf %get3A_1486, %get3A_1489 : vector<16xf32>
      %swap3A_1491 = arith.constant 688 : index
      %swap3A_1492 = tpu.vector_load %arg17[%swap3A_1491] {strides = array<i32>} : memref<1024xf32, #tpu.memory_space<vmem>>, vector<16xf32>,
      %swap3A_1493 = vector.shape_cast %swap3A_1492 : vector<16xf32> to vector<16xf32>
      %swap3A_1494 = vector.shape_cast %sub3A_1490 : vector<16xf32> to vector<16xf32>
      tpu.vector_store %arg17[%swap3A_1491], %swap3A_1494 {strides = array<i32>} : memref<1024xf32, #tpu.memory_space<vmem>>, vector<16xf32>,
      %get3A_1495 = arith.constant 704 : index
      %get3A_1496 = tpu.vector_load %arg15[%get3A_1495] {strides = array<i32>} : memref<1024xf32, #tpu.memory_space<vmem>>, vector<16xf32>,
      %get3A_1497 = vector.shape_cast %get3A_1496 : vector<16xf32> to vector<16xf32>
      %get3A_1498 = arith.constant 704 : index
      %get3A_1499 = tpu.vector_load %arg12[%get3A_1498] {strides = array<i32>} : memref<1024xf32, #tpu.memory_space<vmem>>, vector<16xf32>,
      %get3A_1500 = vector.shape_cast %get3A_1499 : vector<16xf32> to vector<16xf32>
      %sub3A_1501 = arith.subf %get3A_1497, %get3A_1500 : vector<16xf32>
      %swap3A_1502 = arith.constant 704 : index
      %swap3A_1503 = tpu.vector_load %arg15[%swap3A_1502] {strides = array<i32>} : memref<1024xf32, #tpu.memory_space<vmem>>, vector<16xf32>,
      %swap3A_1504 = vector.shape_cast %swap3A_1503 : vector<16xf32> to vector<16xf32>
      %swap3A_1505 = vector.shape_cast %sub3A_1501 : vector<16xf32> to vector<16xf32>
      tpu.vector_store %arg15[%swap3A_1502], %swap3A_1505 {strides = array<i32>} : memref<1024xf32, #tpu.memory_space<vmem>>, vector<16xf32>,
      %get3A_1506 = arith.constant 704 : index
      %get3A_1507 = tpu.vector_load %arg16[%get3A_1506] {strides = array<i32>} : memref<1024xf32, #tpu.memory_space<vmem>>, vector<16xf32>,
      %get3A_1508 = vector.shape_cast %get3A_1507 : vector<16xf32> to vector<16xf32>
      %get3A_1509 = arith.constant 704 : index
      %get3A_1510 = tpu.vector_load %arg13[%get3A_1509] {strides = array<i32>} : memref<1024xf32, #tpu.memory_space<vmem>>, vector<16xf32>,
      %get3A_1511 = vector.shape_cast %get3A_1510 : vector<16xf32> to vector<16xf32>
      %sub3A_1512 = arith.subf %get3A_1508, %get3A_1511 : vector<16xf32>
      %swap3A_1513 = arith.constant 704 : index
      %swap3A_1514 = tpu.vector_load %arg16[%swap3A_1513] {strides = array<i32>} : memref<1024xf32, #tpu.memory_space<vmem>>, vector<16xf32>,
      %swap3A_1515 = vector.shape_cast %swap3A_1514 : vector<16xf32> to vector<16xf32>
      %swap3A_1516 = vector.shape_cast %sub3A_1512 : vector<16xf32> to vector<16xf32>
      tpu.vector_store %arg16[%swap3A_1513], %swap3A_1516 {strides = array<i32>} : memref<1024xf32, #tpu.memory_space<vmem>>, vector<16xf32>,
      %get3A_1517 = arith.constant 704 : index
      %get3A_1518 = tpu.vector_load %arg17[%get3A_1517] {strides = array<i32>} : memref<1024xf32, #tpu.memory_space<vmem>>, vector<16xf32>,
      %get3A_1519 = vector.shape_cast %get3A_1518 : vector<16xf32> to vector<16xf32>
      %get3A_1520 = arith.constant 704 : index
      %get3A_1521 = tpu.vector_load %arg14[%get3A_1520] {strides = array<i32>} : memref<1024xf32, #tpu.memory_space<vmem>>, vector<16xf32>,
      %get3A_1522 = vector.shape_cast %get3A_1521 : vector<16xf32> to vector<16xf32>
      %sub3A_1523 = arith.subf %get3A_1519, %get3A_1522 : vector<16xf32>
      %swap3A_1524 = arith.constant 704 : index
      %swap3A_1525 = tpu.vector_load %arg17[%swap3A_1524] {strides = array<i32>} : memref<1024xf32, #tpu.memory_space<vmem>>, vector<16xf32>,
      %swap3A_1526 = vector.shape_cast %swap3A_1525 : vector<16xf32> to vector<16xf32>
      %swap3A_1527 = vector.shape_cast %sub3A_1523 : vector<16xf32> to vector<16xf32>
      tpu.vector_store %arg17[%swap3A_1524], %swap3A_1527 {strides = array<i32>} : memref<1024xf32, #tpu.memory_space<vmem>>, vector<16xf32>,
      %get3A_1528 = arith.constant 720 : index
      %get3A_1529 = tpu.vector_load %arg15[%get3A_1528] {strides = array<i32>} : memref<1024xf32, #tpu.memory_space<vmem>>, vector<16xf32>,
      %get3A_1530 = vector.shape_cast %get3A_1529 : vector<16xf32> to vector<16xf32>
      %get3A_1531 = arith.constant 720 : index
      %get3A_1532 = tpu.vector_load %arg12[%get3A_1531] {strides = array<i32>} : memref<1024xf32, #tpu.memory_space<vmem>>, vector<16xf32>,
      %get3A_1533 = vector.shape_cast %get3A_1532 : vector<16xf32> to vector<16xf32>
      %sub3A_1534 = arith.subf %get3A_1530, %get3A_1533 : vector<16xf32>
      %swap3A_1535 = arith.constant 720 : index
      %swap3A_1536 = tpu.vector_load %arg15[%swap3A_1535] {strides = array<i32>} : memref<1024xf32, #tpu.memory_space<vmem>>, vector<16xf32>,
      %swap3A_1537 = vector.shape_cast %swap3A_1536 : vector<16xf32> to vector<16xf32>
      %swap3A_1538 = vector.shape_cast %sub3A_1534 : vector<16xf32> to vector<16xf32>
      tpu.vector_store %arg15[%swap3A_1535], %swap3A_1538 {strides = array<i32>} : memref<1024xf32, #tpu.memory_space<vmem>>, vector<16xf32>,
      %get3A_1539 = arith.constant 720 : index
      %get3A_1540 = tpu.vector_load %arg16[%get3A_1539] {strides = array<i32>} : memref<1024xf32, #tpu.memory_space<vmem>>, vector<16xf32>,
      %get3A_1541 = vector.shape_cast %get3A_1540 : vector<16xf32> to vector<16xf32>
      %get3A_1542 = arith.constant 720 : index
      %get3A_1543 = tpu.vector_load %arg13[%get3A_1542] {strides = array<i32>} : memref<1024xf32, #tpu.memory_space<vmem>>, vector<16xf32>,
      %get3A_1544 = vector.shape_cast %get3A_1543 : vector<16xf32> to vector<16xf32>
      %sub3A_1545 = arith.subf %get3A_1541, %get3A_1544 : vector<16xf32>
      %swap3A_1546 = arith.constant 720 : index
      %swap3A_1547 = tpu.vector_load %arg16[%swap3A_1546] {strides = array<i32>} : memref<1024xf32, #tpu.memory_space<vmem>>, vector<16xf32>,
      %swap3A_1548 = vector.shape_cast %swap3A_1547 : vector<16xf32> to vector<16xf32>
      %swap3A_1549 = vector.shape_cast %sub3A_1545 : vector<16xf32> to vector<16xf32>
      tpu.vector_store %arg16[%swap3A_1546], %swap3A_1549 {strides = array<i32>} : memref<1024xf32, #tpu.memory_space<vmem>>, vector<16xf32>,
      %get3A_1550 = arith.constant 720 : index
      %get3A_1551 = tpu.vector_load %arg17[%get3A_1550] {strides = array<i32>} : memref<1024xf32, #tpu.memory_space<vmem>>, vector<16xf32>,
      %get3A_1552 = vector.shape_cast %get3A_1551 : vector<16xf32> to vector<16xf32>
      %get3A_1553 = arith.constant 720 : index
      %get3A_1554 = tpu.vector_load %arg14[%get3A_1553] {strides = array<i32>} : memref<1024xf32, #tpu.memory_space<vmem>>, vector<16xf32>,
      %get3A_1555 = vector.shape_cast %get3A_1554 : vector<16xf32> to vector<16xf32>
      %sub3A_1556 = arith.subf %get3A_1552, %get3A_1555 : vector<16xf32>
      %swap3A_1557 = arith.constant 720 : index
      %swap3A_1558 = tpu.vector_load %arg17[%swap3A_1557] {strides = array<i32>} : memref<1024xf32, #tpu.memory_space<vmem>>, vector<16xf32>,
      %swap3A_1559 = vector.shape_cast %swap3A_1558 : vector<16xf32> to vector<16xf32>
      %swap3A_1560 = vector.shape_cast %sub3A_1556 : vector<16xf32> to vector<16xf32>
      tpu.vector_store %arg17[%swap3A_1557], %swap3A_1560 {strides = array<i32>} : memref<1024xf32, #tpu.memory_space<vmem>>, vector<16xf32>,
      %get3A_1561 = arith.constant 736 : index
      %get3A_1562 = tpu.vector_load %arg15[%get3A_1561] {strides = array<i32>} : memref<1024xf32, #tpu.memory_space<vmem>>, vector<16xf32>,
      %get3A_1563 = vector.shape_cast %get3A_1562 : vector<16xf32> to vector<16xf32>
      %get3A_1564 = arith.constant 736 : index
      %get3A_1565 = tpu.vector_load %arg12[%get3A_1564] {strides = array<i32>} : memref<1024xf32, #tpu.memory_space<vmem>>, vector<16xf32>,
      %get3A_1566 = vector.shape_cast %get3A_1565 : vector<16xf32> to vector<16xf32>
      %sub3A_1567 = arith.subf %get3A_1563, %get3A_1566 : vector<16xf32>
      %swap3A_1568 = arith.constant 736 : index
      %swap3A_1569 = tpu.vector_load %arg15[%swap3A_1568] {strides = array<i32>} : memref<1024xf32, #tpu.memory_space<vmem>>, vector<16xf32>,
      %swap3A_1570 = vector.shape_cast %swap3A_1569 : vector<16xf32> to vector<16xf32>
      %swap3A_1571 = vector.shape_cast %sub3A_1567 : vector<16xf32> to vector<16xf32>
      tpu.vector_store %arg15[%swap3A_1568], %swap3A_1571 {strides = array<i32>} : memref<1024xf32, #tpu.memory_space<vmem>>, vector<16xf32>,
      %get3A_1572 = arith.constant 736 : index
      %get3A_1573 = tpu.vector_load %arg16[%get3A_1572] {strides = array<i32>} : memref<1024xf32, #tpu.memory_space<vmem>>, vector<16xf32>,
      %get3A_1574 = vector.shape_cast %get3A_1573 : vector<16xf32> to vector<16xf32>
      %get3A_1575 = arith.constant 736 : index
      %get3A_1576 = tpu.vector_load %arg13[%get3A_1575] {strides = array<i32>} : memref<1024xf32, #tpu.memory_space<vmem>>, vector<16xf32>,
      %get3A_1577 = vector.shape_cast %get3A_1576 : vector<16xf32> to vector<16xf32>
      %sub3A_1578 = arith.subf %get3A_1574, %get3A_1577 : vector<16xf32>
      %swap3A_1579 = arith.constant 736 : index
      %swap3A_1580 = tpu.vector_load %arg16[%swap3A_1579] {strides = array<i32>} : memref<1024xf32, #tpu.memory_space<vmem>>, vector<16xf32>,
      %swap3A_1581 = vector.shape_cast %swap3A_1580 : vector<16xf32> to vector<16xf32>
      %swap3A_1582 = vector.shape_cast %sub3A_1578 : vector<16xf32> to vector<16xf32>
      tpu.vector_store %arg16[%swap3A_1579], %swap3A_1582 {strides = array<i32>} : memref<1024xf32, #tpu.memory_space<vmem>>, vector<16xf32>,
      %get3A_1583 = arith.constant 736 : index
      %get3A_1584 = tpu.vector_load %arg17[%get3A_1583] {strides = array<i32>} : memref<1024xf32, #tpu.memory_space<vmem>>, vector<16xf32>,
      %get3A_1585 = vector.shape_cast %get3A_1584 : vector<16xf32> to vector<16xf32>
      %get3A_1586 = arith.constant 736 : index
      %get3A_1587 = tpu.vector_load %arg14[%get3A_1586] {strides = array<i32>} : memref<1024xf32, #tpu.memory_space<vmem>>, vector<16xf32>,
      %get3A_1588 = vector.shape_cast %get3A_1587 : vector<16xf32> to vector<16xf32>
      %sub3A_1589 = arith.subf %get3A_1585, %get3A_1588 : vector<16xf32>
      %swap3A_1590 = arith.constant 736 : index
      %swap3A_1591 = tpu.vector_load %arg17[%swap3A_1590] {strides = array<i32>} : memref<1024xf32, #tpu.memory_space<vmem>>, vector<16xf32>,
      %swap3A_1592 = vector.shape_cast %swap3A_1591 : vector<16xf32> to vector<16xf32>
      %swap3A_1593 = vector.shape_cast %sub3A_1589 : vector<16xf32> to vector<16xf32>
      tpu.vector_store %arg17[%swap3A_1590], %swap3A_1593 {strides = array<i32>} : memref<1024xf32, #tpu.memory_space<vmem>>, vector<16xf32>,
      %get3A_1594 = arith.constant 752 : index
      %get3A_1595 = tpu.vector_load %arg15[%get3A_1594] {strides = array<i32>} : memref<1024xf32, #tpu.memory_space<vmem>>, vector<16xf32>,
      %get3A_1596 = vector.shape_cast %get3A_1595 : vector<16xf32> to vector<16xf32>
      %get3A_1597 = arith.constant 752 : index
      %get3A_1598 = tpu.vector_load %arg12[%get3A_1597] {strides = array<i32>} : memref<1024xf32, #tpu.memory_space<vmem>>, vector<16xf32>,
      %get3A_1599 = vector.shape_cast %get3A_1598 : vector<16xf32> to vector<16xf32>
      %sub3A_1600 = arith.subf %get3A_1596, %get3A_1599 : vector<16xf32>
      %swap3A_1601 = arith.constant 752 : index
      %swap3A_1602 = tpu.vector_load %arg15[%swap3A_1601] {strides = array<i32>} : memref<1024xf32, #tpu.memory_space<vmem>>, vector<16xf32>,
      %swap3A_1603 = vector.shape_cast %swap3A_1602 : vector<16xf32> to vector<16xf32>
      %swap3A_1604 = vector.shape_cast %sub3A_1600 : vector<16xf32> to vector<16xf32>
      tpu.vector_store %arg15[%swap3A_1601], %swap3A_1604 {strides = array<i32>} : memref<1024xf32, #tpu.memory_space<vmem>>, vector<16xf32>,
      %get3A_1605 = arith.constant 752 : index
      %get3A_1606 = tpu.vector_load %arg16[%get3A_1605] {strides = array<i32>} : memref<1024xf32, #tpu.memory_space<vmem>>, vector<16xf32>,
      %get3A_1607 = vector.shape_cast %get3A_1606 : vector<16xf32> to vector<16xf32>
      %get3A_1608 = arith.constant 752 : index
      %get3A_1609 = tpu.vector_load %arg13[%get3A_1608] {strides = array<i32>} : memref<1024xf32, #tpu.memory_space<vmem>>, vector<16xf32>,
      %get3A_1610 = vector.shape_cast %get3A_1609 : vector<16xf32> to vector<16xf32>
      %sub3A_1611 = arith.subf %get3A_1607, %get3A_1610 : vector<16xf32>
      %swap3A_1612 = arith.constant 752 : index
      %swap3A_1613 = tpu.vector_load %arg16[%swap3A_1612] {strides = array<i32>} : memref<1024xf32, #tpu.memory_space<vmem>>, vector<16xf32>,
      %swap3A_1614 = vector.shape_cast %swap3A_1613 : vector<16xf32> to vector<16xf32>
      %swap3A_1615 = vector.shape_cast %sub3A_1611 : vector<16xf32> to vector<16xf32>
      tpu.vector_store %arg16[%swap3A_1612], %swap3A_1615 {strides = array<i32>} : memref<1024xf32, #tpu.memory_space<vmem>>, vector<16xf32>,
      %get3A_1616 = arith.constant 752 : index
      %get3A_1617 = tpu.vector_load %arg17[%get3A_1616] {strides = array<i32>} : memref<1024xf32, #tpu.memory_space<vmem>>, vector<16xf32>,
      %get3A_1618 = vector.shape_cast %get3A_1617 : vector<16xf32> to vector<16xf32>
      %get3A_1619 = arith.constant 752 : index
      %get3A_1620 = tpu.vector_load %arg14[%get3A_1619] {strides = array<i32>} : memref<1024xf32, #tpu.memory_space<vmem>>, vector<16xf32>,
      %get3A_1621 = vector.shape_cast %get3A_1620 : vector<16xf32> to vector<16xf32>
      %sub3A_1622 = arith.subf %get3A_1618, %get3A_1621 : vector<16xf32>
      %swap3A_1623 = arith.constant 752 : index
      %swap3A_1624 = tpu.vector_load %arg17[%swap3A_1623] {strides = array<i32>} : memref<1024xf32, #tpu.memory_space<vmem>>, vector<16xf32>,
      %swap3A_1625 = vector.shape_cast %swap3A_1624 : vector<16xf32> to vector<16xf32>
      %swap3A_1626 = vector.shape_cast %sub3A_1622 : vector<16xf32> to vector<16xf32>
      tpu.vector_store %arg17[%swap3A_1623], %swap3A_1626 {strides = array<i32>} : memref<1024xf32, #tpu.memory_space<vmem>>, vector<16xf32>,
      %get3A_1627 = arith.constant 768 : index
      %get3A_1628 = tpu.vector_load %arg15[%get3A_1627] {strides = array<i32>} : memref<1024xf32, #tpu.memory_space<vmem>>, vector<16xf32>,
      %get3A_1629 = vector.shape_cast %get3A_1628 : vector<16xf32> to vector<16xf32>
      %get3A_1630 = arith.constant 768 : index
      %get3A_1631 = tpu.vector_load %arg12[%get3A_1630] {strides = array<i32>} : memref<1024xf32, #tpu.memory_space<vmem>>, vector<16xf32>,
      %get3A_1632 = vector.shape_cast %get3A_1631 : vector<16xf32> to vector<16xf32>
      %sub3A_1633 = arith.subf %get3A_1629, %get3A_1632 : vector<16xf32>
      %swap3A_1634 = arith.constant 768 : index
      %swap3A_1635 = tpu.vector_load %arg15[%swap3A_1634] {strides = array<i32>} : memref<1024xf32, #tpu.memory_space<vmem>>, vector<16xf32>,
      %swap3A_1636 = vector.shape_cast %swap3A_1635 : vector<16xf32> to vector<16xf32>
      %swap3A_1637 = vector.shape_cast %sub3A_1633 : vector<16xf32> to vector<16xf32>
      tpu.vector_store %arg15[%swap3A_1634], %swap3A_1637 {strides = array<i32>} : memref<1024xf32, #tpu.memory_space<vmem>>, vector<16xf32>,
      %get3A_1638 = arith.constant 768 : index
      %get3A_1639 = tpu.vector_load %arg16[%get3A_1638] {strides = array<i32>} : memref<1024xf32, #tpu.memory_space<vmem>>, vector<16xf32>,
      %get3A_1640 = vector.shape_cast %get3A_1639 : vector<16xf32> to vector<16xf32>
      %get3A_1641 = arith.constant 768 : index
      %get3A_1642 = tpu.vector_load %arg13[%get3A_1641] {strides = array<i32>} : memref<1024xf32, #tpu.memory_space<vmem>>, vector<16xf32>,
      %get3A_1643 = vector.shape_cast %get3A_1642 : vector<16xf32> to vector<16xf32>
      %sub3A_1644 = arith.subf %get3A_1640, %get3A_1643 : vector<16xf32>
      %swap3A_1645 = arith.constant 768 : index
      %swap3A_1646 = tpu.vector_load %arg16[%swap3A_1645] {strides = array<i32>} : memref<1024xf32, #tpu.memory_space<vmem>>, vector<16xf32>,
      %swap3A_1647 = vector.shape_cast %swap3A_1646 : vector<16xf32> to vector<16xf32>
      %swap3A_1648 = vector.shape_cast %sub3A_1644 : vector<16xf32> to vector<16xf32>
      tpu.vector_store %arg16[%swap3A_1645], %swap3A_1648 {strides = array<i32>} : memref<1024xf32, #tpu.memory_space<vmem>>, vector<16xf32>,
      %get3A_1649 = arith.constant 768 : index
      %get3A_1650 = tpu.vector_load %arg17[%get3A_1649] {strides = array<i32>} : memref<1024xf32, #tpu.memory_space<vmem>>, vector<16xf32>,
      %get3A_1651 = vector.shape_cast %get3A_1650 : vector<16xf32> to vector<16xf32>
      %get3A_1652 = arith.constant 768 : index
      %get3A_1653 = tpu.vector_load %arg14[%get3A_1652] {strides = array<i32>} : memref<1024xf32, #tpu.memory_space<vmem>>, vector<16xf32>,
      %get3A_1654 = vector.shape_cast %get3A_1653 : vector<16xf32> to vector<16xf32>
      %sub3A_1655 = arith.subf %get3A_1651, %get3A_1654 : vector<16xf32>
      %swap3A_1656 = arith.constant 768 : index
      %swap3A_1657 = tpu.vector_load %arg17[%swap3A_1656] {strides = array<i32>} : memref<1024xf32, #tpu.memory_space<vmem>>, vector<16xf32>,
      %swap3A_1658 = vector.shape_cast %swap3A_1657 : vector<16xf32> to vector<16xf32>
      %swap3A_1659 = vector.shape_cast %sub3A_1655 : vector<16xf32> to vector<16xf32>
      tpu.vector_store %arg17[%swap3A_1656], %swap3A_1659 {strides = array<i32>} : memref<1024xf32, #tpu.memory_space<vmem>>, vector<16xf32>,
      %get3A_1660 = arith.constant 784 : index
      %get3A_1661 = tpu.vector_load %arg15[%get3A_1660] {strides = array<i32>} : memref<1024xf32, #tpu.memory_space<vmem>>, vector<16xf32>,
      %get3A_1662 = vector.shape_cast %get3A_1661 : vector<16xf32> to vector<16xf32>
      %get3A_1663 = arith.constant 784 : index
      %get3A_1664 = tpu.vector_load %arg12[%get3A_1663] {strides = array<i32>} : memref<1024xf32, #tpu.memory_space<vmem>>, vector<16xf32>,
      %get3A_1665 = vector.shape_cast %get3A_1664 : vector<16xf32> to vector<16xf32>
      %sub3A_1666 = arith.subf %get3A_1662, %get3A_1665 : vector<16xf32>
      %swap3A_1667 = arith.constant 784 : index
      %swap3A_1668 = tpu.vector_load %arg15[%swap3A_1667] {strides = array<i32>} : memref<1024xf32, #tpu.memory_space<vmem>>, vector<16xf32>,
      %swap3A_1669 = vector.shape_cast %swap3A_1668 : vector<16xf32> to vector<16xf32>
      %swap3A_1670 = vector.shape_cast %sub3A_1666 : vector<16xf32> to vector<16xf32>
      tpu.vector_store %arg15[%swap3A_1667], %swap3A_1670 {strides = array<i32>} : memref<1024xf32, #tpu.memory_space<vmem>>, vector<16xf32>,
      %get3A_1671 = arith.constant 784 : index
      %get3A_1672 = tpu.vector_load %arg16[%get3A_1671] {strides = array<i32>} : memref<1024xf32, #tpu.memory_space<vmem>>, vector<16xf32>,
      %get3A_1673 = vector.shape_cast %get3A_1672 : vector<16xf32> to vector<16xf32>
      %get3A_1674 = arith.constant 784 : index
      %get3A_1675 = tpu.vector_load %arg13[%get3A_1674] {strides = array<i32>} : memref<1024xf32, #tpu.memory_space<vmem>>, vector<16xf32>,
      %get3A_1676 = vector.shape_cast %get3A_1675 : vector<16xf32> to vector<16xf32>
      %sub3A_1677 = arith.subf %get3A_1673, %get3A_1676 : vector<16xf32>
      %swap3A_1678 = arith.constant 784 : index
      %swap3A_1679 = tpu.vector_load %arg16[%swap3A_1678] {strides = array<i32>} : memref<1024xf32, #tpu.memory_space<vmem>>, vector<16xf32>,
      %swap3A_1680 = vector.shape_cast %swap3A_1679 : vector<16xf32> to vector<16xf32>
      %swap3A_1681 = vector.shape_cast %sub3A_1677 : vector<16xf32> to vector<16xf32>
      tpu.vector_store %arg16[%swap3A_1678], %swap3A_1681 {strides = array<i32>} : memref<1024xf32, #tpu.memory_space<vmem>>, vector<16xf32>,
      %get3A_1682 = arith.constant 784 : index
      %get3A_1683 = tpu.vector_load %arg17[%get3A_1682] {strides = array<i32>} : memref<1024xf32, #tpu.memory_space<vmem>>, vector<16xf32>,
      %get3A_1684 = vector.shape_cast %get3A_1683 : vector<16xf32> to vector<16xf32>
      %get3A_1685 = arith.constant 784 : index
      %get3A_1686 = tpu.vector_load %arg14[%get3A_1685] {strides = array<i32>} : memref<1024xf32, #tpu.memory_space<vmem>>, vector<16xf32>,
      %get3A_1687 = vector.shape_cast %get3A_1686 : vector<16xf32> to vector<16xf32>
      %sub3A_1688 = arith.subf %get3A_1684, %get3A_1687 : vector<16xf32>
      %swap3A_1689 = arith.constant 784 : index
      %swap3A_1690 = tpu.vector_load %arg17[%swap3A_1689] {strides = array<i32>} : memref<1024xf32, #tpu.memory_space<vmem>>, vector<16xf32>,
      %swap3A_1691 = vector.shape_cast %swap3A_1690 : vector<16xf32> to vector<16xf32>
      %swap3A_1692 = vector.shape_cast %sub3A_1688 : vector<16xf32> to vector<16xf32>
      tpu.vector_store %arg17[%swap3A_1689], %swap3A_1692 {strides = array<i32>} : memref<1024xf32, #tpu.memory_space<vmem>>, vector<16xf32>,
      %get3A_1693 = arith.constant 800 : index
      %get3A_1694 = tpu.vector_load %arg15[%get3A_1693] {strides = array<i32>} : memref<1024xf32, #tpu.memory_space<vmem>>, vector<16xf32>,
      %get3A_1695 = vector.shape_cast %get3A_1694 : vector<16xf32> to vector<16xf32>
      %get3A_1696 = arith.constant 800 : index
      %get3A_1697 = tpu.vector_load %arg12[%get3A_1696] {strides = array<i32>} : memref<1024xf32, #tpu.memory_space<vmem>>, vector<16xf32>,
      %get3A_1698 = vector.shape_cast %get3A_1697 : vector<16xf32> to vector<16xf32>
      %sub3A_1699 = arith.subf %get3A_1695, %get3A_1698 : vector<16xf32>
      %swap3A_1700 = arith.constant 800 : index
      %swap3A_1701 = tpu.vector_load %arg15[%swap3A_1700] {strides = array<i32>} : memref<1024xf32, #tpu.memory_space<vmem>>, vector<16xf32>,
      %swap3A_1702 = vector.shape_cast %swap3A_1701 : vector<16xf32> to vector<16xf32>
      %swap3A_1703 = vector.shape_cast %sub3A_1699 : vector<16xf32> to vector<16xf32>
      tpu.vector_store %arg15[%swap3A_1700], %swap3A_1703 {strides = array<i32>} : memref<1024xf32, #tpu.memory_space<vmem>>, vector<16xf32>,
      %get3A_1704 = arith.constant 800 : index
      %get3A_1705 = tpu.vector_load %arg16[%get3A_1704] {strides = array<i32>} : memref<1024xf32, #tpu.memory_space<vmem>>, vector<16xf32>,
      %get3A_1706 = vector.shape_cast %get3A_1705 : vector<16xf32> to vector<16xf32>
      %get3A_1707 = arith.constant 800 : index
      %get3A_1708 = tpu.vector_load %arg13[%get3A_1707] {strides = array<i32>} : memref<1024xf32, #tpu.memory_space<vmem>>, vector<16xf32>,
      %get3A_1709 = vector.shape_cast %get3A_1708 : vector<16xf32> to vector<16xf32>
      %sub3A_1710 = arith.subf %get3A_1706, %get3A_1709 : vector<16xf32>
      %swap3A_1711 = arith.constant 800 : index
      %swap3A_1712 = tpu.vector_load %arg16[%swap3A_1711] {strides = array<i32>} : memref<1024xf32, #tpu.memory_space<vmem>>, vector<16xf32>,
      %swap3A_1713 = vector.shape_cast %swap3A_1712 : vector<16xf32> to vector<16xf32>
      %swap3A_1714 = vector.shape_cast %sub3A_1710 : vector<16xf32> to vector<16xf32>
      tpu.vector_store %arg16[%swap3A_1711], %swap3A_1714 {strides = array<i32>} : memref<1024xf32, #tpu.memory_space<vmem>>, vector<16xf32>,
      %get3A_1715 = arith.constant 800 : index
      %get3A_1716 = tpu.vector_load %arg17[%get3A_1715] {strides = array<i32>} : memref<1024xf32, #tpu.memory_space<vmem>>, vector<16xf32>,
      %get3A_1717 = vector.shape_cast %get3A_1716 : vector<16xf32> to vector<16xf32>
      %get3A_1718 = arith.constant 800 : index
      %get3A_1719 = tpu.vector_load %arg14[%get3A_1718] {strides = array<i32>} : memref<1024xf32, #tpu.memory_space<vmem>>, vector<16xf32>,
      %get3A_1720 = vector.shape_cast %get3A_1719 : vector<16xf32> to vector<16xf32>
      %sub3A_1721 = arith.subf %get3A_1717, %get3A_1720 : vector<16xf32>
      %swap3A_1722 = arith.constant 800 : index
      %swap3A_1723 = tpu.vector_load %arg17[%swap3A_1722] {strides = array<i32>} : memref<1024xf32, #tpu.memory_space<vmem>>, vector<16xf32>,
      %swap3A_1724 = vector.shape_cast %swap3A_1723 : vector<16xf32> to vector<16xf32>
      %swap3A_1725 = vector.shape_cast %sub3A_1721 : vector<16xf32> to vector<16xf32>
      tpu.vector_store %arg17[%swap3A_1722], %swap3A_1725 {strides = array<i32>} : memref<1024xf32, #tpu.memory_space<vmem>>, vector<16xf32>,
      %get3A_1726 = arith.constant 816 : index
      %get3A_1727 = tpu.vector_load %arg15[%get3A_1726] {strides = array<i32>} : memref<1024xf32, #tpu.memory_space<vmem>>, vector<16xf32>,
      %get3A_1728 = vector.shape_cast %get3A_1727 : vector<16xf32> to vector<16xf32>
      %get3A_1729 = arith.constant 816 : index
      %get3A_1730 = tpu.vector_load %arg12[%get3A_1729] {strides = array<i32>} : memref<1024xf32, #tpu.memory_space<vmem>>, vector<16xf32>,
      %get3A_1731 = vector.shape_cast %get3A_1730 : vector<16xf32> to vector<16xf32>
      %sub3A_1732 = arith.subf %get3A_1728, %get3A_1731 : vector<16xf32>
      %swap3A_1733 = arith.constant 816 : index
      %swap3A_1734 = tpu.vector_load %arg15[%swap3A_1733] {strides = array<i32>} : memref<1024xf32, #tpu.memory_space<vmem>>, vector<16xf32>,
      %swap3A_1735 = vector.shape_cast %swap3A_1734 : vector<16xf32> to vector<16xf32>
      %swap3A_1736 = vector.shape_cast %sub3A_1732 : vector<16xf32> to vector<16xf32>
      tpu.vector_store %arg15[%swap3A_1733], %swap3A_1736 {strides = array<i32>} : memref<1024xf32, #tpu.memory_space<vmem>>, vector<16xf32>,
      %get3A_1737 = arith.constant 816 : index
      %get3A_1738 = tpu.vector_load %arg16[%get3A_1737] {strides = array<i32>} : memref<1024xf32, #tpu.memory_space<vmem>>, vector<16xf32>,
      %get3A_1739 = vector.shape_cast %get3A_1738 : vector<16xf32> to vector<16xf32>
      %get3A_1740 = arith.constant 816 : index
      %get3A_1741 = tpu.vector_load %arg13[%get3A_1740] {strides = array<i32>} : memref<1024xf32, #tpu.memory_space<vmem>>, vector<16xf32>,
      %get3A_1742 = vector.shape_cast %get3A_1741 : vector<16xf32> to vector<16xf32>
      %sub3A_1743 = arith.subf %get3A_1739, %get3A_1742 : vector<16xf32>
      %swap3A_1744 = arith.constant 816 : index
      %swap3A_1745 = tpu.vector_load %arg16[%swap3A_1744] {strides = array<i32>} : memref<1024xf32, #tpu.memory_space<vmem>>, vector<16xf32>,
      %swap3A_1746 = vector.shape_cast %swap3A_1745 : vector<16xf32> to vector<16xf32>
      %swap3A_1747 = vector.shape_cast %sub3A_1743 : vector<16xf32> to vector<16xf32>
      tpu.vector_store %arg16[%swap3A_1744], %swap3A_1747 {strides = array<i32>} : memref<1024xf32, #tpu.memory_space<vmem>>, vector<16xf32>,
      %get3A_1748 = arith.constant 816 : index
      %get3A_1749 = tpu.vector_load %arg17[%get3A_1748] {strides = array<i32>} : memref<1024xf32, #tpu.memory_space<vmem>>, vector<16xf32>,
      %get3A_1750 = vector.shape_cast %get3A_1749 : vector<16xf32> to vector<16xf32>
      %get3A_1751 = arith.constant 816 : index
      %get3A_1752 = tpu.vector_load %arg14[%get3A_1751] {strides = array<i32>} : memref<1024xf32, #tpu.memory_space<vmem>>, vector<16xf32>,
      %get3A_1753 = vector.shape_cast %get3A_1752 : vector<16xf32> to vector<16xf32>
      %sub3A_1754 = arith.subf %get3A_1750, %get3A_1753 : vector<16xf32>
      %swap3A_1755 = arith.constant 816 : index
      %swap3A_1756 = tpu.vector_load %arg17[%swap3A_1755] {strides = array<i32>} : memref<1024xf32, #tpu.memory_space<vmem>>, vector<16xf32>,
      %swap3A_1757 = vector.shape_cast %swap3A_1756 : vector<16xf32> to vector<16xf32>
      %swap3A_1758 = vector.shape_cast %sub3A_1754 : vector<16xf32> to vector<16xf32>
      tpu.vector_store %arg17[%swap3A_1755], %swap3A_1758 {strides = array<i32>} : memref<1024xf32, #tpu.memory_space<vmem>>, vector<16xf32>,
      %get3A_1759 = arith.constant 832 : index
      %get3A_1760 = tpu.vector_load %arg15[%get3A_1759] {strides = array<i32>} : memref<1024xf32, #tpu.memory_space<vmem>>, vector<16xf32>,
      %get3A_1761 = vector.shape_cast %get3A_1760 : vector<16xf32> to vector<16xf32>
      %get3A_1762 = arith.constant 832 : index
      %get3A_1763 = tpu.vector_load %arg12[%get3A_1762] {strides = array<i32>} : memref<1024xf32, #tpu.memory_space<vmem>>, vector<16xf32>,
      %get3A_1764 = vector.shape_cast %get3A_1763 : vector<16xf32> to vector<16xf32>
      %sub3A_1765 = arith.subf %get3A_1761, %get3A_1764 : vector<16xf32>
      %swap3A_1766 = arith.constant 832 : index
      %swap3A_1767 = tpu.vector_load %arg15[%swap3A_1766] {strides = array<i32>} : memref<1024xf32, #tpu.memory_space<vmem>>, vector<16xf32>,
      %swap3A_1768 = vector.shape_cast %swap3A_1767 : vector<16xf32> to vector<16xf32>
      %swap3A_1769 = vector.shape_cast %sub3A_1765 : vector<16xf32> to vector<16xf32>
      tpu.vector_store %arg15[%swap3A_1766], %swap3A_1769 {strides = array<i32>} : memref<1024xf32, #tpu.memory_space<vmem>>, vector<16xf32>,
      %get3A_1770 = arith.constant 832 : index
      %get3A_1771 = tpu.vector_load %arg16[%get3A_1770] {strides = array<i32>} : memref<1024xf32, #tpu.memory_space<vmem>>, vector<16xf32>,
      %get3A_1772 = vector.shape_cast %get3A_1771 : vector<16xf32> to vector<16xf32>
      %get3A_1773 = arith.constant 832 : index
      %get3A_1774 = tpu.vector_load %arg13[%get3A_1773] {strides = array<i32>} : memref<1024xf32, #tpu.memory_space<vmem>>, vector<16xf32>,
      %get3A_1775 = vector.shape_cast %get3A_1774 : vector<16xf32> to vector<16xf32>
      %sub3A_1776 = arith.subf %get3A_1772, %get3A_1775 : vector<16xf32>
      %swap3A_1777 = arith.constant 832 : index
      %swap3A_1778 = tpu.vector_load %arg16[%swap3A_1777] {strides = array<i32>} : memref<1024xf32, #tpu.memory_space<vmem>>, vector<16xf32>,
      %swap3A_1779 = vector.shape_cast %swap3A_1778 : vector<16xf32> to vector<16xf32>
      %swap3A_1780 = vector.shape_cast %sub3A_1776 : vector<16xf32> to vector<16xf32>
      tpu.vector_store %arg16[%swap3A_1777], %swap3A_1780 {strides = array<i32>} : memref<1024xf32, #tpu.memory_space<vmem>>, vector<16xf32>,
      %get3A_1781 = arith.constant 832 : index
      %get3A_1782 = tpu.vector_load %arg17[%get3A_1781] {strides = array<i32>} : memref<1024xf32, #tpu.memory_space<vmem>>, vector<16xf32>,
      %get3A_1783 = vector.shape_cast %get3A_1782 : vector<16xf32> to vector<16xf32>
      %get3A_1784 = arith.constant 832 : index
      %get3A_1785 = tpu.vector_load %arg14[%get3A_1784] {strides = array<i32>} : memref<1024xf32, #tpu.memory_space<vmem>>, vector<16xf32>,
      %get3A_1786 = vector.shape_cast %get3A_1785 : vector<16xf32> to vector<16xf32>
      %sub3A_1787 = arith.subf %get3A_1783, %get3A_1786 : vector<16xf32>
      %swap3A_1788 = arith.constant 832 : index
      %swap3A_1789 = tpu.vector_load %arg17[%swap3A_1788] {strides = array<i32>} : memref<1024xf32, #tpu.memory_space<vmem>>, vector<16xf32>,
      %swap3A_1790 = vector.shape_cast %swap3A_1789 : vector<16xf32> to vector<16xf32>
      %swap3A_1791 = vector.shape_cast %sub3A_1787 : vector<16xf32> to vector<16xf32>
      tpu.vector_store %arg17[%swap3A_1788], %swap3A_1791 {strides = array<i32>} : memref<1024xf32, #tpu.memory_space<vmem>>, vector<16xf32>,
      %get3A_1792 = arith.constant 848 : index
      %get3A_1793 = tpu.vector_load %arg15[%get3A_1792] {strides = array<i32>} : memref<1024xf32, #tpu.memory_space<vmem>>, vector<16xf32>,
      %get3A_1794 = vector.shape_cast %get3A_1793 : vector<16xf32> to vector<16xf32>
      %get3A_1795 = arith.constant 848 : index
      %get3A_1796 = tpu.vector_load %arg12[%get3A_1795] {strides = array<i32>} : memref<1024xf32, #tpu.memory_space<vmem>>, vector<16xf32>,
      %get3A_1797 = vector.shape_cast %get3A_1796 : vector<16xf32> to vector<16xf32>
      %sub3A_1798 = arith.subf %get3A_1794, %get3A_1797 : vector<16xf32>
      %swap3A_1799 = arith.constant 848 : index
      %swap3A_1800 = tpu.vector_load %arg15[%swap3A_1799] {strides = array<i32>} : memref<1024xf32, #tpu.memory_space<vmem>>, vector<16xf32>,
      %swap3A_1801 = vector.shape_cast %swap3A_1800 : vector<16xf32> to vector<16xf32>
      %swap3A_1802 = vector.shape_cast %sub3A_1798 : vector<16xf32> to vector<16xf32>
      tpu.vector_store %arg15[%swap3A_1799], %swap3A_1802 {strides = array<i32>} : memref<1024xf32, #tpu.memory_space<vmem>>, vector<16xf32>,
      %get3A_1803 = arith.constant 848 : index
      %get3A_1804 = tpu.vector_load %arg16[%get3A_1803] {strides = array<i32>} : memref<1024xf32, #tpu.memory_space<vmem>>, vector<16xf32>,
      %get3A_1805 = vector.shape_cast %get3A_1804 : vector<16xf32> to vector<16xf32>
      %get3A_1806 = arith.constant 848 : index
      %get3A_1807 = tpu.vector_load %arg13[%get3A_1806] {strides = array<i32>} : memref<1024xf32, #tpu.memory_space<vmem>>, vector<16xf32>,
      %get3A_1808 = vector.shape_cast %get3A_1807 : vector<16xf32> to vector<16xf32>
      %sub3A_1809 = arith.subf %get3A_1805, %get3A_1808 : vector<16xf32>
      %swap3A_1810 = arith.constant 848 : index
      %swap3A_1811 = tpu.vector_load %arg16[%swap3A_1810] {strides = array<i32>} : memref<1024xf32, #tpu.memory_space<vmem>>, vector<16xf32>,
      %swap3A_1812 = vector.shape_cast %swap3A_1811 : vector<16xf32> to vector<16xf32>
      %swap3A_1813 = vector.shape_cast %sub3A_1809 : vector<16xf32> to vector<16xf32>
      tpu.vector_store %arg16[%swap3A_1810], %swap3A_1813 {strides = array<i32>} : memref<1024xf32, #tpu.memory_space<vmem>>, vector<16xf32>,
      %get3A_1814 = arith.constant 848 : index
      %get3A_1815 = tpu.vector_load %arg17[%get3A_1814] {strides = array<i32>} : memref<1024xf32, #tpu.memory_space<vmem>>, vector<16xf32>,
      %get3A_1816 = vector.shape_cast %get3A_1815 : vector<16xf32> to vector<16xf32>
      %get3A_1817 = arith.constant 848 : index
      %get3A_1818 = tpu.vector_load %arg14[%get3A_1817] {strides = array<i32>} : memref<1024xf32, #tpu.memory_space<vmem>>, vector<16xf32>,
      %get3A_1819 = vector.shape_cast %get3A_1818 : vector<16xf32> to vector<16xf32>
      %sub3A_1820 = arith.subf %get3A_1816, %get3A_1819 : vector<16xf32>
      %swap3A_1821 = arith.constant 848 : index
      %swap3A_1822 = tpu.vector_load %arg17[%swap3A_1821] {strides = array<i32>} : memref<1024xf32, #tpu.memory_space<vmem>>, vector<16xf32>,
      %swap3A_1823 = vector.shape_cast %swap3A_1822 : vector<16xf32> to vector<16xf32>
      %swap3A_1824 = vector.shape_cast %sub3A_1820 : vector<16xf32> to vector<16xf32>
      tpu.vector_store %arg17[%swap3A_1821], %swap3A_1824 {strides = array<i32>} : memref<1024xf32, #tpu.memory_space<vmem>>, vector<16xf32>,
      %get3A_1825 = arith.constant 864 : index
      %get3A_1826 = tpu.vector_load %arg15[%get3A_1825] {strides = array<i32>} : memref<1024xf32, #tpu.memory_space<vmem>>, vector<16xf32>,
      %get3A_1827 = vector.shape_cast %get3A_1826 : vector<16xf32> to vector<16xf32>
      %get3A_1828 = arith.constant 864 : index
      %get3A_1829 = tpu.vector_load %arg12[%get3A_1828] {strides = array<i32>} : memref<1024xf32, #tpu.memory_space<vmem>>, vector<16xf32>,
      %get3A_1830 = vector.shape_cast %get3A_1829 : vector<16xf32> to vector<16xf32>
      %sub3A_1831 = arith.subf %get3A_1827, %get3A_1830 : vector<16xf32>
      %swap3A_1832 = arith.constant 864 : index
      %swap3A_1833 = tpu.vector_load %arg15[%swap3A_1832] {strides = array<i32>} : memref<1024xf32, #tpu.memory_space<vmem>>, vector<16xf32>,
      %swap3A_1834 = vector.shape_cast %swap3A_1833 : vector<16xf32> to vector<16xf32>
      %swap3A_1835 = vector.shape_cast %sub3A_1831 : vector<16xf32> to vector<16xf32>
      tpu.vector_store %arg15[%swap3A_1832], %swap3A_1835 {strides = array<i32>} : memref<1024xf32, #tpu.memory_space<vmem>>, vector<16xf32>,
      %get3A_1836 = arith.constant 864 : index
      %get3A_1837 = tpu.vector_load %arg16[%get3A_1836] {strides = array<i32>} : memref<1024xf32, #tpu.memory_space<vmem>>, vector<16xf32>,
      %get3A_1838 = vector.shape_cast %get3A_1837 : vector<16xf32> to vector<16xf32>
      %get3A_1839 = arith.constant 864 : index
      %get3A_1840 = tpu.vector_load %arg13[%get3A_1839] {strides = array<i32>} : memref<1024xf32, #tpu.memory_space<vmem>>, vector<16xf32>,
      %get3A_1841 = vector.shape_cast %get3A_1840 : vector<16xf32> to vector<16xf32>
      %sub3A_1842 = arith.subf %get3A_1838, %get3A_1841 : vector<16xf32>
      %swap3A_1843 = arith.constant 864 : index
      %swap3A_1844 = tpu.vector_load %arg16[%swap3A_1843] {strides = array<i32>} : memref<1024xf32, #tpu.memory_space<vmem>>, vector<16xf32>,
      %swap3A_1845 = vector.shape_cast %swap3A_1844 : vector<16xf32> to vector<16xf32>
      %swap3A_1846 = vector.shape_cast %sub3A_1842 : vector<16xf32> to vector<16xf32>
      tpu.vector_store %arg16[%swap3A_1843], %swap3A_1846 {strides = array<i32>} : memref<1024xf32, #tpu.memory_space<vmem>>, vector<16xf32>,
      %get3A_1847 = arith.constant 864 : index
      %get3A_1848 = tpu.vector_load %arg17[%get3A_1847] {strides = array<i32>} : memref<1024xf32, #tpu.memory_space<vmem>>, vector<16xf32>,
      %get3A_1849 = vector.shape_cast %get3A_1848 : vector<16xf32> to vector<16xf32>
      %get3A_1850 = arith.constant 864 : index
      %get3A_1851 = tpu.vector_load %arg14[%get3A_1850] {strides = array<i32>} : memref<1024xf32, #tpu.memory_space<vmem>>, vector<16xf32>,
      %get3A_1852 = vector.shape_cast %get3A_1851 : vector<16xf32> to vector<16xf32>
      %sub3A_1853 = arith.subf %get3A_1849, %get3A_1852 : vector<16xf32>
      %swap3A_1854 = arith.constant 864 : index
      %swap3A_1855 = tpu.vector_load %arg17[%swap3A_1854] {strides = array<i32>} : memref<1024xf32, #tpu.memory_space<vmem>>, vector<16xf32>,
      %swap3A_1856 = vector.shape_cast %swap3A_1855 : vector<16xf32> to vector<16xf32>
      %swap3A_1857 = vector.shape_cast %sub3A_1853 : vector<16xf32> to vector<16xf32>
      tpu.vector_store %arg17[%swap3A_1854], %swap3A_1857 {strides = array<i32>} : memref<1024xf32, #tpu.memory_space<vmem>>, vector<16xf32>,
      %get3A_1858 = arith.constant 880 : index
      %get3A_1859 = tpu.vector_load %arg15[%get3A_1858] {strides = array<i32>} : memref<1024xf32, #tpu.memory_space<vmem>>, vector<16xf32>,
      %get3A_1860 = vector.shape_cast %get3A_1859 : vector<16xf32> to vector<16xf32>
      %get3A_1861 = arith.constant 880 : index
      %get3A_1862 = tpu.vector_load %arg12[%get3A_1861] {strides = array<i32>} : memref<1024xf32, #tpu.memory_space<vmem>>, vector<16xf32>,
      %get3A_1863 = vector.shape_cast %get3A_1862 : vector<16xf32> to vector<16xf32>
      %sub3A_1864 = arith.subf %get3A_1860, %get3A_1863 : vector<16xf32>
      %swap3A_1865 = arith.constant 880 : index
      %swap3A_1866 = tpu.vector_load %arg15[%swap3A_1865] {strides = array<i32>} : memref<1024xf32, #tpu.memory_space<vmem>>, vector<16xf32>,
      %swap3A_1867 = vector.shape_cast %swap3A_1866 : vector<16xf32> to vector<16xf32>
      %swap3A_1868 = vector.shape_cast %sub3A_1864 : vector<16xf32> to vector<16xf32>
      tpu.vector_store %arg15[%swap3A_1865], %swap3A_1868 {strides = array<i32>} : memref<1024xf32, #tpu.memory_space<vmem>>, vector<16xf32>,
      %get3A_1869 = arith.constant 880 : index
      %get3A_1870 = tpu.vector_load %arg16[%get3A_1869] {strides = array<i32>} : memref<1024xf32, #tpu.memory_space<vmem>>, vector<16xf32>,
      %get3A_1871 = vector.shape_cast %get3A_1870 : vector<16xf32> to vector<16xf32>
      %get3A_1872 = arith.constant 880 : index
      %get3A_1873 = tpu.vector_load %arg13[%get3A_1872] {strides = array<i32>} : memref<1024xf32, #tpu.memory_space<vmem>>, vector<16xf32>,
      %get3A_1874 = vector.shape_cast %get3A_1873 : vector<16xf32> to vector<16xf32>
      %sub3A_1875 = arith.subf %get3A_1871, %get3A_1874 : vector<16xf32>
      %swap3A_1876 = arith.constant 880 : index
      %swap3A_1877 = tpu.vector_load %arg16[%swap3A_1876] {strides = array<i32>} : memref<1024xf32, #tpu.memory_space<vmem>>, vector<16xf32>,
      %swap3A_1878 = vector.shape_cast %swap3A_1877 : vector<16xf32> to vector<16xf32>
      %swap3A_1879 = vector.shape_cast %sub3A_1875 : vector<16xf32> to vector<16xf32>
      tpu.vector_store %arg16[%swap3A_1876], %swap3A_1879 {strides = array<i32>} : memref<1024xf32, #tpu.memory_space<vmem>>, vector<16xf32>,
      %get3A_1880 = arith.constant 880 : index
      %get3A_1881 = tpu.vector_load %arg17[%get3A_1880] {strides = array<i32>} : memref<1024xf32, #tpu.memory_space<vmem>>, vector<16xf32>,
      %get3A_1882 = vector.shape_cast %get3A_1881 : vector<16xf32> to vector<16xf32>
      %get3A_1883 = arith.constant 880 : index
      %get3A_1884 = tpu.vector_load %arg14[%get3A_1883] {strides = array<i32>} : memref<1024xf32, #tpu.memory_space<vmem>>, vector<16xf32>,
      %get3A_1885 = vector.shape_cast %get3A_1884 : vector<16xf32> to vector<16xf32>
      %sub3A_1886 = arith.subf %get3A_1882, %get3A_1885 : vector<16xf32>
      %swap3A_1887 = arith.constant 880 : index
      %swap3A_1888 = tpu.vector_load %arg17[%swap3A_1887] {strides = array<i32>} : memref<1024xf32, #tpu.memory_space<vmem>>, vector<16xf32>,
      %swap3A_1889 = vector.shape_cast %swap3A_1888 : vector<16xf32> to vector<16xf32>
      %swap3A_1890 = vector.shape_cast %sub3A_1886 : vector<16xf32> to vector<16xf32>
      tpu.vector_store %arg17[%swap3A_1887], %swap3A_1890 {strides = array<i32>} : memref<1024xf32, #tpu.memory_space<vmem>>, vector<16xf32>,
      %get3A_1891 = arith.constant 896 : index
      %get3A_1892 = tpu.vector_load %arg15[%get3A_1891] {strides = array<i32>} : memref<1024xf32, #tpu.memory_space<vmem>>, vector<16xf32>,
      %get3A_1893 = vector.shape_cast %get3A_1892 : vector<16xf32> to vector<16xf32>
      %get3A_1894 = arith.constant 896 : index
      %get3A_1895 = tpu.vector_load %arg12[%get3A_1894] {strides = array<i32>} : memref<1024xf32, #tpu.memory_space<vmem>>, vector<16xf32>,
      %get3A_1896 = vector.shape_cast %get3A_1895 : vector<16xf32> to vector<16xf32>
      %sub3A_1897 = arith.subf %get3A_1893, %get3A_1896 : vector<16xf32>
      %swap3A_1898 = arith.constant 896 : index
      %swap3A_1899 = tpu.vector_load %arg15[%swap3A_1898] {strides = array<i32>} : memref<1024xf32, #tpu.memory_space<vmem>>, vector<16xf32>,
      %swap3A_1900 = vector.shape_cast %swap3A_1899 : vector<16xf32> to vector<16xf32>
      %swap3A_1901 = vector.shape_cast %sub3A_1897 : vector<16xf32> to vector<16xf32>
      tpu.vector_store %arg15[%swap3A_1898], %swap3A_1901 {strides = array<i32>} : memref<1024xf32, #tpu.memory_space<vmem>>, vector<16xf32>,
      %get3A_1902 = arith.constant 896 : index
      %get3A_1903 = tpu.vector_load %arg16[%get3A_1902] {strides = array<i32>} : memref<1024xf32, #tpu.memory_space<vmem>>, vector<16xf32>,
      %get3A_1904 = vector.shape_cast %get3A_1903 : vector<16xf32> to vector<16xf32>
      %get3A_1905 = arith.constant 896 : index
      %get3A_1906 = tpu.vector_load %arg13[%get3A_1905] {strides = array<i32>} : memref<1024xf32, #tpu.memory_space<vmem>>, vector<16xf32>,
      %get3A_1907 = vector.shape_cast %get3A_1906 : vector<16xf32> to vector<16xf32>
      %sub3A_1908 = arith.subf %get3A_1904, %get3A_1907 : vector<16xf32>
      %swap3A_1909 = arith.constant 896 : index
      %swap3A_1910 = tpu.vector_load %arg16[%swap3A_1909] {strides = array<i32>} : memref<1024xf32, #tpu.memory_space<vmem>>, vector<16xf32>,
      %swap3A_1911 = vector.shape_cast %swap3A_1910 : vector<16xf32> to vector<16xf32>
      %swap3A_1912 = vector.shape_cast %sub3A_1908 : vector<16xf32> to vector<16xf32>
      tpu.vector_store %arg16[%swap3A_1909], %swap3A_1912 {strides = array<i32>} : memref<1024xf32, #tpu.memory_space<vmem>>, vector<16xf32>,
      %get3A_1913 = arith.constant 896 : index
      %get3A_1914 = tpu.vector_load %arg17[%get3A_1913] {strides = array<i32>} : memref<1024xf32, #tpu.memory_space<vmem>>, vector<16xf32>,
      %get3A_1915 = vector.shape_cast %get3A_1914 : vector<16xf32> to vector<16xf32>
      %get3A_1916 = arith.constant 896 : index
      %get3A_1917 = tpu.vector_load %arg14[%get3A_1916] {strides = array<i32>} : memref<1024xf32, #tpu.memory_space<vmem>>, vector<16xf32>,
      %get3A_1918 = vector.shape_cast %get3A_1917 : vector<16xf32> to vector<16xf32>
      %sub3A_1919 = arith.subf %get3A_1915, %get3A_1918 : vector<16xf32>
      %swap3A_1920 = arith.constant 896 : index
      %swap3A_1921 = tpu.vector_load %arg17[%swap3A_1920] {strides = array<i32>} : memref<1024xf32, #tpu.memory_space<vmem>>, vector<16xf32>,
      %swap3A_1922 = vector.shape_cast %swap3A_1921 : vector<16xf32> to vector<16xf32>
      %swap3A_1923 = vector.shape_cast %sub3A_1919 : vector<16xf32> to vector<16xf32>
      tpu.vector_store %arg17[%swap3A_1920], %swap3A_1923 {strides = array<i32>} : memref<1024xf32, #tpu.memory_space<vmem>>, vector<16xf32>,
      %get3A_1924 = arith.constant 912 : index
      %get3A_1925 = tpu.vector_load %arg15[%get3A_1924] {strides = array<i32>} : memref<1024xf32, #tpu.memory_space<vmem>>, vector<16xf32>,
      %get3A_1926 = vector.shape_cast %get3A_1925 : vector<16xf32> to vector<16xf32>
      %get3A_1927 = arith.constant 912 : index
      %get3A_1928 = tpu.vector_load %arg12[%get3A_1927] {strides = array<i32>} : memref<1024xf32, #tpu.memory_space<vmem>>, vector<16xf32>,
      %get3A_1929 = vector.shape_cast %get3A_1928 : vector<16xf32> to vector<16xf32>
      %sub3A_1930 = arith.subf %get3A_1926, %get3A_1929 : vector<16xf32>
      %swap3A_1931 = arith.constant 912 : index
      %swap3A_1932 = tpu.vector_load %arg15[%swap3A_1931] {strides = array<i32>} : memref<1024xf32, #tpu.memory_space<vmem>>, vector<16xf32>,
      %swap3A_1933 = vector.shape_cast %swap3A_1932 : vector<16xf32> to vector<16xf32>
      %swap3A_1934 = vector.shape_cast %sub3A_1930 : vector<16xf32> to vector<16xf32>
      tpu.vector_store %arg15[%swap3A_1931], %swap3A_1934 {strides = array<i32>} : memref<1024xf32, #tpu.memory_space<vmem>>, vector<16xf32>,
      %get3A_1935 = arith.constant 912 : index
      %get3A_1936 = tpu.vector_load %arg16[%get3A_1935] {strides = array<i32>} : memref<1024xf32, #tpu.memory_space<vmem>>, vector<16xf32>,
      %get3A_1937 = vector.shape_cast %get3A_1936 : vector<16xf32> to vector<16xf32>
      %get3A_1938 = arith.constant 912 : index
      %get3A_1939 = tpu.vector_load %arg13[%get3A_1938] {strides = array<i32>} : memref<1024xf32, #tpu.memory_space<vmem>>, vector<16xf32>,
      %get3A_1940 = vector.shape_cast %get3A_1939 : vector<16xf32> to vector<16xf32>
      %sub3A_1941 = arith.subf %get3A_1937, %get3A_1940 : vector<16xf32>
      %swap3A_1942 = arith.constant 912 : index
      %swap3A_1943 = tpu.vector_load %arg16[%swap3A_1942] {strides = array<i32>} : memref<1024xf32, #tpu.memory_space<vmem>>, vector<16xf32>,
      %swap3A_1944 = vector.shape_cast %swap3A_1943 : vector<16xf32> to vector<16xf32>
      %swap3A_1945 = vector.shape_cast %sub3A_1941 : vector<16xf32> to vector<16xf32>
      tpu.vector_store %arg16[%swap3A_1942], %swap3A_1945 {strides = array<i32>} : memref<1024xf32, #tpu.memory_space<vmem>>, vector<16xf32>,
      %get3A_1946 = arith.constant 912 : index
      %get3A_1947 = tpu.vector_load %arg17[%get3A_1946] {strides = array<i32>} : memref<1024xf32, #tpu.memory_space<vmem>>, vector<16xf32>,
      %get3A_1948 = vector.shape_cast %get3A_1947 : vector<16xf32> to vector<16xf32>
      %get3A_1949 = arith.constant 912 : index
      %get3A_1950 = tpu.vector_load %arg14[%get3A_1949] {strides = array<i32>} : memref<1024xf32, #tpu.memory_space<vmem>>, vector<16xf32>,
      %get3A_1951 = vector.shape_cast %get3A_1950 : vector<16xf32> to vector<16xf32>
      %sub3A_1952 = arith.subf %get3A_1948, %get3A_1951 : vector<16xf32>
      %swap3A_1953 = arith.constant 912 : index
      %swap3A_1954 = tpu.vector_load %arg17[%swap3A_1953] {strides = array<i32>} : memref<1024xf32, #tpu.memory_space<vmem>>, vector<16xf32>,
      %swap3A_1955 = vector.shape_cast %swap3A_1954 : vector<16xf32> to vector<16xf32>
      %swap3A_1956 = vector.shape_cast %sub3A_1952 : vector<16xf32> to vector<16xf32>
      tpu.vector_store %arg17[%swap3A_1953], %swap3A_1956 {strides = array<i32>} : memref<1024xf32, #tpu.memory_space<vmem>>, vector<16xf32>,
      %get3A_1957 = arith.constant 928 : index
      %get3A_1958 = tpu.vector_load %arg15[%get3A_1957] {strides = array<i32>} : memref<1024xf32, #tpu.memory_space<vmem>>, vector<16xf32>,
      %get3A_1959 = vector.shape_cast %get3A_1958 : vector<16xf32> to vector<16xf32>
      %get3A_1960 = arith.constant 928 : index
      %get3A_1961 = tpu.vector_load %arg12[%get3A_1960] {strides = array<i32>} : memref<1024xf32, #tpu.memory_space<vmem>>, vector<16xf32>,
      %get3A_1962 = vector.shape_cast %get3A_1961 : vector<16xf32> to vector<16xf32>
      %sub3A_1963 = arith.subf %get3A_1959, %get3A_1962 : vector<16xf32>
      %swap3A_1964 = arith.constant 928 : index
      %swap3A_1965 = tpu.vector_load %arg15[%swap3A_1964] {strides = array<i32>} : memref<1024xf32, #tpu.memory_space<vmem>>, vector<16xf32>,
      %swap3A_1966 = vector.shape_cast %swap3A_1965 : vector<16xf32> to vector<16xf32>
      %swap3A_1967 = vector.shape_cast %sub3A_1963 : vector<16xf32> to vector<16xf32>
      tpu.vector_store %arg15[%swap3A_1964], %swap3A_1967 {strides = array<i32>} : memref<1024xf32, #tpu.memory_space<vmem>>, vector<16xf32>,
      %get3A_1968 = arith.constant 928 : index
      %get3A_1969 = tpu.vector_load %arg16[%get3A_1968] {strides = array<i32>} : memref<1024xf32, #tpu.memory_space<vmem>>, vector<16xf32>,
      %get3A_1970 = vector.shape_cast %get3A_1969 : vector<16xf32> to vector<16xf32>
      %get3A_1971 = arith.constant 928 : index
      %get3A_1972 = tpu.vector_load %arg13[%get3A_1971] {strides = array<i32>} : memref<1024xf32, #tpu.memory_space<vmem>>, vector<16xf32>,
      %get3A_1973 = vector.shape_cast %get3A_1972 : vector<16xf32> to vector<16xf32>
      %sub3A_1974 = arith.subf %get3A_1970, %get3A_1973 : vector<16xf32>
      %swap3A_1975 = arith.constant 928 : index
      %swap3A_1976 = tpu.vector_load %arg16[%swap3A_1975] {strides = array<i32>} : memref<1024xf32, #tpu.memory_space<vmem>>, vector<16xf32>,
      %swap3A_1977 = vector.shape_cast %swap3A_1976 : vector<16xf32> to vector<16xf32>
      %swap3A_1978 = vector.shape_cast %sub3A_1974 : vector<16xf32> to vector<16xf32>
      tpu.vector_store %arg16[%swap3A_1975], %swap3A_1978 {strides = array<i32>} : memref<1024xf32, #tpu.memory_space<vmem>>, vector<16xf32>,
      %get3A_1979 = arith.constant 928 : index
      %get3A_1980 = tpu.vector_load %arg17[%get3A_1979] {strides = array<i32>} : memref<1024xf32, #tpu.memory_space<vmem>>, vector<16xf32>,
      %get3A_1981 = vector.shape_cast %get3A_1980 : vector<16xf32> to vector<16xf32>
      %get3A_1982 = arith.constant 928 : index
      %get3A_1983 = tpu.vector_load %arg14[%get3A_1982] {strides = array<i32>} : memref<1024xf32, #tpu.memory_space<vmem>>, vector<16xf32>,
      %get3A_1984 = vector.shape_cast %get3A_1983 : vector<16xf32> to vector<16xf32>
      %sub3A_1985 = arith.subf %get3A_1981, %get3A_1984 : vector<16xf32>
      %swap3A_1986 = arith.constant 928 : index
      %swap3A_1987 = tpu.vector_load %arg17[%swap3A_1986] {strides = array<i32>} : memref<1024xf32, #tpu.memory_space<vmem>>, vector<16xf32>,
      %swap3A_1988 = vector.shape_cast %swap3A_1987 : vector<16xf32> to vector<16xf32>
      %swap3A_1989 = vector.shape_cast %sub3A_1985 : vector<16xf32> to vector<16xf32>
      tpu.vector_store %arg17[%swap3A_1986], %swap3A_1989 {strides = array<i32>} : memref<1024xf32, #tpu.memory_space<vmem>>, vector<16xf32>,
      %get3A_1990 = arith.constant 944 : index
      %get3A_1991 = tpu.vector_load %arg15[%get3A_1990] {strides = array<i32>} : memref<1024xf32, #tpu.memory_space<vmem>>, vector<16xf32>,
      %get3A_1992 = vector.shape_cast %get3A_1991 : vector<16xf32> to vector<16xf32>
      %get3A_1993 = arith.constant 944 : index
      %get3A_1994 = tpu.vector_load %arg12[%get3A_1993] {strides = array<i32>} : memref<1024xf32, #tpu.memory_space<vmem>>, vector<16xf32>,
      %get3A_1995 = vector.shape_cast %get3A_1994 : vector<16xf32> to vector<16xf32>
      %sub3A_1996 = arith.subf %get3A_1992, %get3A_1995 : vector<16xf32>
      %swap3A_1997 = arith.constant 944 : index
      %swap3A_1998 = tpu.vector_load %arg15[%swap3A_1997] {strides = array<i32>} : memref<1024xf32, #tpu.memory_space<vmem>>, vector<16xf32>,
      %swap3A_1999 = vector.shape_cast %swap3A_1998 : vector<16xf32> to vector<16xf32>
      %swap3A_2000 = vector.shape_cast %sub3A_1996 : vector<16xf32> to vector<16xf32>
      tpu.vector_store %arg15[%swap3A_1997], %swap3A_2000 {strides = array<i32>} : memref<1024xf32, #tpu.memory_space<vmem>>, vector<16xf32>,
      %get3A_2001 = arith.constant 944 : index
      %get3A_2002 = tpu.vector_load %arg16[%get3A_2001] {strides = array<i32>} : memref<1024xf32, #tpu.memory_space<vmem>>, vector<16xf32>,
      %get3A_2003 = vector.shape_cast %get3A_2002 : vector<16xf32> to vector<16xf32>
      %get3A_2004 = arith.constant 944 : index
      %get3A_2005 = tpu.vector_load %arg13[%get3A_2004] {strides = array<i32>} : memref<1024xf32, #tpu.memory_space<vmem>>, vector<16xf32>,
      %get3A_2006 = vector.shape_cast %get3A_2005 : vector<16xf32> to vector<16xf32>
      %sub3A_2007 = arith.subf %get3A_2003, %get3A_2006 : vector<16xf32>
      %swap3A_2008 = arith.constant 944 : index
      %swap3A_2009 = tpu.vector_load %arg16[%swap3A_2008] {strides = array<i32>} : memref<1024xf32, #tpu.memory_space<vmem>>, vector<16xf32>,
      %swap3A_2010 = vector.shape_cast %swap3A_2009 : vector<16xf32> to vector<16xf32>
      %swap3A_2011 = vector.shape_cast %sub3A_2007 : vector<16xf32> to vector<16xf32>
      tpu.vector_store %arg16[%swap3A_2008], %swap3A_2011 {strides = array<i32>} : memref<1024xf32, #tpu.memory_space<vmem>>, vector<16xf32>,
      %get3A_2012 = arith.constant 944 : index
      %get3A_2013 = tpu.vector_load %arg17[%get3A_2012] {strides = array<i32>} : memref<1024xf32, #tpu.memory_space<vmem>>, vector<16xf32>,
      %get3A_2014 = vector.shape_cast %get3A_2013 : vector<16xf32> to vector<16xf32>
      %get3A_2015 = arith.constant 944 : index
      %get3A_2016 = tpu.vector_load %arg14[%get3A_2015] {strides = array<i32>} : memref<1024xf32, #tpu.memory_space<vmem>>, vector<16xf32>,
      %get3A_2017 = vector.shape_cast %get3A_2016 : vector<16xf32> to vector<16xf32>
      %sub3A_2018 = arith.subf %get3A_2014, %get3A_2017 : vector<16xf32>
      %swap3A_2019 = arith.constant 944 : index
      %swap3A_2020 = tpu.vector_load %arg17[%swap3A_2019] {strides = array<i32>} : memref<1024xf32, #tpu.memory_space<vmem>>, vector<16xf32>,
      %swap3A_2021 = vector.shape_cast %swap3A_2020 : vector<16xf32> to vector<16xf32>
      %swap3A_2022 = vector.shape_cast %sub3A_2018 : vector<16xf32> to vector<16xf32>
      tpu.vector_store %arg17[%swap3A_2019], %swap3A_2022 {strides = array<i32>} : memref<1024xf32, #tpu.memory_space<vmem>>, vector<16xf32>,
      %get3A_2023 = arith.constant 960 : index
      %get3A_2024 = tpu.vector_load %arg15[%get3A_2023] {strides = array<i32>} : memref<1024xf32, #tpu.memory_space<vmem>>, vector<16xf32>,
      %get3A_2025 = vector.shape_cast %get3A_2024 : vector<16xf32> to vector<16xf32>
      %get3A_2026 = arith.constant 960 : index
      %get3A_2027 = tpu.vector_load %arg12[%get3A_2026] {strides = array<i32>} : memref<1024xf32, #tpu.memory_space<vmem>>, vector<16xf32>,
      %get3A_2028 = vector.shape_cast %get3A_2027 : vector<16xf32> to vector<16xf32>
      %sub3A_2029 = arith.subf %get3A_2025, %get3A_2028 : vector<16xf32>
      %swap3A_2030 = arith.constant 960 : index
      %swap3A_2031 = tpu.vector_load %arg15[%swap3A_2030] {strides = array<i32>} : memref<1024xf32, #tpu.memory_space<vmem>>, vector<16xf32>,
      %swap3A_2032 = vector.shape_cast %swap3A_2031 : vector<16xf32> to vector<16xf32>
      %swap3A_2033 = vector.shape_cast %sub3A_2029 : vector<16xf32> to vector<16xf32>
      tpu.vector_store %arg15[%swap3A_2030], %swap3A_2033 {strides = array<i32>} : memref<1024xf32, #tpu.memory_space<vmem>>, vector<16xf32>,
      %get3A_2034 = arith.constant 960 : index
      %get3A_2035 = tpu.vector_load %arg16[%get3A_2034] {strides = array<i32>} : memref<1024xf32, #tpu.memory_space<vmem>>, vector<16xf32>,
      %get3A_2036 = vector.shape_cast %get3A_2035 : vector<16xf32> to vector<16xf32>
      %get3A_2037 = arith.constant 960 : index
      %get3A_2038 = tpu.vector_load %arg13[%get3A_2037] {strides = array<i32>} : memref<1024xf32, #tpu.memory_space<vmem>>, vector<16xf32>,
      %get3A_2039 = vector.shape_cast %get3A_2038 : vector<16xf32> to vector<16xf32>
      %sub3A_2040 = arith.subf %get3A_2036, %get3A_2039 : vector<16xf32>
      %swap3A_2041 = arith.constant 960 : index
      %swap3A_2042 = tpu.vector_load %arg16[%swap3A_2041] {strides = array<i32>} : memref<1024xf32, #tpu.memory_space<vmem>>, vector<16xf32>,
      %swap3A_2043 = vector.shape_cast %swap3A_2042 : vector<16xf32> to vector<16xf32>
      %swap3A_2044 = vector.shape_cast %sub3A_2040 : vector<16xf32> to vector<16xf32>
      tpu.vector_store %arg16[%swap3A_2041], %swap3A_2044 {strides = array<i32>} : memref<1024xf32, #tpu.memory_space<vmem>>, vector<16xf32>,
      %get3A_2045 = arith.constant 960 : index
      %get3A_2046 = tpu.vector_load %arg17[%get3A_2045] {strides = array<i32>} : memref<1024xf32, #tpu.memory_space<vmem>>, vector<16xf32>,
      %get3A_2047 = vector.shape_cast %get3A_2046 : vector<16xf32> to vector<16xf32>
      %get3A_2048 = arith.constant 960 : index
      %get3A_2049 = tpu.vector_load %arg14[%get3A_2048] {strides = array<i32>} : memref<1024xf32, #tpu.memory_space<vmem>>, vector<16xf32>,
      %get3A_2050 = vector.shape_cast %get3A_2049 : vector<16xf32> to vector<16xf32>
      %sub3A_2051 = arith.subf %get3A_2047, %get3A_2050 : vector<16xf32>
      %swap3A_2052 = arith.constant 960 : index
      %swap3A_2053 = tpu.vector_load %arg17[%swap3A_2052] {strides = array<i32>} : memref<1024xf32, #tpu.memory_space<vmem>>, vector<16xf32>,
      %swap3A_2054 = vector.shape_cast %swap3A_2053 : vector<16xf32> to vector<16xf32>
      %swap3A_2055 = vector.shape_cast %sub3A_2051 : vector<16xf32> to vector<16xf32>
      tpu.vector_store %arg17[%swap3A_2052], %swap3A_2055 {strides = array<i32>} : memref<1024xf32, #tpu.memory_space<vmem>>, vector<16xf32>,
      %get3A_2056 = arith.constant 976 : index
      %get3A_2057 = tpu.vector_load %arg15[%get3A_2056] {strides = array<i32>} : memref<1024xf32, #tpu.memory_space<vmem>>, vector<16xf32>,
      %get3A_2058 = vector.shape_cast %get3A_2057 : vector<16xf32> to vector<16xf32>
      %get3A_2059 = arith.constant 976 : index
      %get3A_2060 = tpu.vector_load %arg12[%get3A_2059] {strides = array<i32>} : memref<1024xf32, #tpu.memory_space<vmem>>, vector<16xf32>,
      %get3A_2061 = vector.shape_cast %get3A_2060 : vector<16xf32> to vector<16xf32>
      %sub3A_2062 = arith.subf %get3A_2058, %get3A_2061 : vector<16xf32>
      %swap3A_2063 = arith.constant 976 : index
      %swap3A_2064 = tpu.vector_load %arg15[%swap3A_2063] {strides = array<i32>} : memref<1024xf32, #tpu.memory_space<vmem>>, vector<16xf32>,
      %swap3A_2065 = vector.shape_cast %swap3A_2064 : vector<16xf32> to vector<16xf32>
      %swap3A_2066 = vector.shape_cast %sub3A_2062 : vector<16xf32> to vector<16xf32>
      tpu.vector_store %arg15[%swap3A_2063], %swap3A_2066 {strides = array<i32>} : memref<1024xf32, #tpu.memory_space<vmem>>, vector<16xf32>,
      %get3A_2067 = arith.constant 976 : index
      %get3A_2068 = tpu.vector_load %arg16[%get3A_2067] {strides = array<i32>} : memref<1024xf32, #tpu.memory_space<vmem>>, vector<16xf32>,
      %get3A_2069 = vector.shape_cast %get3A_2068 : vector<16xf32> to vector<16xf32>
      %get3A_2070 = arith.constant 976 : index
      %get3A_2071 = tpu.vector_load %arg13[%get3A_2070] {strides = array<i32>} : memref<1024xf32, #tpu.memory_space<vmem>>, vector<16xf32>,
      %get3A_2072 = vector.shape_cast %get3A_2071 : vector<16xf32> to vector<16xf32>
      %sub3A_2073 = arith.subf %get3A_2069, %get3A_2072 : vector<16xf32>
      %swap3A_2074 = arith.constant 976 : index
      %swap3A_2075 = tpu.vector_load %arg16[%swap3A_2074] {strides = array<i32>} : memref<1024xf32, #tpu.memory_space<vmem>>, vector<16xf32>,
      %swap3A_2076 = vector.shape_cast %swap3A_2075 : vector<16xf32> to vector<16xf32>
      %swap3A_2077 = vector.shape_cast %sub3A_2073 : vector<16xf32> to vector<16xf32>
      tpu.vector_store %arg16[%swap3A_2074], %swap3A_2077 {strides = array<i32>} : memref<1024xf32, #tpu.memory_space<vmem>>, vector<16xf32>,
      %get3A_2078 = arith.constant 976 : index
      %get3A_2079 = tpu.vector_load %arg17[%get3A_2078] {strides = array<i32>} : memref<1024xf32, #tpu.memory_space<vmem>>, vector<16xf32>,
      %get3A_2080 = vector.shape_cast %get3A_2079 : vector<16xf32> to vector<16xf32>
      %get3A_2081 = arith.constant 976 : index
      %get3A_2082 = tpu.vector_load %arg14[%get3A_2081] {strides = array<i32>} : memref<1024xf32, #tpu.memory_space<vmem>>, vector<16xf32>,
      %get3A_2083 = vector.shape_cast %get3A_2082 : vector<16xf32> to vector<16xf32>
      %sub3A_2084 = arith.subf %get3A_2080, %get3A_2083 : vector<16xf32>
      %swap3A_2085 = arith.constant 976 : index
      %swap3A_2086 = tpu.vector_load %arg17[%swap3A_2085] {strides = array<i32>} : memref<1024xf32, #tpu.memory_space<vmem>>, vector<16xf32>,
      %swap3A_2087 = vector.shape_cast %swap3A_2086 : vector<16xf32> to vector<16xf32>
      %swap3A_2088 = vector.shape_cast %sub3A_2084 : vector<16xf32> to vector<16xf32>
      tpu.vector_store %arg17[%swap3A_2085], %swap3A_2088 {strides = array<i32>} : memref<1024xf32, #tpu.memory_space<vmem>>, vector<16xf32>,
      %get3A_2089 = arith.constant 992 : index
      %get3A_2090 = tpu.vector_load %arg15[%get3A_2089] {strides = array<i32>} : memref<1024xf32, #tpu.memory_space<vmem>>, vector<16xf32>,
      %get3A_2091 = vector.shape_cast %get3A_2090 : vector<16xf32> to vector<16xf32>
      %get3A_2092 = arith.constant 992 : index
      %get3A_2093 = tpu.vector_load %arg12[%get3A_2092] {strides = array<i32>} : memref<1024xf32, #tpu.memory_space<vmem>>, vector<16xf32>,
      %get3A_2094 = vector.shape_cast %get3A_2093 : vector<16xf32> to vector<16xf32>
      %sub3A_2095 = arith.subf %get3A_2091, %get3A_2094 : vector<16xf32>
      %swap3A_2096 = arith.constant 992 : index
      %swap3A_2097 = tpu.vector_load %arg15[%swap3A_2096] {strides = array<i32>} : memref<1024xf32, #tpu.memory_space<vmem>>, vector<16xf32>,
      %swap3A_2098 = vector.shape_cast %swap3A_2097 : vector<16xf32> to vector<16xf32>
      %swap3A_2099 = vector.shape_cast %sub3A_2095 : vector<16xf32> to vector<16xf32>
      tpu.vector_store %arg15[%swap3A_2096], %swap3A_2099 {strides = array<i32>} : memref<1024xf32, #tpu.memory_space<vmem>>, vector<16xf32>,
      %get3A_2100 = arith.constant 992 : index
      %get3A_2101 = tpu.vector_load %arg16[%get3A_2100] {strides = array<i32>} : memref<1024xf32, #tpu.memory_space<vmem>>, vector<16xf32>,
      %get3A_2102 = vector.shape_cast %get3A_2101 : vector<16xf32> to vector<16xf32>
      %get3A_2103 = arith.constant 992 : index
      %get3A_2104 = tpu.vector_load %arg13[%get3A_2103] {strides = array<i32>} : memref<1024xf32, #tpu.memory_space<vmem>>, vector<16xf32>,
      %get3A_2105 = vector.shape_cast %get3A_2104 : vector<16xf32> to vector<16xf32>
      %sub3A_2106 = arith.subf %get3A_2102, %get3A_2105 : vector<16xf32>
      %swap3A_2107 = arith.constant 992 : index
      %swap3A_2108 = tpu.vector_load %arg16[%swap3A_2107] {strides = array<i32>} : memref<1024xf32, #tpu.memory_space<vmem>>, vector<16xf32>,
      %swap3A_2109 = vector.shape_cast %swap3A_2108 : vector<16xf32> to vector<16xf32>
      %swap3A_2110 = vector.shape_cast %sub3A_2106 : vector<16xf32> to vector<16xf32>
      tpu.vector_store %arg16[%swap3A_2107], %swap3A_2110 {strides = array<i32>} : memref<1024xf32, #tpu.memory_space<vmem>>, vector<16xf32>,
      %get3A_2111 = arith.constant 992 : index
      %get3A_2112 = tpu.vector_load %arg17[%get3A_2111] {strides = array<i32>} : memref<1024xf32, #tpu.memory_space<vmem>>, vector<16xf32>,
      %get3A_2113 = vector.shape_cast %get3A_2112 : vector<16xf32> to vector<16xf32>
      %get3A_2114 = arith.constant 992 : index
      %get3A_2115 = tpu.vector_load %arg14[%get3A_2114] {strides = array<i32>} : memref<1024xf32, #tpu.memory_space<vmem>>, vector<16xf32>,
      %get3A_2116 = vector.shape_cast %get3A_2115 : vector<16xf32> to vector<16xf32>
      %sub3A_2117 = arith.subf %get3A_2113, %get3A_2116 : vector<16xf32>
      %swap3A_2118 = arith.constant 992 : index
      %swap3A_2119 = tpu.vector_load %arg17[%swap3A_2118] {strides = array<i32>} : memref<1024xf32, #tpu.memory_space<vmem>>, vector<16xf32>,
      %swap3A_2120 = vector.shape_cast %swap3A_2119 : vector<16xf32> to vector<16xf32>
      %swap3A_2121 = vector.shape_cast %sub3A_2117 : vector<16xf32> to vector<16xf32>
      tpu.vector_store %arg17[%swap3A_2118], %swap3A_2121 {strides = array<i32>} : memref<1024xf32, #tpu.memory_space<vmem>>, vector<16xf32>,
      %get3A_2122 = arith.constant 1008 : index
      %get3A_2123 = tpu.vector_load %arg15[%get3A_2122] {strides = array<i32>} : memref<1024xf32, #tpu.memory_space<vmem>>, vector<16xf32>,
      %get3A_2124 = vector.shape_cast %get3A_2123 : vector<16xf32> to vector<16xf32>
      %get3A_2125 = arith.constant 1008 : index
      %get3A_2126 = tpu.vector_load %arg12[%get3A_2125] {strides = array<i32>} : memref<1024xf32, #tpu.memory_space<vmem>>, vector<16xf32>,
      %get3A_2127 = vector.shape_cast %get3A_2126 : vector<16xf32> to vector<16xf32>
      %sub3A_2128 = arith.subf %get3A_2124, %get3A_2127 : vector<16xf32>
      %swap3A_2129 = arith.constant 1008 : index
      %swap3A_2130 = tpu.vector_load %arg15[%swap3A_2129] {strides = array<i32>} : memref<1024xf32, #tpu.memory_space<vmem>>, vector<16xf32>,
      %swap3A_2131 = vector.shape_cast %swap3A_2130 : vector<16xf32> to vector<16xf32>
      %swap3A_2132 = vector.shape_cast %sub3A_2128 : vector<16xf32> to vector<16xf32>
      tpu.vector_store %arg15[%swap3A_2129], %swap3A_2132 {strides = array<i32>} : memref<1024xf32, #tpu.memory_space<vmem>>, vector<16xf32>,
      %get3A_2133 = arith.constant 1008 : index
      %get3A_2134 = tpu.vector_load %arg16[%get3A_2133] {strides = array<i32>} : memref<1024xf32, #tpu.memory_space<vmem>>, vector<16xf32>,
      %get3A_2135 = vector.shape_cast %get3A_2134 : vector<16xf32> to vector<16xf32>
      %get3A_2136 = arith.constant 1008 : index
      %get3A_2137 = tpu.vector_load %arg13[%get3A_2136] {strides = array<i32>} : memref<1024xf32, #tpu.memory_space<vmem>>, vector<16xf32>,
      %get3A_2138 = vector.shape_cast %get3A_2137 : vector<16xf32> to vector<16xf32>
      %sub3A_2139 = arith.subf %get3A_2135, %get3A_2138 : vector<16xf32>
      %swap3A_2140 = arith.constant 1008 : index
      %swap3A_2141 = tpu.vector_load %arg16[%swap3A_2140] {strides = array<i32>} : memref<1024xf32, #tpu.memory_space<vmem>>, vector<16xf32>,
      %swap3A_2142 = vector.shape_cast %swap3A_2141 : vector<16xf32> to vector<16xf32>
      %swap3A_2143 = vector.shape_cast %sub3A_2139 : vector<16xf32> to vector<16xf32>
      tpu.vector_store %arg16[%swap3A_2140], %swap3A_2143 {strides = array<i32>} : memref<1024xf32, #tpu.memory_space<vmem>>, vector<16xf32>,
      %get3A_2144 = arith.constant 1008 : index
      %get3A_2145 = tpu.vector_load %arg17[%get3A_2144] {strides = array<i32>} : memref<1024xf32, #tpu.memory_space<vmem>>, vector<16xf32>,
      %get3A_2146 = vector.shape_cast %get3A_2145 : vector<16xf32> to vector<16xf32>
      %get3A_2147 = arith.constant 1008 : index
      %get3A_2148 = tpu.vector_load %arg14[%get3A_2147] {strides = array<i32>} : memref<1024xf32, #tpu.memory_space<vmem>>, vector<16xf32>,
      %get3A_2149 = vector.shape_cast %get3A_2148 : vector<16xf32> to vector<16xf32>
      %sub3A_2150 = arith.subf %get3A_2146, %get3A_2149 : vector<16xf32>
      %swap3A_2151 = arith.constant 1008 : index
      %swap3A_2152 = tpu.vector_load %arg17[%swap3A_2151] {strides = array<i32>} : memref<1024xf32, #tpu.memory_space<vmem>>, vector<16xf32>,
      %swap3A_2153 = vector.shape_cast %swap3A_2152 : vector<16xf32> to vector<16xf32>
      %swap3A_2154 = vector.shape_cast %sub3A_2150 : vector<16xf32> to vector<16xf32>
      tpu.vector_store %arg17[%swap3A_2151], %swap3A_2154 {strides = array<i32>} : memref<1024xf32, #tpu.memory_space<vmem>>, vector<16xf32>,
      "tpu.region"() ({
        %run_scoped3A = tpu.sem_alloc : memref<!tpu.dma_semaphore, #tpu.memory_space<semaphore_mem>>
        %dma_start3A_2155 = tpu.memref_slice %arg7[%mul3A_23] : memref<819200xf32, #tpu.memory_space<hbm>> -> memref<1024xf32, #tpu.memory_space<hbm>>
        %dma_start3A_2156 = tpu.memref_slice %arg7[%mul3A_23] : memref<819200xf32, #tpu.memory_space<hbm>> -> memref<1024xf32, #tpu.memory_space<hbm>>
        tpu.enqueue_dma source(%arg15 : memref<1024xf32, #tpu.memory_space<vmem>>) target(%dma_start3A_2156 : memref<1024xf32, #tpu.memory_space<hbm>>) target_semaphore(%run_scoped3A : memref<!tpu.dma_semaphore, #tpu.memory_space<semaphore_mem>>)
        %dma_wait3A_2157 = tpu.memref_slice %arg7[%mul3A_23] : memref<819200xf32, #tpu.memory_space<hbm>> -> memref<1024xf32, #tpu.memory_space<hbm>>
        %dma_wait3A_2158 = tpu.memref_slice %arg7[%mul3A_23] : memref<819200xf32, #tpu.memory_space<hbm>> -> memref<1024xf32, #tpu.memory_space<hbm>>
        tpu.wait_dma2 semaphore(%run_scoped3A : memref<!tpu.dma_semaphore, #tpu.memory_space<semaphore_mem>>) src(%arg15 : memref<1024xf32, #tpu.memory_space<vmem>>) dst(%dma_wait3A_2158 : memref<1024xf32, #tpu.memory_space<hbm>>)
        tpu.yield
      }) : () -> ()
      "tpu.region"() ({
        %run_scoped3A = tpu.sem_alloc : memref<!tpu.dma_semaphore, #tpu.memory_space<semaphore_mem>>
        %dma_start3A_2155 = tpu.memref_slice %arg8[%mul3A_23] : memref<819200xf32, #tpu.memory_space<hbm>> -> memref<1024xf32, #tpu.memory_space<hbm>>
        %dma_start3A_2156 = tpu.memref_slice %arg8[%mul3A_23] : memref<819200xf32, #tpu.memory_space<hbm>> -> memref<1024xf32, #tpu.memory_space<hbm>>
        tpu.enqueue_dma source(%arg16 : memref<1024xf32, #tpu.memory_space<vmem>>) target(%dma_start3A_2156 : memref<1024xf32, #tpu.memory_space<hbm>>) target_semaphore(%run_scoped3A : memref<!tpu.dma_semaphore, #tpu.memory_space<semaphore_mem>>)
        %dma_wait3A_2157 = tpu.memref_slice %arg8[%mul3A_23] : memref<819200xf32, #tpu.memory_space<hbm>> -> memref<1024xf32, #tpu.memory_space<hbm>>
        %dma_wait3A_2158 = tpu.memref_slice %arg8[%mul3A_23] : memref<819200xf32, #tpu.memory_space<hbm>> -> memref<1024xf32, #tpu.memory_space<hbm>>
        tpu.wait_dma2 semaphore(%run_scoped3A : memref<!tpu.dma_semaphore, #tpu.memory_space<semaphore_mem>>) src(%arg16 : memref<1024xf32, #tpu.memory_space<vmem>>) dst(%dma_wait3A_2158 : memref<1024xf32, #tpu.memory_space<hbm>>)
        tpu.yield
      }) : () -> ()
      "tpu.region"() ({
        %run_scoped3A = tpu.sem_alloc : memref<!tpu.dma_semaphore, #tpu.memory_space<semaphore_mem>>
        %dma_start3A_2155 = tpu.memref_slice %arg9[%mul3A_23] : memref<819200xf32, #tpu.memory_space<hbm>> -> memref<1024xf32, #tpu.memory_space<hbm>>
        %dma_start3A_2156 = tpu.memref_slice %arg9[%mul3A_23] : memref<819200xf32, #tpu.memory_space<hbm>> -> memref<1024xf32, #tpu.memory_space<hbm>>
        tpu.enqueue_dma source(%arg17 : memref<1024xf32, #tpu.memory_space<vmem>>) target(%dma_start3A_2156 : memref<1024xf32, #tpu.memory_space<hbm>>) target_semaphore(%run_scoped3A : memref<!tpu.dma_semaphore, #tpu.memory_space<semaphore_mem>>)
        %dma_wait3A_2157 = tpu.memref_slice %arg9[%mul3A_23] : memref<819200xf32, #tpu.memory_space<hbm>> -> memref<1024xf32, #tpu.memory_space<hbm>>
        %dma_wait3A_2158 = tpu.memref_slice %arg9[%mul3A_23] : memref<819200xf32, #tpu.memory_space<hbm>> -> memref<1024xf32, #tpu.memory_space<hbm>>
        tpu.wait_dma2 semaphore(%run_scoped3A : memref<!tpu.dma_semaphore, #tpu.memory_space<semaphore_mem>>) src(%arg17 : memref<1024xf32, #tpu.memory_space<vmem>>) dst(%dma_wait3A_2158 : memref<1024xf32, #tpu.memory_space<hbm>>)
        tpu.yield
      }) : () -> ()
    }
    %scan3A_17 = arith.constant 25 : i32
    return
  }
}

#map = affine_map<(d0, d1) -> (0, 0, 0)>
#map1 = affine_map<(d0, d1) -> (0)>
module attributes {stable_mosaic.version = 14 : i64} {
  func.func @k(%arg0: i32, %arg1: i32, %arg2: memref<33x1x819200xf32, #tpu.memory_space<hbm>>, %arg3: memref<819200xi32, #tpu.memory_space<hbm>>, %arg4: memref<24x1x50048xf32, #tpu.memory_space<hbm>>, %arg5: memref<96x1x50048xf32, #tpu.memory_space<hbm>>, %arg6: memref<2048xi32, #tpu.memory_space<vmem>>, %arg7: memref<17x1x2048xf32, #tpu.memory_space<vmem>>, %arg8: memref<24x1x50048xf32, #tpu.memory_space<vmem_shared>>, %arg9: memref<!tpu.dma_semaphore, #tpu.memory_space<semaphore_mem>>) attributes {dimension_semantics = [#tpu.dimension_semantics<core_parallel>, #tpu.dimension_semantics<subcore_parallel>], iteration_bounds = array<i64: 2, 16>, scalar_prefetch = 0 : i64, scratch_operands = 4 : i64, tpu.core_type = #tpu.core_type<sc_vector_subcore>, window_params = [{transform_indices = #map}, {transform_indices = #map1}, {transform_indices = #map}, {transform_indices = #map}]} {
    %mul3A = arith.constant 2 : i32
    %mul3A_0 = arith.muli %arg1, %mul3A : i32
    %add3A = arith.addi %mul3A_0, %arg0 : i32
    %lt3A = arith.constant 3 : i32
    %lt3A_1 = arith.cmpi slt, %arg1, %lt3A : i32
    %convert_element_type3A = arith.extui %lt3A_1 : i1 to i32
    %cond3A = arith.constant 0 : i32
    %cond3A_2 = arith.cmpi ne, %convert_element_type3A, %cond3A : i32
    scf.if %cond3A_2 {
      %mul3A_34 = arith.constant 8 : i32
      %mul3A_35 = arith.muli %arg1, %mul3A_34 : i32
      %mul3A_36 = arith.constant 8 : i32
      %mul3A_37 = arith.muli %arg1, %mul3A_36 : i32
      "tpu.region"() ({
        %run_scoped3A = tpu.sem_alloc : memref<!tpu.dma_semaphore, #tpu.memory_space<semaphore_mem>>
        %dma_start3A = arith.constant 0 : i32
        %dma_start3A_38 = arith.constant 0 : i32
        %dma_start3A_39 = tpu.memref_slice %arg8[%mul3A_37, %dma_start3A, %dma_start3A_38] : memref<24x1x50048xf32, #tpu.memory_space<vmem_shared>> -> memref<8x1x50048xf32, #tpu.memory_space<vmem_shared>>
        %dma_start3A_40 = arith.constant 0 : i32
        %dma_start3A_41 = arith.constant 0 : i32
        %dma_start3A_42 = tpu.memref_slice %arg4[%mul3A_35, %dma_start3A_40, %dma_start3A_41] : memref<24x1x50048xf32, #tpu.memory_space<hbm>> -> memref<8x1x50048xf32, #tpu.memory_space<hbm>>
        tpu.enqueue_dma source(%dma_start3A_42 : memref<8x1x50048xf32, #tpu.memory_space<hbm>>) target(%dma_start3A_39 : memref<8x1x50048xf32, #tpu.memory_space<vmem_shared>>) target_semaphore(%run_scoped3A : memref<!tpu.dma_semaphore, #tpu.memory_space<semaphore_mem>>)
        %dma_wait3A = arith.constant 0 : i32
        %dma_wait3A_43 = arith.constant 0 : i32
        %dma_wait3A_44 = tpu.memref_slice %arg8[%mul3A_37, %dma_wait3A, %dma_wait3A_43] : memref<24x1x50048xf32, #tpu.memory_space<vmem_shared>> -> memref<8x1x50048xf32, #tpu.memory_space<vmem_shared>>
        %dma_wait3A_45 = arith.constant 0 : i32
        %dma_wait3A_46 = arith.constant 0 : i32
        %dma_wait3A_47 = tpu.memref_slice %arg4[%mul3A_35, %dma_wait3A_45, %dma_wait3A_46] : memref<24x1x50048xf32, #tpu.memory_space<hbm>> -> memref<8x1x50048xf32, #tpu.memory_space<hbm>>
        tpu.wait_dma2 semaphore(%run_scoped3A : memref<!tpu.dma_semaphore, #tpu.memory_space<semaphore_mem>>) src(%dma_wait3A_47 : memref<8x1x50048xf32, #tpu.memory_space<hbm>>) dst(%dma_wait3A_44 : memref<8x1x50048xf32, #tpu.memory_space<vmem_shared>>)
        tpu.yield
      }) : () -> ()
    } else {
    }
    %barrier3A = arith.constant 0 : index
    tpu.barrier barrier_id(%barrier3A)
    %scan3A = arith.constant 0 : i32
    %scan3A_3 = arith.constant 0 : i32
    %scan3A_4 = arith.constant 13 : i32
    %scan3A_5 = arith.addi %scan3A_3, %scan3A_4 : i32
    %scan3A_6 = arith.constant 1 : i32
    scf.for %scan3A_34 = %scan3A_3 to %scan3A_5 step %scan3A_6  : i32 {
      %mul3A_35 = arith.constant 32 : i32
      %mul3A_36 = arith.muli %scan3A_34, %mul3A_35 : i32
      %add3A_37 = arith.addi %add3A, %mul3A_36 : i32
      %lt3A_38 = arith.constant 400 : i32
      %lt3A_39 = arith.cmpi slt, %add3A_37, %lt3A_38 : i32
      %convert_element_type3A_40 = arith.extui %lt3A_39 : i1 to i32
      %cond3A_41 = arith.constant 0 : i32
      %cond3A_42 = arith.cmpi ne, %convert_element_type3A_40, %cond3A_41 : i32
      scf.if %cond3A_42 {
        %mul3A_43 = arith.constant 2048 : i32
        %mul3A_44 = arith.muli %add3A_37, %mul3A_43 : i32
        "tpu.region"() ({
          %run_scoped3A = tpu.sem_alloc : memref<!tpu.dma_semaphore, #tpu.memory_space<semaphore_mem>>
          %dma_start3A_429 = tpu.memref_slice %arg3[%mul3A_44] : memref<819200xi32, #tpu.memory_space<hbm>> -> memref<2048xi32, #tpu.memory_space<hbm>>
          %dma_start3A_430 = tpu.memref_slice %arg3[%mul3A_44] : memref<819200xi32, #tpu.memory_space<hbm>> -> memref<2048xi32, #tpu.memory_space<hbm>>
          tpu.enqueue_dma source(%dma_start3A_430 : memref<2048xi32, #tpu.memory_space<hbm>>) target(%arg6 : memref<2048xi32, #tpu.memory_space<vmem>>) target_semaphore(%run_scoped3A : memref<!tpu.dma_semaphore, #tpu.memory_space<semaphore_mem>>)
          %dma_wait3A_431 = tpu.memref_slice %arg3[%mul3A_44] : memref<819200xi32, #tpu.memory_space<hbm>> -> memref<2048xi32, #tpu.memory_space<hbm>>
          %dma_wait3A_432 = tpu.memref_slice %arg3[%mul3A_44] : memref<819200xi32, #tpu.memory_space<hbm>> -> memref<2048xi32, #tpu.memory_space<hbm>>
          tpu.wait_dma2 semaphore(%run_scoped3A : memref<!tpu.dma_semaphore, #tpu.memory_space<semaphore_mem>>) src(%dma_wait3A_432 : memref<2048xi32, #tpu.memory_space<hbm>>) dst(%arg6 : memref<2048xi32, #tpu.memory_space<vmem>>)
          tpu.yield
        }) : () -> ()
        %mul3A_45 = arith.constant 2048 : i32
        %mul3A_46 = arith.muli %add3A_37, %mul3A_45 : i32
        "tpu.region"() ({
          %run_scoped3A = tpu.sem_alloc : memref<!tpu.dma_semaphore, #tpu.memory_space<semaphore_mem>>
          %dma_start3A_429 = arith.constant 0 : i32
          %dma_start3A_430 = arith.constant 0 : i32
          %dma_start3A_431 = arith.constant 0 : i32
          %dma_start3A_432 = tpu.memref_slice %arg7[%dma_start3A_429, %dma_start3A_430, %dma_start3A_431] : memref<17x1x2048xf32, #tpu.memory_space<vmem>> -> memref<16x1x2048xf32, #tpu.memory_space<vmem>>
          %dma_start3A_433 = arith.constant 0 : i32
          %dma_start3A_434 = arith.constant 0 : i32
          %dma_start3A_435 = tpu.memref_slice %arg2[%dma_start3A_433, %dma_start3A_434, %mul3A_46] : memref<33x1x819200xf32, #tpu.memory_space<hbm>> -> memref<16x1x2048xf32, #tpu.memory_space<hbm>>
          %dma_start3A_436 = arith.constant 0 : i32
          %dma_start3A_437 = arith.constant 0 : i32
          %dma_start3A_438 = arith.constant 0 : i32
          %dma_start3A_439 = tpu.memref_slice %arg7[%dma_start3A_436, %dma_start3A_437, %dma_start3A_438] : memref<17x1x2048xf32, #tpu.memory_space<vmem>> -> memref<16x1x2048xf32, #tpu.memory_space<vmem>>
          %dma_start3A_440 = arith.constant 0 : i32
          %dma_start3A_441 = arith.constant 0 : i32
          %dma_start3A_442 = tpu.memref_slice %arg2[%dma_start3A_440, %dma_start3A_441, %mul3A_46] : memref<33x1x819200xf32, #tpu.memory_space<hbm>> -> memref<16x1x2048xf32, #tpu.memory_space<hbm>>
          tpu.enqueue_dma source(%dma_start3A_442 : memref<16x1x2048xf32, #tpu.memory_space<hbm>>) target(%dma_start3A_439 : memref<16x1x2048xf32, #tpu.memory_space<vmem>>) target_semaphore(%run_scoped3A : memref<!tpu.dma_semaphore, #tpu.memory_space<semaphore_mem>>)
          %dma_wait3A_443 = arith.constant 0 : i32
          %dma_wait3A_444 = arith.constant 0 : i32
          %dma_wait3A_445 = arith.constant 0 : i32
          %dma_wait3A_446 = tpu.memref_slice %arg7[%dma_wait3A_443, %dma_wait3A_444, %dma_wait3A_445] : memref<17x1x2048xf32, #tpu.memory_space<vmem>> -> memref<16x1x2048xf32, #tpu.memory_space<vmem>>
          %dma_wait3A_447 = arith.constant 0 : i32
          %dma_wait3A_448 = arith.constant 0 : i32
          %dma_wait3A_449 = tpu.memref_slice %arg2[%dma_wait3A_447, %dma_wait3A_448, %mul3A_46] : memref<33x1x819200xf32, #tpu.memory_space<hbm>> -> memref<16x1x2048xf32, #tpu.memory_space<hbm>>
          %dma_wait3A_450 = arith.constant 0 : i32
          %dma_wait3A_451 = arith.constant 0 : i32
          %dma_wait3A_452 = arith.constant 0 : i32
          %dma_wait3A_453 = tpu.memref_slice %arg7[%dma_wait3A_450, %dma_wait3A_451, %dma_wait3A_452] : memref<17x1x2048xf32, #tpu.memory_space<vmem>> -> memref<16x1x2048xf32, #tpu.memory_space<vmem>>
          %dma_wait3A_454 = arith.constant 0 : i32
          %dma_wait3A_455 = arith.constant 0 : i32
          %dma_wait3A_456 = tpu.memref_slice %arg2[%dma_wait3A_454, %dma_wait3A_455, %mul3A_46] : memref<33x1x819200xf32, #tpu.memory_space<hbm>> -> memref<16x1x2048xf32, #tpu.memory_space<hbm>>
          tpu.wait_dma2 semaphore(%run_scoped3A : memref<!tpu.dma_semaphore, #tpu.memory_space<semaphore_mem>>) src(%dma_wait3A_456 : memref<16x1x2048xf32, #tpu.memory_space<hbm>>) dst(%dma_wait3A_453 : memref<16x1x2048xf32, #tpu.memory_space<vmem>>)
          tpu.yield
        }) : () -> ()
        %dma_start3A = arith.constant 0 : i32
        %dma_start3A_47 = arith.constant 0 : i32
        %dma_start3A_48 = arith.constant 0 : i32
        %dma_start3A_49 = arith.constant 0 : i32
        %dma_start3A_50 = arith.constant 0 : i32
        %dma_start3A_51 = tpu.memref_slice %arg7[%dma_start3A, %dma_start3A_47, %dma_start3A_50] : memref<17x1x2048xf32, #tpu.memory_space<vmem>> -> memref<1x1x2048xf32, #tpu.memory_space<vmem>>
        %dma_start3A_52 = tpu.memref_squeeze %dma_start3A_51 : memref<1x1x2048xf32, #tpu.memory_space<vmem>> -> memref<2048xf32, #tpu.memory_space<vmem>>
        %dma_start3A_53 = arith.constant 0 : i32
        %dma_start3A_54 = tpu.memref_slice %arg8[%dma_start3A_48, %dma_start3A_49, %dma_start3A_53] : memref<24x1x50048xf32, #tpu.memory_space<vmem_shared>> -> memref<1x1x50048xf32, #tpu.memory_space<vmem_shared>>
        %dma_start3A_55 = tpu.memref_squeeze %dma_start3A_54 : memref<1x1x50048xf32, #tpu.memory_space<vmem_shared>> -> memref<50048xf32, #tpu.memory_space<vmem_shared>>
        %dma_start3A_56 = arith.constant 0 : i32
        %dma_start3A_57 = tpu.memref_slice %dma_start3A_55[%dma_start3A_56] : memref<50048xf32, #tpu.memory_space<vmem_shared>> -> memref<50048xf32, #tpu.memory_space<vmem_shared>>
        tpu.enqueue_indirect_dma source(%dma_start3A_52 : memref<2048xf32, #tpu.memory_space<vmem>>) target(%dma_start3A_57 : memref<50048xf32, #tpu.memory_space<vmem_shared>>) offsets(%arg6 : memref<2048xi32, #tpu.memory_space<vmem>>) semaphore(%arg9 : memref<!tpu.dma_semaphore, #tpu.memory_space<semaphore_mem>>) {add = true}
        %dma_start3A_58 = arith.constant 1 : i32
        %dma_start3A_59 = arith.constant 0 : i32
        %dma_start3A_60 = arith.constant 1 : i32
        %dma_start3A_61 = arith.constant 0 : i32
        %dma_start3A_62 = arith.constant 0 : i32
        %dma_start3A_63 = tpu.memref_slice %arg7[%dma_start3A_58, %dma_start3A_59, %dma_start3A_62] : memref<17x1x2048xf32, #tpu.memory_space<vmem>> -> memref<1x1x2048xf32, #tpu.memory_space<vmem>>
        %dma_start3A_64 = tpu.memref_squeeze %dma_start3A_63 : memref<1x1x2048xf32, #tpu.memory_space<vmem>> -> memref<2048xf32, #tpu.memory_space<vmem>>
        %dma_start3A_65 = arith.constant 0 : i32
        %dma_start3A_66 = tpu.memref_slice %arg8[%dma_start3A_60, %dma_start3A_61, %dma_start3A_65] : memref<24x1x50048xf32, #tpu.memory_space<vmem_shared>> -> memref<1x1x50048xf32, #tpu.memory_space<vmem_shared>>
        %dma_start3A_67 = tpu.memref_squeeze %dma_start3A_66 : memref<1x1x50048xf32, #tpu.memory_space<vmem_shared>> -> memref<50048xf32, #tpu.memory_space<vmem_shared>>
        %dma_start3A_68 = arith.constant 0 : i32
        %dma_start3A_69 = tpu.memref_slice %dma_start3A_67[%dma_start3A_68] : memref<50048xf32, #tpu.memory_space<vmem_shared>> -> memref<50048xf32, #tpu.memory_space<vmem_shared>>
        tpu.enqueue_indirect_dma source(%dma_start3A_64 : memref<2048xf32, #tpu.memory_space<vmem>>) target(%dma_start3A_69 : memref<50048xf32, #tpu.memory_space<vmem_shared>>) offsets(%arg6 : memref<2048xi32, #tpu.memory_space<vmem>>) semaphore(%arg9 : memref<!tpu.dma_semaphore, #tpu.memory_space<semaphore_mem>>) {add = true}
        %dma_start3A_70 = arith.constant 2 : i32
        %dma_start3A_71 = arith.constant 0 : i32
        %dma_start3A_72 = arith.constant 2 : i32
        %dma_start3A_73 = arith.constant 0 : i32
        %dma_start3A_74 = arith.constant 0 : i32
        %dma_start3A_75 = tpu.memref_slice %arg7[%dma_start3A_70, %dma_start3A_71, %dma_start3A_74] : memref<17x1x2048xf32, #tpu.memory_space<vmem>> -> memref<1x1x2048xf32, #tpu.memory_space<vmem>>
        %dma_start3A_76 = tpu.memref_squeeze %dma_start3A_75 : memref<1x1x2048xf32, #tpu.memory_space<vmem>> -> memref<2048xf32, #tpu.memory_space<vmem>>
        %dma_start3A_77 = arith.constant 0 : i32
        %dma_start3A_78 = tpu.memref_slice %arg8[%dma_start3A_72, %dma_start3A_73, %dma_start3A_77] : memref<24x1x50048xf32, #tpu.memory_space<vmem_shared>> -> memref<1x1x50048xf32, #tpu.memory_space<vmem_shared>>
        %dma_start3A_79 = tpu.memref_squeeze %dma_start3A_78 : memref<1x1x50048xf32, #tpu.memory_space<vmem_shared>> -> memref<50048xf32, #tpu.memory_space<vmem_shared>>
        %dma_start3A_80 = arith.constant 0 : i32
        %dma_start3A_81 = tpu.memref_slice %dma_start3A_79[%dma_start3A_80] : memref<50048xf32, #tpu.memory_space<vmem_shared>> -> memref<50048xf32, #tpu.memory_space<vmem_shared>>
        tpu.enqueue_indirect_dma source(%dma_start3A_76 : memref<2048xf32, #tpu.memory_space<vmem>>) target(%dma_start3A_81 : memref<50048xf32, #tpu.memory_space<vmem_shared>>) offsets(%arg6 : memref<2048xi32, #tpu.memory_space<vmem>>) semaphore(%arg9 : memref<!tpu.dma_semaphore, #tpu.memory_space<semaphore_mem>>) {add = true}
        %dma_start3A_82 = arith.constant 3 : i32
        %dma_start3A_83 = arith.constant 0 : i32
        %dma_start3A_84 = arith.constant 3 : i32
        %dma_start3A_85 = arith.constant 0 : i32
        %dma_start3A_86 = arith.constant 0 : i32
        %dma_start3A_87 = tpu.memref_slice %arg7[%dma_start3A_82, %dma_start3A_83, %dma_start3A_86] : memref<17x1x2048xf32, #tpu.memory_space<vmem>> -> memref<1x1x2048xf32, #tpu.memory_space<vmem>>
        %dma_start3A_88 = tpu.memref_squeeze %dma_start3A_87 : memref<1x1x2048xf32, #tpu.memory_space<vmem>> -> memref<2048xf32, #tpu.memory_space<vmem>>
        %dma_start3A_89 = arith.constant 0 : i32
        %dma_start3A_90 = tpu.memref_slice %arg8[%dma_start3A_84, %dma_start3A_85, %dma_start3A_89] : memref<24x1x50048xf32, #tpu.memory_space<vmem_shared>> -> memref<1x1x50048xf32, #tpu.memory_space<vmem_shared>>
        %dma_start3A_91 = tpu.memref_squeeze %dma_start3A_90 : memref<1x1x50048xf32, #tpu.memory_space<vmem_shared>> -> memref<50048xf32, #tpu.memory_space<vmem_shared>>
        %dma_start3A_92 = arith.constant 0 : i32
        %dma_start3A_93 = tpu.memref_slice %dma_start3A_91[%dma_start3A_92] : memref<50048xf32, #tpu.memory_space<vmem_shared>> -> memref<50048xf32, #tpu.memory_space<vmem_shared>>
        tpu.enqueue_indirect_dma source(%dma_start3A_88 : memref<2048xf32, #tpu.memory_space<vmem>>) target(%dma_start3A_93 : memref<50048xf32, #tpu.memory_space<vmem_shared>>) offsets(%arg6 : memref<2048xi32, #tpu.memory_space<vmem>>) semaphore(%arg9 : memref<!tpu.dma_semaphore, #tpu.memory_space<semaphore_mem>>) {add = true}
        %dma_start3A_94 = arith.constant 4 : i32
        %dma_start3A_95 = arith.constant 0 : i32
        %dma_start3A_96 = arith.constant 4 : i32
        %dma_start3A_97 = arith.constant 0 : i32
        %dma_start3A_98 = arith.constant 0 : i32
        %dma_start3A_99 = tpu.memref_slice %arg7[%dma_start3A_94, %dma_start3A_95, %dma_start3A_98] : memref<17x1x2048xf32, #tpu.memory_space<vmem>> -> memref<1x1x2048xf32, #tpu.memory_space<vmem>>
        %dma_start3A_100 = tpu.memref_squeeze %dma_start3A_99 : memref<1x1x2048xf32, #tpu.memory_space<vmem>> -> memref<2048xf32, #tpu.memory_space<vmem>>
        %dma_start3A_101 = arith.constant 0 : i32
        %dma_start3A_102 = tpu.memref_slice %arg8[%dma_start3A_96, %dma_start3A_97, %dma_start3A_101] : memref<24x1x50048xf32, #tpu.memory_space<vmem_shared>> -> memref<1x1x50048xf32, #tpu.memory_space<vmem_shared>>
        %dma_start3A_103 = tpu.memref_squeeze %dma_start3A_102 : memref<1x1x50048xf32, #tpu.memory_space<vmem_shared>> -> memref<50048xf32, #tpu.memory_space<vmem_shared>>
        %dma_start3A_104 = arith.constant 0 : i32
        %dma_start3A_105 = tpu.memref_slice %dma_start3A_103[%dma_start3A_104] : memref<50048xf32, #tpu.memory_space<vmem_shared>> -> memref<50048xf32, #tpu.memory_space<vmem_shared>>
        tpu.enqueue_indirect_dma source(%dma_start3A_100 : memref<2048xf32, #tpu.memory_space<vmem>>) target(%dma_start3A_105 : memref<50048xf32, #tpu.memory_space<vmem_shared>>) offsets(%arg6 : memref<2048xi32, #tpu.memory_space<vmem>>) semaphore(%arg9 : memref<!tpu.dma_semaphore, #tpu.memory_space<semaphore_mem>>) {add = true}
        %dma_start3A_106 = arith.constant 5 : i32
        %dma_start3A_107 = arith.constant 0 : i32
        %dma_start3A_108 = arith.constant 5 : i32
        %dma_start3A_109 = arith.constant 0 : i32
        %dma_start3A_110 = arith.constant 0 : i32
        %dma_start3A_111 = tpu.memref_slice %arg7[%dma_start3A_106, %dma_start3A_107, %dma_start3A_110] : memref<17x1x2048xf32, #tpu.memory_space<vmem>> -> memref<1x1x2048xf32, #tpu.memory_space<vmem>>
        %dma_start3A_112 = tpu.memref_squeeze %dma_start3A_111 : memref<1x1x2048xf32, #tpu.memory_space<vmem>> -> memref<2048xf32, #tpu.memory_space<vmem>>
        %dma_start3A_113 = arith.constant 0 : i32
        %dma_start3A_114 = tpu.memref_slice %arg8[%dma_start3A_108, %dma_start3A_109, %dma_start3A_113] : memref<24x1x50048xf32, #tpu.memory_space<vmem_shared>> -> memref<1x1x50048xf32, #tpu.memory_space<vmem_shared>>
        %dma_start3A_115 = tpu.memref_squeeze %dma_start3A_114 : memref<1x1x50048xf32, #tpu.memory_space<vmem_shared>> -> memref<50048xf32, #tpu.memory_space<vmem_shared>>
        %dma_start3A_116 = arith.constant 0 : i32
        %dma_start3A_117 = tpu.memref_slice %dma_start3A_115[%dma_start3A_116] : memref<50048xf32, #tpu.memory_space<vmem_shared>> -> memref<50048xf32, #tpu.memory_space<vmem_shared>>
        tpu.enqueue_indirect_dma source(%dma_start3A_112 : memref<2048xf32, #tpu.memory_space<vmem>>) target(%dma_start3A_117 : memref<50048xf32, #tpu.memory_space<vmem_shared>>) offsets(%arg6 : memref<2048xi32, #tpu.memory_space<vmem>>) semaphore(%arg9 : memref<!tpu.dma_semaphore, #tpu.memory_space<semaphore_mem>>) {add = true}
        %dma_start3A_118 = arith.constant 6 : i32
        %dma_start3A_119 = arith.constant 0 : i32
        %dma_start3A_120 = arith.constant 6 : i32
        %dma_start3A_121 = arith.constant 0 : i32
        %dma_start3A_122 = arith.constant 0 : i32
        %dma_start3A_123 = tpu.memref_slice %arg7[%dma_start3A_118, %dma_start3A_119, %dma_start3A_122] : memref<17x1x2048xf32, #tpu.memory_space<vmem>> -> memref<1x1x2048xf32, #tpu.memory_space<vmem>>
        %dma_start3A_124 = tpu.memref_squeeze %dma_start3A_123 : memref<1x1x2048xf32, #tpu.memory_space<vmem>> -> memref<2048xf32, #tpu.memory_space<vmem>>
        %dma_start3A_125 = arith.constant 0 : i32
        %dma_start3A_126 = tpu.memref_slice %arg8[%dma_start3A_120, %dma_start3A_121, %dma_start3A_125] : memref<24x1x50048xf32, #tpu.memory_space<vmem_shared>> -> memref<1x1x50048xf32, #tpu.memory_space<vmem_shared>>
        %dma_start3A_127 = tpu.memref_squeeze %dma_start3A_126 : memref<1x1x50048xf32, #tpu.memory_space<vmem_shared>> -> memref<50048xf32, #tpu.memory_space<vmem_shared>>
        %dma_start3A_128 = arith.constant 0 : i32
        %dma_start3A_129 = tpu.memref_slice %dma_start3A_127[%dma_start3A_128] : memref<50048xf32, #tpu.memory_space<vmem_shared>> -> memref<50048xf32, #tpu.memory_space<vmem_shared>>
        tpu.enqueue_indirect_dma source(%dma_start3A_124 : memref<2048xf32, #tpu.memory_space<vmem>>) target(%dma_start3A_129 : memref<50048xf32, #tpu.memory_space<vmem_shared>>) offsets(%arg6 : memref<2048xi32, #tpu.memory_space<vmem>>) semaphore(%arg9 : memref<!tpu.dma_semaphore, #tpu.memory_space<semaphore_mem>>) {add = true}
        %dma_start3A_130 = arith.constant 7 : i32
        %dma_start3A_131 = arith.constant 0 : i32
        %dma_start3A_132 = arith.constant 7 : i32
        %dma_start3A_133 = arith.constant 0 : i32
        %dma_start3A_134 = arith.constant 0 : i32
        %dma_start3A_135 = tpu.memref_slice %arg7[%dma_start3A_130, %dma_start3A_131, %dma_start3A_134] : memref<17x1x2048xf32, #tpu.memory_space<vmem>> -> memref<1x1x2048xf32, #tpu.memory_space<vmem>>
        %dma_start3A_136 = tpu.memref_squeeze %dma_start3A_135 : memref<1x1x2048xf32, #tpu.memory_space<vmem>> -> memref<2048xf32, #tpu.memory_space<vmem>>
        %dma_start3A_137 = arith.constant 0 : i32
        %dma_start3A_138 = tpu.memref_slice %arg8[%dma_start3A_132, %dma_start3A_133, %dma_start3A_137] : memref<24x1x50048xf32, #tpu.memory_space<vmem_shared>> -> memref<1x1x50048xf32, #tpu.memory_space<vmem_shared>>
        %dma_start3A_139 = tpu.memref_squeeze %dma_start3A_138 : memref<1x1x50048xf32, #tpu.memory_space<vmem_shared>> -> memref<50048xf32, #tpu.memory_space<vmem_shared>>
        %dma_start3A_140 = arith.constant 0 : i32
        %dma_start3A_141 = tpu.memref_slice %dma_start3A_139[%dma_start3A_140] : memref<50048xf32, #tpu.memory_space<vmem_shared>> -> memref<50048xf32, #tpu.memory_space<vmem_shared>>
        tpu.enqueue_indirect_dma source(%dma_start3A_136 : memref<2048xf32, #tpu.memory_space<vmem>>) target(%dma_start3A_141 : memref<50048xf32, #tpu.memory_space<vmem_shared>>) offsets(%arg6 : memref<2048xi32, #tpu.memory_space<vmem>>) semaphore(%arg9 : memref<!tpu.dma_semaphore, #tpu.memory_space<semaphore_mem>>) {add = true}
        %dma_start3A_142 = arith.constant 8 : i32
        %dma_start3A_143 = arith.constant 0 : i32
        %dma_start3A_144 = arith.constant 8 : i32
        %dma_start3A_145 = arith.constant 0 : i32
        %dma_start3A_146 = arith.constant 0 : i32
        %dma_start3A_147 = tpu.memref_slice %arg7[%dma_start3A_142, %dma_start3A_143, %dma_start3A_146] : memref<17x1x2048xf32, #tpu.memory_space<vmem>> -> memref<1x1x2048xf32, #tpu.memory_space<vmem>>
        %dma_start3A_148 = tpu.memref_squeeze %dma_start3A_147 : memref<1x1x2048xf32, #tpu.memory_space<vmem>> -> memref<2048xf32, #tpu.memory_space<vmem>>
        %dma_start3A_149 = arith.constant 0 : i32
        %dma_start3A_150 = tpu.memref_slice %arg8[%dma_start3A_144, %dma_start3A_145, %dma_start3A_149] : memref<24x1x50048xf32, #tpu.memory_space<vmem_shared>> -> memref<1x1x50048xf32, #tpu.memory_space<vmem_shared>>
        %dma_start3A_151 = tpu.memref_squeeze %dma_start3A_150 : memref<1x1x50048xf32, #tpu.memory_space<vmem_shared>> -> memref<50048xf32, #tpu.memory_space<vmem_shared>>
        %dma_start3A_152 = arith.constant 0 : i32
        %dma_start3A_153 = tpu.memref_slice %dma_start3A_151[%dma_start3A_152] : memref<50048xf32, #tpu.memory_space<vmem_shared>> -> memref<50048xf32, #tpu.memory_space<vmem_shared>>
        tpu.enqueue_indirect_dma source(%dma_start3A_148 : memref<2048xf32, #tpu.memory_space<vmem>>) target(%dma_start3A_153 : memref<50048xf32, #tpu.memory_space<vmem_shared>>) offsets(%arg6 : memref<2048xi32, #tpu.memory_space<vmem>>) semaphore(%arg9 : memref<!tpu.dma_semaphore, #tpu.memory_space<semaphore_mem>>) {add = true}
        %dma_start3A_154 = arith.constant 9 : i32
        %dma_start3A_155 = arith.constant 0 : i32
        %dma_start3A_156 = arith.constant 9 : i32
        %dma_start3A_157 = arith.constant 0 : i32
        %dma_start3A_158 = arith.constant 0 : i32
        %dma_start3A_159 = tpu.memref_slice %arg7[%dma_start3A_154, %dma_start3A_155, %dma_start3A_158] : memref<17x1x2048xf32, #tpu.memory_space<vmem>> -> memref<1x1x2048xf32, #tpu.memory_space<vmem>>
        %dma_start3A_160 = tpu.memref_squeeze %dma_start3A_159 : memref<1x1x2048xf32, #tpu.memory_space<vmem>> -> memref<2048xf32, #tpu.memory_space<vmem>>
        %dma_start3A_161 = arith.constant 0 : i32
        %dma_start3A_162 = tpu.memref_slice %arg8[%dma_start3A_156, %dma_start3A_157, %dma_start3A_161] : memref<24x1x50048xf32, #tpu.memory_space<vmem_shared>> -> memref<1x1x50048xf32, #tpu.memory_space<vmem_shared>>
        %dma_start3A_163 = tpu.memref_squeeze %dma_start3A_162 : memref<1x1x50048xf32, #tpu.memory_space<vmem_shared>> -> memref<50048xf32, #tpu.memory_space<vmem_shared>>
        %dma_start3A_164 = arith.constant 0 : i32
        %dma_start3A_165 = tpu.memref_slice %dma_start3A_163[%dma_start3A_164] : memref<50048xf32, #tpu.memory_space<vmem_shared>> -> memref<50048xf32, #tpu.memory_space<vmem_shared>>
        tpu.enqueue_indirect_dma source(%dma_start3A_160 : memref<2048xf32, #tpu.memory_space<vmem>>) target(%dma_start3A_165 : memref<50048xf32, #tpu.memory_space<vmem_shared>>) offsets(%arg6 : memref<2048xi32, #tpu.memory_space<vmem>>) semaphore(%arg9 : memref<!tpu.dma_semaphore, #tpu.memory_space<semaphore_mem>>) {add = true}
        %dma_start3A_166 = arith.constant 10 : i32
        %dma_start3A_167 = arith.constant 0 : i32
        %dma_start3A_168 = arith.constant 10 : i32
        %dma_start3A_169 = arith.constant 0 : i32
        %dma_start3A_170 = arith.constant 0 : i32
        %dma_start3A_171 = tpu.memref_slice %arg7[%dma_start3A_166, %dma_start3A_167, %dma_start3A_170] : memref<17x1x2048xf32, #tpu.memory_space<vmem>> -> memref<1x1x2048xf32, #tpu.memory_space<vmem>>
        %dma_start3A_172 = tpu.memref_squeeze %dma_start3A_171 : memref<1x1x2048xf32, #tpu.memory_space<vmem>> -> memref<2048xf32, #tpu.memory_space<vmem>>
        %dma_start3A_173 = arith.constant 0 : i32
        %dma_start3A_174 = tpu.memref_slice %arg8[%dma_start3A_168, %dma_start3A_169, %dma_start3A_173] : memref<24x1x50048xf32, #tpu.memory_space<vmem_shared>> -> memref<1x1x50048xf32, #tpu.memory_space<vmem_shared>>
        %dma_start3A_175 = tpu.memref_squeeze %dma_start3A_174 : memref<1x1x50048xf32, #tpu.memory_space<vmem_shared>> -> memref<50048xf32, #tpu.memory_space<vmem_shared>>
        %dma_start3A_176 = arith.constant 0 : i32
        %dma_start3A_177 = tpu.memref_slice %dma_start3A_175[%dma_start3A_176] : memref<50048xf32, #tpu.memory_space<vmem_shared>> -> memref<50048xf32, #tpu.memory_space<vmem_shared>>
        tpu.enqueue_indirect_dma source(%dma_start3A_172 : memref<2048xf32, #tpu.memory_space<vmem>>) target(%dma_start3A_177 : memref<50048xf32, #tpu.memory_space<vmem_shared>>) offsets(%arg6 : memref<2048xi32, #tpu.memory_space<vmem>>) semaphore(%arg9 : memref<!tpu.dma_semaphore, #tpu.memory_space<semaphore_mem>>) {add = true}
        %dma_start3A_178 = arith.constant 11 : i32
        %dma_start3A_179 = arith.constant 0 : i32
        %dma_start3A_180 = arith.constant 11 : i32
        %dma_start3A_181 = arith.constant 0 : i32
        %dma_start3A_182 = arith.constant 0 : i32
        %dma_start3A_183 = tpu.memref_slice %arg7[%dma_start3A_178, %dma_start3A_179, %dma_start3A_182] : memref<17x1x2048xf32, #tpu.memory_space<vmem>> -> memref<1x1x2048xf32, #tpu.memory_space<vmem>>
        %dma_start3A_184 = tpu.memref_squeeze %dma_start3A_183 : memref<1x1x2048xf32, #tpu.memory_space<vmem>> -> memref<2048xf32, #tpu.memory_space<vmem>>
        %dma_start3A_185 = arith.constant 0 : i32
        %dma_start3A_186 = tpu.memref_slice %arg8[%dma_start3A_180, %dma_start3A_181, %dma_start3A_185] : memref<24x1x50048xf32, #tpu.memory_space<vmem_shared>> -> memref<1x1x50048xf32, #tpu.memory_space<vmem_shared>>
        %dma_start3A_187 = tpu.memref_squeeze %dma_start3A_186 : memref<1x1x50048xf32, #tpu.memory_space<vmem_shared>> -> memref<50048xf32, #tpu.memory_space<vmem_shared>>
        %dma_start3A_188 = arith.constant 0 : i32
        %dma_start3A_189 = tpu.memref_slice %dma_start3A_187[%dma_start3A_188] : memref<50048xf32, #tpu.memory_space<vmem_shared>> -> memref<50048xf32, #tpu.memory_space<vmem_shared>>
        tpu.enqueue_indirect_dma source(%dma_start3A_184 : memref<2048xf32, #tpu.memory_space<vmem>>) target(%dma_start3A_189 : memref<50048xf32, #tpu.memory_space<vmem_shared>>) offsets(%arg6 : memref<2048xi32, #tpu.memory_space<vmem>>) semaphore(%arg9 : memref<!tpu.dma_semaphore, #tpu.memory_space<semaphore_mem>>) {add = true}
        %dma_start3A_190 = arith.constant 12 : i32
        %dma_start3A_191 = arith.constant 0 : i32
        %dma_start3A_192 = arith.constant 12 : i32
        %dma_start3A_193 = arith.constant 0 : i32
        %dma_start3A_194 = arith.constant 0 : i32
        %dma_start3A_195 = tpu.memref_slice %arg7[%dma_start3A_190, %dma_start3A_191, %dma_start3A_194] : memref<17x1x2048xf32, #tpu.memory_space<vmem>> -> memref<1x1x2048xf32, #tpu.memory_space<vmem>>
        %dma_start3A_196 = tpu.memref_squeeze %dma_start3A_195 : memref<1x1x2048xf32, #tpu.memory_space<vmem>> -> memref<2048xf32, #tpu.memory_space<vmem>>
        %dma_start3A_197 = arith.constant 0 : i32
        %dma_start3A_198 = tpu.memref_slice %arg8[%dma_start3A_192, %dma_start3A_193, %dma_start3A_197] : memref<24x1x50048xf32, #tpu.memory_space<vmem_shared>> -> memref<1x1x50048xf32, #tpu.memory_space<vmem_shared>>
        %dma_start3A_199 = tpu.memref_squeeze %dma_start3A_198 : memref<1x1x50048xf32, #tpu.memory_space<vmem_shared>> -> memref<50048xf32, #tpu.memory_space<vmem_shared>>
        %dma_start3A_200 = arith.constant 0 : i32
        %dma_start3A_201 = tpu.memref_slice %dma_start3A_199[%dma_start3A_200] : memref<50048xf32, #tpu.memory_space<vmem_shared>> -> memref<50048xf32, #tpu.memory_space<vmem_shared>>
        tpu.enqueue_indirect_dma source(%dma_start3A_196 : memref<2048xf32, #tpu.memory_space<vmem>>) target(%dma_start3A_201 : memref<50048xf32, #tpu.memory_space<vmem_shared>>) offsets(%arg6 : memref<2048xi32, #tpu.memory_space<vmem>>) semaphore(%arg9 : memref<!tpu.dma_semaphore, #tpu.memory_space<semaphore_mem>>) {add = true}
        %dma_start3A_202 = arith.constant 13 : i32
        %dma_start3A_203 = arith.constant 0 : i32
        %dma_start3A_204 = arith.constant 13 : i32
        %dma_start3A_205 = arith.constant 0 : i32
        %dma_start3A_206 = arith.constant 0 : i32
        %dma_start3A_207 = tpu.memref_slice %arg7[%dma_start3A_202, %dma_start3A_203, %dma_start3A_206] : memref<17x1x2048xf32, #tpu.memory_space<vmem>> -> memref<1x1x2048xf32, #tpu.memory_space<vmem>>
        %dma_start3A_208 = tpu.memref_squeeze %dma_start3A_207 : memref<1x1x2048xf32, #tpu.memory_space<vmem>> -> memref<2048xf32, #tpu.memory_space<vmem>>
        %dma_start3A_209 = arith.constant 0 : i32
        %dma_start3A_210 = tpu.memref_slice %arg8[%dma_start3A_204, %dma_start3A_205, %dma_start3A_209] : memref<24x1x50048xf32, #tpu.memory_space<vmem_shared>> -> memref<1x1x50048xf32, #tpu.memory_space<vmem_shared>>
        %dma_start3A_211 = tpu.memref_squeeze %dma_start3A_210 : memref<1x1x50048xf32, #tpu.memory_space<vmem_shared>> -> memref<50048xf32, #tpu.memory_space<vmem_shared>>
        %dma_start3A_212 = arith.constant 0 : i32
        %dma_start3A_213 = tpu.memref_slice %dma_start3A_211[%dma_start3A_212] : memref<50048xf32, #tpu.memory_space<vmem_shared>> -> memref<50048xf32, #tpu.memory_space<vmem_shared>>
        tpu.enqueue_indirect_dma source(%dma_start3A_208 : memref<2048xf32, #tpu.memory_space<vmem>>) target(%dma_start3A_213 : memref<50048xf32, #tpu.memory_space<vmem_shared>>) offsets(%arg6 : memref<2048xi32, #tpu.memory_space<vmem>>) semaphore(%arg9 : memref<!tpu.dma_semaphore, #tpu.memory_space<semaphore_mem>>) {add = true}
        %dma_start3A_214 = arith.constant 14 : i32
        %dma_start3A_215 = arith.constant 0 : i32
        %dma_start3A_216 = arith.constant 14 : i32
        %dma_start3A_217 = arith.constant 0 : i32
        %dma_start3A_218 = arith.constant 0 : i32
        %dma_start3A_219 = tpu.memref_slice %arg7[%dma_start3A_214, %dma_start3A_215, %dma_start3A_218] : memref<17x1x2048xf32, #tpu.memory_space<vmem>> -> memref<1x1x2048xf32, #tpu.memory_space<vmem>>
        %dma_start3A_220 = tpu.memref_squeeze %dma_start3A_219 : memref<1x1x2048xf32, #tpu.memory_space<vmem>> -> memref<2048xf32, #tpu.memory_space<vmem>>
        %dma_start3A_221 = arith.constant 0 : i32
        %dma_start3A_222 = tpu.memref_slice %arg8[%dma_start3A_216, %dma_start3A_217, %dma_start3A_221] : memref<24x1x50048xf32, #tpu.memory_space<vmem_shared>> -> memref<1x1x50048xf32, #tpu.memory_space<vmem_shared>>
        %dma_start3A_223 = tpu.memref_squeeze %dma_start3A_222 : memref<1x1x50048xf32, #tpu.memory_space<vmem_shared>> -> memref<50048xf32, #tpu.memory_space<vmem_shared>>
        %dma_start3A_224 = arith.constant 0 : i32
        %dma_start3A_225 = tpu.memref_slice %dma_start3A_223[%dma_start3A_224] : memref<50048xf32, #tpu.memory_space<vmem_shared>> -> memref<50048xf32, #tpu.memory_space<vmem_shared>>
        tpu.enqueue_indirect_dma source(%dma_start3A_220 : memref<2048xf32, #tpu.memory_space<vmem>>) target(%dma_start3A_225 : memref<50048xf32, #tpu.memory_space<vmem_shared>>) offsets(%arg6 : memref<2048xi32, #tpu.memory_space<vmem>>) semaphore(%arg9 : memref<!tpu.dma_semaphore, #tpu.memory_space<semaphore_mem>>) {add = true}
        %dma_start3A_226 = arith.constant 15 : i32
        %dma_start3A_227 = arith.constant 0 : i32
        %dma_start3A_228 = arith.constant 15 : i32
        %dma_start3A_229 = arith.constant 0 : i32
        %dma_start3A_230 = arith.constant 0 : i32
        %dma_start3A_231 = tpu.memref_slice %arg7[%dma_start3A_226, %dma_start3A_227, %dma_start3A_230] : memref<17x1x2048xf32, #tpu.memory_space<vmem>> -> memref<1x1x2048xf32, #tpu.memory_space<vmem>>
        %dma_start3A_232 = tpu.memref_squeeze %dma_start3A_231 : memref<1x1x2048xf32, #tpu.memory_space<vmem>> -> memref<2048xf32, #tpu.memory_space<vmem>>
        %dma_start3A_233 = arith.constant 0 : i32
        %dma_start3A_234 = tpu.memref_slice %arg8[%dma_start3A_228, %dma_start3A_229, %dma_start3A_233] : memref<24x1x50048xf32, #tpu.memory_space<vmem_shared>> -> memref<1x1x50048xf32, #tpu.memory_space<vmem_shared>>
        %dma_start3A_235 = tpu.memref_squeeze %dma_start3A_234 : memref<1x1x50048xf32, #tpu.memory_space<vmem_shared>> -> memref<50048xf32, #tpu.memory_space<vmem_shared>>
        %dma_start3A_236 = arith.constant 0 : i32
        %dma_start3A_237 = tpu.memref_slice %dma_start3A_235[%dma_start3A_236] : memref<50048xf32, #tpu.memory_space<vmem_shared>> -> memref<50048xf32, #tpu.memory_space<vmem_shared>>
        tpu.enqueue_indirect_dma source(%dma_start3A_232 : memref<2048xf32, #tpu.memory_space<vmem>>) target(%dma_start3A_237 : memref<50048xf32, #tpu.memory_space<vmem_shared>>) offsets(%arg6 : memref<2048xi32, #tpu.memory_space<vmem>>) semaphore(%arg9 : memref<!tpu.dma_semaphore, #tpu.memory_space<semaphore_mem>>) {add = true}
        %dma_wait3A = arith.constant 0 : i32
        %dma_wait3A_238 = arith.constant 0 : i32
        %dma_wait3A_239 = arith.constant 0 : i32
        %dma_wait3A_240 = arith.constant 0 : i32
        %dma_wait3A_241 = arith.constant 0 : i32
        %dma_wait3A_242 = tpu.memref_slice %arg7[%dma_wait3A, %dma_wait3A_238, %dma_wait3A_241] : memref<17x1x2048xf32, #tpu.memory_space<vmem>> -> memref<1x1x2048xf32, #tpu.memory_space<vmem>>
        %dma_wait3A_243 = tpu.memref_squeeze %dma_wait3A_242 : memref<1x1x2048xf32, #tpu.memory_space<vmem>> -> memref<2048xf32, #tpu.memory_space<vmem>>
        %dma_wait3A_244 = arith.constant 0 : i32
        %dma_wait3A_245 = tpu.memref_slice %arg8[%dma_wait3A_239, %dma_wait3A_240, %dma_wait3A_244] : memref<24x1x50048xf32, #tpu.memory_space<vmem_shared>> -> memref<1x1x50048xf32, #tpu.memory_space<vmem_shared>>
        %dma_wait3A_246 = tpu.memref_squeeze %dma_wait3A_245 : memref<1x1x50048xf32, #tpu.memory_space<vmem_shared>> -> memref<50048xf32, #tpu.memory_space<vmem_shared>>
        %dma_wait3A_247 = arith.constant 0 : i32
        %dma_wait3A_248 = tpu.memref_slice %dma_wait3A_246[%dma_wait3A_247] : memref<50048xf32, #tpu.memory_space<vmem_shared>> -> memref<50048xf32, #tpu.memory_space<vmem_shared>>
        tpu.wait_indirect_dma semaphore(%arg9 : memref<!tpu.dma_semaphore, #tpu.memory_space<semaphore_mem>>) src(%dma_wait3A_243 : memref<2048xf32, #tpu.memory_space<vmem>>) dst(%dma_wait3A_248 : memref<50048xf32, #tpu.memory_space<vmem_shared>>)
        %dma_wait3A_249 = arith.constant 1 : i32
        %dma_wait3A_250 = arith.constant 0 : i32
        %dma_wait3A_251 = arith.constant 1 : i32
        %dma_wait3A_252 = arith.constant 0 : i32
        %dma_wait3A_253 = arith.constant 0 : i32
        %dma_wait3A_254 = tpu.memref_slice %arg7[%dma_wait3A_249, %dma_wait3A_250, %dma_wait3A_253] : memref<17x1x2048xf32, #tpu.memory_space<vmem>> -> memref<1x1x2048xf32, #tpu.memory_space<vmem>>
        %dma_wait3A_255 = tpu.memref_squeeze %dma_wait3A_254 : memref<1x1x2048xf32, #tpu.memory_space<vmem>> -> memref<2048xf32, #tpu.memory_space<vmem>>
        %dma_wait3A_256 = arith.constant 0 : i32
        %dma_wait3A_257 = tpu.memref_slice %arg8[%dma_wait3A_251, %dma_wait3A_252, %dma_wait3A_256] : memref<24x1x50048xf32, #tpu.memory_space<vmem_shared>> -> memref<1x1x50048xf32, #tpu.memory_space<vmem_shared>>
        %dma_wait3A_258 = tpu.memref_squeeze %dma_wait3A_257 : memref<1x1x50048xf32, #tpu.memory_space<vmem_shared>> -> memref<50048xf32, #tpu.memory_space<vmem_shared>>
        %dma_wait3A_259 = arith.constant 0 : i32
        %dma_wait3A_260 = tpu.memref_slice %dma_wait3A_258[%dma_wait3A_259] : memref<50048xf32, #tpu.memory_space<vmem_shared>> -> memref<50048xf32, #tpu.memory_space<vmem_shared>>
        tpu.wait_indirect_dma semaphore(%arg9 : memref<!tpu.dma_semaphore, #tpu.memory_space<semaphore_mem>>) src(%dma_wait3A_255 : memref<2048xf32, #tpu.memory_space<vmem>>) dst(%dma_wait3A_260 : memref<50048xf32, #tpu.memory_space<vmem_shared>>)
        %dma_wait3A_261 = arith.constant 2 : i32
        %dma_wait3A_262 = arith.constant 0 : i32
        %dma_wait3A_263 = arith.constant 2 : i32
        %dma_wait3A_264 = arith.constant 0 : i32
        %dma_wait3A_265 = arith.constant 0 : i32
        %dma_wait3A_266 = tpu.memref_slice %arg7[%dma_wait3A_261, %dma_wait3A_262, %dma_wait3A_265] : memref<17x1x2048xf32, #tpu.memory_space<vmem>> -> memref<1x1x2048xf32, #tpu.memory_space<vmem>>
        %dma_wait3A_267 = tpu.memref_squeeze %dma_wait3A_266 : memref<1x1x2048xf32, #tpu.memory_space<vmem>> -> memref<2048xf32, #tpu.memory_space<vmem>>
        %dma_wait3A_268 = arith.constant 0 : i32
        %dma_wait3A_269 = tpu.memref_slice %arg8[%dma_wait3A_263, %dma_wait3A_264, %dma_wait3A_268] : memref<24x1x50048xf32, #tpu.memory_space<vmem_shared>> -> memref<1x1x50048xf32, #tpu.memory_space<vmem_shared>>
        %dma_wait3A_270 = tpu.memref_squeeze %dma_wait3A_269 : memref<1x1x50048xf32, #tpu.memory_space<vmem_shared>> -> memref<50048xf32, #tpu.memory_space<vmem_shared>>
        %dma_wait3A_271 = arith.constant 0 : i32
        %dma_wait3A_272 = tpu.memref_slice %dma_wait3A_270[%dma_wait3A_271] : memref<50048xf32, #tpu.memory_space<vmem_shared>> -> memref<50048xf32, #tpu.memory_space<vmem_shared>>
        tpu.wait_indirect_dma semaphore(%arg9 : memref<!tpu.dma_semaphore, #tpu.memory_space<semaphore_mem>>) src(%dma_wait3A_267 : memref<2048xf32, #tpu.memory_space<vmem>>) dst(%dma_wait3A_272 : memref<50048xf32, #tpu.memory_space<vmem_shared>>)
        %dma_wait3A_273 = arith.constant 3 : i32
        %dma_wait3A_274 = arith.constant 0 : i32
        %dma_wait3A_275 = arith.constant 3 : i32
        %dma_wait3A_276 = arith.constant 0 : i32
        %dma_wait3A_277 = arith.constant 0 : i32
        %dma_wait3A_278 = tpu.memref_slice %arg7[%dma_wait3A_273, %dma_wait3A_274, %dma_wait3A_277] : memref<17x1x2048xf32, #tpu.memory_space<vmem>> -> memref<1x1x2048xf32, #tpu.memory_space<vmem>>
        %dma_wait3A_279 = tpu.memref_squeeze %dma_wait3A_278 : memref<1x1x2048xf32, #tpu.memory_space<vmem>> -> memref<2048xf32, #tpu.memory_space<vmem>>
        %dma_wait3A_280 = arith.constant 0 : i32
        %dma_wait3A_281 = tpu.memref_slice %arg8[%dma_wait3A_275, %dma_wait3A_276, %dma_wait3A_280] : memref<24x1x50048xf32, #tpu.memory_space<vmem_shared>> -> memref<1x1x50048xf32, #tpu.memory_space<vmem_shared>>
        %dma_wait3A_282 = tpu.memref_squeeze %dma_wait3A_281 : memref<1x1x50048xf32, #tpu.memory_space<vmem_shared>> -> memref<50048xf32, #tpu.memory_space<vmem_shared>>
        %dma_wait3A_283 = arith.constant 0 : i32
        %dma_wait3A_284 = tpu.memref_slice %dma_wait3A_282[%dma_wait3A_283] : memref<50048xf32, #tpu.memory_space<vmem_shared>> -> memref<50048xf32, #tpu.memory_space<vmem_shared>>
        tpu.wait_indirect_dma semaphore(%arg9 : memref<!tpu.dma_semaphore, #tpu.memory_space<semaphore_mem>>) src(%dma_wait3A_279 : memref<2048xf32, #tpu.memory_space<vmem>>) dst(%dma_wait3A_284 : memref<50048xf32, #tpu.memory_space<vmem_shared>>)
        %dma_wait3A_285 = arith.constant 4 : i32
        %dma_wait3A_286 = arith.constant 0 : i32
        %dma_wait3A_287 = arith.constant 4 : i32
        %dma_wait3A_288 = arith.constant 0 : i32
        %dma_wait3A_289 = arith.constant 0 : i32
        %dma_wait3A_290 = tpu.memref_slice %arg7[%dma_wait3A_285, %dma_wait3A_286, %dma_wait3A_289] : memref<17x1x2048xf32, #tpu.memory_space<vmem>> -> memref<1x1x2048xf32, #tpu.memory_space<vmem>>
        %dma_wait3A_291 = tpu.memref_squeeze %dma_wait3A_290 : memref<1x1x2048xf32, #tpu.memory_space<vmem>> -> memref<2048xf32, #tpu.memory_space<vmem>>
        %dma_wait3A_292 = arith.constant 0 : i32
        %dma_wait3A_293 = tpu.memref_slice %arg8[%dma_wait3A_287, %dma_wait3A_288, %dma_wait3A_292] : memref<24x1x50048xf32, #tpu.memory_space<vmem_shared>> -> memref<1x1x50048xf32, #tpu.memory_space<vmem_shared>>
        %dma_wait3A_294 = tpu.memref_squeeze %dma_wait3A_293 : memref<1x1x50048xf32, #tpu.memory_space<vmem_shared>> -> memref<50048xf32, #tpu.memory_space<vmem_shared>>
        %dma_wait3A_295 = arith.constant 0 : i32
        %dma_wait3A_296 = tpu.memref_slice %dma_wait3A_294[%dma_wait3A_295] : memref<50048xf32, #tpu.memory_space<vmem_shared>> -> memref<50048xf32, #tpu.memory_space<vmem_shared>>
        tpu.wait_indirect_dma semaphore(%arg9 : memref<!tpu.dma_semaphore, #tpu.memory_space<semaphore_mem>>) src(%dma_wait3A_291 : memref<2048xf32, #tpu.memory_space<vmem>>) dst(%dma_wait3A_296 : memref<50048xf32, #tpu.memory_space<vmem_shared>>)
        %dma_wait3A_297 = arith.constant 5 : i32
        %dma_wait3A_298 = arith.constant 0 : i32
        %dma_wait3A_299 = arith.constant 5 : i32
        %dma_wait3A_300 = arith.constant 0 : i32
        %dma_wait3A_301 = arith.constant 0 : i32
        %dma_wait3A_302 = tpu.memref_slice %arg7[%dma_wait3A_297, %dma_wait3A_298, %dma_wait3A_301] : memref<17x1x2048xf32, #tpu.memory_space<vmem>> -> memref<1x1x2048xf32, #tpu.memory_space<vmem>>
        %dma_wait3A_303 = tpu.memref_squeeze %dma_wait3A_302 : memref<1x1x2048xf32, #tpu.memory_space<vmem>> -> memref<2048xf32, #tpu.memory_space<vmem>>
        %dma_wait3A_304 = arith.constant 0 : i32
        %dma_wait3A_305 = tpu.memref_slice %arg8[%dma_wait3A_299, %dma_wait3A_300, %dma_wait3A_304] : memref<24x1x50048xf32, #tpu.memory_space<vmem_shared>> -> memref<1x1x50048xf32, #tpu.memory_space<vmem_shared>>
        %dma_wait3A_306 = tpu.memref_squeeze %dma_wait3A_305 : memref<1x1x50048xf32, #tpu.memory_space<vmem_shared>> -> memref<50048xf32, #tpu.memory_space<vmem_shared>>
        %dma_wait3A_307 = arith.constant 0 : i32
        %dma_wait3A_308 = tpu.memref_slice %dma_wait3A_306[%dma_wait3A_307] : memref<50048xf32, #tpu.memory_space<vmem_shared>> -> memref<50048xf32, #tpu.memory_space<vmem_shared>>
        tpu.wait_indirect_dma semaphore(%arg9 : memref<!tpu.dma_semaphore, #tpu.memory_space<semaphore_mem>>) src(%dma_wait3A_303 : memref<2048xf32, #tpu.memory_space<vmem>>) dst(%dma_wait3A_308 : memref<50048xf32, #tpu.memory_space<vmem_shared>>)
        %dma_wait3A_309 = arith.constant 6 : i32
        %dma_wait3A_310 = arith.constant 0 : i32
        %dma_wait3A_311 = arith.constant 6 : i32
        %dma_wait3A_312 = arith.constant 0 : i32
        %dma_wait3A_313 = arith.constant 0 : i32
        %dma_wait3A_314 = tpu.memref_slice %arg7[%dma_wait3A_309, %dma_wait3A_310, %dma_wait3A_313] : memref<17x1x2048xf32, #tpu.memory_space<vmem>> -> memref<1x1x2048xf32, #tpu.memory_space<vmem>>
        %dma_wait3A_315 = tpu.memref_squeeze %dma_wait3A_314 : memref<1x1x2048xf32, #tpu.memory_space<vmem>> -> memref<2048xf32, #tpu.memory_space<vmem>>
        %dma_wait3A_316 = arith.constant 0 : i32
        %dma_wait3A_317 = tpu.memref_slice %arg8[%dma_wait3A_311, %dma_wait3A_312, %dma_wait3A_316] : memref<24x1x50048xf32, #tpu.memory_space<vmem_shared>> -> memref<1x1x50048xf32, #tpu.memory_space<vmem_shared>>
        %dma_wait3A_318 = tpu.memref_squeeze %dma_wait3A_317 : memref<1x1x50048xf32, #tpu.memory_space<vmem_shared>> -> memref<50048xf32, #tpu.memory_space<vmem_shared>>
        %dma_wait3A_319 = arith.constant 0 : i32
        %dma_wait3A_320 = tpu.memref_slice %dma_wait3A_318[%dma_wait3A_319] : memref<50048xf32, #tpu.memory_space<vmem_shared>> -> memref<50048xf32, #tpu.memory_space<vmem_shared>>
        tpu.wait_indirect_dma semaphore(%arg9 : memref<!tpu.dma_semaphore, #tpu.memory_space<semaphore_mem>>) src(%dma_wait3A_315 : memref<2048xf32, #tpu.memory_space<vmem>>) dst(%dma_wait3A_320 : memref<50048xf32, #tpu.memory_space<vmem_shared>>)
        %dma_wait3A_321 = arith.constant 7 : i32
        %dma_wait3A_322 = arith.constant 0 : i32
        %dma_wait3A_323 = arith.constant 7 : i32
        %dma_wait3A_324 = arith.constant 0 : i32
        %dma_wait3A_325 = arith.constant 0 : i32
        %dma_wait3A_326 = tpu.memref_slice %arg7[%dma_wait3A_321, %dma_wait3A_322, %dma_wait3A_325] : memref<17x1x2048xf32, #tpu.memory_space<vmem>> -> memref<1x1x2048xf32, #tpu.memory_space<vmem>>
        %dma_wait3A_327 = tpu.memref_squeeze %dma_wait3A_326 : memref<1x1x2048xf32, #tpu.memory_space<vmem>> -> memref<2048xf32, #tpu.memory_space<vmem>>
        %dma_wait3A_328 = arith.constant 0 : i32
        %dma_wait3A_329 = tpu.memref_slice %arg8[%dma_wait3A_323, %dma_wait3A_324, %dma_wait3A_328] : memref<24x1x50048xf32, #tpu.memory_space<vmem_shared>> -> memref<1x1x50048xf32, #tpu.memory_space<vmem_shared>>
        %dma_wait3A_330 = tpu.memref_squeeze %dma_wait3A_329 : memref<1x1x50048xf32, #tpu.memory_space<vmem_shared>> -> memref<50048xf32, #tpu.memory_space<vmem_shared>>
        %dma_wait3A_331 = arith.constant 0 : i32
        %dma_wait3A_332 = tpu.memref_slice %dma_wait3A_330[%dma_wait3A_331] : memref<50048xf32, #tpu.memory_space<vmem_shared>> -> memref<50048xf32, #tpu.memory_space<vmem_shared>>
        tpu.wait_indirect_dma semaphore(%arg9 : memref<!tpu.dma_semaphore, #tpu.memory_space<semaphore_mem>>) src(%dma_wait3A_327 : memref<2048xf32, #tpu.memory_space<vmem>>) dst(%dma_wait3A_332 : memref<50048xf32, #tpu.memory_space<vmem_shared>>)
        %dma_wait3A_333 = arith.constant 8 : i32
        %dma_wait3A_334 = arith.constant 0 : i32
        %dma_wait3A_335 = arith.constant 8 : i32
        %dma_wait3A_336 = arith.constant 0 : i32
        %dma_wait3A_337 = arith.constant 0 : i32
        %dma_wait3A_338 = tpu.memref_slice %arg7[%dma_wait3A_333, %dma_wait3A_334, %dma_wait3A_337] : memref<17x1x2048xf32, #tpu.memory_space<vmem>> -> memref<1x1x2048xf32, #tpu.memory_space<vmem>>
        %dma_wait3A_339 = tpu.memref_squeeze %dma_wait3A_338 : memref<1x1x2048xf32, #tpu.memory_space<vmem>> -> memref<2048xf32, #tpu.memory_space<vmem>>
        %dma_wait3A_340 = arith.constant 0 : i32
        %dma_wait3A_341 = tpu.memref_slice %arg8[%dma_wait3A_335, %dma_wait3A_336, %dma_wait3A_340] : memref<24x1x50048xf32, #tpu.memory_space<vmem_shared>> -> memref<1x1x50048xf32, #tpu.memory_space<vmem_shared>>
        %dma_wait3A_342 = tpu.memref_squeeze %dma_wait3A_341 : memref<1x1x50048xf32, #tpu.memory_space<vmem_shared>> -> memref<50048xf32, #tpu.memory_space<vmem_shared>>
        %dma_wait3A_343 = arith.constant 0 : i32
        %dma_wait3A_344 = tpu.memref_slice %dma_wait3A_342[%dma_wait3A_343] : memref<50048xf32, #tpu.memory_space<vmem_shared>> -> memref<50048xf32, #tpu.memory_space<vmem_shared>>
        tpu.wait_indirect_dma semaphore(%arg9 : memref<!tpu.dma_semaphore, #tpu.memory_space<semaphore_mem>>) src(%dma_wait3A_339 : memref<2048xf32, #tpu.memory_space<vmem>>) dst(%dma_wait3A_344 : memref<50048xf32, #tpu.memory_space<vmem_shared>>)
        %dma_wait3A_345 = arith.constant 9 : i32
        %dma_wait3A_346 = arith.constant 0 : i32
        %dma_wait3A_347 = arith.constant 9 : i32
        %dma_wait3A_348 = arith.constant 0 : i32
        %dma_wait3A_349 = arith.constant 0 : i32
        %dma_wait3A_350 = tpu.memref_slice %arg7[%dma_wait3A_345, %dma_wait3A_346, %dma_wait3A_349] : memref<17x1x2048xf32, #tpu.memory_space<vmem>> -> memref<1x1x2048xf32, #tpu.memory_space<vmem>>
        %dma_wait3A_351 = tpu.memref_squeeze %dma_wait3A_350 : memref<1x1x2048xf32, #tpu.memory_space<vmem>> -> memref<2048xf32, #tpu.memory_space<vmem>>
        %dma_wait3A_352 = arith.constant 0 : i32
        %dma_wait3A_353 = tpu.memref_slice %arg8[%dma_wait3A_347, %dma_wait3A_348, %dma_wait3A_352] : memref<24x1x50048xf32, #tpu.memory_space<vmem_shared>> -> memref<1x1x50048xf32, #tpu.memory_space<vmem_shared>>
        %dma_wait3A_354 = tpu.memref_squeeze %dma_wait3A_353 : memref<1x1x50048xf32, #tpu.memory_space<vmem_shared>> -> memref<50048xf32, #tpu.memory_space<vmem_shared>>
        %dma_wait3A_355 = arith.constant 0 : i32
        %dma_wait3A_356 = tpu.memref_slice %dma_wait3A_354[%dma_wait3A_355] : memref<50048xf32, #tpu.memory_space<vmem_shared>> -> memref<50048xf32, #tpu.memory_space<vmem_shared>>
        tpu.wait_indirect_dma semaphore(%arg9 : memref<!tpu.dma_semaphore, #tpu.memory_space<semaphore_mem>>) src(%dma_wait3A_351 : memref<2048xf32, #tpu.memory_space<vmem>>) dst(%dma_wait3A_356 : memref<50048xf32, #tpu.memory_space<vmem_shared>>)
        %dma_wait3A_357 = arith.constant 10 : i32
        %dma_wait3A_358 = arith.constant 0 : i32
        %dma_wait3A_359 = arith.constant 10 : i32
        %dma_wait3A_360 = arith.constant 0 : i32
        %dma_wait3A_361 = arith.constant 0 : i32
        %dma_wait3A_362 = tpu.memref_slice %arg7[%dma_wait3A_357, %dma_wait3A_358, %dma_wait3A_361] : memref<17x1x2048xf32, #tpu.memory_space<vmem>> -> memref<1x1x2048xf32, #tpu.memory_space<vmem>>
        %dma_wait3A_363 = tpu.memref_squeeze %dma_wait3A_362 : memref<1x1x2048xf32, #tpu.memory_space<vmem>> -> memref<2048xf32, #tpu.memory_space<vmem>>
        %dma_wait3A_364 = arith.constant 0 : i32
        %dma_wait3A_365 = tpu.memref_slice %arg8[%dma_wait3A_359, %dma_wait3A_360, %dma_wait3A_364] : memref<24x1x50048xf32, #tpu.memory_space<vmem_shared>> -> memref<1x1x50048xf32, #tpu.memory_space<vmem_shared>>
        %dma_wait3A_366 = tpu.memref_squeeze %dma_wait3A_365 : memref<1x1x50048xf32, #tpu.memory_space<vmem_shared>> -> memref<50048xf32, #tpu.memory_space<vmem_shared>>
        %dma_wait3A_367 = arith.constant 0 : i32
        %dma_wait3A_368 = tpu.memref_slice %dma_wait3A_366[%dma_wait3A_367] : memref<50048xf32, #tpu.memory_space<vmem_shared>> -> memref<50048xf32, #tpu.memory_space<vmem_shared>>
        tpu.wait_indirect_dma semaphore(%arg9 : memref<!tpu.dma_semaphore, #tpu.memory_space<semaphore_mem>>) src(%dma_wait3A_363 : memref<2048xf32, #tpu.memory_space<vmem>>) dst(%dma_wait3A_368 : memref<50048xf32, #tpu.memory_space<vmem_shared>>)
        %dma_wait3A_369 = arith.constant 11 : i32
        %dma_wait3A_370 = arith.constant 0 : i32
        %dma_wait3A_371 = arith.constant 11 : i32
        %dma_wait3A_372 = arith.constant 0 : i32
        %dma_wait3A_373 = arith.constant 0 : i32
        %dma_wait3A_374 = tpu.memref_slice %arg7[%dma_wait3A_369, %dma_wait3A_370, %dma_wait3A_373] : memref<17x1x2048xf32, #tpu.memory_space<vmem>> -> memref<1x1x2048xf32, #tpu.memory_space<vmem>>
        %dma_wait3A_375 = tpu.memref_squeeze %dma_wait3A_374 : memref<1x1x2048xf32, #tpu.memory_space<vmem>> -> memref<2048xf32, #tpu.memory_space<vmem>>
        %dma_wait3A_376 = arith.constant 0 : i32
        %dma_wait3A_377 = tpu.memref_slice %arg8[%dma_wait3A_371, %dma_wait3A_372, %dma_wait3A_376] : memref<24x1x50048xf32, #tpu.memory_space<vmem_shared>> -> memref<1x1x50048xf32, #tpu.memory_space<vmem_shared>>
        %dma_wait3A_378 = tpu.memref_squeeze %dma_wait3A_377 : memref<1x1x50048xf32, #tpu.memory_space<vmem_shared>> -> memref<50048xf32, #tpu.memory_space<vmem_shared>>
        %dma_wait3A_379 = arith.constant 0 : i32
        %dma_wait3A_380 = tpu.memref_slice %dma_wait3A_378[%dma_wait3A_379] : memref<50048xf32, #tpu.memory_space<vmem_shared>> -> memref<50048xf32, #tpu.memory_space<vmem_shared>>
        tpu.wait_indirect_dma semaphore(%arg9 : memref<!tpu.dma_semaphore, #tpu.memory_space<semaphore_mem>>) src(%dma_wait3A_375 : memref<2048xf32, #tpu.memory_space<vmem>>) dst(%dma_wait3A_380 : memref<50048xf32, #tpu.memory_space<vmem_shared>>)
        %dma_wait3A_381 = arith.constant 12 : i32
        %dma_wait3A_382 = arith.constant 0 : i32
        %dma_wait3A_383 = arith.constant 12 : i32
        %dma_wait3A_384 = arith.constant 0 : i32
        %dma_wait3A_385 = arith.constant 0 : i32
        %dma_wait3A_386 = tpu.memref_slice %arg7[%dma_wait3A_381, %dma_wait3A_382, %dma_wait3A_385] : memref<17x1x2048xf32, #tpu.memory_space<vmem>> -> memref<1x1x2048xf32, #tpu.memory_space<vmem>>
        %dma_wait3A_387 = tpu.memref_squeeze %dma_wait3A_386 : memref<1x1x2048xf32, #tpu.memory_space<vmem>> -> memref<2048xf32, #tpu.memory_space<vmem>>
        %dma_wait3A_388 = arith.constant 0 : i32
        %dma_wait3A_389 = tpu.memref_slice %arg8[%dma_wait3A_383, %dma_wait3A_384, %dma_wait3A_388] : memref<24x1x50048xf32, #tpu.memory_space<vmem_shared>> -> memref<1x1x50048xf32, #tpu.memory_space<vmem_shared>>
        %dma_wait3A_390 = tpu.memref_squeeze %dma_wait3A_389 : memref<1x1x50048xf32, #tpu.memory_space<vmem_shared>> -> memref<50048xf32, #tpu.memory_space<vmem_shared>>
        %dma_wait3A_391 = arith.constant 0 : i32
        %dma_wait3A_392 = tpu.memref_slice %dma_wait3A_390[%dma_wait3A_391] : memref<50048xf32, #tpu.memory_space<vmem_shared>> -> memref<50048xf32, #tpu.memory_space<vmem_shared>>
        tpu.wait_indirect_dma semaphore(%arg9 : memref<!tpu.dma_semaphore, #tpu.memory_space<semaphore_mem>>) src(%dma_wait3A_387 : memref<2048xf32, #tpu.memory_space<vmem>>) dst(%dma_wait3A_392 : memref<50048xf32, #tpu.memory_space<vmem_shared>>)
        %dma_wait3A_393 = arith.constant 13 : i32
        %dma_wait3A_394 = arith.constant 0 : i32
        %dma_wait3A_395 = arith.constant 13 : i32
        %dma_wait3A_396 = arith.constant 0 : i32
        %dma_wait3A_397 = arith.constant 0 : i32
        %dma_wait3A_398 = tpu.memref_slice %arg7[%dma_wait3A_393, %dma_wait3A_394, %dma_wait3A_397] : memref<17x1x2048xf32, #tpu.memory_space<vmem>> -> memref<1x1x2048xf32, #tpu.memory_space<vmem>>
        %dma_wait3A_399 = tpu.memref_squeeze %dma_wait3A_398 : memref<1x1x2048xf32, #tpu.memory_space<vmem>> -> memref<2048xf32, #tpu.memory_space<vmem>>
        %dma_wait3A_400 = arith.constant 0 : i32
        %dma_wait3A_401 = tpu.memref_slice %arg8[%dma_wait3A_395, %dma_wait3A_396, %dma_wait3A_400] : memref<24x1x50048xf32, #tpu.memory_space<vmem_shared>> -> memref<1x1x50048xf32, #tpu.memory_space<vmem_shared>>
        %dma_wait3A_402 = tpu.memref_squeeze %dma_wait3A_401 : memref<1x1x50048xf32, #tpu.memory_space<vmem_shared>> -> memref<50048xf32, #tpu.memory_space<vmem_shared>>
        %dma_wait3A_403 = arith.constant 0 : i32
        %dma_wait3A_404 = tpu.memref_slice %dma_wait3A_402[%dma_wait3A_403] : memref<50048xf32, #tpu.memory_space<vmem_shared>> -> memref<50048xf32, #tpu.memory_space<vmem_shared>>
        tpu.wait_indirect_dma semaphore(%arg9 : memref<!tpu.dma_semaphore, #tpu.memory_space<semaphore_mem>>) src(%dma_wait3A_399 : memref<2048xf32, #tpu.memory_space<vmem>>) dst(%dma_wait3A_404 : memref<50048xf32, #tpu.memory_space<vmem_shared>>)
        %dma_wait3A_405 = arith.constant 14 : i32
        %dma_wait3A_406 = arith.constant 0 : i32
        %dma_wait3A_407 = arith.constant 14 : i32
        %dma_wait3A_408 = arith.constant 0 : i32
        %dma_wait3A_409 = arith.constant 0 : i32
        %dma_wait3A_410 = tpu.memref_slice %arg7[%dma_wait3A_405, %dma_wait3A_406, %dma_wait3A_409] : memref<17x1x2048xf32, #tpu.memory_space<vmem>> -> memref<1x1x2048xf32, #tpu.memory_space<vmem>>
        %dma_wait3A_411 = tpu.memref_squeeze %dma_wait3A_410 : memref<1x1x2048xf32, #tpu.memory_space<vmem>> -> memref<2048xf32, #tpu.memory_space<vmem>>
        %dma_wait3A_412 = arith.constant 0 : i32
        %dma_wait3A_413 = tpu.memref_slice %arg8[%dma_wait3A_407, %dma_wait3A_408, %dma_wait3A_412] : memref<24x1x50048xf32, #tpu.memory_space<vmem_shared>> -> memref<1x1x50048xf32, #tpu.memory_space<vmem_shared>>
        %dma_wait3A_414 = tpu.memref_squeeze %dma_wait3A_413 : memref<1x1x50048xf32, #tpu.memory_space<vmem_shared>> -> memref<50048xf32, #tpu.memory_space<vmem_shared>>
        %dma_wait3A_415 = arith.constant 0 : i32
        %dma_wait3A_416 = tpu.memref_slice %dma_wait3A_414[%dma_wait3A_415] : memref<50048xf32, #tpu.memory_space<vmem_shared>> -> memref<50048xf32, #tpu.memory_space<vmem_shared>>
        tpu.wait_indirect_dma semaphore(%arg9 : memref<!tpu.dma_semaphore, #tpu.memory_space<semaphore_mem>>) src(%dma_wait3A_411 : memref<2048xf32, #tpu.memory_space<vmem>>) dst(%dma_wait3A_416 : memref<50048xf32, #tpu.memory_space<vmem_shared>>)
        %dma_wait3A_417 = arith.constant 15 : i32
        %dma_wait3A_418 = arith.constant 0 : i32
        %dma_wait3A_419 = arith.constant 15 : i32
        %dma_wait3A_420 = arith.constant 0 : i32
        %dma_wait3A_421 = arith.constant 0 : i32
        %dma_wait3A_422 = tpu.memref_slice %arg7[%dma_wait3A_417, %dma_wait3A_418, %dma_wait3A_421] : memref<17x1x2048xf32, #tpu.memory_space<vmem>> -> memref<1x1x2048xf32, #tpu.memory_space<vmem>>
        %dma_wait3A_423 = tpu.memref_squeeze %dma_wait3A_422 : memref<1x1x2048xf32, #tpu.memory_space<vmem>> -> memref<2048xf32, #tpu.memory_space<vmem>>
        %dma_wait3A_424 = arith.constant 0 : i32
        %dma_wait3A_425 = tpu.memref_slice %arg8[%dma_wait3A_419, %dma_wait3A_420, %dma_wait3A_424] : memref<24x1x50048xf32, #tpu.memory_space<vmem_shared>> -> memref<1x1x50048xf32, #tpu.memory_space<vmem_shared>>
        %dma_wait3A_426 = tpu.memref_squeeze %dma_wait3A_425 : memref<1x1x50048xf32, #tpu.memory_space<vmem_shared>> -> memref<50048xf32, #tpu.memory_space<vmem_shared>>
        %dma_wait3A_427 = arith.constant 0 : i32
        %dma_wait3A_428 = tpu.memref_slice %dma_wait3A_426[%dma_wait3A_427] : memref<50048xf32, #tpu.memory_space<vmem_shared>> -> memref<50048xf32, #tpu.memory_space<vmem_shared>>
        tpu.wait_indirect_dma semaphore(%arg9 : memref<!tpu.dma_semaphore, #tpu.memory_space<semaphore_mem>>) src(%dma_wait3A_423 : memref<2048xf32, #tpu.memory_space<vmem>>) dst(%dma_wait3A_428 : memref<50048xf32, #tpu.memory_space<vmem_shared>>)
      } else {
      }
    }
    %scan3A_7 = arith.constant 13 : i32
    %barrier3A_8 = arith.constant 0 : index
    tpu.barrier barrier_id(%barrier3A_8)
    %lt3A_9 = arith.constant 3 : i32
    %lt3A_10 = arith.cmpi slt, %arg1, %lt3A_9 : i32
    %convert_element_type3A_11 = arith.extui %lt3A_10 : i1 to i32
    %cond3A_12 = arith.constant 0 : i32
    %cond3A_13 = arith.cmpi ne, %convert_element_type3A_11, %cond3A_12 : i32
    scf.if %cond3A_13 {
      %mul3A_34 = arith.constant 8 : i32
      %mul3A_35 = arith.muli %arg1, %mul3A_34 : i32
      %mul3A_36 = arith.constant 2 : i32
      %mul3A_37 = arith.muli %arg0, %mul3A_36 : i32
      %add3A_38 = arith.constant 0 : i32
      %add3A_39 = arith.addi %mul3A_37, %add3A_38 : i32
      %mul3A_40 = arith.constant 24 : i32
      %mul3A_41 = arith.muli %add3A_39, %mul3A_40 : i32
      %mul3A_42 = arith.constant 8 : i32
      %mul3A_43 = arith.muli %arg1, %mul3A_42 : i32
      %add3A_44 = arith.addi %mul3A_41, %mul3A_43 : i32
      "tpu.region"() ({
        %run_scoped3A = tpu.sem_alloc : memref<!tpu.dma_semaphore, #tpu.memory_space<semaphore_mem>>
        %dma_start3A = arith.constant 0 : i32
        %dma_start3A_45 = arith.constant 0 : i32
        %dma_start3A_46 = tpu.memref_slice %arg5[%add3A_44, %dma_start3A, %dma_start3A_45] : memref<96x1x50048xf32, #tpu.memory_space<hbm>> -> memref<8x1x50048xf32, #tpu.memory_space<hbm>>
        %dma_start3A_47 = arith.constant 0 : i32
        %dma_start3A_48 = arith.constant 0 : i32
        %dma_start3A_49 = tpu.memref_slice %arg8[%mul3A_35, %dma_start3A_47, %dma_start3A_48] : memref<24x1x50048xf32, #tpu.memory_space<vmem_shared>> -> memref<8x1x50048xf32, #tpu.memory_space<vmem_shared>>
        tpu.enqueue_dma source(%dma_start3A_49 : memref<8x1x50048xf32, #tpu.memory_space<vmem_shared>>) target(%dma_start3A_46 : memref<8x1x50048xf32, #tpu.memory_space<hbm>>) target_semaphore(%run_scoped3A : memref<!tpu.dma_semaphore, #tpu.memory_space<semaphore_mem>>)
        %dma_wait3A = arith.constant 0 : i32
        %dma_wait3A_50 = arith.constant 0 : i32
        %dma_wait3A_51 = tpu.memref_slice %arg5[%add3A_44, %dma_wait3A, %dma_wait3A_50] : memref<96x1x50048xf32, #tpu.memory_space<hbm>> -> memref<8x1x50048xf32, #tpu.memory_space<hbm>>
        %dma_wait3A_52 = arith.constant 0 : i32
        %dma_wait3A_53 = arith.constant 0 : i32
        %dma_wait3A_54 = tpu.memref_slice %arg8[%mul3A_35, %dma_wait3A_52, %dma_wait3A_53] : memref<24x1x50048xf32, #tpu.memory_space<vmem_shared>> -> memref<8x1x50048xf32, #tpu.memory_space<vmem_shared>>
        tpu.wait_dma2 semaphore(%run_scoped3A : memref<!tpu.dma_semaphore, #tpu.memory_space<semaphore_mem>>) src(%dma_wait3A_54 : memref<8x1x50048xf32, #tpu.memory_space<vmem_shared>>) dst(%dma_wait3A_51 : memref<8x1x50048xf32, #tpu.memory_space<hbm>>)
        tpu.yield
      }) : () -> ()
    } else {
    }
    %barrier3A_14 = arith.constant 0 : index
    tpu.barrier barrier_id(%barrier3A_14)
    %lt3A_15 = arith.constant 3 : i32
    %lt3A_16 = arith.cmpi slt, %arg1, %lt3A_15 : i32
    %convert_element_type3A_17 = arith.extui %lt3A_16 : i1 to i32
    %cond3A_18 = arith.constant 0 : i32
    %cond3A_19 = arith.cmpi ne, %convert_element_type3A_17, %cond3A_18 : i32
    scf.if %cond3A_19 {
      %mul3A_34 = arith.constant 8 : i32
      %mul3A_35 = arith.muli %arg1, %mul3A_34 : i32
      %mul3A_36 = arith.constant 8 : i32
      %mul3A_37 = arith.muli %arg1, %mul3A_36 : i32
      "tpu.region"() ({
        %run_scoped3A = tpu.sem_alloc : memref<!tpu.dma_semaphore, #tpu.memory_space<semaphore_mem>>
        %dma_start3A = arith.constant 0 : i32
        %dma_start3A_38 = arith.constant 0 : i32
        %dma_start3A_39 = tpu.memref_slice %arg8[%mul3A_37, %dma_start3A, %dma_start3A_38] : memref<24x1x50048xf32, #tpu.memory_space<vmem_shared>> -> memref<8x1x50048xf32, #tpu.memory_space<vmem_shared>>
        %dma_start3A_40 = arith.constant 0 : i32
        %dma_start3A_41 = arith.constant 0 : i32
        %dma_start3A_42 = tpu.memref_slice %arg4[%mul3A_35, %dma_start3A_40, %dma_start3A_41] : memref<24x1x50048xf32, #tpu.memory_space<hbm>> -> memref<8x1x50048xf32, #tpu.memory_space<hbm>>
        tpu.enqueue_dma source(%dma_start3A_42 : memref<8x1x50048xf32, #tpu.memory_space<hbm>>) target(%dma_start3A_39 : memref<8x1x50048xf32, #tpu.memory_space<vmem_shared>>) target_semaphore(%run_scoped3A : memref<!tpu.dma_semaphore, #tpu.memory_space<semaphore_mem>>)
        %dma_wait3A = arith.constant 0 : i32
        %dma_wait3A_43 = arith.constant 0 : i32
        %dma_wait3A_44 = tpu.memref_slice %arg8[%mul3A_37, %dma_wait3A, %dma_wait3A_43] : memref<24x1x50048xf32, #tpu.memory_space<vmem_shared>> -> memref<8x1x50048xf32, #tpu.memory_space<vmem_shared>>
        %dma_wait3A_45 = arith.constant 0 : i32
        %dma_wait3A_46 = arith.constant 0 : i32
        %dma_wait3A_47 = tpu.memref_slice %arg4[%mul3A_35, %dma_wait3A_45, %dma_wait3A_46] : memref<24x1x50048xf32, #tpu.memory_space<hbm>> -> memref<8x1x50048xf32, #tpu.memory_space<hbm>>
        tpu.wait_dma2 semaphore(%run_scoped3A : memref<!tpu.dma_semaphore, #tpu.memory_space<semaphore_mem>>) src(%dma_wait3A_47 : memref<8x1x50048xf32, #tpu.memory_space<hbm>>) dst(%dma_wait3A_44 : memref<8x1x50048xf32, #tpu.memory_space<vmem_shared>>)
        tpu.yield
      }) : () -> ()
    } else {
    }
    %barrier3A_20 = arith.constant 0 : index
    tpu.barrier barrier_id(%barrier3A_20)
    %scan3A_21 = arith.constant 0 : i32
    %scan3A_22 = arith.constant 0 : i32
    %scan3A_23 = arith.constant 13 : i32
    %scan3A_24 = arith.addi %scan3A_22, %scan3A_23 : i32
    %scan3A_25 = arith.constant 1 : i32
    scf.for %scan3A_34 = %scan3A_22 to %scan3A_24 step %scan3A_25  : i32 {
      %mul3A_35 = arith.constant 32 : i32
      %mul3A_36 = arith.muli %scan3A_34, %mul3A_35 : i32
      %add3A_37 = arith.addi %add3A, %mul3A_36 : i32
      %lt3A_38 = arith.constant 400 : i32
      %lt3A_39 = arith.cmpi slt, %add3A_37, %lt3A_38 : i32
      %convert_element_type3A_40 = arith.extui %lt3A_39 : i1 to i32
      %cond3A_41 = arith.constant 0 : i32
      %cond3A_42 = arith.cmpi ne, %convert_element_type3A_40, %cond3A_41 : i32
      scf.if %cond3A_42 {
        %mul3A_43 = arith.constant 2048 : i32
        %mul3A_44 = arith.muli %add3A_37, %mul3A_43 : i32
        "tpu.region"() ({
          %run_scoped3A = tpu.sem_alloc : memref<!tpu.dma_semaphore, #tpu.memory_space<semaphore_mem>>
          %dma_start3A_453 = tpu.memref_slice %arg3[%mul3A_44] : memref<819200xi32, #tpu.memory_space<hbm>> -> memref<2048xi32, #tpu.memory_space<hbm>>
          %dma_start3A_454 = tpu.memref_slice %arg3[%mul3A_44] : memref<819200xi32, #tpu.memory_space<hbm>> -> memref<2048xi32, #tpu.memory_space<hbm>>
          tpu.enqueue_dma source(%dma_start3A_454 : memref<2048xi32, #tpu.memory_space<hbm>>) target(%arg6 : memref<2048xi32, #tpu.memory_space<vmem>>) target_semaphore(%run_scoped3A : memref<!tpu.dma_semaphore, #tpu.memory_space<semaphore_mem>>)
          %dma_wait3A_455 = tpu.memref_slice %arg3[%mul3A_44] : memref<819200xi32, #tpu.memory_space<hbm>> -> memref<2048xi32, #tpu.memory_space<hbm>>
          %dma_wait3A_456 = tpu.memref_slice %arg3[%mul3A_44] : memref<819200xi32, #tpu.memory_space<hbm>> -> memref<2048xi32, #tpu.memory_space<hbm>>
          tpu.wait_dma2 semaphore(%run_scoped3A : memref<!tpu.dma_semaphore, #tpu.memory_space<semaphore_mem>>) src(%dma_wait3A_456 : memref<2048xi32, #tpu.memory_space<hbm>>) dst(%arg6 : memref<2048xi32, #tpu.memory_space<vmem>>)
          tpu.yield
        }) : () -> ()
        %mul3A_45 = arith.constant 2048 : i32
        %mul3A_46 = arith.muli %add3A_37, %mul3A_45 : i32
        "tpu.region"() ({
          %run_scoped3A = tpu.sem_alloc : memref<!tpu.dma_semaphore, #tpu.memory_space<semaphore_mem>>
          %dma_start3A_453 = arith.constant 0 : i32
          %dma_start3A_454 = arith.constant 0 : i32
          %dma_start3A_455 = arith.constant 0 : i32
          %dma_start3A_456 = tpu.memref_slice %arg7[%dma_start3A_453, %dma_start3A_454, %dma_start3A_455] : memref<17x1x2048xf32, #tpu.memory_space<vmem>> -> memref<17x1x2048xf32, #tpu.memory_space<vmem>>
          %dma_start3A_457 = arith.constant 16 : i32
          %dma_start3A_458 = arith.constant 0 : i32
          %dma_start3A_459 = tpu.memref_slice %arg2[%dma_start3A_457, %dma_start3A_458, %mul3A_46] : memref<33x1x819200xf32, #tpu.memory_space<hbm>> -> memref<17x1x2048xf32, #tpu.memory_space<hbm>>
          %dma_start3A_460 = arith.constant 0 : i32
          %dma_start3A_461 = arith.constant 0 : i32
          %dma_start3A_462 = arith.constant 0 : i32
          %dma_start3A_463 = tpu.memref_slice %arg7[%dma_start3A_460, %dma_start3A_461, %dma_start3A_462] : memref<17x1x2048xf32, #tpu.memory_space<vmem>> -> memref<17x1x2048xf32, #tpu.memory_space<vmem>>
          %dma_start3A_464 = arith.constant 16 : i32
          %dma_start3A_465 = arith.constant 0 : i32
          %dma_start3A_466 = tpu.memref_slice %arg2[%dma_start3A_464, %dma_start3A_465, %mul3A_46] : memref<33x1x819200xf32, #tpu.memory_space<hbm>> -> memref<17x1x2048xf32, #tpu.memory_space<hbm>>
          tpu.enqueue_dma source(%dma_start3A_466 : memref<17x1x2048xf32, #tpu.memory_space<hbm>>) target(%dma_start3A_463 : memref<17x1x2048xf32, #tpu.memory_space<vmem>>) target_semaphore(%run_scoped3A : memref<!tpu.dma_semaphore, #tpu.memory_space<semaphore_mem>>)
          %dma_wait3A_467 = arith.constant 0 : i32
          %dma_wait3A_468 = arith.constant 0 : i32
          %dma_wait3A_469 = arith.constant 0 : i32
          %dma_wait3A_470 = tpu.memref_slice %arg7[%dma_wait3A_467, %dma_wait3A_468, %dma_wait3A_469] : memref<17x1x2048xf32, #tpu.memory_space<vmem>> -> memref<17x1x2048xf32, #tpu.memory_space<vmem>>
          %dma_wait3A_471 = arith.constant 16 : i32
          %dma_wait3A_472 = arith.constant 0 : i32
          %dma_wait3A_473 = tpu.memref_slice %arg2[%dma_wait3A_471, %dma_wait3A_472, %mul3A_46] : memref<33x1x819200xf32, #tpu.memory_space<hbm>> -> memref<17x1x2048xf32, #tpu.memory_space<hbm>>
          %dma_wait3A_474 = arith.constant 0 : i32
          %dma_wait3A_475 = arith.constant 0 : i32
          %dma_wait3A_476 = arith.constant 0 : i32
          %dma_wait3A_477 = tpu.memref_slice %arg7[%dma_wait3A_474, %dma_wait3A_475, %dma_wait3A_476] : memref<17x1x2048xf32, #tpu.memory_space<vmem>> -> memref<17x1x2048xf32, #tpu.memory_space<vmem>>
          %dma_wait3A_478 = arith.constant 16 : i32
          %dma_wait3A_479 = arith.constant 0 : i32
          %dma_wait3A_480 = tpu.memref_slice %arg2[%dma_wait3A_478, %dma_wait3A_479, %mul3A_46] : memref<33x1x819200xf32, #tpu.memory_space<hbm>> -> memref<17x1x2048xf32, #tpu.memory_space<hbm>>
          tpu.wait_dma2 semaphore(%run_scoped3A : memref<!tpu.dma_semaphore, #tpu.memory_space<semaphore_mem>>) src(%dma_wait3A_480 : memref<17x1x2048xf32, #tpu.memory_space<hbm>>) dst(%dma_wait3A_477 : memref<17x1x2048xf32, #tpu.memory_space<vmem>>)
          tpu.yield
        }) : () -> ()
        %dma_start3A = arith.constant 0 : i32
        %dma_start3A_47 = arith.constant 0 : i32
        %dma_start3A_48 = arith.constant 0 : i32
        %dma_start3A_49 = arith.constant 0 : i32
        %dma_start3A_50 = arith.constant 0 : i32
        %dma_start3A_51 = tpu.memref_slice %arg7[%dma_start3A, %dma_start3A_47, %dma_start3A_50] : memref<17x1x2048xf32, #tpu.memory_space<vmem>> -> memref<1x1x2048xf32, #tpu.memory_space<vmem>>
        %dma_start3A_52 = tpu.memref_squeeze %dma_start3A_51 : memref<1x1x2048xf32, #tpu.memory_space<vmem>> -> memref<2048xf32, #tpu.memory_space<vmem>>
        %dma_start3A_53 = arith.constant 0 : i32
        %dma_start3A_54 = tpu.memref_slice %arg8[%dma_start3A_48, %dma_start3A_49, %dma_start3A_53] : memref<24x1x50048xf32, #tpu.memory_space<vmem_shared>> -> memref<1x1x50048xf32, #tpu.memory_space<vmem_shared>>
        %dma_start3A_55 = tpu.memref_squeeze %dma_start3A_54 : memref<1x1x50048xf32, #tpu.memory_space<vmem_shared>> -> memref<50048xf32, #tpu.memory_space<vmem_shared>>
        %dma_start3A_56 = arith.constant 0 : i32
        %dma_start3A_57 = tpu.memref_slice %dma_start3A_55[%dma_start3A_56] : memref<50048xf32, #tpu.memory_space<vmem_shared>> -> memref<50048xf32, #tpu.memory_space<vmem_shared>>
        tpu.enqueue_indirect_dma source(%dma_start3A_52 : memref<2048xf32, #tpu.memory_space<vmem>>) target(%dma_start3A_57 : memref<50048xf32, #tpu.memory_space<vmem_shared>>) offsets(%arg6 : memref<2048xi32, #tpu.memory_space<vmem>>) semaphore(%arg9 : memref<!tpu.dma_semaphore, #tpu.memory_space<semaphore_mem>>) {add = true}
        %dma_start3A_58 = arith.constant 1 : i32
        %dma_start3A_59 = arith.constant 0 : i32
        %dma_start3A_60 = arith.constant 1 : i32
        %dma_start3A_61 = arith.constant 0 : i32
        %dma_start3A_62 = arith.constant 0 : i32
        %dma_start3A_63 = tpu.memref_slice %arg7[%dma_start3A_58, %dma_start3A_59, %dma_start3A_62] : memref<17x1x2048xf32, #tpu.memory_space<vmem>> -> memref<1x1x2048xf32, #tpu.memory_space<vmem>>
        %dma_start3A_64 = tpu.memref_squeeze %dma_start3A_63 : memref<1x1x2048xf32, #tpu.memory_space<vmem>> -> memref<2048xf32, #tpu.memory_space<vmem>>
        %dma_start3A_65 = arith.constant 0 : i32
        %dma_start3A_66 = tpu.memref_slice %arg8[%dma_start3A_60, %dma_start3A_61, %dma_start3A_65] : memref<24x1x50048xf32, #tpu.memory_space<vmem_shared>> -> memref<1x1x50048xf32, #tpu.memory_space<vmem_shared>>
        %dma_start3A_67 = tpu.memref_squeeze %dma_start3A_66 : memref<1x1x50048xf32, #tpu.memory_space<vmem_shared>> -> memref<50048xf32, #tpu.memory_space<vmem_shared>>
        %dma_start3A_68 = arith.constant 0 : i32
        %dma_start3A_69 = tpu.memref_slice %dma_start3A_67[%dma_start3A_68] : memref<50048xf32, #tpu.memory_space<vmem_shared>> -> memref<50048xf32, #tpu.memory_space<vmem_shared>>
        tpu.enqueue_indirect_dma source(%dma_start3A_64 : memref<2048xf32, #tpu.memory_space<vmem>>) target(%dma_start3A_69 : memref<50048xf32, #tpu.memory_space<vmem_shared>>) offsets(%arg6 : memref<2048xi32, #tpu.memory_space<vmem>>) semaphore(%arg9 : memref<!tpu.dma_semaphore, #tpu.memory_space<semaphore_mem>>) {add = true}
        %dma_start3A_70 = arith.constant 2 : i32
        %dma_start3A_71 = arith.constant 0 : i32
        %dma_start3A_72 = arith.constant 2 : i32
        %dma_start3A_73 = arith.constant 0 : i32
        %dma_start3A_74 = arith.constant 0 : i32
        %dma_start3A_75 = tpu.memref_slice %arg7[%dma_start3A_70, %dma_start3A_71, %dma_start3A_74] : memref<17x1x2048xf32, #tpu.memory_space<vmem>> -> memref<1x1x2048xf32, #tpu.memory_space<vmem>>
        %dma_start3A_76 = tpu.memref_squeeze %dma_start3A_75 : memref<1x1x2048xf32, #tpu.memory_space<vmem>> -> memref<2048xf32, #tpu.memory_space<vmem>>
        %dma_start3A_77 = arith.constant 0 : i32
        %dma_start3A_78 = tpu.memref_slice %arg8[%dma_start3A_72, %dma_start3A_73, %dma_start3A_77] : memref<24x1x50048xf32, #tpu.memory_space<vmem_shared>> -> memref<1x1x50048xf32, #tpu.memory_space<vmem_shared>>
        %dma_start3A_79 = tpu.memref_squeeze %dma_start3A_78 : memref<1x1x50048xf32, #tpu.memory_space<vmem_shared>> -> memref<50048xf32, #tpu.memory_space<vmem_shared>>
        %dma_start3A_80 = arith.constant 0 : i32
        %dma_start3A_81 = tpu.memref_slice %dma_start3A_79[%dma_start3A_80] : memref<50048xf32, #tpu.memory_space<vmem_shared>> -> memref<50048xf32, #tpu.memory_space<vmem_shared>>
        tpu.enqueue_indirect_dma source(%dma_start3A_76 : memref<2048xf32, #tpu.memory_space<vmem>>) target(%dma_start3A_81 : memref<50048xf32, #tpu.memory_space<vmem_shared>>) offsets(%arg6 : memref<2048xi32, #tpu.memory_space<vmem>>) semaphore(%arg9 : memref<!tpu.dma_semaphore, #tpu.memory_space<semaphore_mem>>) {add = true}
        %dma_start3A_82 = arith.constant 3 : i32
        %dma_start3A_83 = arith.constant 0 : i32
        %dma_start3A_84 = arith.constant 3 : i32
        %dma_start3A_85 = arith.constant 0 : i32
        %dma_start3A_86 = arith.constant 0 : i32
        %dma_start3A_87 = tpu.memref_slice %arg7[%dma_start3A_82, %dma_start3A_83, %dma_start3A_86] : memref<17x1x2048xf32, #tpu.memory_space<vmem>> -> memref<1x1x2048xf32, #tpu.memory_space<vmem>>
        %dma_start3A_88 = tpu.memref_squeeze %dma_start3A_87 : memref<1x1x2048xf32, #tpu.memory_space<vmem>> -> memref<2048xf32, #tpu.memory_space<vmem>>
        %dma_start3A_89 = arith.constant 0 : i32
        %dma_start3A_90 = tpu.memref_slice %arg8[%dma_start3A_84, %dma_start3A_85, %dma_start3A_89] : memref<24x1x50048xf32, #tpu.memory_space<vmem_shared>> -> memref<1x1x50048xf32, #tpu.memory_space<vmem_shared>>
        %dma_start3A_91 = tpu.memref_squeeze %dma_start3A_90 : memref<1x1x50048xf32, #tpu.memory_space<vmem_shared>> -> memref<50048xf32, #tpu.memory_space<vmem_shared>>
        %dma_start3A_92 = arith.constant 0 : i32
        %dma_start3A_93 = tpu.memref_slice %dma_start3A_91[%dma_start3A_92] : memref<50048xf32, #tpu.memory_space<vmem_shared>> -> memref<50048xf32, #tpu.memory_space<vmem_shared>>
        tpu.enqueue_indirect_dma source(%dma_start3A_88 : memref<2048xf32, #tpu.memory_space<vmem>>) target(%dma_start3A_93 : memref<50048xf32, #tpu.memory_space<vmem_shared>>) offsets(%arg6 : memref<2048xi32, #tpu.memory_space<vmem>>) semaphore(%arg9 : memref<!tpu.dma_semaphore, #tpu.memory_space<semaphore_mem>>) {add = true}
        %dma_start3A_94 = arith.constant 4 : i32
        %dma_start3A_95 = arith.constant 0 : i32
        %dma_start3A_96 = arith.constant 4 : i32
        %dma_start3A_97 = arith.constant 0 : i32
        %dma_start3A_98 = arith.constant 0 : i32
        %dma_start3A_99 = tpu.memref_slice %arg7[%dma_start3A_94, %dma_start3A_95, %dma_start3A_98] : memref<17x1x2048xf32, #tpu.memory_space<vmem>> -> memref<1x1x2048xf32, #tpu.memory_space<vmem>>
        %dma_start3A_100 = tpu.memref_squeeze %dma_start3A_99 : memref<1x1x2048xf32, #tpu.memory_space<vmem>> -> memref<2048xf32, #tpu.memory_space<vmem>>
        %dma_start3A_101 = arith.constant 0 : i32
        %dma_start3A_102 = tpu.memref_slice %arg8[%dma_start3A_96, %dma_start3A_97, %dma_start3A_101] : memref<24x1x50048xf32, #tpu.memory_space<vmem_shared>> -> memref<1x1x50048xf32, #tpu.memory_space<vmem_shared>>
        %dma_start3A_103 = tpu.memref_squeeze %dma_start3A_102 : memref<1x1x50048xf32, #tpu.memory_space<vmem_shared>> -> memref<50048xf32, #tpu.memory_space<vmem_shared>>
        %dma_start3A_104 = arith.constant 0 : i32
        %dma_start3A_105 = tpu.memref_slice %dma_start3A_103[%dma_start3A_104] : memref<50048xf32, #tpu.memory_space<vmem_shared>> -> memref<50048xf32, #tpu.memory_space<vmem_shared>>
        tpu.enqueue_indirect_dma source(%dma_start3A_100 : memref<2048xf32, #tpu.memory_space<vmem>>) target(%dma_start3A_105 : memref<50048xf32, #tpu.memory_space<vmem_shared>>) offsets(%arg6 : memref<2048xi32, #tpu.memory_space<vmem>>) semaphore(%arg9 : memref<!tpu.dma_semaphore, #tpu.memory_space<semaphore_mem>>) {add = true}
        %dma_start3A_106 = arith.constant 5 : i32
        %dma_start3A_107 = arith.constant 0 : i32
        %dma_start3A_108 = arith.constant 5 : i32
        %dma_start3A_109 = arith.constant 0 : i32
        %dma_start3A_110 = arith.constant 0 : i32
        %dma_start3A_111 = tpu.memref_slice %arg7[%dma_start3A_106, %dma_start3A_107, %dma_start3A_110] : memref<17x1x2048xf32, #tpu.memory_space<vmem>> -> memref<1x1x2048xf32, #tpu.memory_space<vmem>>
        %dma_start3A_112 = tpu.memref_squeeze %dma_start3A_111 : memref<1x1x2048xf32, #tpu.memory_space<vmem>> -> memref<2048xf32, #tpu.memory_space<vmem>>
        %dma_start3A_113 = arith.constant 0 : i32
        %dma_start3A_114 = tpu.memref_slice %arg8[%dma_start3A_108, %dma_start3A_109, %dma_start3A_113] : memref<24x1x50048xf32, #tpu.memory_space<vmem_shared>> -> memref<1x1x50048xf32, #tpu.memory_space<vmem_shared>>
        %dma_start3A_115 = tpu.memref_squeeze %dma_start3A_114 : memref<1x1x50048xf32, #tpu.memory_space<vmem_shared>> -> memref<50048xf32, #tpu.memory_space<vmem_shared>>
        %dma_start3A_116 = arith.constant 0 : i32
        %dma_start3A_117 = tpu.memref_slice %dma_start3A_115[%dma_start3A_116] : memref<50048xf32, #tpu.memory_space<vmem_shared>> -> memref<50048xf32, #tpu.memory_space<vmem_shared>>
        tpu.enqueue_indirect_dma source(%dma_start3A_112 : memref<2048xf32, #tpu.memory_space<vmem>>) target(%dma_start3A_117 : memref<50048xf32, #tpu.memory_space<vmem_shared>>) offsets(%arg6 : memref<2048xi32, #tpu.memory_space<vmem>>) semaphore(%arg9 : memref<!tpu.dma_semaphore, #tpu.memory_space<semaphore_mem>>) {add = true}
        %dma_start3A_118 = arith.constant 6 : i32
        %dma_start3A_119 = arith.constant 0 : i32
        %dma_start3A_120 = arith.constant 6 : i32
        %dma_start3A_121 = arith.constant 0 : i32
        %dma_start3A_122 = arith.constant 0 : i32
        %dma_start3A_123 = tpu.memref_slice %arg7[%dma_start3A_118, %dma_start3A_119, %dma_start3A_122] : memref<17x1x2048xf32, #tpu.memory_space<vmem>> -> memref<1x1x2048xf32, #tpu.memory_space<vmem>>
        %dma_start3A_124 = tpu.memref_squeeze %dma_start3A_123 : memref<1x1x2048xf32, #tpu.memory_space<vmem>> -> memref<2048xf32, #tpu.memory_space<vmem>>
        %dma_start3A_125 = arith.constant 0 : i32
        %dma_start3A_126 = tpu.memref_slice %arg8[%dma_start3A_120, %dma_start3A_121, %dma_start3A_125] : memref<24x1x50048xf32, #tpu.memory_space<vmem_shared>> -> memref<1x1x50048xf32, #tpu.memory_space<vmem_shared>>
        %dma_start3A_127 = tpu.memref_squeeze %dma_start3A_126 : memref<1x1x50048xf32, #tpu.memory_space<vmem_shared>> -> memref<50048xf32, #tpu.memory_space<vmem_shared>>
        %dma_start3A_128 = arith.constant 0 : i32
        %dma_start3A_129 = tpu.memref_slice %dma_start3A_127[%dma_start3A_128] : memref<50048xf32, #tpu.memory_space<vmem_shared>> -> memref<50048xf32, #tpu.memory_space<vmem_shared>>
        tpu.enqueue_indirect_dma source(%dma_start3A_124 : memref<2048xf32, #tpu.memory_space<vmem>>) target(%dma_start3A_129 : memref<50048xf32, #tpu.memory_space<vmem_shared>>) offsets(%arg6 : memref<2048xi32, #tpu.memory_space<vmem>>) semaphore(%arg9 : memref<!tpu.dma_semaphore, #tpu.memory_space<semaphore_mem>>) {add = true}
        %dma_start3A_130 = arith.constant 7 : i32
        %dma_start3A_131 = arith.constant 0 : i32
        %dma_start3A_132 = arith.constant 7 : i32
        %dma_start3A_133 = arith.constant 0 : i32
        %dma_start3A_134 = arith.constant 0 : i32
        %dma_start3A_135 = tpu.memref_slice %arg7[%dma_start3A_130, %dma_start3A_131, %dma_start3A_134] : memref<17x1x2048xf32, #tpu.memory_space<vmem>> -> memref<1x1x2048xf32, #tpu.memory_space<vmem>>
        %dma_start3A_136 = tpu.memref_squeeze %dma_start3A_135 : memref<1x1x2048xf32, #tpu.memory_space<vmem>> -> memref<2048xf32, #tpu.memory_space<vmem>>
        %dma_start3A_137 = arith.constant 0 : i32
        %dma_start3A_138 = tpu.memref_slice %arg8[%dma_start3A_132, %dma_start3A_133, %dma_start3A_137] : memref<24x1x50048xf32, #tpu.memory_space<vmem_shared>> -> memref<1x1x50048xf32, #tpu.memory_space<vmem_shared>>
        %dma_start3A_139 = tpu.memref_squeeze %dma_start3A_138 : memref<1x1x50048xf32, #tpu.memory_space<vmem_shared>> -> memref<50048xf32, #tpu.memory_space<vmem_shared>>
        %dma_start3A_140 = arith.constant 0 : i32
        %dma_start3A_141 = tpu.memref_slice %dma_start3A_139[%dma_start3A_140] : memref<50048xf32, #tpu.memory_space<vmem_shared>> -> memref<50048xf32, #tpu.memory_space<vmem_shared>>
        tpu.enqueue_indirect_dma source(%dma_start3A_136 : memref<2048xf32, #tpu.memory_space<vmem>>) target(%dma_start3A_141 : memref<50048xf32, #tpu.memory_space<vmem_shared>>) offsets(%arg6 : memref<2048xi32, #tpu.memory_space<vmem>>) semaphore(%arg9 : memref<!tpu.dma_semaphore, #tpu.memory_space<semaphore_mem>>) {add = true}
        %dma_start3A_142 = arith.constant 8 : i32
        %dma_start3A_143 = arith.constant 0 : i32
        %dma_start3A_144 = arith.constant 8 : i32
        %dma_start3A_145 = arith.constant 0 : i32
        %dma_start3A_146 = arith.constant 0 : i32
        %dma_start3A_147 = tpu.memref_slice %arg7[%dma_start3A_142, %dma_start3A_143, %dma_start3A_146] : memref<17x1x2048xf32, #tpu.memory_space<vmem>> -> memref<1x1x2048xf32, #tpu.memory_space<vmem>>
        %dma_start3A_148 = tpu.memref_squeeze %dma_start3A_147 : memref<1x1x2048xf32, #tpu.memory_space<vmem>> -> memref<2048xf32, #tpu.memory_space<vmem>>
        %dma_start3A_149 = arith.constant 0 : i32
        %dma_start3A_150 = tpu.memref_slice %arg8[%dma_start3A_144, %dma_start3A_145, %dma_start3A_149] : memref<24x1x50048xf32, #tpu.memory_space<vmem_shared>> -> memref<1x1x50048xf32, #tpu.memory_space<vmem_shared>>
        %dma_start3A_151 = tpu.memref_squeeze %dma_start3A_150 : memref<1x1x50048xf32, #tpu.memory_space<vmem_shared>> -> memref<50048xf32, #tpu.memory_space<vmem_shared>>
        %dma_start3A_152 = arith.constant 0 : i32
        %dma_start3A_153 = tpu.memref_slice %dma_start3A_151[%dma_start3A_152] : memref<50048xf32, #tpu.memory_space<vmem_shared>> -> memref<50048xf32, #tpu.memory_space<vmem_shared>>
        tpu.enqueue_indirect_dma source(%dma_start3A_148 : memref<2048xf32, #tpu.memory_space<vmem>>) target(%dma_start3A_153 : memref<50048xf32, #tpu.memory_space<vmem_shared>>) offsets(%arg6 : memref<2048xi32, #tpu.memory_space<vmem>>) semaphore(%arg9 : memref<!tpu.dma_semaphore, #tpu.memory_space<semaphore_mem>>) {add = true}
        %dma_start3A_154 = arith.constant 9 : i32
        %dma_start3A_155 = arith.constant 0 : i32
        %dma_start3A_156 = arith.constant 9 : i32
        %dma_start3A_157 = arith.constant 0 : i32
        %dma_start3A_158 = arith.constant 0 : i32
        %dma_start3A_159 = tpu.memref_slice %arg7[%dma_start3A_154, %dma_start3A_155, %dma_start3A_158] : memref<17x1x2048xf32, #tpu.memory_space<vmem>> -> memref<1x1x2048xf32, #tpu.memory_space<vmem>>
        %dma_start3A_160 = tpu.memref_squeeze %dma_start3A_159 : memref<1x1x2048xf32, #tpu.memory_space<vmem>> -> memref<2048xf32, #tpu.memory_space<vmem>>
        %dma_start3A_161 = arith.constant 0 : i32
        %dma_start3A_162 = tpu.memref_slice %arg8[%dma_start3A_156, %dma_start3A_157, %dma_start3A_161] : memref<24x1x50048xf32, #tpu.memory_space<vmem_shared>> -> memref<1x1x50048xf32, #tpu.memory_space<vmem_shared>>
        %dma_start3A_163 = tpu.memref_squeeze %dma_start3A_162 : memref<1x1x50048xf32, #tpu.memory_space<vmem_shared>> -> memref<50048xf32, #tpu.memory_space<vmem_shared>>
        %dma_start3A_164 = arith.constant 0 : i32
        %dma_start3A_165 = tpu.memref_slice %dma_start3A_163[%dma_start3A_164] : memref<50048xf32, #tpu.memory_space<vmem_shared>> -> memref<50048xf32, #tpu.memory_space<vmem_shared>>
        tpu.enqueue_indirect_dma source(%dma_start3A_160 : memref<2048xf32, #tpu.memory_space<vmem>>) target(%dma_start3A_165 : memref<50048xf32, #tpu.memory_space<vmem_shared>>) offsets(%arg6 : memref<2048xi32, #tpu.memory_space<vmem>>) semaphore(%arg9 : memref<!tpu.dma_semaphore, #tpu.memory_space<semaphore_mem>>) {add = true}
        %dma_start3A_166 = arith.constant 10 : i32
        %dma_start3A_167 = arith.constant 0 : i32
        %dma_start3A_168 = arith.constant 10 : i32
        %dma_start3A_169 = arith.constant 0 : i32
        %dma_start3A_170 = arith.constant 0 : i32
        %dma_start3A_171 = tpu.memref_slice %arg7[%dma_start3A_166, %dma_start3A_167, %dma_start3A_170] : memref<17x1x2048xf32, #tpu.memory_space<vmem>> -> memref<1x1x2048xf32, #tpu.memory_space<vmem>>
        %dma_start3A_172 = tpu.memref_squeeze %dma_start3A_171 : memref<1x1x2048xf32, #tpu.memory_space<vmem>> -> memref<2048xf32, #tpu.memory_space<vmem>>
        %dma_start3A_173 = arith.constant 0 : i32
        %dma_start3A_174 = tpu.memref_slice %arg8[%dma_start3A_168, %dma_start3A_169, %dma_start3A_173] : memref<24x1x50048xf32, #tpu.memory_space<vmem_shared>> -> memref<1x1x50048xf32, #tpu.memory_space<vmem_shared>>
        %dma_start3A_175 = tpu.memref_squeeze %dma_start3A_174 : memref<1x1x50048xf32, #tpu.memory_space<vmem_shared>> -> memref<50048xf32, #tpu.memory_space<vmem_shared>>
        %dma_start3A_176 = arith.constant 0 : i32
        %dma_start3A_177 = tpu.memref_slice %dma_start3A_175[%dma_start3A_176] : memref<50048xf32, #tpu.memory_space<vmem_shared>> -> memref<50048xf32, #tpu.memory_space<vmem_shared>>
        tpu.enqueue_indirect_dma source(%dma_start3A_172 : memref<2048xf32, #tpu.memory_space<vmem>>) target(%dma_start3A_177 : memref<50048xf32, #tpu.memory_space<vmem_shared>>) offsets(%arg6 : memref<2048xi32, #tpu.memory_space<vmem>>) semaphore(%arg9 : memref<!tpu.dma_semaphore, #tpu.memory_space<semaphore_mem>>) {add = true}
        %dma_start3A_178 = arith.constant 11 : i32
        %dma_start3A_179 = arith.constant 0 : i32
        %dma_start3A_180 = arith.constant 11 : i32
        %dma_start3A_181 = arith.constant 0 : i32
        %dma_start3A_182 = arith.constant 0 : i32
        %dma_start3A_183 = tpu.memref_slice %arg7[%dma_start3A_178, %dma_start3A_179, %dma_start3A_182] : memref<17x1x2048xf32, #tpu.memory_space<vmem>> -> memref<1x1x2048xf32, #tpu.memory_space<vmem>>
        %dma_start3A_184 = tpu.memref_squeeze %dma_start3A_183 : memref<1x1x2048xf32, #tpu.memory_space<vmem>> -> memref<2048xf32, #tpu.memory_space<vmem>>
        %dma_start3A_185 = arith.constant 0 : i32
        %dma_start3A_186 = tpu.memref_slice %arg8[%dma_start3A_180, %dma_start3A_181, %dma_start3A_185] : memref<24x1x50048xf32, #tpu.memory_space<vmem_shared>> -> memref<1x1x50048xf32, #tpu.memory_space<vmem_shared>>
        %dma_start3A_187 = tpu.memref_squeeze %dma_start3A_186 : memref<1x1x50048xf32, #tpu.memory_space<vmem_shared>> -> memref<50048xf32, #tpu.memory_space<vmem_shared>>
        %dma_start3A_188 = arith.constant 0 : i32
        %dma_start3A_189 = tpu.memref_slice %dma_start3A_187[%dma_start3A_188] : memref<50048xf32, #tpu.memory_space<vmem_shared>> -> memref<50048xf32, #tpu.memory_space<vmem_shared>>
        tpu.enqueue_indirect_dma source(%dma_start3A_184 : memref<2048xf32, #tpu.memory_space<vmem>>) target(%dma_start3A_189 : memref<50048xf32, #tpu.memory_space<vmem_shared>>) offsets(%arg6 : memref<2048xi32, #tpu.memory_space<vmem>>) semaphore(%arg9 : memref<!tpu.dma_semaphore, #tpu.memory_space<semaphore_mem>>) {add = true}
        %dma_start3A_190 = arith.constant 12 : i32
        %dma_start3A_191 = arith.constant 0 : i32
        %dma_start3A_192 = arith.constant 12 : i32
        %dma_start3A_193 = arith.constant 0 : i32
        %dma_start3A_194 = arith.constant 0 : i32
        %dma_start3A_195 = tpu.memref_slice %arg7[%dma_start3A_190, %dma_start3A_191, %dma_start3A_194] : memref<17x1x2048xf32, #tpu.memory_space<vmem>> -> memref<1x1x2048xf32, #tpu.memory_space<vmem>>
        %dma_start3A_196 = tpu.memref_squeeze %dma_start3A_195 : memref<1x1x2048xf32, #tpu.memory_space<vmem>> -> memref<2048xf32, #tpu.memory_space<vmem>>
        %dma_start3A_197 = arith.constant 0 : i32
        %dma_start3A_198 = tpu.memref_slice %arg8[%dma_start3A_192, %dma_start3A_193, %dma_start3A_197] : memref<24x1x50048xf32, #tpu.memory_space<vmem_shared>> -> memref<1x1x50048xf32, #tpu.memory_space<vmem_shared>>
        %dma_start3A_199 = tpu.memref_squeeze %dma_start3A_198 : memref<1x1x50048xf32, #tpu.memory_space<vmem_shared>> -> memref<50048xf32, #tpu.memory_space<vmem_shared>>
        %dma_start3A_200 = arith.constant 0 : i32
        %dma_start3A_201 = tpu.memref_slice %dma_start3A_199[%dma_start3A_200] : memref<50048xf32, #tpu.memory_space<vmem_shared>> -> memref<50048xf32, #tpu.memory_space<vmem_shared>>
        tpu.enqueue_indirect_dma source(%dma_start3A_196 : memref<2048xf32, #tpu.memory_space<vmem>>) target(%dma_start3A_201 : memref<50048xf32, #tpu.memory_space<vmem_shared>>) offsets(%arg6 : memref<2048xi32, #tpu.memory_space<vmem>>) semaphore(%arg9 : memref<!tpu.dma_semaphore, #tpu.memory_space<semaphore_mem>>) {add = true}
        %dma_start3A_202 = arith.constant 13 : i32
        %dma_start3A_203 = arith.constant 0 : i32
        %dma_start3A_204 = arith.constant 13 : i32
        %dma_start3A_205 = arith.constant 0 : i32
        %dma_start3A_206 = arith.constant 0 : i32
        %dma_start3A_207 = tpu.memref_slice %arg7[%dma_start3A_202, %dma_start3A_203, %dma_start3A_206] : memref<17x1x2048xf32, #tpu.memory_space<vmem>> -> memref<1x1x2048xf32, #tpu.memory_space<vmem>>
        %dma_start3A_208 = tpu.memref_squeeze %dma_start3A_207 : memref<1x1x2048xf32, #tpu.memory_space<vmem>> -> memref<2048xf32, #tpu.memory_space<vmem>>
        %dma_start3A_209 = arith.constant 0 : i32
        %dma_start3A_210 = tpu.memref_slice %arg8[%dma_start3A_204, %dma_start3A_205, %dma_start3A_209] : memref<24x1x50048xf32, #tpu.memory_space<vmem_shared>> -> memref<1x1x50048xf32, #tpu.memory_space<vmem_shared>>
        %dma_start3A_211 = tpu.memref_squeeze %dma_start3A_210 : memref<1x1x50048xf32, #tpu.memory_space<vmem_shared>> -> memref<50048xf32, #tpu.memory_space<vmem_shared>>
        %dma_start3A_212 = arith.constant 0 : i32
        %dma_start3A_213 = tpu.memref_slice %dma_start3A_211[%dma_start3A_212] : memref<50048xf32, #tpu.memory_space<vmem_shared>> -> memref<50048xf32, #tpu.memory_space<vmem_shared>>
        tpu.enqueue_indirect_dma source(%dma_start3A_208 : memref<2048xf32, #tpu.memory_space<vmem>>) target(%dma_start3A_213 : memref<50048xf32, #tpu.memory_space<vmem_shared>>) offsets(%arg6 : memref<2048xi32, #tpu.memory_space<vmem>>) semaphore(%arg9 : memref<!tpu.dma_semaphore, #tpu.memory_space<semaphore_mem>>) {add = true}
        %dma_start3A_214 = arith.constant 14 : i32
        %dma_start3A_215 = arith.constant 0 : i32
        %dma_start3A_216 = arith.constant 14 : i32
        %dma_start3A_217 = arith.constant 0 : i32
        %dma_start3A_218 = arith.constant 0 : i32
        %dma_start3A_219 = tpu.memref_slice %arg7[%dma_start3A_214, %dma_start3A_215, %dma_start3A_218] : memref<17x1x2048xf32, #tpu.memory_space<vmem>> -> memref<1x1x2048xf32, #tpu.memory_space<vmem>>
        %dma_start3A_220 = tpu.memref_squeeze %dma_start3A_219 : memref<1x1x2048xf32, #tpu.memory_space<vmem>> -> memref<2048xf32, #tpu.memory_space<vmem>>
        %dma_start3A_221 = arith.constant 0 : i32
        %dma_start3A_222 = tpu.memref_slice %arg8[%dma_start3A_216, %dma_start3A_217, %dma_start3A_221] : memref<24x1x50048xf32, #tpu.memory_space<vmem_shared>> -> memref<1x1x50048xf32, #tpu.memory_space<vmem_shared>>
        %dma_start3A_223 = tpu.memref_squeeze %dma_start3A_222 : memref<1x1x50048xf32, #tpu.memory_space<vmem_shared>> -> memref<50048xf32, #tpu.memory_space<vmem_shared>>
        %dma_start3A_224 = arith.constant 0 : i32
        %dma_start3A_225 = tpu.memref_slice %dma_start3A_223[%dma_start3A_224] : memref<50048xf32, #tpu.memory_space<vmem_shared>> -> memref<50048xf32, #tpu.memory_space<vmem_shared>>
        tpu.enqueue_indirect_dma source(%dma_start3A_220 : memref<2048xf32, #tpu.memory_space<vmem>>) target(%dma_start3A_225 : memref<50048xf32, #tpu.memory_space<vmem_shared>>) offsets(%arg6 : memref<2048xi32, #tpu.memory_space<vmem>>) semaphore(%arg9 : memref<!tpu.dma_semaphore, #tpu.memory_space<semaphore_mem>>) {add = true}
        %dma_start3A_226 = arith.constant 15 : i32
        %dma_start3A_227 = arith.constant 0 : i32
        %dma_start3A_228 = arith.constant 15 : i32
        %dma_start3A_229 = arith.constant 0 : i32
        %dma_start3A_230 = arith.constant 0 : i32
        %dma_start3A_231 = tpu.memref_slice %arg7[%dma_start3A_226, %dma_start3A_227, %dma_start3A_230] : memref<17x1x2048xf32, #tpu.memory_space<vmem>> -> memref<1x1x2048xf32, #tpu.memory_space<vmem>>
        %dma_start3A_232 = tpu.memref_squeeze %dma_start3A_231 : memref<1x1x2048xf32, #tpu.memory_space<vmem>> -> memref<2048xf32, #tpu.memory_space<vmem>>
        %dma_start3A_233 = arith.constant 0 : i32
        %dma_start3A_234 = tpu.memref_slice %arg8[%dma_start3A_228, %dma_start3A_229, %dma_start3A_233] : memref<24x1x50048xf32, #tpu.memory_space<vmem_shared>> -> memref<1x1x50048xf32, #tpu.memory_space<vmem_shared>>
        %dma_start3A_235 = tpu.memref_squeeze %dma_start3A_234 : memref<1x1x50048xf32, #tpu.memory_space<vmem_shared>> -> memref<50048xf32, #tpu.memory_space<vmem_shared>>
        %dma_start3A_236 = arith.constant 0 : i32
        %dma_start3A_237 = tpu.memref_slice %dma_start3A_235[%dma_start3A_236] : memref<50048xf32, #tpu.memory_space<vmem_shared>> -> memref<50048xf32, #tpu.memory_space<vmem_shared>>
        tpu.enqueue_indirect_dma source(%dma_start3A_232 : memref<2048xf32, #tpu.memory_space<vmem>>) target(%dma_start3A_237 : memref<50048xf32, #tpu.memory_space<vmem_shared>>) offsets(%arg6 : memref<2048xi32, #tpu.memory_space<vmem>>) semaphore(%arg9 : memref<!tpu.dma_semaphore, #tpu.memory_space<semaphore_mem>>) {add = true}
        %dma_start3A_238 = arith.constant 16 : i32
        %dma_start3A_239 = arith.constant 0 : i32
        %dma_start3A_240 = arith.constant 16 : i32
        %dma_start3A_241 = arith.constant 0 : i32
        %dma_start3A_242 = arith.constant 0 : i32
        %dma_start3A_243 = tpu.memref_slice %arg7[%dma_start3A_238, %dma_start3A_239, %dma_start3A_242] : memref<17x1x2048xf32, #tpu.memory_space<vmem>> -> memref<1x1x2048xf32, #tpu.memory_space<vmem>>
        %dma_start3A_244 = tpu.memref_squeeze %dma_start3A_243 : memref<1x1x2048xf32, #tpu.memory_space<vmem>> -> memref<2048xf32, #tpu.memory_space<vmem>>
        %dma_start3A_245 = arith.constant 0 : i32
        %dma_start3A_246 = tpu.memref_slice %arg8[%dma_start3A_240, %dma_start3A_241, %dma_start3A_245] : memref<24x1x50048xf32, #tpu.memory_space<vmem_shared>> -> memref<1x1x50048xf32, #tpu.memory_space<vmem_shared>>
        %dma_start3A_247 = tpu.memref_squeeze %dma_start3A_246 : memref<1x1x50048xf32, #tpu.memory_space<vmem_shared>> -> memref<50048xf32, #tpu.memory_space<vmem_shared>>
        %dma_start3A_248 = arith.constant 0 : i32
        %dma_start3A_249 = tpu.memref_slice %dma_start3A_247[%dma_start3A_248] : memref<50048xf32, #tpu.memory_space<vmem_shared>> -> memref<50048xf32, #tpu.memory_space<vmem_shared>>
        tpu.enqueue_indirect_dma source(%dma_start3A_244 : memref<2048xf32, #tpu.memory_space<vmem>>) target(%dma_start3A_249 : memref<50048xf32, #tpu.memory_space<vmem_shared>>) offsets(%arg6 : memref<2048xi32, #tpu.memory_space<vmem>>) semaphore(%arg9 : memref<!tpu.dma_semaphore, #tpu.memory_space<semaphore_mem>>) {add = true}
        %dma_wait3A = arith.constant 0 : i32
        %dma_wait3A_250 = arith.constant 0 : i32
        %dma_wait3A_251 = arith.constant 0 : i32
        %dma_wait3A_252 = arith.constant 0 : i32
        %dma_wait3A_253 = arith.constant 0 : i32
        %dma_wait3A_254 = tpu.memref_slice %arg7[%dma_wait3A, %dma_wait3A_250, %dma_wait3A_253] : memref<17x1x2048xf32, #tpu.memory_space<vmem>> -> memref<1x1x2048xf32, #tpu.memory_space<vmem>>
        %dma_wait3A_255 = tpu.memref_squeeze %dma_wait3A_254 : memref<1x1x2048xf32, #tpu.memory_space<vmem>> -> memref<2048xf32, #tpu.memory_space<vmem>>
        %dma_wait3A_256 = arith.constant 0 : i32
        %dma_wait3A_257 = tpu.memref_slice %arg8[%dma_wait3A_251, %dma_wait3A_252, %dma_wait3A_256] : memref<24x1x50048xf32, #tpu.memory_space<vmem_shared>> -> memref<1x1x50048xf32, #tpu.memory_space<vmem_shared>>
        %dma_wait3A_258 = tpu.memref_squeeze %dma_wait3A_257 : memref<1x1x50048xf32, #tpu.memory_space<vmem_shared>> -> memref<50048xf32, #tpu.memory_space<vmem_shared>>
        %dma_wait3A_259 = arith.constant 0 : i32
        %dma_wait3A_260 = tpu.memref_slice %dma_wait3A_258[%dma_wait3A_259] : memref<50048xf32, #tpu.memory_space<vmem_shared>> -> memref<50048xf32, #tpu.memory_space<vmem_shared>>
        tpu.wait_indirect_dma semaphore(%arg9 : memref<!tpu.dma_semaphore, #tpu.memory_space<semaphore_mem>>) src(%dma_wait3A_255 : memref<2048xf32, #tpu.memory_space<vmem>>) dst(%dma_wait3A_260 : memref<50048xf32, #tpu.memory_space<vmem_shared>>)
        %dma_wait3A_261 = arith.constant 1 : i32
        %dma_wait3A_262 = arith.constant 0 : i32
        %dma_wait3A_263 = arith.constant 1 : i32
        %dma_wait3A_264 = arith.constant 0 : i32
        %dma_wait3A_265 = arith.constant 0 : i32
        %dma_wait3A_266 = tpu.memref_slice %arg7[%dma_wait3A_261, %dma_wait3A_262, %dma_wait3A_265] : memref<17x1x2048xf32, #tpu.memory_space<vmem>> -> memref<1x1x2048xf32, #tpu.memory_space<vmem>>
        %dma_wait3A_267 = tpu.memref_squeeze %dma_wait3A_266 : memref<1x1x2048xf32, #tpu.memory_space<vmem>> -> memref<2048xf32, #tpu.memory_space<vmem>>
        %dma_wait3A_268 = arith.constant 0 : i32
        %dma_wait3A_269 = tpu.memref_slice %arg8[%dma_wait3A_263, %dma_wait3A_264, %dma_wait3A_268] : memref<24x1x50048xf32, #tpu.memory_space<vmem_shared>> -> memref<1x1x50048xf32, #tpu.memory_space<vmem_shared>>
        %dma_wait3A_270 = tpu.memref_squeeze %dma_wait3A_269 : memref<1x1x50048xf32, #tpu.memory_space<vmem_shared>> -> memref<50048xf32, #tpu.memory_space<vmem_shared>>
        %dma_wait3A_271 = arith.constant 0 : i32
        %dma_wait3A_272 = tpu.memref_slice %dma_wait3A_270[%dma_wait3A_271] : memref<50048xf32, #tpu.memory_space<vmem_shared>> -> memref<50048xf32, #tpu.memory_space<vmem_shared>>
        tpu.wait_indirect_dma semaphore(%arg9 : memref<!tpu.dma_semaphore, #tpu.memory_space<semaphore_mem>>) src(%dma_wait3A_267 : memref<2048xf32, #tpu.memory_space<vmem>>) dst(%dma_wait3A_272 : memref<50048xf32, #tpu.memory_space<vmem_shared>>)
        %dma_wait3A_273 = arith.constant 2 : i32
        %dma_wait3A_274 = arith.constant 0 : i32
        %dma_wait3A_275 = arith.constant 2 : i32
        %dma_wait3A_276 = arith.constant 0 : i32
        %dma_wait3A_277 = arith.constant 0 : i32
        %dma_wait3A_278 = tpu.memref_slice %arg7[%dma_wait3A_273, %dma_wait3A_274, %dma_wait3A_277] : memref<17x1x2048xf32, #tpu.memory_space<vmem>> -> memref<1x1x2048xf32, #tpu.memory_space<vmem>>
        %dma_wait3A_279 = tpu.memref_squeeze %dma_wait3A_278 : memref<1x1x2048xf32, #tpu.memory_space<vmem>> -> memref<2048xf32, #tpu.memory_space<vmem>>
        %dma_wait3A_280 = arith.constant 0 : i32
        %dma_wait3A_281 = tpu.memref_slice %arg8[%dma_wait3A_275, %dma_wait3A_276, %dma_wait3A_280] : memref<24x1x50048xf32, #tpu.memory_space<vmem_shared>> -> memref<1x1x50048xf32, #tpu.memory_space<vmem_shared>>
        %dma_wait3A_282 = tpu.memref_squeeze %dma_wait3A_281 : memref<1x1x50048xf32, #tpu.memory_space<vmem_shared>> -> memref<50048xf32, #tpu.memory_space<vmem_shared>>
        %dma_wait3A_283 = arith.constant 0 : i32
        %dma_wait3A_284 = tpu.memref_slice %dma_wait3A_282[%dma_wait3A_283] : memref<50048xf32, #tpu.memory_space<vmem_shared>> -> memref<50048xf32, #tpu.memory_space<vmem_shared>>
        tpu.wait_indirect_dma semaphore(%arg9 : memref<!tpu.dma_semaphore, #tpu.memory_space<semaphore_mem>>) src(%dma_wait3A_279 : memref<2048xf32, #tpu.memory_space<vmem>>) dst(%dma_wait3A_284 : memref<50048xf32, #tpu.memory_space<vmem_shared>>)
        %dma_wait3A_285 = arith.constant 3 : i32
        %dma_wait3A_286 = arith.constant 0 : i32
        %dma_wait3A_287 = arith.constant 3 : i32
        %dma_wait3A_288 = arith.constant 0 : i32
        %dma_wait3A_289 = arith.constant 0 : i32
        %dma_wait3A_290 = tpu.memref_slice %arg7[%dma_wait3A_285, %dma_wait3A_286, %dma_wait3A_289] : memref<17x1x2048xf32, #tpu.memory_space<vmem>> -> memref<1x1x2048xf32, #tpu.memory_space<vmem>>
        %dma_wait3A_291 = tpu.memref_squeeze %dma_wait3A_290 : memref<1x1x2048xf32, #tpu.memory_space<vmem>> -> memref<2048xf32, #tpu.memory_space<vmem>>
        %dma_wait3A_292 = arith.constant 0 : i32
        %dma_wait3A_293 = tpu.memref_slice %arg8[%dma_wait3A_287, %dma_wait3A_288, %dma_wait3A_292] : memref<24x1x50048xf32, #tpu.memory_space<vmem_shared>> -> memref<1x1x50048xf32, #tpu.memory_space<vmem_shared>>
        %dma_wait3A_294 = tpu.memref_squeeze %dma_wait3A_293 : memref<1x1x50048xf32, #tpu.memory_space<vmem_shared>> -> memref<50048xf32, #tpu.memory_space<vmem_shared>>
        %dma_wait3A_295 = arith.constant 0 : i32
        %dma_wait3A_296 = tpu.memref_slice %dma_wait3A_294[%dma_wait3A_295] : memref<50048xf32, #tpu.memory_space<vmem_shared>> -> memref<50048xf32, #tpu.memory_space<vmem_shared>>
        tpu.wait_indirect_dma semaphore(%arg9 : memref<!tpu.dma_semaphore, #tpu.memory_space<semaphore_mem>>) src(%dma_wait3A_291 : memref<2048xf32, #tpu.memory_space<vmem>>) dst(%dma_wait3A_296 : memref<50048xf32, #tpu.memory_space<vmem_shared>>)
        %dma_wait3A_297 = arith.constant 4 : i32
        %dma_wait3A_298 = arith.constant 0 : i32
        %dma_wait3A_299 = arith.constant 4 : i32
        %dma_wait3A_300 = arith.constant 0 : i32
        %dma_wait3A_301 = arith.constant 0 : i32
        %dma_wait3A_302 = tpu.memref_slice %arg7[%dma_wait3A_297, %dma_wait3A_298, %dma_wait3A_301] : memref<17x1x2048xf32, #tpu.memory_space<vmem>> -> memref<1x1x2048xf32, #tpu.memory_space<vmem>>
        %dma_wait3A_303 = tpu.memref_squeeze %dma_wait3A_302 : memref<1x1x2048xf32, #tpu.memory_space<vmem>> -> memref<2048xf32, #tpu.memory_space<vmem>>
        %dma_wait3A_304 = arith.constant 0 : i32
        %dma_wait3A_305 = tpu.memref_slice %arg8[%dma_wait3A_299, %dma_wait3A_300, %dma_wait3A_304] : memref<24x1x50048xf32, #tpu.memory_space<vmem_shared>> -> memref<1x1x50048xf32, #tpu.memory_space<vmem_shared>>
        %dma_wait3A_306 = tpu.memref_squeeze %dma_wait3A_305 : memref<1x1x50048xf32, #tpu.memory_space<vmem_shared>> -> memref<50048xf32, #tpu.memory_space<vmem_shared>>
        %dma_wait3A_307 = arith.constant 0 : i32
        %dma_wait3A_308 = tpu.memref_slice %dma_wait3A_306[%dma_wait3A_307] : memref<50048xf32, #tpu.memory_space<vmem_shared>> -> memref<50048xf32, #tpu.memory_space<vmem_shared>>
        tpu.wait_indirect_dma semaphore(%arg9 : memref<!tpu.dma_semaphore, #tpu.memory_space<semaphore_mem>>) src(%dma_wait3A_303 : memref<2048xf32, #tpu.memory_space<vmem>>) dst(%dma_wait3A_308 : memref<50048xf32, #tpu.memory_space<vmem_shared>>)
        %dma_wait3A_309 = arith.constant 5 : i32
        %dma_wait3A_310 = arith.constant 0 : i32
        %dma_wait3A_311 = arith.constant 5 : i32
        %dma_wait3A_312 = arith.constant 0 : i32
        %dma_wait3A_313 = arith.constant 0 : i32
        %dma_wait3A_314 = tpu.memref_slice %arg7[%dma_wait3A_309, %dma_wait3A_310, %dma_wait3A_313] : memref<17x1x2048xf32, #tpu.memory_space<vmem>> -> memref<1x1x2048xf32, #tpu.memory_space<vmem>>
        %dma_wait3A_315 = tpu.memref_squeeze %dma_wait3A_314 : memref<1x1x2048xf32, #tpu.memory_space<vmem>> -> memref<2048xf32, #tpu.memory_space<vmem>>
        %dma_wait3A_316 = arith.constant 0 : i32
        %dma_wait3A_317 = tpu.memref_slice %arg8[%dma_wait3A_311, %dma_wait3A_312, %dma_wait3A_316] : memref<24x1x50048xf32, #tpu.memory_space<vmem_shared>> -> memref<1x1x50048xf32, #tpu.memory_space<vmem_shared>>
        %dma_wait3A_318 = tpu.memref_squeeze %dma_wait3A_317 : memref<1x1x50048xf32, #tpu.memory_space<vmem_shared>> -> memref<50048xf32, #tpu.memory_space<vmem_shared>>
        %dma_wait3A_319 = arith.constant 0 : i32
        %dma_wait3A_320 = tpu.memref_slice %dma_wait3A_318[%dma_wait3A_319] : memref<50048xf32, #tpu.memory_space<vmem_shared>> -> memref<50048xf32, #tpu.memory_space<vmem_shared>>
        tpu.wait_indirect_dma semaphore(%arg9 : memref<!tpu.dma_semaphore, #tpu.memory_space<semaphore_mem>>) src(%dma_wait3A_315 : memref<2048xf32, #tpu.memory_space<vmem>>) dst(%dma_wait3A_320 : memref<50048xf32, #tpu.memory_space<vmem_shared>>)
        %dma_wait3A_321 = arith.constant 6 : i32
        %dma_wait3A_322 = arith.constant 0 : i32
        %dma_wait3A_323 = arith.constant 6 : i32
        %dma_wait3A_324 = arith.constant 0 : i32
        %dma_wait3A_325 = arith.constant 0 : i32
        %dma_wait3A_326 = tpu.memref_slice %arg7[%dma_wait3A_321, %dma_wait3A_322, %dma_wait3A_325] : memref<17x1x2048xf32, #tpu.memory_space<vmem>> -> memref<1x1x2048xf32, #tpu.memory_space<vmem>>
        %dma_wait3A_327 = tpu.memref_squeeze %dma_wait3A_326 : memref<1x1x2048xf32, #tpu.memory_space<vmem>> -> memref<2048xf32, #tpu.memory_space<vmem>>
        %dma_wait3A_328 = arith.constant 0 : i32
        %dma_wait3A_329 = tpu.memref_slice %arg8[%dma_wait3A_323, %dma_wait3A_324, %dma_wait3A_328] : memref<24x1x50048xf32, #tpu.memory_space<vmem_shared>> -> memref<1x1x50048xf32, #tpu.memory_space<vmem_shared>>
        %dma_wait3A_330 = tpu.memref_squeeze %dma_wait3A_329 : memref<1x1x50048xf32, #tpu.memory_space<vmem_shared>> -> memref<50048xf32, #tpu.memory_space<vmem_shared>>
        %dma_wait3A_331 = arith.constant 0 : i32
        %dma_wait3A_332 = tpu.memref_slice %dma_wait3A_330[%dma_wait3A_331] : memref<50048xf32, #tpu.memory_space<vmem_shared>> -> memref<50048xf32, #tpu.memory_space<vmem_shared>>
        tpu.wait_indirect_dma semaphore(%arg9 : memref<!tpu.dma_semaphore, #tpu.memory_space<semaphore_mem>>) src(%dma_wait3A_327 : memref<2048xf32, #tpu.memory_space<vmem>>) dst(%dma_wait3A_332 : memref<50048xf32, #tpu.memory_space<vmem_shared>>)
        %dma_wait3A_333 = arith.constant 7 : i32
        %dma_wait3A_334 = arith.constant 0 : i32
        %dma_wait3A_335 = arith.constant 7 : i32
        %dma_wait3A_336 = arith.constant 0 : i32
        %dma_wait3A_337 = arith.constant 0 : i32
        %dma_wait3A_338 = tpu.memref_slice %arg7[%dma_wait3A_333, %dma_wait3A_334, %dma_wait3A_337] : memref<17x1x2048xf32, #tpu.memory_space<vmem>> -> memref<1x1x2048xf32, #tpu.memory_space<vmem>>
        %dma_wait3A_339 = tpu.memref_squeeze %dma_wait3A_338 : memref<1x1x2048xf32, #tpu.memory_space<vmem>> -> memref<2048xf32, #tpu.memory_space<vmem>>
        %dma_wait3A_340 = arith.constant 0 : i32
        %dma_wait3A_341 = tpu.memref_slice %arg8[%dma_wait3A_335, %dma_wait3A_336, %dma_wait3A_340] : memref<24x1x50048xf32, #tpu.memory_space<vmem_shared>> -> memref<1x1x50048xf32, #tpu.memory_space<vmem_shared>>
        %dma_wait3A_342 = tpu.memref_squeeze %dma_wait3A_341 : memref<1x1x50048xf32, #tpu.memory_space<vmem_shared>> -> memref<50048xf32, #tpu.memory_space<vmem_shared>>
        %dma_wait3A_343 = arith.constant 0 : i32
        %dma_wait3A_344 = tpu.memref_slice %dma_wait3A_342[%dma_wait3A_343] : memref<50048xf32, #tpu.memory_space<vmem_shared>> -> memref<50048xf32, #tpu.memory_space<vmem_shared>>
        tpu.wait_indirect_dma semaphore(%arg9 : memref<!tpu.dma_semaphore, #tpu.memory_space<semaphore_mem>>) src(%dma_wait3A_339 : memref<2048xf32, #tpu.memory_space<vmem>>) dst(%dma_wait3A_344 : memref<50048xf32, #tpu.memory_space<vmem_shared>>)
        %dma_wait3A_345 = arith.constant 8 : i32
        %dma_wait3A_346 = arith.constant 0 : i32
        %dma_wait3A_347 = arith.constant 8 : i32
        %dma_wait3A_348 = arith.constant 0 : i32
        %dma_wait3A_349 = arith.constant 0 : i32
        %dma_wait3A_350 = tpu.memref_slice %arg7[%dma_wait3A_345, %dma_wait3A_346, %dma_wait3A_349] : memref<17x1x2048xf32, #tpu.memory_space<vmem>> -> memref<1x1x2048xf32, #tpu.memory_space<vmem>>
        %dma_wait3A_351 = tpu.memref_squeeze %dma_wait3A_350 : memref<1x1x2048xf32, #tpu.memory_space<vmem>> -> memref<2048xf32, #tpu.memory_space<vmem>>
        %dma_wait3A_352 = arith.constant 0 : i32
        %dma_wait3A_353 = tpu.memref_slice %arg8[%dma_wait3A_347, %dma_wait3A_348, %dma_wait3A_352] : memref<24x1x50048xf32, #tpu.memory_space<vmem_shared>> -> memref<1x1x50048xf32, #tpu.memory_space<vmem_shared>>
        %dma_wait3A_354 = tpu.memref_squeeze %dma_wait3A_353 : memref<1x1x50048xf32, #tpu.memory_space<vmem_shared>> -> memref<50048xf32, #tpu.memory_space<vmem_shared>>
        %dma_wait3A_355 = arith.constant 0 : i32
        %dma_wait3A_356 = tpu.memref_slice %dma_wait3A_354[%dma_wait3A_355] : memref<50048xf32, #tpu.memory_space<vmem_shared>> -> memref<50048xf32, #tpu.memory_space<vmem_shared>>
        tpu.wait_indirect_dma semaphore(%arg9 : memref<!tpu.dma_semaphore, #tpu.memory_space<semaphore_mem>>) src(%dma_wait3A_351 : memref<2048xf32, #tpu.memory_space<vmem>>) dst(%dma_wait3A_356 : memref<50048xf32, #tpu.memory_space<vmem_shared>>)
        %dma_wait3A_357 = arith.constant 9 : i32
        %dma_wait3A_358 = arith.constant 0 : i32
        %dma_wait3A_359 = arith.constant 9 : i32
        %dma_wait3A_360 = arith.constant 0 : i32
        %dma_wait3A_361 = arith.constant 0 : i32
        %dma_wait3A_362 = tpu.memref_slice %arg7[%dma_wait3A_357, %dma_wait3A_358, %dma_wait3A_361] : memref<17x1x2048xf32, #tpu.memory_space<vmem>> -> memref<1x1x2048xf32, #tpu.memory_space<vmem>>
        %dma_wait3A_363 = tpu.memref_squeeze %dma_wait3A_362 : memref<1x1x2048xf32, #tpu.memory_space<vmem>> -> memref<2048xf32, #tpu.memory_space<vmem>>
        %dma_wait3A_364 = arith.constant 0 : i32
        %dma_wait3A_365 = tpu.memref_slice %arg8[%dma_wait3A_359, %dma_wait3A_360, %dma_wait3A_364] : memref<24x1x50048xf32, #tpu.memory_space<vmem_shared>> -> memref<1x1x50048xf32, #tpu.memory_space<vmem_shared>>
        %dma_wait3A_366 = tpu.memref_squeeze %dma_wait3A_365 : memref<1x1x50048xf32, #tpu.memory_space<vmem_shared>> -> memref<50048xf32, #tpu.memory_space<vmem_shared>>
        %dma_wait3A_367 = arith.constant 0 : i32
        %dma_wait3A_368 = tpu.memref_slice %dma_wait3A_366[%dma_wait3A_367] : memref<50048xf32, #tpu.memory_space<vmem_shared>> -> memref<50048xf32, #tpu.memory_space<vmem_shared>>
        tpu.wait_indirect_dma semaphore(%arg9 : memref<!tpu.dma_semaphore, #tpu.memory_space<semaphore_mem>>) src(%dma_wait3A_363 : memref<2048xf32, #tpu.memory_space<vmem>>) dst(%dma_wait3A_368 : memref<50048xf32, #tpu.memory_space<vmem_shared>>)
        %dma_wait3A_369 = arith.constant 10 : i32
        %dma_wait3A_370 = arith.constant 0 : i32
        %dma_wait3A_371 = arith.constant 10 : i32
        %dma_wait3A_372 = arith.constant 0 : i32
        %dma_wait3A_373 = arith.constant 0 : i32
        %dma_wait3A_374 = tpu.memref_slice %arg7[%dma_wait3A_369, %dma_wait3A_370, %dma_wait3A_373] : memref<17x1x2048xf32, #tpu.memory_space<vmem>> -> memref<1x1x2048xf32, #tpu.memory_space<vmem>>
        %dma_wait3A_375 = tpu.memref_squeeze %dma_wait3A_374 : memref<1x1x2048xf32, #tpu.memory_space<vmem>> -> memref<2048xf32, #tpu.memory_space<vmem>>
        %dma_wait3A_376 = arith.constant 0 : i32
        %dma_wait3A_377 = tpu.memref_slice %arg8[%dma_wait3A_371, %dma_wait3A_372, %dma_wait3A_376] : memref<24x1x50048xf32, #tpu.memory_space<vmem_shared>> -> memref<1x1x50048xf32, #tpu.memory_space<vmem_shared>>
        %dma_wait3A_378 = tpu.memref_squeeze %dma_wait3A_377 : memref<1x1x50048xf32, #tpu.memory_space<vmem_shared>> -> memref<50048xf32, #tpu.memory_space<vmem_shared>>
        %dma_wait3A_379 = arith.constant 0 : i32
        %dma_wait3A_380 = tpu.memref_slice %dma_wait3A_378[%dma_wait3A_379] : memref<50048xf32, #tpu.memory_space<vmem_shared>> -> memref<50048xf32, #tpu.memory_space<vmem_shared>>
        tpu.wait_indirect_dma semaphore(%arg9 : memref<!tpu.dma_semaphore, #tpu.memory_space<semaphore_mem>>) src(%dma_wait3A_375 : memref<2048xf32, #tpu.memory_space<vmem>>) dst(%dma_wait3A_380 : memref<50048xf32, #tpu.memory_space<vmem_shared>>)
        %dma_wait3A_381 = arith.constant 11 : i32
        %dma_wait3A_382 = arith.constant 0 : i32
        %dma_wait3A_383 = arith.constant 11 : i32
        %dma_wait3A_384 = arith.constant 0 : i32
        %dma_wait3A_385 = arith.constant 0 : i32
        %dma_wait3A_386 = tpu.memref_slice %arg7[%dma_wait3A_381, %dma_wait3A_382, %dma_wait3A_385] : memref<17x1x2048xf32, #tpu.memory_space<vmem>> -> memref<1x1x2048xf32, #tpu.memory_space<vmem>>
        %dma_wait3A_387 = tpu.memref_squeeze %dma_wait3A_386 : memref<1x1x2048xf32, #tpu.memory_space<vmem>> -> memref<2048xf32, #tpu.memory_space<vmem>>
        %dma_wait3A_388 = arith.constant 0 : i32
        %dma_wait3A_389 = tpu.memref_slice %arg8[%dma_wait3A_383, %dma_wait3A_384, %dma_wait3A_388] : memref<24x1x50048xf32, #tpu.memory_space<vmem_shared>> -> memref<1x1x50048xf32, #tpu.memory_space<vmem_shared>>
        %dma_wait3A_390 = tpu.memref_squeeze %dma_wait3A_389 : memref<1x1x50048xf32, #tpu.memory_space<vmem_shared>> -> memref<50048xf32, #tpu.memory_space<vmem_shared>>
        %dma_wait3A_391 = arith.constant 0 : i32
        %dma_wait3A_392 = tpu.memref_slice %dma_wait3A_390[%dma_wait3A_391] : memref<50048xf32, #tpu.memory_space<vmem_shared>> -> memref<50048xf32, #tpu.memory_space<vmem_shared>>
        tpu.wait_indirect_dma semaphore(%arg9 : memref<!tpu.dma_semaphore, #tpu.memory_space<semaphore_mem>>) src(%dma_wait3A_387 : memref<2048xf32, #tpu.memory_space<vmem>>) dst(%dma_wait3A_392 : memref<50048xf32, #tpu.memory_space<vmem_shared>>)
        %dma_wait3A_393 = arith.constant 12 : i32
        %dma_wait3A_394 = arith.constant 0 : i32
        %dma_wait3A_395 = arith.constant 12 : i32
        %dma_wait3A_396 = arith.constant 0 : i32
        %dma_wait3A_397 = arith.constant 0 : i32
        %dma_wait3A_398 = tpu.memref_slice %arg7[%dma_wait3A_393, %dma_wait3A_394, %dma_wait3A_397] : memref<17x1x2048xf32, #tpu.memory_space<vmem>> -> memref<1x1x2048xf32, #tpu.memory_space<vmem>>
        %dma_wait3A_399 = tpu.memref_squeeze %dma_wait3A_398 : memref<1x1x2048xf32, #tpu.memory_space<vmem>> -> memref<2048xf32, #tpu.memory_space<vmem>>
        %dma_wait3A_400 = arith.constant 0 : i32
        %dma_wait3A_401 = tpu.memref_slice %arg8[%dma_wait3A_395, %dma_wait3A_396, %dma_wait3A_400] : memref<24x1x50048xf32, #tpu.memory_space<vmem_shared>> -> memref<1x1x50048xf32, #tpu.memory_space<vmem_shared>>
        %dma_wait3A_402 = tpu.memref_squeeze %dma_wait3A_401 : memref<1x1x50048xf32, #tpu.memory_space<vmem_shared>> -> memref<50048xf32, #tpu.memory_space<vmem_shared>>
        %dma_wait3A_403 = arith.constant 0 : i32
        %dma_wait3A_404 = tpu.memref_slice %dma_wait3A_402[%dma_wait3A_403] : memref<50048xf32, #tpu.memory_space<vmem_shared>> -> memref<50048xf32, #tpu.memory_space<vmem_shared>>
        tpu.wait_indirect_dma semaphore(%arg9 : memref<!tpu.dma_semaphore, #tpu.memory_space<semaphore_mem>>) src(%dma_wait3A_399 : memref<2048xf32, #tpu.memory_space<vmem>>) dst(%dma_wait3A_404 : memref<50048xf32, #tpu.memory_space<vmem_shared>>)
        %dma_wait3A_405 = arith.constant 13 : i32
        %dma_wait3A_406 = arith.constant 0 : i32
        %dma_wait3A_407 = arith.constant 13 : i32
        %dma_wait3A_408 = arith.constant 0 : i32
        %dma_wait3A_409 = arith.constant 0 : i32
        %dma_wait3A_410 = tpu.memref_slice %arg7[%dma_wait3A_405, %dma_wait3A_406, %dma_wait3A_409] : memref<17x1x2048xf32, #tpu.memory_space<vmem>> -> memref<1x1x2048xf32, #tpu.memory_space<vmem>>
        %dma_wait3A_411 = tpu.memref_squeeze %dma_wait3A_410 : memref<1x1x2048xf32, #tpu.memory_space<vmem>> -> memref<2048xf32, #tpu.memory_space<vmem>>
        %dma_wait3A_412 = arith.constant 0 : i32
        %dma_wait3A_413 = tpu.memref_slice %arg8[%dma_wait3A_407, %dma_wait3A_408, %dma_wait3A_412] : memref<24x1x50048xf32, #tpu.memory_space<vmem_shared>> -> memref<1x1x50048xf32, #tpu.memory_space<vmem_shared>>
        %dma_wait3A_414 = tpu.memref_squeeze %dma_wait3A_413 : memref<1x1x50048xf32, #tpu.memory_space<vmem_shared>> -> memref<50048xf32, #tpu.memory_space<vmem_shared>>
        %dma_wait3A_415 = arith.constant 0 : i32
        %dma_wait3A_416 = tpu.memref_slice %dma_wait3A_414[%dma_wait3A_415] : memref<50048xf32, #tpu.memory_space<vmem_shared>> -> memref<50048xf32, #tpu.memory_space<vmem_shared>>
        tpu.wait_indirect_dma semaphore(%arg9 : memref<!tpu.dma_semaphore, #tpu.memory_space<semaphore_mem>>) src(%dma_wait3A_411 : memref<2048xf32, #tpu.memory_space<vmem>>) dst(%dma_wait3A_416 : memref<50048xf32, #tpu.memory_space<vmem_shared>>)
        %dma_wait3A_417 = arith.constant 14 : i32
        %dma_wait3A_418 = arith.constant 0 : i32
        %dma_wait3A_419 = arith.constant 14 : i32
        %dma_wait3A_420 = arith.constant 0 : i32
        %dma_wait3A_421 = arith.constant 0 : i32
        %dma_wait3A_422 = tpu.memref_slice %arg7[%dma_wait3A_417, %dma_wait3A_418, %dma_wait3A_421] : memref<17x1x2048xf32, #tpu.memory_space<vmem>> -> memref<1x1x2048xf32, #tpu.memory_space<vmem>>
        %dma_wait3A_423 = tpu.memref_squeeze %dma_wait3A_422 : memref<1x1x2048xf32, #tpu.memory_space<vmem>> -> memref<2048xf32, #tpu.memory_space<vmem>>
        %dma_wait3A_424 = arith.constant 0 : i32
        %dma_wait3A_425 = tpu.memref_slice %arg8[%dma_wait3A_419, %dma_wait3A_420, %dma_wait3A_424] : memref<24x1x50048xf32, #tpu.memory_space<vmem_shared>> -> memref<1x1x50048xf32, #tpu.memory_space<vmem_shared>>
        %dma_wait3A_426 = tpu.memref_squeeze %dma_wait3A_425 : memref<1x1x50048xf32, #tpu.memory_space<vmem_shared>> -> memref<50048xf32, #tpu.memory_space<vmem_shared>>
        %dma_wait3A_427 = arith.constant 0 : i32
        %dma_wait3A_428 = tpu.memref_slice %dma_wait3A_426[%dma_wait3A_427] : memref<50048xf32, #tpu.memory_space<vmem_shared>> -> memref<50048xf32, #tpu.memory_space<vmem_shared>>
        tpu.wait_indirect_dma semaphore(%arg9 : memref<!tpu.dma_semaphore, #tpu.memory_space<semaphore_mem>>) src(%dma_wait3A_423 : memref<2048xf32, #tpu.memory_space<vmem>>) dst(%dma_wait3A_428 : memref<50048xf32, #tpu.memory_space<vmem_shared>>)
        %dma_wait3A_429 = arith.constant 15 : i32
        %dma_wait3A_430 = arith.constant 0 : i32
        %dma_wait3A_431 = arith.constant 15 : i32
        %dma_wait3A_432 = arith.constant 0 : i32
        %dma_wait3A_433 = arith.constant 0 : i32
        %dma_wait3A_434 = tpu.memref_slice %arg7[%dma_wait3A_429, %dma_wait3A_430, %dma_wait3A_433] : memref<17x1x2048xf32, #tpu.memory_space<vmem>> -> memref<1x1x2048xf32, #tpu.memory_space<vmem>>
        %dma_wait3A_435 = tpu.memref_squeeze %dma_wait3A_434 : memref<1x1x2048xf32, #tpu.memory_space<vmem>> -> memref<2048xf32, #tpu.memory_space<vmem>>
        %dma_wait3A_436 = arith.constant 0 : i32
        %dma_wait3A_437 = tpu.memref_slice %arg8[%dma_wait3A_431, %dma_wait3A_432, %dma_wait3A_436] : memref<24x1x50048xf32, #tpu.memory_space<vmem_shared>> -> memref<1x1x50048xf32, #tpu.memory_space<vmem_shared>>
        %dma_wait3A_438 = tpu.memref_squeeze %dma_wait3A_437 : memref<1x1x50048xf32, #tpu.memory_space<vmem_shared>> -> memref<50048xf32, #tpu.memory_space<vmem_shared>>
        %dma_wait3A_439 = arith.constant 0 : i32
        %dma_wait3A_440 = tpu.memref_slice %dma_wait3A_438[%dma_wait3A_439] : memref<50048xf32, #tpu.memory_space<vmem_shared>> -> memref<50048xf32, #tpu.memory_space<vmem_shared>>
        tpu.wait_indirect_dma semaphore(%arg9 : memref<!tpu.dma_semaphore, #tpu.memory_space<semaphore_mem>>) src(%dma_wait3A_435 : memref<2048xf32, #tpu.memory_space<vmem>>) dst(%dma_wait3A_440 : memref<50048xf32, #tpu.memory_space<vmem_shared>>)
        %dma_wait3A_441 = arith.constant 16 : i32
        %dma_wait3A_442 = arith.constant 0 : i32
        %dma_wait3A_443 = arith.constant 16 : i32
        %dma_wait3A_444 = arith.constant 0 : i32
        %dma_wait3A_445 = arith.constant 0 : i32
        %dma_wait3A_446 = tpu.memref_slice %arg7[%dma_wait3A_441, %dma_wait3A_442, %dma_wait3A_445] : memref<17x1x2048xf32, #tpu.memory_space<vmem>> -> memref<1x1x2048xf32, #tpu.memory_space<vmem>>
        %dma_wait3A_447 = tpu.memref_squeeze %dma_wait3A_446 : memref<1x1x2048xf32, #tpu.memory_space<vmem>> -> memref<2048xf32, #tpu.memory_space<vmem>>
        %dma_wait3A_448 = arith.constant 0 : i32
        %dma_wait3A_449 = tpu.memref_slice %arg8[%dma_wait3A_443, %dma_wait3A_444, %dma_wait3A_448] : memref<24x1x50048xf32, #tpu.memory_space<vmem_shared>> -> memref<1x1x50048xf32, #tpu.memory_space<vmem_shared>>
        %dma_wait3A_450 = tpu.memref_squeeze %dma_wait3A_449 : memref<1x1x50048xf32, #tpu.memory_space<vmem_shared>> -> memref<50048xf32, #tpu.memory_space<vmem_shared>>
        %dma_wait3A_451 = arith.constant 0 : i32
        %dma_wait3A_452 = tpu.memref_slice %dma_wait3A_450[%dma_wait3A_451] : memref<50048xf32, #tpu.memory_space<vmem_shared>> -> memref<50048xf32, #tpu.memory_space<vmem_shared>>
        tpu.wait_indirect_dma semaphore(%arg9 : memref<!tpu.dma_semaphore, #tpu.memory_space<semaphore_mem>>) src(%dma_wait3A_447 : memref<2048xf32, #tpu.memory_space<vmem>>) dst(%dma_wait3A_452 : memref<50048xf32, #tpu.memory_space<vmem_shared>>)
      } else {
      }
    }
    %scan3A_26 = arith.constant 13 : i32
    %barrier3A_27 = arith.constant 0 : index
    tpu.barrier barrier_id(%barrier3A_27)
    %lt3A_28 = arith.constant 3 : i32
    %lt3A_29 = arith.cmpi slt, %arg1, %lt3A_28 : i32
    %convert_element_type3A_30 = arith.extui %lt3A_29 : i1 to i32
    %cond3A_31 = arith.constant 0 : i32
    %cond3A_32 = arith.cmpi ne, %convert_element_type3A_30, %cond3A_31 : i32
    scf.if %cond3A_32 {
      %mul3A_34 = arith.constant 8 : i32
      %mul3A_35 = arith.muli %arg1, %mul3A_34 : i32
      %mul3A_36 = arith.constant 2 : i32
      %mul3A_37 = arith.muli %arg0, %mul3A_36 : i32
      %add3A_38 = arith.constant 1 : i32
      %add3A_39 = arith.addi %mul3A_37, %add3A_38 : i32
      %mul3A_40 = arith.constant 24 : i32
      %mul3A_41 = arith.muli %add3A_39, %mul3A_40 : i32
      %mul3A_42 = arith.constant 8 : i32
      %mul3A_43 = arith.muli %arg1, %mul3A_42 : i32
      %add3A_44 = arith.addi %mul3A_41, %mul3A_43 : i32
      "tpu.region"() ({
        %run_scoped3A = tpu.sem_alloc : memref<!tpu.dma_semaphore, #tpu.memory_space<semaphore_mem>>
        %dma_start3A = arith.constant 0 : i32
        %dma_start3A_45 = arith.constant 0 : i32
        %dma_start3A_46 = tpu.memref_slice %arg5[%add3A_44, %dma_start3A, %dma_start3A_45] : memref<96x1x50048xf32, #tpu.memory_space<hbm>> -> memref<8x1x50048xf32, #tpu.memory_space<hbm>>
        %dma_start3A_47 = arith.constant 0 : i32
        %dma_start3A_48 = arith.constant 0 : i32
        %dma_start3A_49 = tpu.memref_slice %arg8[%mul3A_35, %dma_start3A_47, %dma_start3A_48] : memref<24x1x50048xf32, #tpu.memory_space<vmem_shared>> -> memref<8x1x50048xf32, #tpu.memory_space<vmem_shared>>
        tpu.enqueue_dma source(%dma_start3A_49 : memref<8x1x50048xf32, #tpu.memory_space<vmem_shared>>) target(%dma_start3A_46 : memref<8x1x50048xf32, #tpu.memory_space<hbm>>) target_semaphore(%run_scoped3A : memref<!tpu.dma_semaphore, #tpu.memory_space<semaphore_mem>>)
        %dma_wait3A = arith.constant 0 : i32
        %dma_wait3A_50 = arith.constant 0 : i32
        %dma_wait3A_51 = tpu.memref_slice %arg5[%add3A_44, %dma_wait3A, %dma_wait3A_50] : memref<96x1x50048xf32, #tpu.memory_space<hbm>> -> memref<8x1x50048xf32, #tpu.memory_space<hbm>>
        %dma_wait3A_52 = arith.constant 0 : i32
        %dma_wait3A_53 = arith.constant 0 : i32
        %dma_wait3A_54 = tpu.memref_slice %arg8[%mul3A_35, %dma_wait3A_52, %dma_wait3A_53] : memref<24x1x50048xf32, #tpu.memory_space<vmem_shared>> -> memref<8x1x50048xf32, #tpu.memory_space<vmem_shared>>
        tpu.wait_dma2 semaphore(%run_scoped3A : memref<!tpu.dma_semaphore, #tpu.memory_space<semaphore_mem>>) src(%dma_wait3A_54 : memref<8x1x50048xf32, #tpu.memory_space<vmem_shared>>) dst(%dma_wait3A_51 : memref<8x1x50048xf32, #tpu.memory_space<hbm>>)
        tpu.yield
      }) : () -> ()
    } else {
    }
    %barrier3A_33 = arith.constant 0 : index
    tpu.barrier barrier_id(%barrier3A_33)
    return
  }
}

module attributes {stable_mosaic.version = 14 : i64} {
  func.func @body(%arg0: i32, %arg1: memref<8192xf32, #tpu.memory_space<vmem>>, %arg2: memref<8192xf32, #tpu.memory_space<vmem>>, %arg3: memref<8192xf32, #tpu.memory_space<vmem>>, %arg4: memref<32x1xf32, #tpu.memory_space<vmem>>, %arg5: memref<32x1xf32, #tpu.memory_space<vmem>>, %arg6: memref<32x1xf32, #tpu.memory_space<vmem>>, %arg7: memref<32x1xf32, #tpu.memory_space<vmem>>, %arg8: memref<32x1xf32, #tpu.memory_space<vmem>>, %arg9: memref<32x1xf32, #tpu.memory_space<vmem>>, %arg10: memref<32x32xf32, #tpu.memory_space<vmem>>, %arg11: memref<32x1xf32, #tpu.memory_space<vmem>>, %arg12: memref<33x8192xf32, #tpu.memory_space<vmem>>) attributes {dimension_semantics = [#tpu.dimension_semantics<arbitrary>], iteration_bounds = array<i64: 100>, scalar_prefetch = 0 : i64, scratch_operands = 0 : i64, tpu.core_type = #tpu.core_type<tc>, window_params = [{transform_indices = @transform_0, window_bounds = array<i64: 8192>}, {transform_indices = @transform_1, window_bounds = array<i64: 8192>}, {transform_indices = @transform_2, window_bounds = array<i64: 8192>}, {pipeline_mode = #tpu.pipeline_mode<synchronous>, transform_indices = @transform_3, window_bounds = array<i64: 32, 1>}, {pipeline_mode = #tpu.pipeline_mode<synchronous>, transform_indices = @transform_4, window_bounds = array<i64: 32, 1>}, {pipeline_mode = #tpu.pipeline_mode<synchronous>, transform_indices = @transform_5, window_bounds = array<i64: 32, 1>}, {pipeline_mode = #tpu.pipeline_mode<synchronous>, transform_indices = @transform_6, window_bounds = array<i64: 32, 1>}, {pipeline_mode = #tpu.pipeline_mode<synchronous>, transform_indices = @transform_7, window_bounds = array<i64: 32, 1>}, {pipeline_mode = #tpu.pipeline_mode<synchronous>, transform_indices = @transform_8, window_bounds = array<i64: 32, 1>}, {pipeline_mode = #tpu.pipeline_mode<synchronous>, transform_indices = @transform_9, window_bounds = array<i64: 32, 32>}, {pipeline_mode = #tpu.pipeline_mode<synchronous>, transform_indices = @transform_10, window_bounds = array<i64: 32, 1>}, {transform_indices = @transform_11, window_bounds = array<i64: 33, 8192>}]} {
    %get3A = arith.constant 0 : index
    %get3A_0 = vector.load %arg1[%get3A] : memref<8192xf32, #tpu.memory_space<vmem>>, vector<8192xf32>
    %reshape3A = vector.shape_cast %get3A_0 : vector<8192xf32> to vector<1x8192xf32>
    %get3A_1 = arith.constant 0 : index
    %get3A_2 = vector.load %arg2[%get3A_1] : memref<8192xf32, #tpu.memory_space<vmem>>, vector<8192xf32>
    %reshape3A_3 = vector.shape_cast %get3A_2 : vector<8192xf32> to vector<1x8192xf32>
    %get3A_4 = arith.constant 0 : index
    %get3A_5 = vector.load %arg3[%get3A_4] : memref<8192xf32, #tpu.memory_space<vmem>>, vector<8192xf32>
    %reshape3A_6 = vector.shape_cast %get3A_5 : vector<8192xf32> to vector<1x8192xf32>
    %mul3A = arith.mulf %reshape3A, %reshape3A : vector<1x8192xf32>
    %mul3A_7 = arith.mulf %reshape3A_3, %reshape3A_3 : vector<1x8192xf32>
    %add3A = arith.addf %mul3A, %mul3A_7 : vector<1x8192xf32>
    %mul3A_8 = arith.mulf %reshape3A_6, %reshape3A_6 : vector<1x8192xf32>
    %add3A_9 = arith.addf %add3A, %mul3A_8 : vector<1x8192xf32>
    %sqrt3A = math.sqrt %add3A_9 : vector<1x8192xf32>
    %add3A_10 = arith.constant 9.99999997E-7 : f32
    %add3A_11 = vector.broadcast %add3A_10 : f32 to vector<1x8192xf32>
    %add3A_12 = arith.addf %sqrt3A, %add3A_11 : vector<1x8192xf32>
    %div3A = arith.divf %reshape3A, %add3A_12 : vector<1x8192xf32>
    %div3A_13 = arith.divf %reshape3A_3, %add3A_12 : vector<1x8192xf32>
    %div3A_14 = arith.divf %reshape3A_6, %add3A_12 : vector<1x8192xf32>
    %get3A_15 = arith.constant 0 : index
    %get3A_16 = arith.constant 0 : index
    %get3A_17 = vector.load %arg4[%get3A_15, %get3A_16] : memref<32x1xf32, #tpu.memory_space<vmem>>, vector<32x1xf32>
    %mul3A_18 = vector.broadcast %get3A_17 : vector<32x1xf32> to vector<32x8192xf32>
    %mul3A_19 = vector.broadcast %div3A : vector<1x8192xf32> to vector<32x8192xf32>
    %mul3A_20 = arith.mulf %mul3A_18, %mul3A_19 : vector<32x8192xf32>
    %get3A_21 = arith.constant 0 : index
    %get3A_22 = arith.constant 0 : index
    %get3A_23 = vector.load %arg5[%get3A_21, %get3A_22] : memref<32x1xf32, #tpu.memory_space<vmem>>, vector<32x1xf32>
    %mul3A_24 = vector.broadcast %get3A_23 : vector<32x1xf32> to vector<32x8192xf32>
    %mul3A_25 = vector.broadcast %div3A_13 : vector<1x8192xf32> to vector<32x8192xf32>
    %mul3A_26 = arith.mulf %mul3A_24, %mul3A_25 : vector<32x8192xf32>
    %add3A_27 = arith.addf %mul3A_20, %mul3A_26 : vector<32x8192xf32>
    %get3A_28 = arith.constant 0 : index
    %get3A_29 = arith.constant 0 : index
    %get3A_30 = vector.load %arg6[%get3A_28, %get3A_29] : memref<32x1xf32, #tpu.memory_space<vmem>>, vector<32x1xf32>
    %mul3A_31 = vector.broadcast %get3A_30 : vector<32x1xf32> to vector<32x8192xf32>
    %mul3A_32 = vector.broadcast %div3A_14 : vector<1x8192xf32> to vector<32x8192xf32>
    %mul3A_33 = arith.mulf %mul3A_31, %mul3A_32 : vector<32x8192xf32>
    %add3A_34 = arith.addf %add3A_27, %mul3A_33 : vector<32x8192xf32>
    %get3A_35 = arith.constant 0 : index
    %get3A_36 = arith.constant 0 : index
    %get3A_37 = vector.load %arg7[%get3A_35, %get3A_36] : memref<32x1xf32, #tpu.memory_space<vmem>>, vector<32x1xf32>
    %add3A_38 = vector.broadcast %get3A_37 : vector<32x1xf32> to vector<32x8192xf32>
    %add3A_39 = arith.addf %add3A_34, %add3A_38 : vector<32x8192xf32>
    %reduce_sum3A = arith.constant dense<0.000000e+00> : vector<8192xf32>
    %reduce_sum3A_40 = vector.multi_reduction <add>, %add3A_39, %reduce_sum3A [0] : vector<32x8192xf32> to vector<8192xf32>
    %broadcast_in_dim3A = vector.shape_cast %reduce_sum3A_40 : vector<8192xf32> to vector<1x8192xf32>
    %div3A_41 = arith.constant 3.200000e+01 : f32
    %div3A_42 = vector.broadcast %div3A_41 : f32 to vector<1x8192xf32>
    %div3A_43 = arith.divf %broadcast_in_dim3A, %div3A_42 : vector<1x8192xf32>
    %sub3A = vector.broadcast %div3A_43 : vector<1x8192xf32> to vector<32x8192xf32>
    %sub3A_44 = arith.subf %add3A_39, %sub3A : vector<32x8192xf32>
    %mul3A_45 = arith.mulf %sub3A_44, %sub3A_44 : vector<32x8192xf32>
    %reduce_sum3A_46 = arith.constant dense<0.000000e+00> : vector<8192xf32>
    %reduce_sum3A_47 = vector.multi_reduction <add>, %mul3A_45, %reduce_sum3A_46 [0] : vector<32x8192xf32> to vector<8192xf32>
    %broadcast_in_dim3A_48 = vector.shape_cast %reduce_sum3A_47 : vector<8192xf32> to vector<1x8192xf32>
    %div3A_49 = arith.constant 3.200000e+01 : f32
    %div3A_50 = vector.broadcast %div3A_49 : f32 to vector<1x8192xf32>
    %div3A_51 = arith.divf %broadcast_in_dim3A_48, %div3A_50 : vector<1x8192xf32>
    %get3A_52 = arith.constant 0 : index
    %get3A_53 = arith.constant 0 : index
    %get3A_54 = vector.load %arg8[%get3A_52, %get3A_53] : memref<32x1xf32, #tpu.memory_space<vmem>>, vector<32x1xf32>
    %mul3A_55 = vector.broadcast %get3A_54 : vector<32x1xf32> to vector<32x8192xf32>
    %mul3A_56 = arith.mulf %mul3A_55, %sub3A_44 : vector<32x8192xf32>
    %add3A_57 = arith.constant 9.99999974E-6 : f32
    %add3A_58 = vector.broadcast %add3A_57 : f32 to vector<1x8192xf32>
    %add3A_59 = arith.addf %div3A_51, %add3A_58 : vector<1x8192xf32>
    %sqrt3A_60 = math.sqrt %add3A_59 : vector<1x8192xf32>
    %div3A_61 = vector.broadcast %sqrt3A_60 : vector<1x8192xf32> to vector<32x8192xf32>
    %div3A_62 = arith.divf %mul3A_56, %div3A_61 : vector<32x8192xf32>
    %get3A_63 = arith.constant 0 : index
    %get3A_64 = arith.constant 0 : index
    %get3A_65 = vector.load %arg9[%get3A_63, %get3A_64] : memref<32x1xf32, #tpu.memory_space<vmem>>, vector<32x1xf32>
    %add3A_66 = vector.broadcast %get3A_65 : vector<32x1xf32> to vector<32x8192xf32>
    %add3A_67 = arith.addf %div3A_62, %add3A_66 : vector<32x8192xf32>
    %mul3A_68 = arith.constant 5.000000e-01 : f32
    %mul3A_69 = vector.broadcast %mul3A_68 : f32 to vector<32x8192xf32>
    %mul3A_70 = arith.mulf %mul3A_69, %add3A_67 : vector<32x8192xf32>
    %mul3A_71 = arith.constant 0.707106769 : f32
    %mul3A_72 = vector.broadcast %mul3A_71 : f32 to vector<32x8192xf32>
    %mul3A_73 = arith.mulf %add3A_67, %mul3A_72 : vector<32x8192xf32>
    %erf3A = math.erf %mul3A_73 : vector<32x8192xf32>
    %add3A_74 = arith.constant 1.000000e+00 : f32
    %add3A_75 = vector.broadcast %add3A_74 : f32 to vector<32x8192xf32>
    %add3A_76 = arith.addf %add3A_75, %erf3A : vector<32x8192xf32>
    %mul3A_77 = arith.mulf %mul3A_70, %add3A_76 : vector<32x8192xf32>
    %get3A_78 = arith.constant 0 : index
    %get3A_79 = arith.constant 0 : index
    %get3A_80 = vector.load %arg10[%get3A_78, %get3A_79] : memref<32x32xf32, #tpu.memory_space<vmem>>, vector<32x32xf32>
    %dot_general3A = arith.constant dense<0.000000e+00> : vector<32x8192xf32>
    %dot_general3A_81 = tpu.matmul %get3A_80, %mul3A_77, %dot_general3A {dimension_numbers = #tpu.dot_dimension_numbers<[1], [0], [0], [1], [0, 0, 1, 1], [], []>, transpose_lhs_hint = false} : vector<32x32xf32>, vector<32x8192xf32>, vector<32x8192xf32> -> vector<32x8192xf32>
    %get3A_82 = arith.constant 0 : index
    %get3A_83 = arith.constant 0 : index
    %get3A_84 = vector.load %arg11[%get3A_82, %get3A_83] : memref<32x1xf32, #tpu.memory_space<vmem>>, vector<32x1xf32>
    %add3A_85 = vector.broadcast %get3A_84 : vector<32x1xf32> to vector<32x8192xf32>
    %add3A_86 = arith.addf %dot_general3A_81, %add3A_85 : vector<32x8192xf32>
    %broadcast_in_dim3A_87 = arith.constant 1.000000e+00 : f32
    %broadcast_in_dim3A_88 = vector.broadcast %broadcast_in_dim3A_87 : f32 to vector<1x8192xf32>
    %concatenate3A = tpu.concatenate %add3A_86, %broadcast_in_dim3A_88 in 0 : vector<32x8192xf32>, vector<1x8192xf32> -> vector<33x8192xf32>
    %swap3A = arith.constant 0 : index
    %swap3A_89 = arith.constant 0 : index
    %swap3A_90 = vector.load %arg12[%swap3A, %swap3A_89] : memref<33x8192xf32, #tpu.memory_space<vmem>>, vector<33x8192xf32>
    tpu.vector_store %arg12[%swap3A, %swap3A_89], %concatenate3A {strides = array<i32>} : memref<33x8192xf32, #tpu.memory_space<vmem>>, vector<33x8192xf32>,
    return
  }
  func.func @transform_0(%arg0: i32) -> i32 {
    %c0_i32 = arith.constant 0 : i32
    return %arg0 : i32
  }
  func.func @transform_1(%arg0: i32) -> i32 {
    %c0_i32 = arith.constant 0 : i32
    return %arg0 : i32
  }
  func.func @transform_2(%arg0: i32) -> i32 {
    %c0_i32 = arith.constant 0 : i32
    return %arg0 : i32
  }
  func.func @transform_3(%arg0: i32) -> (i32, i32) {
    %c0_i32 = arith.constant 0 : i32
    %c0_i32_0 = arith.constant 0 : i32
    %c0_i32_1 = arith.constant 0 : i32
    return %c0_i32, %c0_i32_0 : i32, i32
  }
  func.func @transform_4(%arg0: i32) -> (i32, i32) {
    %c0_i32 = arith.constant 0 : i32
    %c0_i32_0 = arith.constant 0 : i32
    %c0_i32_1 = arith.constant 0 : i32
    return %c0_i32, %c0_i32_0 : i32, i32
  }
  func.func @transform_5(%arg0: i32) -> (i32, i32) {
    %c0_i32 = arith.constant 0 : i32
    %c0_i32_0 = arith.constant 0 : i32
    %c0_i32_1 = arith.constant 0 : i32
    return %c0_i32, %c0_i32_0 : i32, i32
  }
  func.func @transform_6(%arg0: i32) -> (i32, i32) {
    %c0_i32 = arith.constant 0 : i32
    %c0_i32_0 = arith.constant 0 : i32
    %c0_i32_1 = arith.constant 0 : i32
    return %c0_i32, %c0_i32_0 : i32, i32
  }
  func.func @transform_7(%arg0: i32) -> (i32, i32) {
    %c0_i32 = arith.constant 0 : i32
    %c0_i32_0 = arith.constant 0 : i32
    %c0_i32_1 = arith.constant 0 : i32
    return %c0_i32, %c0_i32_0 : i32, i32
  }
  func.func @transform_8(%arg0: i32) -> (i32, i32) {
    %c0_i32 = arith.constant 0 : i32
    %c0_i32_0 = arith.constant 0 : i32
    %c0_i32_1 = arith.constant 0 : i32
    return %c0_i32, %c0_i32_0 : i32, i32
  }
  func.func @transform_9(%arg0: i32) -> (i32, i32) {
    %c0_i32 = arith.constant 0 : i32
    %c0_i32_0 = arith.constant 0 : i32
    %c0_i32_1 = arith.constant 0 : i32
    return %c0_i32, %c0_i32_0 : i32, i32
  }
  func.func @transform_10(%arg0: i32) -> (i32, i32) {
    %c0_i32 = arith.constant 0 : i32
    %c0_i32_0 = arith.constant 0 : i32
    %c0_i32_1 = arith.constant 0 : i32
    return %c0_i32, %c0_i32_0 : i32, i32
  }
  func.func @transform_11(%arg0: i32) -> (i32, i32) {
    %c0_i32 = arith.constant 0 : i32
    %c0_i32_0 = arith.constant 0 : i32
    return %c0_i32, %arg0 : i32, i32
  }
}

module attributes {stable_mosaic.version = 14 : i64} {
  func.func @body(%arg0: i32, %arg1: memref<2176x26xf32, #tpu.memory_space<vmem>>, %arg2: memref<96x2176xf32, #tpu.memory_space<vmem>>, %arg3: memref<32x32xf32, #tpu.memory_space<vmem>>, %arg4: memref<2176x58xf32, #tpu.memory_space<vmem>>) attributes {dimension_semantics = [#tpu.dimension_semantics<arbitrary>], iteration_bounds = array<i64: 23>, scalar_prefetch = 0 : i64, scratch_operands = 0 : i64, tpu.core_type = #tpu.core_type<tc>, window_params = [{transform_indices = @transform_0, window_bounds = array<i64: 2176, 26>}, {transform_indices = @transform_1, window_bounds = array<i64: 96, 2176>}, {pipeline_mode = #tpu.pipeline_mode<synchronous>, transform_indices = @transform_2, window_bounds = array<i64: 32, 32>}, {transform_indices = @transform_3, window_bounds = array<i64: 2176, 58>}]} {
    %get3A = arith.constant 0 : index
    %get3A_0 = arith.constant 0 : index
    %get3A_1 = vector.load %arg1[%get3A, %get3A_0] : memref<2176x26xf32, #tpu.memory_space<vmem>>, vector<2176x26xf32>
    %iota3A = tpu.iota {dimensions = array<i32: 1>} : vector<2176x26xi32>
    %eq3A = arith.constant 0 : i32
    %eq3A_2 = vector.broadcast %eq3A : i32 to vector<2176x26xi32>
    %eq3A_3 = arith.cmpi eq, %iota3A, %eq3A_2 : vector<2176x26xi32>
    %jit3A = arith.constant -4.500000e+00 : f32
    %jit3A_4 = arith.constant 4.500000e+00 : f32
    %max3A = vector.broadcast %jit3A : f32 to vector<2176x26xf32>
    %max3A_5 = arith.maximumf %max3A, %get3A_1 : vector<2176x26xf32>
    %min3A = vector.broadcast %jit3A_4 : f32 to vector<2176x26xf32>
    %min3A_6 = arith.minimumf %min3A, %max3A_5 : vector<2176x26xf32>
    %sub3A = arith.constant -4.500000e+00 : f32
    %sub3A_7 = vector.broadcast %sub3A : f32 to vector<2176x26xf32>
    %sub3A_8 = arith.subf %min3A_6, %sub3A_7 : vector<2176x26xf32>
    %div3A = arith.constant 9.000000e+00 : f32
    %div3A_9 = vector.broadcast %div3A : f32 to vector<2176x26xf32>
    %div3A_10 = arith.divf %sub3A_8, %div3A_9 : vector<2176x26xf32>
    %mul3A = arith.constant 1.000000e+01 : f32
    %mul3A_11 = vector.broadcast %mul3A : f32 to vector<2176x26xf32>
    %mul3A_12 = arith.mulf %div3A_10, %mul3A_11 : vector<2176x26xf32>
    %floor3A = math.floor %mul3A_12 : vector<2176x26xf32>
    %div3A_13 = arith.constant 1.000000e+01 : f32
    %div3A_14 = vector.broadcast %div3A_13 : f32 to vector<2176x26xf32>
    %div3A_15 = arith.divf %floor3A, %div3A_14 : vector<2176x26xf32>
    %select_n3A = arith.select %eq3A_3, %div3A_15, %get3A_1 : vector<2176x26xi1>, vector<2176x26xf32>
    %eq3A_16 = arith.constant 1 : i32
    %eq3A_17 = vector.broadcast %eq3A_16 : i32 to vector<2176x26xi32>
    %eq3A_18 = arith.cmpi eq, %iota3A, %eq3A_17 : vector<2176x26xi32>
    %jit3A_19 = arith.constant -1.000000e+00 : f32
    %jit3A_20 = arith.constant 1.000000e+00 : f32
    %max3A_21 = vector.broadcast %jit3A_19 : f32 to vector<2176x26xf32>
    %max3A_22 = arith.maximumf %max3A_21, %get3A_1 : vector<2176x26xf32>
    %min3A_23 = vector.broadcast %jit3A_20 : f32 to vector<2176x26xf32>
    %min3A_24 = arith.minimumf %min3A_23, %max3A_22 : vector<2176x26xf32>
    %sub3A_25 = arith.constant -1.000000e+00 : f32
    %sub3A_26 = vector.broadcast %sub3A_25 : f32 to vector<2176x26xf32>
    %sub3A_27 = arith.subf %min3A_24, %sub3A_26 : vector<2176x26xf32>
    %div3A_28 = arith.constant 2.000000e+00 : f32
    %div3A_29 = vector.broadcast %div3A_28 : f32 to vector<2176x26xf32>
    %div3A_30 = arith.divf %sub3A_27, %div3A_29 : vector<2176x26xf32>
    %mul3A_31 = arith.constant 1.000000e+01 : f32
    %mul3A_32 = vector.broadcast %mul3A_31 : f32 to vector<2176x26xf32>
    %mul3A_33 = arith.mulf %div3A_30, %mul3A_32 : vector<2176x26xf32>
    %floor3A_34 = math.floor %mul3A_33 : vector<2176x26xf32>
    %div3A_35 = arith.constant 1.000000e+01 : f32
    %div3A_36 = vector.broadcast %div3A_35 : f32 to vector<2176x26xf32>
    %div3A_37 = arith.divf %floor3A_34, %div3A_36 : vector<2176x26xf32>
    %select_n3A_38 = arith.select %eq3A_18, %div3A_37, %select_n3A : vector<2176x26xi1>, vector<2176x26xf32>
    %eq3A_39 = arith.constant 3 : i32
    %eq3A_40 = vector.broadcast %eq3A_39 : i32 to vector<2176x26xi32>
    %eq3A_41 = arith.cmpi eq, %iota3A, %eq3A_40 : vector<2176x26xi32>
    %jit3A_42 = arith.constant 7.500000e+01 : f32
    %jit3A_43 = arith.constant 2.040000e+02 : f32
    %max3A_44 = vector.broadcast %jit3A_42 : f32 to vector<2176x26xf32>
    %max3A_45 = arith.maximumf %max3A_44, %get3A_1 : vector<2176x26xf32>
    %min3A_46 = vector.broadcast %jit3A_43 : f32 to vector<2176x26xf32>
    %min3A_47 = arith.minimumf %min3A_46, %max3A_45 : vector<2176x26xf32>
    %sub3A_48 = arith.constant 7.500000e+01 : f32
    %sub3A_49 = vector.broadcast %sub3A_48 : f32 to vector<2176x26xf32>
    %sub3A_50 = arith.subf %min3A_47, %sub3A_49 : vector<2176x26xf32>
    %div3A_51 = arith.constant 1.290000e+02 : f32
    %div3A_52 = vector.broadcast %div3A_51 : f32 to vector<2176x26xf32>
    %div3A_53 = arith.divf %sub3A_50, %div3A_52 : vector<2176x26xf32>
    %mul3A_54 = arith.constant 1.000000e+01 : f32
    %mul3A_55 = vector.broadcast %mul3A_54 : f32 to vector<2176x26xf32>
    %mul3A_56 = arith.mulf %div3A_53, %mul3A_55 : vector<2176x26xf32>
    %floor3A_57 = math.floor %mul3A_56 : vector<2176x26xf32>
    %div3A_58 = arith.constant 1.000000e+01 : f32
    %div3A_59 = vector.broadcast %div3A_58 : f32 to vector<2176x26xf32>
    %div3A_60 = arith.divf %floor3A_57, %div3A_59 : vector<2176x26xf32>
    %select_n3A_61 = arith.select %eq3A_41, %div3A_60, %select_n3A_38 : vector<2176x26xi1>, vector<2176x26xf32>
    %get3A_62 = arith.constant 0 : index
    %get3A_63 = arith.constant 0 : index
    %get3A_64 = vector.load %arg2[%get3A_62, %get3A_63] : memref<96x2176xf32, #tpu.memory_space<vmem>>, vector<96x2176xf32>
    %slice3A = vector.extract_strided_slice %get3A_64 {offsets = [0, 0], sizes = [24, 2176], strides = [1, 1]} : vector<96x2176xf32> to vector<24x2176xf32>
    %slice3A_65 = vector.extract_strided_slice %get3A_64 {offsets = [48, 0], sizes = [24, 2176], strides = [1, 1]} : vector<96x2176xf32> to vector<24x2176xf32>
    %add3A = arith.addf %slice3A, %slice3A_65 : vector<24x2176xf32>
    %slice3A_66 = vector.extract_strided_slice %get3A_64 {offsets = [24, 0], sizes = [24, 2176], strides = [1, 1]} : vector<96x2176xf32> to vector<24x2176xf32>
    %slice3A_67 = vector.extract_strided_slice %get3A_64 {offsets = [72, 0], sizes = [24, 2176], strides = [1, 1]} : vector<96x2176xf32> to vector<24x2176xf32>
    %add3A_68 = arith.addf %slice3A_66, %slice3A_67 : vector<24x2176xf32>
    %slice3A_69 = vector.extract_strided_slice %add3A {offsets = [0, 0], sizes = [16, 2176], strides = [1, 1]} : vector<24x2176xf32> to vector<16x2176xf32>
    %slice3A_70 = vector.extract_strided_slice %add3A_68 {offsets = [0, 0], sizes = [17, 2176], strides = [1, 1]} : vector<24x2176xf32> to vector<17x2176xf32>
    %concatenate3A = tpu.concatenate %slice3A_69, %slice3A_70 in 0 : vector<16x2176xf32>, vector<17x2176xf32> -> vector<33x2176xf32>
    %slice3A_71 = vector.extract_strided_slice %concatenate3A {offsets = [32, 0], sizes = [1, 2176], strides = [1, 1]} : vector<33x2176xf32> to vector<1x2176xf32>
    %slice3A_72 = vector.extract_strided_slice %concatenate3A {offsets = [0, 0], sizes = [32, 2176], strides = [1, 1]} : vector<33x2176xf32> to vector<32x2176xf32>
    %max3A_73 = arith.constant 1.000000e+00 : f32
    %max3A_74 = vector.broadcast %max3A_73 : f32 to vector<1x2176xf32>
    %max3A_75 = arith.maximumf %slice3A_71, %max3A_74 : vector<1x2176xf32>
    %div3A_76 = vector.broadcast %max3A_75 : vector<1x2176xf32> to vector<32x2176xf32>
    %div3A_77 = arith.divf %slice3A_72, %div3A_76 : vector<32x2176xf32>
    %get3A_78 = arith.constant 0 : index
    %get3A_79 = arith.constant 0 : index
    %get3A_80 = vector.load %arg3[%get3A_78, %get3A_79] : memref<32x32xf32, #tpu.memory_space<vmem>>, vector<32x32xf32>
    %dot_general3A = arith.constant dense<0.000000e+00> : vector<2176x32xf32>
    %dot_general3A_81 = tpu.matmul %div3A_77, %get3A_80, %dot_general3A {dimension_numbers = #tpu.dot_dimension_numbers<[0], [0], [1], [1], [0, 1, 1, 1], [], []>, transpose_lhs_hint = false} : vector<32x2176xf32>, vector<32x32xf32>, vector<2176x32xf32> -> vector<2176x32xf32>
    %concatenate3A_82 = tpu.concatenate %select_n3A_61, %dot_general3A_81 in 1 : vector<2176x26xf32>, vector<2176x32xf32> -> vector<2176x58xf32>
    %swap3A = arith.constant 0 : index
    %swap3A_83 = arith.constant 0 : index
    %swap3A_84 = vector.load %arg4[%swap3A, %swap3A_83] : memref<2176x58xf32, #tpu.memory_space<vmem>>, vector<2176x58xf32>
    tpu.vector_store %arg4[%swap3A, %swap3A_83], %concatenate3A_82 {strides = array<i32>} : memref<2176x58xf32, #tpu.memory_space<vmem>>, vector<2176x58xf32>,
    return
  }
  func.func @transform_0(%arg0: i32) -> (i32, i32) {
    %c0_i32 = arith.constant 0 : i32
    %c0_i32_0 = arith.constant 0 : i32
    return %arg0, %c0_i32 : i32, i32
  }
  func.func @transform_1(%arg0: i32) -> (i32, i32) {
    %c0_i32 = arith.constant 0 : i32
    %c0_i32_0 = arith.constant 0 : i32
    return %c0_i32, %arg0 : i32, i32
  }
  func.func @transform_2(%arg0: i32) -> (i32, i32) {
    %c0_i32 = arith.constant 0 : i32
    %c0_i32_0 = arith.constant 0 : i32
    %c0_i32_1 = arith.constant 0 : i32
    return %c0_i32, %c0_i32_0 : i32, i32
  }
  func.func @transform_3(%arg0: i32) -> (i32, i32) {
    %c0_i32 = arith.constant 0 : i32
    %c0_i32_0 = arith.constant 0 : i32
    return %arg0, %c0_i32 : i32, i32
  }
}

</mosaic_0001>

<sc_bundles>
// kernel: kernel.6.cloned.1.call-start
scs
__scs_entry_jumppad:
0x0: {  	(pc) =	sbr.rel $0x88, $3  }
0x1: {  	(tag) =	ssettag $0x0;
	lr =	simm.s32 $0x1  }
0x2: {  	[smem:$0x3F98] =	sst lr;
	_ =	strace $0xD0000000  }
0x3: {  	_ = 	snop  }
0x4: {  	_ = 	snop  }
0x5: {  	_ = 	snop  }
0x6: {  	_ = 	snop  }
0x7: {  	_ = 	snop  }
__scs_overlays_trampoline_lowered:
0x8: {  	[smem:$0x3FA7] =	sst s0  }
0x9: {  	[smem:$0x3FA8] =	sst s1  }
0xa: {  	[smem:$0x3FA9] =	sst s2  }
0xb: {  	[smem:$0x3FAA] =	sst s3  }
0xc: {  	[smem:$0x3FAB] =	sst s4  }
0xd: {  	[smem:$0x3FAC] =	sst s5  }
0xe: {  	[smem:$0x3FAD] =	sst s6  }
0xf: {  	[smem:$0x3FAE] =	sst s7  }
0x10: {  	[smem:$0x3FAF] =	sst s8  }
0x11: {  	[smem:$0x3FB0] =	sst s9;
	s0 =	simm.s32 @!p0 $0x0  }
0x12: {  	s1 =	sld [smem:$0x3F96];
	s0 =	simm.s32 @p0 $0x1  }
0x13: {  	[smem:$0x3FB1] =	sst s0;
	s0 =	simm.s32 @!p1 $0x0  }
0x14: {  	s2 =	sld [smem:$0x3F95];
	s0 =	simm.s32 @p1 $0x1  }
0x15: {  	[smem:$0x3FB2] =	sst s0;
	s0 =	simm.s32 @!p2 $0x0  }
0x16: {  	s3 =	sld [smem:$0x3FDB];
	s0 =	simm.s32 @p2 $0x1  }
0x17: {  	s4 =	simm.s32 $0x1BF5;
	[smem:$0x3FB4] =	sst s0  }
0x18: {  	s0 =	sld [smem:$0x3F97];
	_ =	swait.ge [sflag:s4], $0x0  }
0x19: {  	s7 =	sld [smem:$0x3F98]  }
0x1a: {  	s8 =	sadd.s32 $0xFFFFE003, lr  }
0x1b: {  	s9 =	sadd.s32 $0xFFFFFEF7, lr;
	s5 =	simm.s32 $0xFFFFFFFF;
	p2 =	slt.u32 s8, $0xFFFFF086  }
0x1c: {  	p1 =	slt.u32 s9, $0xF7A;
	s5 =	simm.s32 @!p2 $0x0  }
0x1d: {  	s5 =	simm.s32 @p1 $0x1;
	p0 =	seq.s32 s7, s2  }
0x1e: {  	s7 =	smul.u32 @!p0 $0xF7A, s2;
	p2 =	seq.s32 @!p0 s5, $0x0  }
0x1f: {  	s9 =	smul.u32 $0xF7A, s1;
	s8 =	simm.s32 @!p0 $0x1BF5;
	p2 =	por !p2, p0  }
0x20: {  	[sflag:s8] =	ssyncset.s32 @!p0 $0xFFFFF086;
	s6 =	sadd.s32 @!p0 s3, s7;
	s7 =	simm.s32 @!p0 $0x108  }
0x21: {  	s3 =	sadd.s32 s3, s9;
	s6 =	sadd.s32 @!p0 $0x88, s6;
	s7 =	simm.s32 @p2 $0x1082  }
0x22: {  	[simem:s7], [sflag:s8] =	dma.local @!p0 [hbm:s6], $0xF7A  }
0x23: {  	s9 =	sor.u32 $0xD0000000, s2;
	s6 =	simm.s32 $0x108;
	_ =	swait.ge @!p0 [sflag:s8], $0x0  }
0x24: {  	s3 =	sadd.s32 $0x88, s3;
	s6 =	simm.s32 @!p1 $0x1082;
	[sflag:s4] =	ssyncset.s32 $0xFFFFF086  }
0x25: {  	[simem:s6], [sflag:s4] =	dma.local [hbm:s3], $0xF7A  }
0x26: {  	[smem:$0x3F98] =	sst s1;
	(tag) =	ssettag s2;
	_ =	strace s9  }
0x27: {  	s1 =	sld [smem:$0x3FA8]  }
0x28: {  	s2 =	sld [smem:$0x3FA9]  }
0x29: {  	s4 =	sld [smem:$0x3FAB]  }
0x2a: {  	p0 =	seq.s32 s5, $0x0;
	s5 =	sld [smem:$0x3FAC]  }
0x2b: {  	s6 =	sld [smem:$0x3FAD]  }
0x2c: {  	s7 =	sld [smem:$0x3FAE]  }
0x2d: {  	s3 =	simm.s32 $0x108;
	s8 =	sld [smem:$0x3FAF]  }
0x2e: {  	s3 =	simm.s32 @!p0 $0x1082;
	s9 =	sld [smem:$0x3FB0]  }
0x2f: {  	lr =	sadd.s32 s0, s3;
	s0 =	sld [smem:$0x3FA7]  }
0x30: {  	s3 =	sld [smem:$0x3FAA]  }
0x31: {  	[smem:$0x3FB3] =	sst s10  }
0x32: {  	s10 =	sld [smem:$0x3FB1];
	_ =	sdelay $0x3  }
0x33: {  	p0 =	seq.s32 s10, $0x1;
	s10 =	sld [smem:$0x3FB3];
	_ =	sdelay $0x3  }
0x34: {  	[smem:$0x3FB3] =	sst s10  }
0x35: {  	s10 =	sld [smem:$0x3FB2];
	_ =	sdelay $0x3  }
0x36: {  	p1 =	seq.s32 s10, $0x1;
	s10 =	sld [smem:$0x3FB3];
	_ =	sdelay $0x3  }
0x37: {  	[smem:$0x3FB3] =	sst s10  }
0x38: {  	s10 =	sld [smem:$0x3FB4]  }
0x39: {  	_ = 	snop;
	(pc) =	sbr.ind lr, $3  }
0x3a: {  	_ = 	snop  }
0x3b: {  	_ = 	snop  }
0x3c: {  	p2 =	seq.s32 s10, $0x1;
	s10 =	sld [smem:$0x3FB3]  }
0x3d: {  	_ =	shalt  }
0x3e: {  	_ =	shalt  }
0x3f: {  	_ =	shalt  }
0x40: {  	_ =	shalt  }
0x41: {  	_ =	shalt  }
0x42: {  	_ =	shalt  }
0x43: {  	_ =	shalt  }
0x44: {  	_ =	shalt  }
0x45: {  	_ =	shalt  }
0x46: {  	_ =	shalt  }
0x47: {  	_ =	shalt  }
0x48: {  	_ =	shalt  }
0x49: {  	_ =	shalt  }
0x4a: {  	_ =	shalt  }
0x4b: {  	_ =	shalt  }
0x4c: {  	_ =	shalt  }
0x4d: {  	_ =	shalt  }
0x4e: {  	_ =	shalt  }
0x4f: {  	_ =	shalt  }
0x50: {  	_ =	shalt  }
0x51: {  	_ =	shalt  }
0x52: {  	_ =	shalt  }
0x53: {  	_ =	shalt  }
0x54: {  	_ =	shalt  }
0x55: {  	_ =	shalt  }
0x56: {  	_ =	shalt  }
0x57: {  	_ =	shalt  }
0x58: {  	_ =	shalt  }
0x59: {  	_ =	shalt  }
0x5a: {  	_ =	shalt  }
0x5b: {  	_ =	shalt  }
0x5c: {  	_ =	shalt  }
0x5d: {  	_ =	shalt  }
0x5e: {  	_ =	shalt  }
0x5f: {  	_ =	shalt  }
0x60: {  	_ =	shalt  }
0x61: {  	_ =	shalt  }
0x62: {  	_ =	shalt  }
0x63: {  	_ =	shalt  }
0x64: {  	_ =	shalt  }
0x65: {  	_ =	shalt  }
0x66: {  	_ =	shalt  }
0x67: {  	_ =	shalt  }
0x68: {  	_ =	shalt  }
0x69: {  	_ =	shalt  }
0x6a: {  	_ =	shalt  }
0x6b: {  	_ =	shalt  }
0x6c: {  	_ =	shalt  }
0x6d: {  	_ =	shalt  }
0x6e: {  	_ =	shalt  }
0x6f: {  	_ =	shalt  }
0x70: {  	_ =	shalt  }
0x71: {  	_ =	shalt  }
0x72: {  	_ =	shalt  }
0x73: {  	_ =	shalt  }
0x74: {  	_ =	shalt  }
0x75: {  	_ =	shalt  }
0x76: {  	_ =	shalt  }
0x77: {  	_ =	shalt  }
0x78: {  	_ =	shalt  }
0x79: {  	_ =	shalt  }
0x7a: {  	_ =	shalt  }
0x7b: {  	_ =	shalt  }
0x7c: {  	_ =	shalt  }
0x7d: {  	_ =	shalt  }
0x7e: {  	_ =	shalt  }
0x7f: {  	_ =	shalt  }
0x80: {  	_ =	shalt  }
0x81: {  	_ =	shalt  }
0x82: {  	_ =	shalt  }
0x83: {  	_ =	shalt  }
0x84: {  	_ =	shalt  }
0x85: {  	_ =	shalt  }
0x86: {  	_ =	shalt  }
0x87: {  	_ =	shalt  }
.Lfunc_end0:
.L_simem_size_0:
called_computation_lowered:
.L_overlay_start_0:
0x88: {  	s2 =	sld [smem:$0x3FD9]  }
0x89: {  	s3 =	sld [smem:$0x3FFE];
	_ =	sdelay $0x1  }
0x8a: {  	s1 =	srdreg.scid  }
0x8b: {  	s0 =	sand.u32 $0x1, s1  }
0x8c: {  	s17 =	sshll.u32 s0, $0xA;
	s2 =	sadd.s32 s3, s2  }
0x8d: {  	s2 =	sadd.s32 s2, s17  }
0x8e: {  	[smem:$0x3FBF] =	sst s2  }
0x8f: {  	_ = 	snop  }
0x90: {  	s2 =	sld [smem:$0x3FD0];
	(tm) =	ssettm $0x1  }
0x91: {  	s18 =	sld [smem:$0x3FFB];
	_ =	sdelay $0x3  }
0x92: {  	_ =	strace s18  }
0x93: {  	s3 =	sld [smem:$0x3FFC];
	_ =	sdelay $0x3  }
0x94: {  	_ =	strace s3  }
0x95: {  	s3 =	sld [smem:$0x3FFD];
	_ =	sdelay $0x3  }
0x96: {  	_ =	strace s3  }
0x97: {  	_ =	strace $0x8FFFFFFF  }
0x98: {  	s19 =	sld [smem:$0x3FDB];
	_ =	sdelay $0x1  }
0x99: {  	s4 =	simm.s32 $_scs_section_size  }
0x9a: {  	s5 =	simm.s32 $_size__tile_overlayer_lowered;
	s6 =	simm.s32 $_tile_overlayer_lowered  }
0x9b: {  	s22 =	simm.s32 $0x1BFF;
	s21 =	sshll.u32 s6, $0x1;
	s3 =	sadd.s32 s4, s19  }
0x9c: {  	s7 =	simm.s32 $0x0;
	s20 =	sshll.u32 s5, $0x1;
	s5 =	sadd.s32 s21, s3  }
0x9d: {  	[timem:s7], [sflag:s22] =	dma.local [hbm:s5], s20  }
0x9e: {  	_ =	swait.ge [sflag:s22], s20  }
0x9f: {  	s4 =	ssub.s32 $0x0, s20;
	[sflag:s22] =	ssyncset.done $0x0  }
0xa0: {  	[sflag:s22] =	ssyncadd.s32 s4;
	_ =	sdelay $0x1  }
0xa1: {  	s23 =	simm.s32 $0x1B8B  }
0xa2: {  	_ =	swait.ge [sflag:s23], $0x1  }
0xa3: {  	[sflag:s23] =	ssyncset.done $0x0  }
0xa4: {  	s25 =	simm.s32 $0x1B8E;
	s24 =	sld [smem:$0x3FFE];
	[sflag:s23] =	ssyncadd.s32 $0xFFFFFFFF  }
0xa5: {  	s26 =	simm.s32 $execute0_lowered;
	[smem:$0x3FD2] =	sst s25  }
0xa6: {  	s5 =	sshll.u32 s26, $0x1;
	_ =	strace $0x80000046;
	[dreg:$0x1] =	wrdreg $0xFFFFFFFF  }
0xa7: {  	s28 =	simm.s32 $_size_execute0_lowered;
	s3 =	sadd.s32 s3, s5;
	[dreg:$0x0] =	wrdreg $0x0  }
0xa8: {  	s5 =	sshll.u32 s28, $0x1;
	[dreg:$0x2] =	wrdreg s3  }
0xa9: {  	[dreg:$0x3] =	wrdreg s5  }
0xaa: {  	[dreg:$0x4] =	wrdreg $0xC0  }
0xab: {  	_ =	task [dreg:s7], $0x5FFFF  }
0xac: {  	[dreg:$0x1] =	wrdreg $0xFFFFFFFF  }
0xad: {  	[dreg:$0x0] =	wrdreg $0x60  }
0xae: {  	[dreg:$0x2] =	wrdreg s24  }
0xaf: {  	[dreg:$0x3] =	wrdreg s2  }
0xb0: {  	[dreg:$0x4] =	wrdreg $0x20000  }
0xb1: {  	[dreg:$0x5] =	wrdreg $0x2C380  }
0xb2: {  	[dreg:$0x6] =	wrdreg $0x38700  }
0xb3: {  	[dreg:$0x7] =	wrdreg $0x9  }
0xb4: {  	_ =	task.clear_ibuf [dreg:s7], $0x8FFFF;
	_ =	strace $0x90000046  }
0xb5: {  	s29 =	simm.s32 $0x9;
	_ =	strace $0x80000048  }
0xb6: {  	_ =	swait.ge [sflag:s29], $0x1  }
0xb7: {  	[sflag:s29] =	ssyncadd.s32 $0xFFFFFFFF  }
0xb8: {  	_ =	strace $0x90000048  }
0xb9: {  	_ =	sfence  }
0xba: {  	s30 =	sld [smem:$0x0];
	_ =	sdelay $0x2  }
0xbb: {  	s31 =	sshll.u32 s1, $0xD;
	s1 =	sshrl.u32 s1, $0x2  }
0xbc: {  	s3 =	sand.u32 $0x4000, s31;
	s1 =	sadd.s32 s1, s30  }
0xbd: {  	s0 =	sor.u32 s3, s0;
	s1 =	sshll.u32 s1, $0x11  }
0xbe: {  	s0 =	sor.u32 s1, s0  }
0xbf: {  	s0 =	sadd.s32 $0x8F2B, s0  }
0xc0: {  	[sflag:s0] =	ssyncadd.remote.s32 $0x1  }
0xc1: {  	_ =	sfence.sel $0xFFFF  }
0xc2: {  	[dreg:$0x0] =	wrdreg $0xFFFFFFFF;
	(pc) =	sbr.abs _section_cstart, $3  }
0xc3: {  	[dreg:$0x1] =	wrdreg $0xFFFFFFFF  }
0xc4: {  	_ =	task.clear_ibuf [dreg:s7], $0x2FFFF;
	_ =	strace $0x9FFFFFFF  }
0xc5: {  	(tm) =	ssettm $0x7FFFFFFF  }
tec
execute0_lowered:
.L_overlay_start_1:
0x0: {  	(tag) =	ssettag $0x1  }
0x1: {  	s7 =	rddreg [dreg:$0x0]  }
0x2: {  	s13 =	rddreg [dreg:$0x1]  }
0x3: {  	s1 =	rddreg [dreg:$0x2]  }
0x4: {  	s2 =	rddreg [dreg:$0x3]  }
0x5: {  	s3 =	rddreg [dreg:$0x4]  }
0x6: {  	s0 =	rddreg [dreg:$0x5];
	s4 =	simm.s32 $0x0  }
0x7: {  	s25 =	stileid.u32;
	s5 =	srdreg.scid;
	s16 =	simm.s32 $0x2  }
0x8: {  	s17 =	simm.s32 $0x400;
	s18 =	simm.s32 $0x800;
	s19 =	simm.s32 $0xC00  }
0x9: {  	s20 =	simm.s32 $0x1000;
	s21 =	simm.s32 $0x1400;
	s22 =	simm.s32 $0x1800  }
0xa: {  	s23 =	simm.s32 $0x1C00;
	s24 =	simm.s32 $0x1;
	s26 =	simm.s32 $0x1C02  }
0xb: {  	s28 =	simm.s32 $0x0;
	[smem:$0x7FF] =	sst s4;
	s14 =	smul.u32 $0x1900, s25  }
0xc: {  	s6 =	sand.u32 $0x1, s5;
	s5 =	sadd.s32 $0x4800, s7;
	p0 =	seq.s32 s25, $0x2  }
0xd: {  	p2 =	seq.s32 s25, $0x1;
	p1 =	sne.s32 s25, $0x0;
	s25 =	simm.s32 $0x1C42  }
0xe: {  	_ =	strace $0x80000047;
	s8 =	ssub.s32 $0x2, s6;
	s15 =	smul.u32 $0xC80, s6  }
0xf: {  	s6 =	sadd.s32 $0x2E00, s7;
	s9 =	sadd.s32 s14, s7;
	s10 =	sshrl.u32 s8, $0x1  }
0x10: {  	s7 =	sadd.s32 $0x1400, s7;
	s13 =	sadd.s32 s14, s13;
	s14 =	sshrl.u32 s3, $0x3  }
0x11: {  	s8 =	ssub.s32 s8, s10;
	s12 =	sadd.s32 s15, s9;
	s13 =	sadd.s32 s15, s13  }
0x12: {  	s15 =	simm.s32 $0x1C82;
	s8 =	smax.u32 s8, $0x1;
	s9 =	sadd.s32 $0x51200, s12  }
0x13: {  	s10 =	sadd.s32 $0x38200, s12;
	s11 =	sadd.s32 $0x1F200, s12;
	s12 =	sadd.s32 $0x6200, s12  }
.LBB2_1:
.Ltmp0:
0x14: {  	(pc) =	sbr.rel @p0 .LBB2_6-.Ltmp0, $1  }
0x15: {  	_ =	sdelay $0x3  }
.Ltmp1:
0x16: {  	(pc) =	sbr.rel @p2 .LBB2_5-.Ltmp1, $1  }
0x17: {  	_ =	sdelay $0x3  }
.Ltmp2:
0x18: {  	(pc) =	sbr.rel @p1 .LBB2_8-.Ltmp2, $1  }
0x19: {  	_ =	sdelay $0x3  }
.Ltmp3:
0x1a: {  	(pc) =	sbr.rel .LBB2_7-.Ltmp3, $3  }
0x1b: {  	_ =	sdelay $0x1  }
0x1c: {  	s29 =	sshrl.u32 s1, $0x3  }
0x1d: {  	[spmem:s29], [sflag:s26] =	dma.local [hbm:s5], $0x1870  }
.LBB2_5:
.Ltmp4:
0x1e: {  	(pc) =	sbr.rel .LBB2_7-.Ltmp4, $3  }
0x1f: {  	_ =	sdelay $0x1  }
0x20: {  	s29 =	sshrl.u32 s2, $0x3  }
0x21: {  	[spmem:s29], [sflag:s25] =	dma.local [hbm:s6], $0x1870  }
.LBB2_6:
0x22: {  	[spmem:s14], [sflag:s15] =	dma.local [hbm:s7], $0x1870  }
.LBB2_7:
0x23: {  	_ =	swait.ge [sflag:s16], $0x1870  }
0x24: {  	[sflag:s16] =	ssyncset.done $0x0  }
0x25: {  	[sflag:s16] =	ssyncadd.s32 $0xFFFFE790  }
.LBB2_8:
0x26: {  	[bflag:$0x0] =	sbarrier.arrive $0xFFFF;
	s29 =	simm.s32 $0x0  }
.LBB2_9:
0x27: {  	s30 =	sadd.s32 s29, s13  }
0x28: {  	[tilespmem:s4], [sflag:$0x2] =	stream.linear.gather [hbm4b:s30+s4], $0x400, $0x38;
	[tilespmem:$0x44A8] =	vst v63  }
0x29: {  	_ =	swait.ge [sflag:s16], $0x400  }
0x2a: {  	[sflag:s16] =	ssyncset.done $0x0  }
0x2b: {  	s31 =	sadd.s32 s29, s12;
	[sflag:s16] =	ssyncadd.s32 $0xFFFFFC00  }
0x2c: {  	[tilespmem:s17], [sflag:$0x2] =	stream.linear.gather [hbm4b:s31+s4], $0x400, $0x38;
	[tilespmem:$0x44A8] =	vst v63  }
0x2d: {  	_ =	swait.ge [sflag:s16], $0x400  }
0x2e: {  	[sflag:s16] =	ssyncset.done $0x0  }
0x2f: {  	[sflag:s16] =	ssyncadd.s32 $0xFFFFFC00  }
0x30: {  	[tilespmem:s18], [sflag:$0x1] =	stream.indirect.gather [spmem:s1], $0x1, s4, s17, $0xb8;
	[tilespmem:$0x44A8] =	vst v63  }
0x31: {  	_ = 	snop  }
0x32: {  	[tilespmem:s19], [sflag:$0x1] =	stream.indirect.gather [spmem:s2], $0x1, s4, s17, $0xb8;
	[tilespmem:$0x44A8] =	vst v63  }
0x33: {  	_ = 	snop  }
0x34: {  	[tilespmem:s20], [sflag:$0x1] =	stream.indirect.gather [spmem:s3], $0x1, s4, s17, $0xb8;
	[tilespmem:$0x44A8] =	vst v63  }
0x35: {  	_ = 	snop  }
0x36: {  	[tilespmem:s21], [sflag:$0x1] =	stream.indirect.gather [spmem:s1], $0x1, s17, s17, $0xb8;
	[tilespmem:$0x44A8] =	vst v63  }
0x37: {  	_ = 	snop  }
0x38: {  	[tilespmem:s22], [sflag:$0x1] =	stream.indirect.gather [spmem:s2], $0x1, s17, s17, $0xb8;
	[tilespmem:$0x44A8] =	vst v63  }
0x39: {  	_ = 	snop  }
0x3a: {  	[tilespmem:s23], [sflag:$0x1] =	stream.indirect.gather [spmem:s3], $0x1, s17, s17, $0xb8;
	[tilespmem:$0x44A8] =	vst v63  }
0x3b: {  	_ =	swait.ge [sflag:s24], $0x400  }
0x3c: {  	[sflag:s24] =	ssyncset.done $0x0  }
0x3d: {  	[sflag:s24] =	ssyncadd.s32 $0xFFFFFC00  }
0x3e: {  	_ =	swait.ge [sflag:s24], $0x400  }
0x3f: {  	[sflag:s24] =	ssyncset.done $0x0  }
0x40: {  	[sflag:s24] =	ssyncadd.s32 $0xFFFFFC00  }
0x41: {  	_ =	swait.ge [sflag:s24], $0x400  }
0x42: {  	[sflag:s24] =	ssyncset.done $0x0  }
0x43: {  	[sflag:s24] =	ssyncadd.s32 $0xFFFFFC00  }
0x44: {  	_ =	swait.ge [sflag:s24], $0x400  }
0x45: {  	[sflag:s24] =	ssyncset.done $0x0  }
0x46: {  	[sflag:s24] =	ssyncadd.s32 $0xFFFFFC00  }
0x47: {  	_ =	swait.ge [sflag:s24], $0x400  }
0x48: {  	[sflag:s24] =	ssyncset.done $0x0  }
0x49: {  	[sflag:s24] =	ssyncadd.s32 $0xFFFFFC00  }
0x4a: {  	_ =	swait.ge [sflag:s24], $0x400  }
0x4b: {  	[sflag:s24] =	ssyncset.done $0x0  }
0x4c: {  	[sflag:s24] =	ssyncadd.s32 $0xFFFFFC00  }
0x4d: {  	v18 =	vld [tilespmem:$0x1430]  }
0x4e: {  	v19 =	vld [tilespmem:$0x830];
	_ =	sdelay $0x4  }
0x4f: {  	v62 =	vsub.f32 v18, v19;
	_ =	sdelay $0x1  }
0x50: {  	[tilespmem:$0x1430] =	vst v62;
	v62 =	vld [tilespmem:$0x1540];
	_ =	sdelay $0x4  }
0x51: {  	[tilespmem:$0x1F710] =	vst v62;
	v62 =	vld [tilespmem:$0x940];
	_ =	sdelay $0x4  }
0x52: {  	[tilespmem:$0x1F720] =	vst v62;
	v62 =	vld [tilespmem:$0x1940];
	_ =	sdelay $0x4  }
0x53: {  	[tilespmem:$0x1F730] =	vst v62;
	v62 =	vld [tilespmem:$0xD40];
	_ =	sdelay $0x4  }
0x54: {  	[tilespmem:$0x1F740] =	vst v62;
	v62 =	vld [tilespmem:$0x1D40];
	_ =	sdelay $0x4  }
0x55: {  	[tilespmem:$0x1F750] =	vst v62;
	v62 =	vld [tilespmem:$0x1140];
	_ =	sdelay $0x4  }
0x56: {  	[tilespmem:$0x1F760] =	vst v62;
	v62 =	vld [tilespmem:$0x1550];
	_ =	sdelay $0x4  }
0x57: {  	[tilespmem:$0x1F770] =	vst v62;
	v62 =	vld [tilespmem:$0x950];
	_ =	sdelay $0x4  }
0x58: {  	[tilespmem:$0x1F780] =	vst v62;
	v62 =	vld [tilespmem:$0x1950];
	_ =	sdelay $0x4  }
0x59: {  	[tilespmem:$0x1F790] =	vst v62;
	v62 =	vld [tilespmem:$0xD50];
	_ =	sdelay $0x4  }
0x5a: {  	[tilespmem:$0x1F7A0] =	vst v62;
	v62 =	vld [tilespmem:$0x1D50];
	_ =	sdelay $0x4  }
0x5b: {  	[tilespmem:$0x1F7B0] =	vst v62;
	v62 =	vld [tilespmem:$0x1150];
	_ =	sdelay $0x4  }
0x5c: {  	[tilespmem:$0x1F7C0] =	vst v62;
	v62 =	vld [tilespmem:$0x1560];
	_ =	sdelay $0x4  }
0x5d: {  	[tilespmem:$0x1F7D0] =	vst v62;
	v62 =	vld [tilespmem:$0x960];
	_ =	sdelay $0x4  }
0x5e: {  	[tilespmem:$0x1F7E0] =	vst v62;
	v62 =	vld [tilespmem:$0x1960];
	_ =	sdelay $0x4  }
0x5f: {  	[tilespmem:$0x1F7F0] =	vst v62;
	v62 =	vld [tilespmem:$0xD60];
	_ =	sdelay $0x4  }
0x60: {  	[tilespmem:$0x1F800] =	vst v62;
	v62 =	vld [tilespmem:$0x1D60];
	_ =	sdelay $0x4  }
0x61: {  	[tilespmem:$0x1F810] =	vst v62;
	v62 =	vld [tilespmem:$0x1160];
	_ =	sdelay $0x4  }
0x62: {  	[tilespmem:$0x1F820] =	vst v62;
	v62 =	vld [tilespmem:$0x1570];
	_ =	sdelay $0x4  }
0x63: {  	[tilespmem:$0x1F830] =	vst v62;
	v62 =	vld [tilespmem:$0x970];
	_ =	sdelay $0x4  }
0x64: {  	[tilespmem:$0x1F840] =	vst v62;
	v62 =	vld [tilespmem:$0x1970];
	_ =	sdelay $0x4  }
0x65: {  	[tilespmem:$0x1F850] =	vst v62;
	v62 =	vld [tilespmem:$0xD70];
	_ =	sdelay $0x4  }
0x66: {  	[tilespmem:$0x1F860] =	vst v62;
	v62 =	vld [tilespmem:$0x1D70];
	_ =	sdelay $0x4  }
0x67: {  	[tilespmem:$0x1F870] =	vst v62;
	v62 =	vld [tilespmem:$0x1170];
	_ =	sdelay $0x4  }
0x68: {  	[tilespmem:$0x1F880] =	vst v62;
	v62 =	vld [tilespmem:$0x1580];
	_ =	sdelay $0x4  }
0x69: {  	[tilespmem:$0x1F890] =	vst v62;
	v62 =	vld [tilespmem:$0x980];
	_ =	sdelay $0x4  }
0x6a: {  	[tilespmem:$0x1F8A0] =	vst v62;
	v62 =	vld [tilespmem:$0x1980];
	_ =	sdelay $0x4  }
0x6b: {  	[tilespmem:$0x1F8B0] =	vst v62;
	v62 =	vld [tilespmem:$0xD80];
	_ =	sdelay $0x4  }
0x6c: {  	[tilespmem:$0x1F8C0] =	vst v62;
	v62 =	vld [tilespmem:$0x1D80];
	_ =	sdelay $0x4  }
0x6d: {  	[tilespmem:$0x1F8D0] =	vst v62;
	v62 =	vld [tilespmem:$0x1180];
	_ =	sdelay $0x4  }
0x6e: {  	[tilespmem:$0x1F8E0] =	vst v62;
	v62 =	vld [tilespmem:$0x1590];
	_ =	sdelay $0x4  }
0x6f: {  	[tilespmem:$0x1F8F0] =	vst v62;
	v62 =	vld [tilespmem:$0x990];
	_ =	sdelay $0x4  }
0x70: {  	[tilespmem:$0x1F900] =	vst v62;
	v62 =	vld [tilespmem:$0x1990];
	_ =	sdelay $0x4  }
0x71: {  	[tilespmem:$0x1F910] =	vst v62;
	v62 =	vld [tilespmem:$0xD90];
	_ =	sdelay $0x4  }
0x72: {  	[tilespmem:$0x1F920] =	vst v62;
	v62 =	vld [tilespmem:$0x1D90];
	_ =	sdelay $0x4  }
0x73: {  	[tilespmem:$0x1F930] =	vst v62;
	v62 =	vld [tilespmem:$0x1190];
	_ =	sdelay $0x4  }
0x74: {  	[tilespmem:$0x1F940] =	vst v62;
	v62 =	vld [tilespmem:$0x15A0];
	_ =	sdelay $0x4  }
0x75: {  	[tilespmem:$0x1F950] =	vst v62;
	v62 =	vld [tilespmem:$0x9A0];
	_ =	sdelay $0x4  }
0x76: {  	[tilespmem:$0x1F960] =	vst v62;
	v62 =	vld [tilespmem:$0x19A0];
	_ =	sdelay $0x4  }
0x77: {  	[tilespmem:$0x1F970] =	vst v62;
	v62 =	vld [tilespmem:$0xDA0];
	_ =	sdelay $0x4  }
0x78: {  	[tilespmem:$0x1F980] =	vst v62;
	v62 =	vld [tilespmem:$0x1DA0];
	_ =	sdelay $0x4  }
0x79: {  	[tilespmem:$0x1F990] =	vst v62;
	v62 =	vld [tilespmem:$0x11A0];
	_ =	sdelay $0x4  }
0x7a: {  	[tilespmem:$0x1F9A0] =	vst v62;
	v62 =	vld [tilespmem:$0x15B0];
	_ =	sdelay $0x4  }
0x7b: {  	[tilespmem:$0x1F9B0] =	vst v62;
	v62 =	vld [tilespmem:$0x9B0];
	_ =	sdelay $0x4  }
0x7c: {  	[tilespmem:$0x1F9C0] =	vst v62;
	v62 =	vld [tilespmem:$0x19B0];
	_ =	sdelay $0x4  }
0x7d: {  	[tilespmem:$0x1F9D0] =	vst v62;
	v62 =	vld [tilespmem:$0xDB0];
	_ =	sdelay $0x4  }
0x7e: {  	[tilespmem:$0x1F9E0] =	vst v62;
	v62 =	vld [tilespmem:$0x1DB0];
	_ =	sdelay $0x4  }
0x7f: {  	[tilespmem:$0x1F9F0] =	vst v62;
	v62 =	vld [tilespmem:$0x11B0];
	_ =	sdelay $0x4  }
0x80: {  	[tilespmem:$0x1FA00] =	vst v62;
	v62 =	vld [tilespmem:$0x15C0];
	_ =	sdelay $0x4  }
0x81: {  	[tilespmem:$0x1FA10] =	vst v62;
	v62 =	vld [tilespmem:$0x9C0];
	_ =	sdelay $0x4  }
0x82: {  	[tilespmem:$0x1FA20] =	vst v62;
	v62 =	vld [tilespmem:$0x19C0];
	_ =	sdelay $0x4  }
0x83: {  	[tilespmem:$0x1FA30] =	vst v62;
	v62 =	vld [tilespmem:$0xDC0];
	_ =	sdelay $0x4  }
0x84: {  	[tilespmem:$0x1FA40] =	vst v62;
	v62 =	vld [tilespmem:$0x1DC0];
	_ =	sdelay $0x4  }
0x85: {  	[tilespmem:$0x1FA50] =	vst v62;
	v62 =	vld [tilespmem:$0x11C0];
	_ =	sdelay $0x4  }
0x86: {  	[tilespmem:$0x1FA60] =	vst v62;
	v62 =	vld [tilespmem:$0x15D0];
	_ =	sdelay $0x4  }
0x87: {  	[tilespmem:$0x1FA70] =	vst v62;
	v62 =	vld [tilespmem:$0x9D0];
	_ =	sdelay $0x4  }
0x88: {  	[tilespmem:$0x1FA80] =	vst v62;
	v62 =	vld [tilespmem:$0x19D0];
	_ =	sdelay $0x4  }
0x89: {  	[tilespmem:$0x1FA90] =	vst v62;
	v62 =	vld [tilespmem:$0xDD0];
	_ =	sdelay $0x4  }
0x8a: {  	[tilespmem:$0x1FAA0] =	vst v62;
	v62 =	vld [tilespmem:$0x1DD0];
	_ =	sdelay $0x4  }
0x8b: {  	[tilespmem:$0x1FAB0] =	vst v62;
	v62 =	vld [tilespmem:$0x11D0];
	_ =	sdelay $0x4  }
0x8c: {  	[tilespmem:$0x1FAC0] =	vst v62;
	v62 =	vld [tilespmem:$0x15E0];
	_ =	sdelay $0x4  }
0x8d: {  	[tilespmem:$0x1FAD0] =	vst v62;
	v62 =	vld [tilespmem:$0x9E0];
	_ =	sdelay $0x4  }
0x8e: {  	[tilespmem:$0x1FAE0] =	vst v62;
	v62 =	vld [tilespmem:$0x19E0];
	_ =	sdelay $0x4  }
0x8f: {  	[tilespmem:$0x1FAF0] =	vst v62;
	v62 =	vld [tilespmem:$0xDE0];
	_ =	sdelay $0x4  }
0x90: {  	[tilespmem:$0x1FB00] =	vst v62;
	v62 =	vld [tilespmem:$0x1DE0];
	_ =	sdelay $0x4  }
0x91: {  	[tilespmem:$0x1FB10] =	vst v62;
	v62 =	vld [tilespmem:$0x11E0];
	_ =	sdelay $0x4  }
0x92: {  	[tilespmem:$0x1FB20] =	vst v62;
	v62 =	vld [tilespmem:$0x15F0];
	_ =	sdelay $0x4  }
0x93: {  	[tilespmem:$0x1FB30] =	vst v62;
	v62 =	vld [tilespmem:$0x9F0];
	_ =	sdelay $0x4  }
0x94: {  	[tilespmem:$0x1FB40] =	vst v62;
	v62 =	vld [tilespmem:$0x19F0];
	_ =	sdelay $0x4  }
0x95: {  	[tilespmem:$0x1FB50] =	vst v62;
	v62 =	vld [tilespmem:$0xDF0];
	_ =	sdelay $0x4  }
0x96: {  	[tilespmem:$0x1FB60] =	vst v62;
	v62 =	vld [tilespmem:$0x1DF0];
	_ =	sdelay $0x4  }
0x97: {  	[tilespmem:$0x1FB70] =	vst v62;
	v62 =	vld [tilespmem:$0x11F0];
	_ =	sdelay $0x4  }
0x98: {  	[tilespmem:$0x1FB80] =	vst v62;
	v62 =	vld [tilespmem:$0x1600];
	_ =	sdelay $0x4  }
0x99: {  	[tilespmem:$0x1FB90] =	vst v62;
	v62 =	vld [tilespmem:$0xA00];
	_ =	sdelay $0x4  }
0x9a: {  	[tilespmem:$0x1FBA0] =	vst v62;
	v62 =	vld [tilespmem:$0x1A00];
	_ =	sdelay $0x4  }
0x9b: {  	[tilespmem:$0x1FBB0] =	vst v62;
	v62 =	vld [tilespmem:$0xE00];
	_ =	sdelay $0x4  }
0x9c: {  	[tilespmem:$0x1FBC0] =	vst v62;
	v62 =	vld [tilespmem:$0x1E00];
	_ =	sdelay $0x4  }
0x9d: {  	[tilespmem:$0x1FBD0] =	vst v62;
	v62 =	vld [tilespmem:$0x1200];
	_ =	sdelay $0x2  }
0x9e: {  	v0 =	vld [tilespmem:$0x1400]  }
0x9f: {  	v1 =	vld [tilespmem:$0x800]  }
0xa0: {  	[tilespmem:$0x1FBE0] =	vst v62;
	v62 =	vld [tilespmem:$0x1610]  }
0xa1: {  	v2 =	vld [tilespmem:$0x1800]  }
0xa2: {  	v3 =	vld [tilespmem:$0xC00]  }
0xa3: {  	v4 =	vld [tilespmem:$0x1C00]  }
0xa4: {  	v5 =	vld [tilespmem:$0x1000]  }
0xa5: {  	[tilespmem:$0x1FBF0] =	vst v62;
	v62 =	vld [tilespmem:$0xA10]  }
0xa6: {  	v6 =	vld [tilespmem:$0x1410]  }
0xa7: {  	v7 =	vld [tilespmem:$0x810]  }
0xa8: {  	v8 =	vld [tilespmem:$0x1810]  }
0xa9: {  	v9 =	vld [tilespmem:$0xC10]  }
0xaa: {  	[tilespmem:$0x1FC00] =	vst v62;
	v62 =	vld [tilespmem:$0x1A10]  }
0xab: {  	v10 =	vld [tilespmem:$0x1C10]  }
0xac: {  	v11 =	vld [tilespmem:$0x1010]  }
0xad: {  	v12 =	vld [tilespmem:$0x1420]  }
0xae: {  	v13 =	vld [tilespmem:$0x820]  }
0xaf: {  	[tilespmem:$0x1FC10] =	vst v62;
	v62 =	vld [tilespmem:$0xE10]  }
0xb0: {  	v14 =	vld [tilespmem:$0x1820]  }
0xb1: {  	v15 =	vld [tilespmem:$0xC20]  }
0xb2: {  	v16 =	vld [tilespmem:$0x1C20]  }
0xb3: {  	v17 =	vld [tilespmem:$0x1020]  }
0xb4: {  	[tilespmem:$0x1FC20] =	vst v62;
	v62 =	vld [tilespmem:$0x1E10]  }
0xb5: {  	v20 =	vld [tilespmem:$0x1830]  }
0xb6: {  	v21 =	vld [tilespmem:$0xC30]  }
0xb7: {  	v22 =	vld [tilespmem:$0x1C30]  }
0xb8: {  	v23 =	vld [tilespmem:$0x1030]  }
0xb9: {  	[tilespmem:$0x1FC30] =	vst v62;
	v62 =	vld [tilespmem:$0x1210]  }
0xba: {  	v24 =	vld [tilespmem:$0x1440]  }
0xbb: {  	v25 =	vld [tilespmem:$0x840]  }
0xbc: {  	v26 =	vld [tilespmem:$0x1840]  }
0xbd: {  	v27 =	vld [tilespmem:$0xC40]  }
0xbe: {  	[tilespmem:$0x1FC40] =	vst v62;
	v62 =	vld [tilespmem:$0x1620]  }
0xbf: {  	v28 =	vld [tilespmem:$0x1C40]  }
0xc0: {  	v29 =	vld [tilespmem:$0x1040]  }
0xc1: {  	v30 =	vld [tilespmem:$0x1450]  }
0xc2: {  	v31 =	vld [tilespmem:$0x850]  }
0xc3: {  	[tilespmem:$0x1FC50] =	vst v62;
	v62 =	vld [tilespmem:$0xA20]  }
0xc4: {  	v32 =	vld [tilespmem:$0x1850]  }
0xc5: {  	v46 =	vld [tilespmem:$0xC50]  }
0xc6: {  	v47 =	vld [tilespmem:$0x1C50]  }
0xc7: {  	v49 =	vld [tilespmem:$0x1050]  }
0xc8: {  	[tilespmem:$0x1FC60] =	vst v62;
	v62 =	vld [tilespmem:$0x1A20]  }
0xc9: {  	v51 =	vld [tilespmem:$0x1460]  }
0xca: {  	v53 =	vld [tilespmem:$0x860]  }
0xcb: {  	v55 =	vld [tilespmem:$0x1860]  }
0xcc: {  	v57 =	vld [tilespmem:$0xC60]  }
0xcd: {  	[tilespmem:$0x1FC70] =	vst v62;
	v62 =	vld [tilespmem:$0xE20]  }
0xce: {  	v59 =	vld [tilespmem:$0x1C60]  }
0xcf: {  	v61 =	vld [tilespmem:$0x1060]  }
0xd0: {  	v63 =	vld [tilespmem:$0x1470]  }
0xd1: {  	v34 =	vld [tilespmem:$0x1870]  }
0xd2: {  	[tilespmem:$0x1FC80] =	vst v62;
	v62 =	vld [tilespmem:$0x1E20]  }
0xd3: {  	v36 =	vld [tilespmem:$0xC70]  }
0xd4: {  	v38 =	vld [tilespmem:$0x1C70]  }
0xd5: {  	v40 =	vld [tilespmem:$0x1070]  }
0xd6: {  	v42 =	vld [tilespmem:$0x1480]  }
0xd7: {  	[tilespmem:$0x1FC90] =	vst v62;
	v62 =	vld [tilespmem:$0x1220]  }
0xd8: {  	v44 =	vld [tilespmem:$0x880]  }
0xd9: {  	v20 =	vsub.f32 v20, v21;
	v21 =	vld [tilespmem:$0x870]  }
0xda: {  	v43 =	vsub.f32 v32, v46;
	v46 =	vld [tilespmem:$0x1880]  }
0xdb: {  	v2 =	vsub.f32 v2, v3;
	v3 =	vld [tilespmem:$0x1890]  }
0xdc: {  	[tilespmem:$0x1FCA0] =	vst v62;
	v62 =	vld [tilespmem:$0x1630]  }
0xdd: {  	v48 =	vsub.f32 v4, v5;
	v4 =	vld [tilespmem:$0x1C90]  }
0xde: {  	v0 =	vsub.f32 v0, v1;
	v1 =	vld [tilespmem:$0x1090]  }
0xdf: {  	v50 =	vsub.f32 v6, v7;
	v6 =	vld [tilespmem:$0x14A0]  }
0xe0: {  	v52 =	vsub.f32 v8, v9;
	v8 =	vld [tilespmem:$0x18A0]  }
0xe1: {  	[tilespmem:$0x1FCB0] =	vst v62;
	v62 =	vld [tilespmem:$0xA30]  }
0xe2: {  	v5 =	vld [tilespmem:$0xCA0]  }
0xe3: {  	v54 =	vsub.f32 v10, v11;
	v10 =	vld [tilespmem:$0x1CA0]  }
0xe4: {  	v7 =	vld [tilespmem:$0x10A0]  }
0xe5: {  	v56 =	vsub.f32 v12, v13;
	v12 =	vld [tilespmem:$0x14B0]  }
0xe6: {  	[tilespmem:$0x1FCC0] =	vst v62;
	v62 =	vld [tilespmem:$0x1A30]  }
0xe7: {  	v9 =	vld [tilespmem:$0x8B0]  }
0xe8: {  	v58 =	vsub.f32 v14, v15;
	v14 =	vld [tilespmem:$0x18B0]  }
0xe9: {  	v11 =	vld [tilespmem:$0xCB0]  }
0xea: {  	v60 =	vsub.f32 v16, v17;
	v16 =	vld [tilespmem:$0x1CB0]  }
0xeb: {  	[tilespmem:$0x1FCD0] =	vst v62;
	v62 =	vld [tilespmem:$0xE30]  }
0xec: {  	v13 =	vld [tilespmem:$0x10B0]  }
0xed: {  	v18 =	vld [tilespmem:$0x14C0]  }
0xee: {  	v15 =	vld [tilespmem:$0x8C0]  }
0xef: {  	v17 =	vld [tilespmem:$0xCC0]  }
0xf0: {  	[tilespmem:$0x1FCE0] =	vst v62;
	v62 =	vld [tilespmem:$0x1E30]  }
0xf1: {  	v33 =	vsub.f32 v22, v23;
	v22 =	vld [tilespmem:$0x1CC0]  }
0xf2: {  	v19 =	vld [tilespmem:$0x10C0]  }
0xf3: {  	v35 =	vsub.f32 v24, v25;
	v24 =	vld [tilespmem:$0x14D0]  }
0xf4: {  	v37 =	vsub.f32 v26, v27;
	v26 =	vld [tilespmem:$0x18D0]  }
0xf5: {  	[tilespmem:$0x1FCF0] =	vst v62;
	v62 =	vld [tilespmem:$0x1230]  }
0xf6: {  	v23 =	vld [tilespmem:$0xCD0]  }
0xf7: {  	v39 =	vsub.f32 v28, v29;
	v28 =	vld [tilespmem:$0x1CD0]  }
0xf8: {  	v25 =	vld [tilespmem:$0x10D0]  }
0xf9: {  	v41 =	vsub.f32 v30, v31;
	v30 =	vld [tilespmem:$0x14E0]  }
0xfa: {  	[tilespmem:$0x1FD00] =	vst v62;
	v62 =	vld [tilespmem:$0x1640]  }
0xfb: {  	v27 =	vld [tilespmem:$0x8E0]  }
0xfc: {  	v32 =	vld [tilespmem:$0x18E0]  }
0xfd: {  	v45 =	vsub.f32 v47, v49;
	v29 =	vld [tilespmem:$0xCE0]  }
0xfe: {  	v49 =	vsub.f32 v55, v57;
	v55 =	vsub.f32 v34, v36;
	v34 =	vld [tilespmem:$0x1CE0]  }
0xff: {  	[tilespmem:$0x1FD10] =	vst v62;
	v62 =	vld [tilespmem:$0xA40]  }
0x100: {  	v31 =	vld [tilespmem:$0x10E0]  }
0x101: {  	v36 =	vld [tilespmem:$0x14F0]  }
0x102: {  	v57 =	vsub.f32 v38, v40;
	v38 =	vld [tilespmem:$0x18F0]  }
0x103: {  	v40 =	vld [tilespmem:$0x1CF0]  }
0x104: {  	[tilespmem:$0x1FD20] =	vst v62;
	v62 =	vld [tilespmem:$0x1A40]  }
0x105: {  	[tilespmem:$0x1C00] =	vst v48;
	v48 =	vld [tilespmem:$0xC80]  }
0x106: {  	[tilespmem:$0x1410] =	vst v50;
	v50 =	vld [tilespmem:$0x1C80]  }
0x107: {  	[tilespmem:$0x1810] =	vst v52;
	v52 =	vld [tilespmem:$0x1080]  }
0x108: {  	[tilespmem:$0x1C10] =	vst v54;
	v54 =	vld [tilespmem:$0x1490]  }
0x109: {  	[tilespmem:$0x1FD30] =	vst v62;
	v62 =	vld [tilespmem:$0xE40]  }
0x10a: {  	[tilespmem:$0x1420] =	vst v56;
	v56 =	vld [tilespmem:$0x890]  }
0x10b: {  	[tilespmem:$0x1400] =	vst v0;
	v0 =	vld [tilespmem:$0xC90]  }
0x10c: {  	[tilespmem:$0x1800] =	vst v2;
	v2 =	vld [tilespmem:$0x8A0]  }
0x10d: {  	[tilespmem:$0x1830] =	vst v20;
	v20 =	vld [tilespmem:$0x18C0]  }
0x10e: {  	[tilespmem:$0x1FD40] =	vst v62;
	v62 =	vld [tilespmem:$0x1E40]  }
0x10f: {  	[tilespmem:$0x1C30] =	vst v33;
	v33 =	vld [tilespmem:$0x8F0]  }
0x110: {  	[tilespmem:$0x1440] =	vst v35;
	v35 =	vld [tilespmem:$0xCF0]  }
0x111: {  	[tilespmem:$0x1840] =	vst v37;
	v37 =	vld [tilespmem:$0x10F0]  }
0x112: {  	[tilespmem:$0x1820] =	vst v58;
	v58 =	vsub.f32 v42, v44;
	v42 =	vld [tilespmem:$0x1500]  }
0x113: {  	[tilespmem:$0x1FD50] =	vst v62;
	v62 =	vld [tilespmem:$0x1240]  }
0x114: {  	[tilespmem:$0x1C40] =	vst v39;
	v39 =	vld [tilespmem:$0x900]  }
0x115: {  	[tilespmem:$0x1450] =	vst v41;
	v41 =	vld [tilespmem:$0xD00]  }
0x116: {  	[tilespmem:$0x1850] =	vst v43;
	v43 =	vld [tilespmem:$0x1100]  }
0x117: {  	[tilespmem:$0x1870] =	vst v55;
	v55 =	vld [tilespmem:$0x1510]  }
0x118: {  	[tilespmem:$0x1FD60] =	vst v62;
	v62 =	vld [tilespmem:$0x1650]  }
0x119: {  	v47 =	vsub.f32 v51, v53;
	v44 =	vld [tilespmem:$0x910]  }
0x11a: {  	[tilespmem:$0x1C50] =	vst v45;
	v45 =	vld [tilespmem:$0xD10]  }
0x11b: {  	[tilespmem:$0x1460] =	vst v47;
	v47 =	vld [tilespmem:$0x1110]  }
0x11c: {  	v51 =	vsub.f32 v59, v61;
	[tilespmem:$0x1860] =	vst v49;
	v49 =	vld [tilespmem:$0x920]  }
0x11d: {  	[tilespmem:$0x1FD70] =	vst v62;
	v62 =	vld [tilespmem:$0xA50]  }
0x11e: {  	[tilespmem:$0x1C60] =	vst v51;
	v51 =	vld [tilespmem:$0xD20]  }
0x11f: {  	[tilespmem:$0x1C70] =	vst v57;
	v57 =	vld [tilespmem:$0x930]  }
0x120: {  	[tilespmem:$0x1480] =	vst v58;
	v58 =	vld [tilespmem:$0x1530]  }
0x121: {  	v53 =	vsub.f32 v63, v21;
	v21 =	vld [tilespmem:$0x8D0]  }
0x122: {  	[tilespmem:$0x1FD80] =	vst v62;
	v62 =	vld [tilespmem:$0x1A50]  }
0x123: {  	v63 =	vld [tilespmem:$0x1900]  }
0x124: {  	v5 =	vsub.f32 v8, v5;
	v8 =	vld [tilespmem:$0x1660]  }
0x125: {  	[tilespmem:$0x1C20] =	vst v60;
	v1 =	vsub.f32 v4, v1;
	v4 =	vld [tilespmem:$0xA60]  }
0x126: {  	[tilespmem:$0x1470] =	vst v53;
	v61 =	vsub.f32 v54, v56;
	v54 =	vld [tilespmem:$0x1D00]  }
0x127: {  	[tilespmem:$0x1FD90] =	vst v62;
	v62 =	vld [tilespmem:$0xE50]  }
0x128: {  	v59 =	vsub.f32 v46, v48;
	v46 =	vld [tilespmem:$0x1910];
	[tilespmem:$0x1C90] =	vst v1  }
0x129: {  	v60 =	vsub.f32 v50, v52;
	v48 =	vld [tilespmem:$0x1D10];
	[tilespmem:$0x18A0] =	vst v5  }
0x12a: {  	v50 =	vld [tilespmem:$0x1520];
	[tilespmem:$0x1880] =	vst v59  }
0x12b: {  	v53 =	vld [tilespmem:$0x1920];
	[tilespmem:$0x1C80] =	vst v60  }
0x12c: {  	v56 =	vld [tilespmem:$0x1D20];
	[tilespmem:$0x1FDA0] =	vst v62;
	v62 =	vsub.f32 v6, v2  }
0x12d: {  	v0 =	vsub.f32 v3, v0;
	[tilespmem:$0x1490] =	vst v61;
	v61 =	vld [tilespmem:$0x1D30]  }
0x12e: {  	[tilespmem:$0x14A0] =	vst v62;
	v62 =	vsub.f32 v10, v7;
	v7 =	vld [tilespmem:$0x1A60]  }
0x12f: {  	v52 =	vld [tilespmem:$0x1120];
	[tilespmem:$0x1890] =	vst v0  }
0x130: {  	v3 =	vld [tilespmem:$0x1E50];
	[tilespmem:$0x1FDB0] =	vst v8  }
0x131: {  	v60 =	vld [tilespmem:$0x1930];
	[tilespmem:$0x1FDC0] =	vst v4  }
0x132: {  	v59 =	vld [tilespmem:$0xD30];
	[tilespmem:$0x1F700] =	vst v61  }
0x133: {  	v61 =	vld [tilespmem:$0x1130];
	[tilespmem:$0x1FDD0] =	vst v7  }
0x134: {  	v6 =	vld [tilespmem:$0x1250];
	[tilespmem:$0x1CA0] =	vst v62  }
0x135: {  	v8 =	vsub.f32 v14, v11;
	v14 =	vld [tilespmem:$0xE60]  }
0x136: {  	v10 =	vld [tilespmem:$0x1E60]  }
0x137: {  	v11 =	vsub.f32 v18, v15;
	v15 =	vld [tilespmem:$0x1260]  }
0x138: {  	v5 =	vsub.f32 v12, v9;
	v9 =	vsub.f32 v16, v13;
	v13 =	vld [tilespmem:$0x1670]  }
0x139: {  	v12 =	vsub.f32 v20, v17;
	v17 =	vld [tilespmem:$0xA70]  }
0x13a: {  	v16 =	vsub.f32 v22, v19;
	v19 =	vld [tilespmem:$0x1A70]  }
0x13b: {  	v18 =	vsub.f32 v24, v21;
	v21 =	vld [tilespmem:$0xE70]  }
0x13c: {  	v20 =	vsub.f32 v26, v23;
	v23 =	vld [tilespmem:$0x1E70]  }
0x13d: {  	v22 =	vsub.f32 v28, v25;
	v25 =	vld [tilespmem:$0x1270]  }
0x13e: {  	v24 =	vsub.f32 v30, v27;
	v27 =	vld [tilespmem:$0x1680]  }
0x13f: {  	v26 =	vsub.f32 v32, v29;
	v29 =	vld [tilespmem:$0xA80]  }
0x140: {  	v28 =	vsub.f32 v34, v31;
	v31 =	vld [tilespmem:$0x1A80]  }
0x141: {  	v30 =	vsub.f32 v36, v33;
	v33 =	vld [tilespmem:$0xE80]  }
0x142: {  	v32 =	vsub.f32 v38, v35;
	v35 =	vld [tilespmem:$0x1E80]  }
0x143: {  	v34 =	vsub.f32 v40, v37;
	v37 =	vld [tilespmem:$0x1280]  }
0x144: {  	v36 =	vsub.f32 v42, v39;
	v39 =	vld [tilespmem:$0x1690]  }
0x145: {  	v38 =	vsub.f32 v63, v41;
	v41 =	vld [tilespmem:$0xA90]  }
0x146: {  	v40 =	vsub.f32 v54, v43;
	v43 =	vld [tilespmem:$0x1A90]  }
0x147: {  	v42 =	vsub.f32 v55, v44;
	v44 =	vsub.f32 v46, v45;
	v45 =	vld [tilespmem:$0xE90]  }
0x148: {  	v46 =	vsub.f32 v48, v47;
	v47 =	vld [tilespmem:$0x1E90]  }
0x149: {  	v48 =	vsub.f32 v50, v49;
	v49 =	vld [tilespmem:$0x1290]  }
0x14a: {  	v50 =	vsub.f32 v53, v51;
	v51 =	vld [tilespmem:$0x16A0]  }
0x14b: {  	v53 =	vld [tilespmem:$0xAA0]  }
0x14c: {  	v55 =	vld [tilespmem:$0x1AA0]  }
0x14d: {  	v54 =	vsub.f32 v58, v57;
	v57 =	vld [tilespmem:$0xEA0]  }
0x14e: {  	v58 =	vld [tilespmem:$0x1F700]  }
0x14f: {  	v52 =	vsub.f32 v56, v52;
	v56 =	vsub.f32 v60, v59;
	v59 =	vld [tilespmem:$0x1EA0]  }
0x150: {  	v60 =	vld [tilespmem:$0x1F710]  }
0x151: {  	v62 =	vld [tilespmem:$0x12A0]  }
0x152: {  	v63 =	vld [tilespmem:$0x1F730]  }
0x153: {  	v4 =	vld [tilespmem:$0x1F740]  }
0x154: {  	[tilespmem:$0x14B0] =	vst v5;
	v5 =	vld [tilespmem:$0x16B0]  }
0x155: {  	v7 =	vld [tilespmem:$0x1F750]  }
0x156: {  	[tilespmem:$0x18B0] =	vst v8;
	v8 =	vld [tilespmem:$0x1F760]  }
0x157: {  	[tilespmem:$0x1CB0] =	vst v9;
	v9 =	vld [tilespmem:$0xAB0]  }
0x158: {  	[tilespmem:$0x14C0] =	vst v11;
	v11 =	vld [tilespmem:$0x1F780]  }
0x159: {  	[tilespmem:$0x1CC0] =	vst v16;
	v16 =	vld [tilespmem:$0x1F790]  }
0x15a: {  	[tilespmem:$0x18D0] =	vst v20;
	v20 =	vld [tilespmem:$0x1F7C0]  }
0x15b: {  	[tilespmem:$0x1CD0] =	vst v22;
	v22 =	vld [tilespmem:$0x1EB0]  }
0x15c: {  	[tilespmem:$0x14E0] =	vst v24;
	v24 =	vld [tilespmem:$0x1F7E0]  }
0x15d: {  	[tilespmem:$0x18E0] =	vst v26;
	v26 =	vld [tilespmem:$0x12B0]  }
0x15e: {  	[tilespmem:$0x1CE0] =	vst v28;
	v28 =	vld [tilespmem:$0x1F800]  }
0x15f: {  	[tilespmem:$0x14F0] =	vst v30;
	v30 =	vld [tilespmem:$0x16C0]  }
0x160: {  	[tilespmem:$0x18F0] =	vst v32;
	v32 =	vld [tilespmem:$0x1F820]  }
0x161: {  	[tilespmem:$0x1CF0] =	vst v34;
	v34 =	vld [tilespmem:$0xAC0]  }
0x162: {  	[tilespmem:$0x1500] =	vst v36;
	v36 =	vld [tilespmem:$0x1F840]  }
0x163: {  	[tilespmem:$0x1900] =	vst v38;
	v38 =	vld [tilespmem:$0x1AC0]  }
0x164: {  	[tilespmem:$0x1D00] =	vst v40;
	v40 =	vld [tilespmem:$0x1F860]  }
0x165: {  	[tilespmem:$0x1510] =	vst v42;
	v42 =	vld [tilespmem:$0x1F870]  }
0x166: {  	[tilespmem:$0x1D10] =	vst v46;
	v46 =	vld [tilespmem:$0x1F890]  }
0x167: {  	[tilespmem:$0x1530] =	vst v54;
	v54 =	vld [tilespmem:$0x12C0]  }
0x168: {  	[tilespmem:$0x1920] =	vst v50;
	v50 =	vld [tilespmem:$0x1F8C0]  }
0x169: {  	[tilespmem:$0x1930] =	vst v56;
	v56 =	vld [tilespmem:$0x1F8E0]  }
0x16a: {  	[tilespmem:$0x1D20] =	vst v52;
	v52 =	vld [tilespmem:$0x1FA70]  }
0x16b: {  	v1 =	vsub.f32 v58, v61;
	v61 =	vld [tilespmem:$0x1F720]  }
0x16c: {  	[tilespmem:$0x1FDE0] =	vst v10;
	v10 =	vld [tilespmem:$0x1F770]  }
0x16d: {  	[tilespmem:$0x1FDF0] =	vst v13;
	v13 =	vld [tilespmem:$0x1AB0]  }
0x16e: {  	[tilespmem:$0x1FE00] =	vst v17;
	v17 =	vld [tilespmem:$0x1F7A0]  }
0x16f: {  	[tilespmem:$0x1FE10] =	vst v19;
	v19 =	vld [tilespmem:$0x1F7B0]  }
0x170: {  	[tilespmem:$0x1FE30] =	vst v23;
	v23 =	vld [tilespmem:$0x1F7D0]  }
0x171: {  	[tilespmem:$0x1FE50] =	vst v27;
	v27 =	vld [tilespmem:$0x1F7F0]  }
0x172: {  	[tilespmem:$0x1FE70] =	vst v31;
	v31 =	vld [tilespmem:$0x1F810]  }
0x173: {  	[tilespmem:$0x1FE90] =	vst v35;
	v35 =	vld [tilespmem:$0x1F830]  }
0x174: {  	[tilespmem:$0x1FEB0] =	vst v39;
	v39 =	vld [tilespmem:$0x1F850]  }
0x175: {  	[tilespmem:$0x1FED0] =	vst v43;
	v43 =	vld [tilespmem:$0x1F880]  }
0x176: {  	[tilespmem:$0x1FEE0] =	vst v45;
	v45 =	vld [tilespmem:$0x1EC0]  }
0x177: {  	[tilespmem:$0x1FEF0] =	vst v47;
	v47 =	vld [tilespmem:$0x1F8A0]  }
0x178: {  	[tilespmem:$0x1FF00] =	vst v49;
	v49 =	vld [tilespmem:$0x1F8B0]  }
0x179: {  	[tilespmem:$0x1FF30] =	vst v55;
	v55 =	vld [tilespmem:$0x16D0]  }
0x17a: {  	[tilespmem:$0x1FF20] =	vst v53;
	v53 =	vld [tilespmem:$0x1F8D0]  }
0x17b: {  	v58 =	vld [tilespmem:$0x1F8F0]  }
0x17c: {  	[tilespmem:$0x1FF50] =	vst v59;
	v59 =	vld [tilespmem:$0x1F900]  }
0x17d: {  	[tilespmem:$0x1FF60] =	vst v62;
	v62 =	vld [tilespmem:$0x1F920]  }
0x17e: {  	[tilespmem:$0x1FFD0] =	vst v34;
	v34 =	vld [tilespmem:$0xED0]  }
0x17f: {  	[tilespmem:$0x1FF70] =	vst v5;
	v5 =	vld [tilespmem:$0x1F930]  }
0x180: {  	v2 =	vsub.f32 v7, v8;
	[tilespmem:$0x1FF80] =	vst v9;
	v7 =	vld [tilespmem:$0x1F940]  }
0x181: {  	[tilespmem:$0x1FFA0] =	vst v22;
	v9 =	vld [tilespmem:$0x1F950]  }
0x182: {  	[tilespmem:$0x1FFB0] =	vst v26;
	v26 =	vld [tilespmem:$0x16E0]  }
0x183: {  	[tilespmem:$0x1FFC0] =	vst v30;
	v22 =	vld [tilespmem:$0xAE0]  }
0x184: {  	[tilespmem:$0x1FFE0] =	vst v38;
	v30 =	vld [tilespmem:$0x1F9B0]  }
0x185: {  	v38 =	vld [tilespmem:$0x1F9F0];
	[tilespmem:$0x1D30] =	vst v1  }
0x186: {  	v1 =	vsub.f32 v63, v4;
	[tilespmem:$0x1D40] =	vst v2;
	v2 =	vld [tilespmem:$0xEB0]  }
0x187: {  	v63 =	vld [tilespmem:$0xEC0]  }
0x188: {  	[tilespmem:$0x1940] =	vst v1;
	v1 =	vld [tilespmem:$0x1F60]  }
0x189: {  	[tilespmem:$0x1910] =	vst v44;
	v44 =	vsub.f32 v42, v43;
	v43 =	vld [tilespmem:$0xAD0]  }
0x18a: {  	[tilespmem:$0x1520] =	vst v48;
	v48 =	vsub.f32 v46, v47;
	v46 =	vld [tilespmem:$0x1AD0]  }
0x18b: {  	v0 =	vsub.f32 v60, v61;
	v61 =	vld [tilespmem:$0x1F910]  }
0x18c: {  	[tilespmem:$0x1FEA0] =	vst v37;
	v37 =	vsub.f32 v35, v36;
	v35 =	vld [tilespmem:$0x1ED0]  }
0x18d: {  	[tilespmem:$0x18C0] =	vst v12;
	v12 =	vsub.f32 v10, v11;
	v10 =	vld [tilespmem:$0x1F960]  }
0x18e: {  	[tilespmem:$0x1FE40] =	vst v25;
	v25 =	vsub.f32 v23, v24;
	v23 =	vld [tilespmem:$0x12D0]  }
0x18f: {  	[tilespmem:$0x1FF90] =	vst v13;
	v13 =	vld [tilespmem:$0x1F980]  }
0x190: {  	[tilespmem:$0x14D0] =	vst v18;
	v18 =	vsub.f32 v16, v17;
	v17 =	vld [tilespmem:$0x1F990]  }
0x191: {  	[tilespmem:$0x1FE80] =	vst v33;
	v33 =	vsub.f32 v31, v32;
	v31 =	vld [tilespmem:$0x1F9C0]  }
0x192: {  	v24 =	vld [tilespmem:$0x1AE0]  }
0x193: {  	v36 =	vld [tilespmem:$0x1F9E0]  }
0x194: {  	[tilespmem:$0x1FEC0] =	vst v41;
	v41 =	vsub.f32 v39, v40;
	v39 =	vld [tilespmem:$0x1FA00]  }
0x195: {  	[tilespmem:$0x1FE60] =	vst v29;
	v29 =	vsub.f32 v27, v28;
	v27 =	vld [tilespmem:$0x1EE0]  }
0x196: {  	v42 =	vld [tilespmem:$0x1FA20]  }
0x197: {  	v28 =	vld [tilespmem:$0x12E0]  }
0x198: {  	[tilespmem:$0x1FFF0] =	vst v45;
	v45 =	vld [tilespmem:$0x1FA30]  }
0x199: {  	v47 =	vld [tilespmem:$0x1FA40]  }
0x19a: {  	[tilespmem:$0x1FF10] =	vst v51;
	v51 =	vsub.f32 v49, v50;
	v49 =	vld [tilespmem:$0x1FA50]  }
0x19b: {  	v50 =	vld [tilespmem:$0x1FA60]  }
0x19c: {  	[tilespmem:$0x1FF40] =	vst v57;
	v57 =	vsub.f32 v53, v56;
	v53 =	vld [tilespmem:$0x1FA80]  }
0x19d: {  	v60 =	vsub.f32 v58, v59;
	v58 =	vld [tilespmem:$0x1FAA0]  }
0x19e: {  	v8 =	vsub.f32 v5, v7;
	v5 =	vld [tilespmem:$0x1FAE0]  }
0x19f: {  	[tilespmem:$0x1FE20] =	vst v21;
	v21 =	vsub.f32 v19, v20;
	v20 =	vld [tilespmem:$0x1FB60]  }
0x1a0: {  	v22 =	vsub.f32 v26, v22;
	v26 =	vld [tilespmem:$0x1370]  }
0x1a1: {  	[tilespmem:$0x1550] =	vst v12;
	v12 =	vld [tilespmem:$0x1F970]  }
0x1a2: {  	[tilespmem:$0x1950] =	vst v18;
	v18 =	vld [tilespmem:$0x1F9A0]  }
0x1a3: {  	[tilespmem:$0x1D60] =	vst v33;
	v33 =	vld [tilespmem:$0x1F9D0]  }
0x1a4: {  	[tilespmem:$0x1560] =	vst v25;
	v25 =	vld [tilespmem:$0xEE0]  }
0x1a5: {  	[tilespmem:$0x1970] =	vst v41;
	v41 =	vld [tilespmem:$0x1FA10]  }
0x1a6: {  	[tilespmem:$0x1960] =	vst v29;
	v29 =	vld [tilespmem:$0x16F0]  }
0x1a7: {  	[tilespmem:$0x1D80] =	vst v57;
	v57 =	vld [tilespmem:$0x1FA90]  }
0x1a8: {  	[tilespmem:$0x1590] =	vst v60;
	v60 =	vld [tilespmem:$0x1FAB0]  }
0x1a9: {  	[tilespmem:$0x1D90] =	vst v8;
	v8 =	vld [tilespmem:$0x1FAF0]  }
0x1aa: {  	[tilespmem:$0x1540] =	vst v0;
	v0 =	vld [tilespmem:$0x1FF70]  }
0x1ab: {  	v32 =	vsub.f32 v30, v31;
	v30 =	vld [tilespmem:$0xAF0]  }
0x1ac: {  	v31 =	vld [tilespmem:$0x1AF0]  }
0x1ad: {  	v4 =	vsub.f32 v61, v62;
	v61 =	vld [tilespmem:$0x1FAC0]  }
0x1ae: {  	v11 =	vsub.f32 v9, v10;
	v9 =	vld [tilespmem:$0x1FB00]  }
0x1af: {  	v40 =	vsub.f32 v38, v39;
	v38 =	vld [tilespmem:$0xB00]  }
0x1b0: {  	v39 =	vld [tilespmem:$0x1B00]  }
0x1b1: {  	[tilespmem:$0x1580] =	vst v48;
	v48 =	vsub.f32 v45, v47;
	v45 =	vld [tilespmem:$0x1FB70]  }
0x1b2: {  	v47 =	vld [tilespmem:$0x1FB80]  }
0x1b3: {  	[tilespmem:$0x1980] =	vst v51;
	v51 =	vsub.f32 v49, v50;
	v49 =	vld [tilespmem:$0x1FB90]  }
0x1b4: {  	v50 =	vld [tilespmem:$0x1FBA0]  }
0x1b5: {  	v56 =	vsub.f32 v52, v53;
	v52 =	vld [tilespmem:$0x1FBB0]  }
0x1b6: {  	v53 =	vld [tilespmem:$0x1FBC0]  }
0x1b7: {  	v43 =	vsub.f32 v55, v43;
	v55 =	vld [tilespmem:$0x1B70]  }
0x1b8: {  	v34 =	vsub.f32 v46, v34;
	v46 =	vld [tilespmem:$0xF70]  }
0x1b9: {  	v23 =	vsub.f32 v35, v23;
	v35 =	vld [tilespmem:$0x1F70]  }
0x1ba: {  	[tilespmem:$0x15B0] =	vst v32;
	v32 =	vld [tilespmem:$0xEF0]  }
0x1bb: {  	[tilespmem:$0x1570] =	vst v37;
	v37 =	vsub.f32 v33, v36;
	v33 =	vld [tilespmem:$0x1EF0]  }
0x1bc: {  	[tilespmem:$0x1990] =	vst v4;
	v4 =	vld [tilespmem:$0x1FAD0]  }
0x1bd: {  	v36 =	vld [tilespmem:$0x12F0]  }
0x1be: {  	[tilespmem:$0x15A0] =	vst v11;
	v11 =	vld [tilespmem:$0x1FB10]  }
0x1bf: {  	v16 =	vsub.f32 v12, v13;
	v12 =	vld [tilespmem:$0x1FB20]  }
0x1c0: {  	v19 =	vsub.f32 v17, v18;
	v17 =	vld [tilespmem:$0x1FB40]  }
0x1c1: {  	[tilespmem:$0x1DB0] =	vst v40;
	v40 =	vld [tilespmem:$0xF00]  }
0x1c2: {  	[tilespmem:$0x1D70] =	vst v44;
	v44 =	vsub.f32 v41, v42;
	v41 =	vld [tilespmem:$0x1F00]  }
0x1c3: {  	v42 =	vld [tilespmem:$0x1300]  }
0x1c4: {  	v59 =	vsub.f32 v57, v58;
	v57 =	vld [tilespmem:$0x1FBD0]  }
0x1c5: {  	v58 =	vld [tilespmem:$0x1FBE0]  }
0x1c6: {  	[tilespmem:$0x16D0] =	vst v43;
	v43 =	vsub.f32 v24, v25;
	v24 =	vld [tilespmem:$0x1780]  }
0x1c7: {  	v25 =	vld [tilespmem:$0xB80]  }
0x1c8: {  	[tilespmem:$0x19B0] =	vst v37;
	v37 =	vld [tilespmem:$0x1700]  }
0x1c9: {  	[tilespmem:$0x19A0] =	vst v16;
	v16 =	vld [tilespmem:$0x1FB30]  }
0x1ca: {  	[tilespmem:$0x1DA0] =	vst v19;
	v19 =	vld [tilespmem:$0x1FB50]  }
0x1cb: {  	[tilespmem:$0x15C0] =	vst v44;
	v44 =	vld [tilespmem:$0x1710]  }
0x1cc: {  	[tilespmem:$0x19C0] =	vst v48;
	v48 =	vsub.f32 v45, v47;
	v45 =	vld [tilespmem:$0xB10]  }
0x1cd: {  	v62 =	vsub.f32 v60, v61;
	v60 =	vld [tilespmem:$0x1FBF0]  }
0x1ce: {  	v61 =	vld [tilespmem:$0x1FC00]  }
0x1cf: {  	v47 =	vld [tilespmem:$0x1B10]  }
0x1d0: {  	v10 =	vsub.f32 v8, v9;
	v8 =	vld [tilespmem:$0x1FC30]  }
0x1d1: {  	v9 =	vld [tilespmem:$0x1FC40]  }
0x1d2: {  	[tilespmem:$0x1DC0] =	vst v51;
	v51 =	vsub.f32 v49, v50;
	v49 =	vld [tilespmem:$0x1F10]  }
0x1d3: {  	v50 =	vld [tilespmem:$0x1310]  }
0x1d4: {  	[tilespmem:$0x15D0] =	vst v56;
	v56 =	vsub.f32 v52, v53;
	v52 =	vld [tilespmem:$0xB20]  }
0x1d5: {  	v53 =	vld [tilespmem:$0x1B20]  }
0x1d6: {  	v7 =	vsub.f32 v4, v5;
	v4 =	vld [tilespmem:$0x1FC10]  }
0x1d7: {  	v5 =	vld [tilespmem:$0x1FC20]  }
0x1d8: {  	[tilespmem:$0x1DF0] =	vst v48;
	v48 =	vld [tilespmem:$0xF10]  }
0x1d9: {  	v13 =	vsub.f32 v11, v12;
	v11 =	vld [tilespmem:$0x1FC50]  }
0x1da: {  	v12 =	vld [tilespmem:$0x1FC60]  }
0x1db: {  	[tilespmem:$0x1600] =	vst v51;
	v51 =	vld [tilespmem:$0x1720]  }
0x1dc: {  	[tilespmem:$0x19D0] =	vst v59;
	v59 =	vsub.f32 v57, v58;
	v58 =	vld [tilespmem:$0x1FCB0]  }
0x1dd: {  	[tilespmem:$0x1A00] =	vst v56;
	v56 =	vld [tilespmem:$0xF20]  }
0x1de: {  	v57 =	vld [tilespmem:$0x1F20]  }
0x1df: {  	[tilespmem:$0x1AD0] =	vst v34;
	v34 =	vsub.f32 v31, v32;
	v31 =	vld [tilespmem:$0x1790]  }
0x1e0: {  	v32 =	vld [tilespmem:$0xB90]  }
0x1e1: {  	v36 =	vsub.f32 v33, v36;
	v33 =	vld [tilespmem:$0x1B90]  }
0x1e2: {  	v40 =	vsub.f32 v39, v40;
	v39 =	vld [tilespmem:$0xBA0]  }
0x1e3: {  	[tilespmem:$0x1AE0] =	vst v43;
	v43 =	vsub.f32 v41, v42;
	v42 =	vld [tilespmem:$0xFE0]  }
0x1e4: {  	v18 =	vsub.f32 v16, v17;
	v16 =	vld [tilespmem:$0x1FC70]  }
0x1e5: {  	v17 =	vld [tilespmem:$0x1FC80]  }
0x1e6: {  	[tilespmem:$0x1D50] =	vst v21;
	v21 =	vsub.f32 v19, v20;
	v19 =	vld [tilespmem:$0x1FC90]  }
0x1e7: {  	v20 =	vld [tilespmem:$0x1FCA0]  }
0x1e8: {  	[tilespmem:$0x1E00] =	vst v59;
	v59 =	vld [tilespmem:$0x1FCC0]  }
0x1e9: {  	[tilespmem:$0x1AF0] =	vst v34;
	v34 =	vld [tilespmem:$0xF90]  }
0x1ea: {  	[tilespmem:$0x1EF0] =	vst v36;
	v36 =	vld [tilespmem:$0x1F90]  }
0x1eb: {  	v38 =	vsub.f32 v37, v38;
	v37 =	vld [tilespmem:$0x1390]  }
0x1ec: {  	[tilespmem:$0x1B00] =	vst v40;
	v40 =	vld [tilespmem:$0x1BA0]  }
0x1ed: {  	[tilespmem:$0x1F00] =	vst v43;
	v43 =	vld [tilespmem:$0xFA0]  }
0x1ee: {  	[tilespmem:$0x1DD0] =	vst v62;
	v62 =	vsub.f32 v60, v61;
	v61 =	vld [tilespmem:$0x1FCD0]  }
0x1ef: {  	[tilespmem:$0x19E0] =	vst v10;
	v10 =	vsub.f32 v8, v9;
	v9 =	vld [tilespmem:$0x1FD10]  }
0x1f0: {  	v45 =	vsub.f32 v44, v45;
	v44 =	vld [tilespmem:$0x1FA0]  }
0x1f1: {  	v50 =	vsub.f32 v49, v50;
	v49 =	vld [tilespmem:$0x1BB0]  }
0x1f2: {  	[tilespmem:$0x1700] =	vst v38;
	v38 =	vld [tilespmem:$0x17A0]  }
0x1f3: {  	[tilespmem:$0x1610] =	vst v62;
	v62 =	vld [tilespmem:$0x1FCE0]  }
0x1f4: {  	[tilespmem:$0x15E0] =	vst v7;
	v7 =	vsub.f32 v4, v5;
	v5 =	vld [tilespmem:$0x1FCF0]  }
0x1f5: {  	[tilespmem:$0x1E10] =	vst v10;
	v10 =	vld [tilespmem:$0x1FD20]  }
0x1f6: {  	[tilespmem:$0x1DE0] =	vst v13;
	v13 =	vsub.f32 v11, v12;
	v12 =	vld [tilespmem:$0x1FD30]  }
0x1f7: {  	[tilespmem:$0x1710] =	vst v45;
	v45 =	vld [tilespmem:$0x13A0]  }
0x1f8: {  	v48 =	vsub.f32 v47, v48;
	v47 =	vld [tilespmem:$0x17B0]  }
0x1f9: {  	[tilespmem:$0x1F10] =	vst v50;
	v50 =	vld [tilespmem:$0xFB0]  }
0x1fa: {  	v56 =	vsub.f32 v53, v56;
	v53 =	vld [tilespmem:$0x17C0]  }
0x1fb: {  	[tilespmem:$0x1A10] =	vst v7;
	v7 =	vld [tilespmem:$0x1FD00]  }
0x1fc: {  	v60 =	vsub.f32 v58, v59;
	v58 =	vld [tilespmem:$0x1320]  }
0x1fd: {  	[tilespmem:$0x1620] =	vst v13;
	v13 =	vld [tilespmem:$0x1FD40]  }
0x1fe: {  	v59 =	vld [tilespmem:$0x1730]  }
0x1ff: {  	[tilespmem:$0x15F0] =	vst v18;
	v18 =	vsub.f32 v16, v17;
	v17 =	vld [tilespmem:$0x1FD50]  }
0x200: {  	[tilespmem:$0x19F0] =	vst v21;
	v21 =	vsub.f32 v19, v20;
	v20 =	vld [tilespmem:$0xF30]  }
0x201: {  	[tilespmem:$0x1B10] =	vst v48;
	v48 =	vld [tilespmem:$0xBB0]  }
0x202: {  	[tilespmem:$0x1A20] =	vst v18;
	v18 =	vld [tilespmem:$0x1FD60]  }
0x203: {  	[tilespmem:$0x1E20] =	vst v21;
	v21 =	vld [tilespmem:$0x1FD70]  }
0x204: {  	v4 =	vsub.f32 v61, v62;
	v61 =	vld [tilespmem:$0x1FD80]  }
0x205: {  	v11 =	vsub.f32 v9, v10;
	v10 =	vld [tilespmem:$0x1FDB0]  }
0x206: {  	v9 =	vsub.f32 v3, v6;
	v6 =	vld [tilespmem:$0x1FDF0]  }
0x207: {  	v8 =	vsub.f32 v5, v7;
	v5 =	vld [tilespmem:$0x1FD90]  }
0x208: {  	v7 =	vld [tilespmem:$0x1FDA0]  }
0x209: {  	[tilespmem:$0x1640] =	vst v11;
	v11 =	vld [tilespmem:$0x1FDC0]  }
0x20a: {  	[tilespmem:$0x1A30] =	vst v4;
	v16 =	vsub.f32 v12, v13;
	v13 =	vld [tilespmem:$0x1FDD0];
	v4 =	vsub.f32 v21, v61  }
0x20b: {  	[tilespmem:$0x1E50] =	vst v9;
	v9 =	vld [tilespmem:$0x1FE10]  }
0x20c: {  	[tilespmem:$0x1650] =	vst v4;
	v4 =	vld [tilespmem:$0x1FDE0]  }
0x20d: {  	[tilespmem:$0x1E30] =	vst v8;
	v8 =	vsub.f32 v5, v7;
	v7 =	vld [tilespmem:$0x1FE00]  }
0x20e: {  	v61 =	vld [tilespmem:$0x1FE40]  }
0x20f: {  	v12 =	vsub.f32 v10, v11;
	v10 =	vld [tilespmem:$0x1FE20]  }
0x210: {  	v14 =	vsub.f32 v13, v14;
	v13 =	vld [tilespmem:$0x1FE30]  }
0x211: {  	v62 =	vld [tilespmem:$0xB30];
	v5 =	vsub.f32 v4, v15  }
0x212: {  	[tilespmem:$0x1A50] =	vst v8;
	v8 =	vsub.f32 v6, v7;
	v6 =	vld [tilespmem:$0x1FE60]  }
0x213: {  	[tilespmem:$0x1E60] =	vst v5;
	v5 =	vld [tilespmem:$0x1FE50]  }
0x214: {  	v3 =	vld [tilespmem:$0x1B60];
	v11 =	vsub.f32 v9, v10  }
0x215: {  	v4 =	vsub.f32 v13, v61;
	v61 =	vld [tilespmem:$0x1FE80]  }
0x216: {  	[tilespmem:$0x1A70] =	vst v11;
	v11 =	vld [tilespmem:$0x1FE70]  }
0x217: {  	v41 =	vsub.f32 v49, v50;
	v50 =	vld [tilespmem:$0xBF0]  }
0x218: {  	v7 =	vsub.f32 v5, v6;
	v5 =	vld [tilespmem:$0x1FE90]  }
0x219: {  	v6 =	vld [tilespmem:$0x1FEA0]  }
0x21a: {  	v19 =	vsub.f32 v17, v18;
	v18 =	vld [tilespmem:$0x1330]  }
0x21b: {  	v9 =	vld [tilespmem:$0x1FEB0];
	[tilespmem:$0x1E70] =	vst v4;
	v4 =	vsub.f32 v11, v61  }
0x21c: {  	v61 =	vld [tilespmem:$0x1FEC0]  }
0x21d: {  	[tilespmem:$0x1A80] =	vst v4;
	v4 =	vld [tilespmem:$0x1FED0]  }
0x21e: {  	[tilespmem:$0x1680] =	vst v7;
	v7 =	vsub.f32 v5, v6;
	v5 =	vld [tilespmem:$0x1FEE0]  }
0x21f: {  	v6 =	vld [tilespmem:$0x1FEF0]  }
0x220: {  	[tilespmem:$0x1E80] =	vst v7;
	v7 =	vld [tilespmem:$0x1FF00]  }
0x221: {  	v17 =	vld [tilespmem:$0x1740]  }
0x222: {  	[tilespmem:$0x1A40] =	vst v16;
	v16 =	vld [tilespmem:$0xB40];
	v61 =	vsub.f32 v9, v61  }
0x223: {  	[tilespmem:$0x1630] =	vst v60;
	v21 =	vld [tilespmem:$0x1B30];
	v60 =	vsub.f32 v4, v5  }
0x224: {  	[tilespmem:$0x1690] =	vst v61;
	v4 =	vld [tilespmem:$0x1FF20]  }
0x225: {  	v61 =	vsub.f32 v6, v7;
	[tilespmem:$0x1A90] =	vst v60;
	v60 =	vld [tilespmem:$0x1FF10]  }
0x226: {  	v5 =	vld [tilespmem:$0x1FF30]  }
0x227: {  	[tilespmem:$0x1E90] =	vst v61;
	v61 =	vld [tilespmem:$0x1FF40]  }
0x228: {  	[tilespmem:$0x1E40] =	vst v19;
	v19 =	vld [tilespmem:$0x1F30]  }
0x229: {  	[tilespmem:$0x1A60] =	vst v14;
	v14 =	vld [tilespmem:$0xF40]  }
0x22a: {  	[tilespmem:$0x1660] =	vst v12;
	v12 =	vld [tilespmem:$0x1340];
	v60 =	vsub.f32 v60, v4  }
0x22b: {  	v4 =	vld [tilespmem:$0x1FF50]  }
0x22c: {  	v61 =	vsub.f32 v5, v61;
	[tilespmem:$0x16A0] =	vst v60;
	v60 =	vld [tilespmem:$0x1FF60]  }
0x22d: {  	v15 =	vld [tilespmem:$0x1B40]  }
0x22e: {  	[tilespmem:$0x1AA0] =	vst v61;
	v61 =	vld [tilespmem:$0x1FF80]  }
0x22f: {  	[tilespmem:$0x16E0] =	vst v22;
	v13 =	vld [tilespmem:$0x1F40]  }
0x230: {  	[tilespmem:$0x1ED0] =	vst v23;
	v10 =	vld [tilespmem:$0xB50]  }
0x231: {  	[tilespmem:$0x1670] =	vst v8;
	v8 =	vld [tilespmem:$0xF50];
	v60 =	vsub.f32 v4, v60  }
0x232: {  	[tilespmem:$0x1B20] =	vst v56;
	v62 =	vsub.f32 v59, v62;
	v11 =	vld [tilespmem:$0x1750]  }
0x233: {  	v61 =	vsub.f32 v0, v61;
	[tilespmem:$0x1EA0] =	vst v60;
	v60 =	vld [tilespmem:$0x1FF90]  }
0x234: {  	[tilespmem:$0x1730] =	vst v62;
	v0 =	vld [tilespmem:$0x1FFA0]  }
0x235: {  	v62 =	vsub.f32 v24, v25;
	[tilespmem:$0x16B0] =	vst v61;
	v61 =	vld [tilespmem:$0x1FFB0]  }
0x236: {  	[tilespmem:$0x1BB0] =	vst v41;
	v16 =	vsub.f32 v17, v16;
	v9 =	vld [tilespmem:$0x1B50]  }
0x237: {  	[tilespmem:$0x1780] =	vst v62;
	v20 =	vsub.f32 v21, v20;
	v7 =	vld [tilespmem:$0x1F50]  }
0x238: {  	v18 =	vsub.f32 v19, v18;
	[tilespmem:$0x1740] =	vst v16;
	v6 =	vld [tilespmem:$0x1350]  }
0x239: {  	[tilespmem:$0x1B30] =	vst v20;
	v5 =	vld [tilespmem:$0x1760];
	v60 =	vsub.f32 v60, v2  }
0x23a: {  	[tilespmem:$0x1F30] =	vst v18;
	v14 =	vsub.f32 v15, v14;
	v61 =	vsub.f32 v0, v61;
	v0 =	vld [tilespmem:$0x1FFC0]  }
0x23b: {  	[tilespmem:$0x1AB0] =	vst v60;
	v60 =	vld [tilespmem:$0x1FFD0]  }
0x23c: {  	v12 =	vsub.f32 v13, v12;
	[tilespmem:$0x1B40] =	vst v14;
	v4 =	vld [tilespmem:$0xB60]  }
0x23d: {  	v10 =	vsub.f32 v11, v10;
	[tilespmem:$0x1EB0] =	vst v61;
	v61 =	vld [tilespmem:$0x1FFE0]  }
0x23e: {  	[tilespmem:$0x1F40] =	vst v12;
	v8 =	vsub.f32 v9, v8;
	v2 =	vld [tilespmem:$0xF60]  }
0x23f: {  	v59 =	vld [tilespmem:$0xFC0];
	[tilespmem:$0x1750] =	vst v10;
	v6 =	vsub.f32 v7, v6  }
0x240: {  	[tilespmem:$0x1B50] =	vst v8;
	v60 =	vsub.f32 v0, v60;
	v0 =	vld [tilespmem:$0x1360]  }
0x241: {  	v24 =	vld [tilespmem:$0x17D0];
	[tilespmem:$0x1F50] =	vst v6;
	v4 =	vsub.f32 v5, v4  }
0x242: {  	v61 =	vsub.f32 v61, v63;
	[tilespmem:$0x16C0] =	vst v60;
	v60 =	vld [tilespmem:$0x1FFF0]  }
0x243: {  	[tilespmem:$0x1760] =	vst v4;
	v2 =	vsub.f32 v3, v2;
	v63 =	vld [tilespmem:$0x1770]  }
0x244: {  	[tilespmem:$0x1AC0] =	vst v61;
	v61 =	vsub.f32 v29, v30;
	v29 =	vld [tilespmem:$0x1F80]  }
0x245: {  	[tilespmem:$0x1B60] =	vst v2;
	v30 =	vld [tilespmem:$0x1380];
	v0 =	vsub.f32 v1, v0  }
0x246: {  	[tilespmem:$0x16F0] =	vst v61;
	v61 =	vsub.f32 v57, v58;
	v57 =	vld [tilespmem:$0x1BC0]  }
0x247: {  	v58 =	vsub.f32 v55, v46;
	v46 =	vld [tilespmem:$0x13E0];
	v54 =	vsub.f32 v60, v54;
	[tilespmem:$0x1F60] =	vst v0  }
0x248: {  	v60 =	vld [tilespmem:$0xB70];
	[tilespmem:$0x1F20] =	vst v61  }
0x249: {  	v61 =	vld [tilespmem:$0x1FC0];
	[tilespmem:$0x1EC0] =	vst v54;
	v54 =	vsub.f32 v27, v28  }
0x24a: {  	[tilespmem:$0x1B70] =	vst v58;
	v58 =	vld [tilespmem:$0x13F0];
	v25 =	vsub.f32 v29, v30  }
0x24b: {  	v27 =	vld [tilespmem:$0x1B80];
	v29 =	vsub.f32 v33, v34;
	[tilespmem:$0x1EE0] =	vst v54  }
0x24c: {  	v28 =	vld [tilespmem:$0xF80];
	v33 =	vsub.f32 v38, v39;
	[tilespmem:$0x1F80] =	vst v25  }
0x24d: {  	v30 =	vld [tilespmem:$0xFD0];
	v39 =	vsub.f32 v47, v48;
	[tilespmem:$0x1B90] =	vst v29  }
0x24e: {  	v34 =	vld [tilespmem:$0x13D0];
	v54 =	vsub.f32 v51, v52;
	[tilespmem:$0x17A0] =	vst v33  }
0x24f: {  	v38 =	vld [tilespmem:$0xBE0];
	[tilespmem:$0x17B0] =	vst v39;
	v47 =	vsub.f32 v57, v59  }
0x250: {  	v48 =	vld [tilespmem:$0x17F0];
	v56 =	vsub.f32 v63, v60;
	[tilespmem:$0x1720] =	vst v54  }
0x251: {  	v51 =	vld [tilespmem:$0x1FB0];
	v60 =	vsub.f32 v35, v26;
	[tilespmem:$0x1BC0] =	vst v47  }
0x252: {  	v52 =	vld [tilespmem:$0x13B0];
	v35 =	vsub.f32 v40, v43;
	[tilespmem:$0x1770] =	vst v56  }
0x253: {  	v63 =	vld [tilespmem:$0x13C0];
	[tilespmem:$0x1F70] =	vst v60;
	v23 =	vsub.f32 v27, v28  }
0x254: {  	v26 =	vld [tilespmem:$0xBD0];
	v27 =	vsub.f32 v31, v32;
	[tilespmem:$0x1BA0] =	vst v35  }
0x255: {  	v40 =	vld [tilespmem:$0x1BE0];
	v31 =	vsub.f32 v36, v37;
	[tilespmem:$0x1B80] =	vst v23  }
0x256: {  	v54 =	vld [tilespmem:$0xBC0];
	v37 =	vsub.f32 v44, v45;
	[tilespmem:$0x1790] =	vst v27  }
0x257: {  	v28 =	vld [tilespmem:$0x1BD0];
	[tilespmem:$0x1F90] =	vst v31;
	v43 =	vsub.f32 v51, v52  }
0x258: {  	v32 =	vld [tilespmem:$0x1FD0];
	[tilespmem:$0x1FA0] =	vst v37;
	v49 =	vsub.f32 v61, v63  }
0x259: {  	v36 =	vld [tilespmem:$0x17E0];
	v51 =	vsub.f32 v24, v26;
	[tilespmem:$0x1FB0] =	vst v43  }
0x25a: {  	v44 =	vld [tilespmem:$0x1FE0];
	v59 =	vsub.f32 v40, v42;
	[tilespmem:$0x1FC0] =	vst v49  }
0x25b: {  	v56 =	vld [tilespmem:$0x1FF0];
	v61 =	vsub.f32 v48, v50;
	[tilespmem:$0x17D0] =	vst v51  }
0x25c: {  	v52 =	vld [tilespmem:$0x1BF0];
	v45 =	vsub.f32 v53, v54;
	[tilespmem:$0x1BE0] =	vst v59  }
0x25d: {  	v54 =	vld [tilespmem:$0xFF0];
	v53 =	vsub.f32 v28, v30;
	[tilespmem:$0x17F0] =	vst v61  }
0x25e: {  	v55 =	vsub.f32 v32, v34;
	[tilespmem:$0x17C0] =	vst v45  }
0x25f: {  	v57 =	vsub.f32 v36, v38;
	[tilespmem:$0x1BD0] =	vst v53  }
0x260: {  	v60 =	vsub.f32 v44, v46;
	[tilespmem:$0x1FD0] =	vst v55  }
0x261: {  	v63 =	vsub.f32 v56, v58;
	[tilespmem:$0x17E0] =	vst v57  }
0x262: {  	[tilespmem:$0x1FE0] =	vst v60;
	v62 =	vsub.f32 v52, v54  }
0x263: {  	[tilespmem:$0x1FF0] =	vst v63  }
0x264: {  	s31 =	sadd.s32 s29, s11;
	[tilespmem:$0x1BF0] =	vst v62  }
0x265: {  	[hbm4b:s31+s4] =	stream.linear.scatter [tilespmem:s21], [sflag:$0x2], $0x400, $0x38;
	[tilespmem:$0x44A8] =	vst v63  }
0x266: {  	_ =	swait.ge [sflag:s16], $0x400  }
0x267: {  	[sflag:s16] =	ssyncset.done $0x0  }
0x268: {  	s31 =	sadd.s32 s29, s10;
	[sflag:s16] =	ssyncadd.s32 $0xFFFFFC00  }
0x269: {  	[hbm4b:s31+s4] =	stream.linear.scatter [tilespmem:s22], [sflag:$0x2], $0x400, $0x38;
	[tilespmem:$0x44A8] =	vst v63  }
0x26a: {  	_ =	swait.ge [sflag:s16], $0x400  }
0x26b: {  	p3 =	sne.s32 s29, $0xC00;
	[sflag:s16] =	ssyncset.done $0x0  }
.Ltmp5:
0x26c: {  	s31 =	sadd.s32 s29, s9;
	[sflag:s16] =	ssyncadd.s32 $0xFFFFFC00;
	(pc) =	sbr.rel @p3 .LBB2_9-.Ltmp5, $4  }
0x26d: {  	[hbm4b:s31+s4] =	stream.linear.scatter [tilespmem:s23], [sflag:$0x2], $0x400, $0x38;
	[tilespmem:$0x44A8] =	vst v63  }
0x26e: {  	_ =	swait.ge [sflag:s16], $0x400  }
0x26f: {  	[sflag:s16] =	ssyncset.done $0x0  }
0x270: {  	s29 =	sadd.s32 $0x80, s29;
	[sflag:s16] =	ssyncadd.s32 $0xFFFFFC00  }
0x271: {  	s28 =	sadd.s32 $0x1, s28  }
0x272: {  	p3 =	sne.s32 s28, s8  }
.Ltmp6:
0x273: {  	_ = 	snop;
	(pc) =	sbr.rel @p3 .LBB2_1-.Ltmp6, $1  }
0x274: {  	_ =	sdelay $0x3  }
0x275: {  	_ =	sfence.sel $0x180000  }
0x276: {  	[bflag:$0x0] =	sbarrier.arrive $0xFFFF  }
0x277: {  	_ =	strace $0x90000047  }
0x278: {  	s0 =	sadd.s32 @!p1 $0x100000, s0;
	[bflag:$0x2] =	sbarrier.arrive $0xFFFF  }
0x279: {  	[sflag:s0] =	ssyncadd.tile.s32 @!p1 $0x1;
	_ =	shalt  }
.Lfunc_end2:
_tile_overlayer_lowered:
.L_overlay_start_2:
0x27a: {  	(tag) =	ssettag $0x2  }
0x27b: {  	s0 =	rddreg [dreg:$0x0];
	s2 =	stileid.u32  }
0x27c: {  	s1 =	rddreg [dreg:$0x1];
	p0 =	sne.s32 s2, $0x0  }
0x27d: {  	s3 =	rddreg [dreg:$0x2];
	[bflag:$0x3] =	sbarrier.arrive $0xFFFF;
	s2 =	simm.s32 @!p0 $0x1C02  }
0x27e: {  	[timem:s3], [sflag:s2] =	dma.local @!p0 [hbm:s0], s1  }
0x27f: {  	s0 =	simm.s32 @!p0 $0x2  }
0x280: {  	_ =	swait.ge @!p0 [sflag:s0], s1  }
0x281: {  	s1 =	ssub.s32 @!p0 $0x0, s1;
	[sflag:s0] =	ssyncset.done @!p0 $0x0  }
0x282: {  	[sflag:s0] =	ssyncadd.s32 @!p0 s1  }
0x283: {  	[bflag:$0x3] =	sbarrier.arrive $0xFFFF  }
0x284: {  	_ =	shalt  }

// kernel: kernel.9.cloned.1.call-start
scs
__scs_entry_jumppad:
0x0: {  	(pc) =	sbr.rel $0x88, $3  }
0x1: {  	(tag) =	ssettag $0x0;
	lr =	simm.s32 $0x1  }
0x2: {  	[smem:$0x3F98] =	sst lr;
	_ =	strace $0xD0000000  }
0x3: {  	_ = 	snop  }
0x4: {  	_ = 	snop  }
0x5: {  	_ = 	snop  }
0x6: {  	_ = 	snop  }
0x7: {  	_ = 	snop  }
__scs_overlays_trampoline_lowered:
0x8: {  	[smem:$0x3FA7] =	sst s0  }
0x9: {  	[smem:$0x3FA8] =	sst s1  }
0xa: {  	[smem:$0x3FA9] =	sst s2  }
0xb: {  	[smem:$0x3FAA] =	sst s3  }
0xc: {  	[smem:$0x3FAB] =	sst s4  }
0xd: {  	[smem:$0x3FAC] =	sst s5  }
0xe: {  	[smem:$0x3FAD] =	sst s6  }
0xf: {  	[smem:$0x3FAE] =	sst s7  }
0x10: {  	[smem:$0x3FAF] =	sst s8  }
0x11: {  	[smem:$0x3FB0] =	sst s9;
	s0 =	simm.s32 @!p0 $0x0  }
0x12: {  	s1 =	sld [smem:$0x3F96];
	s0 =	simm.s32 @p0 $0x1  }
0x13: {  	[smem:$0x3FB1] =	sst s0;
	s0 =	simm.s32 @!p1 $0x0  }
0x14: {  	s2 =	sld [smem:$0x3F95];
	s0 =	simm.s32 @p1 $0x1  }
0x15: {  	[smem:$0x3FB2] =	sst s0;
	s0 =	simm.s32 @!p2 $0x0  }
0x16: {  	s3 =	sld [smem:$0x3FDB];
	s0 =	simm.s32 @p2 $0x1  }
0x17: {  	s4 =	simm.s32 $0x1BF5;
	[smem:$0x3FB4] =	sst s0  }
0x18: {  	s0 =	sld [smem:$0x3F97];
	_ =	swait.ge [sflag:s4], $0x0  }
0x19: {  	s7 =	sld [smem:$0x3F98]  }
0x1a: {  	s8 =	sadd.s32 $0xFFFFE003, lr  }
0x1b: {  	s9 =	sadd.s32 $0xFFFFFEF7, lr;
	s5 =	simm.s32 $0xFFFFFFFF;
	p2 =	slt.u32 s8, $0xFFFFF086  }
0x1c: {  	p1 =	slt.u32 s9, $0xF7A;
	s5 =	simm.s32 @!p2 $0x0  }
0x1d: {  	s5 =	simm.s32 @p1 $0x1;
	p0 =	seq.s32 s7, s2  }
0x1e: {  	s7 =	smul.u32 @!p0 $0xF7A, s2;
	p2 =	seq.s32 @!p0 s5, $0x0  }
0x1f: {  	s9 =	smul.u32 $0xF7A, s1;
	s8 =	simm.s32 @!p0 $0x1BF5;
	p2 =	por !p2, p0  }
0x20: {  	[sflag:s8] =	ssyncset.s32 @!p0 $0xFFFFF086;
	s6 =	sadd.s32 @!p0 s3, s7;
	s7 =	simm.s32 @!p0 $0x108  }
0x21: {  	s3 =	sadd.s32 s3, s9;
	s6 =	sadd.s32 @!p0 $0x88, s6;
	s7 =	simm.s32 @p2 $0x1082  }
0x22: {  	[simem:s7], [sflag:s8] =	dma.local @!p0 [hbm:s6], $0xF7A  }
0x23: {  	s9 =	sor.u32 $0xD0000000, s2;
	s6 =	simm.s32 $0x108;
	_ =	swait.ge @!p0 [sflag:s8], $0x0  }
0x24: {  	s3 =	sadd.s32 $0x88, s3;
	s6 =	simm.s32 @!p1 $0x1082;
	[sflag:s4] =	ssyncset.s32 $0xFFFFF086  }
0x25: {  	[simem:s6], [sflag:s4] =	dma.local [hbm:s3], $0xF7A  }
0x26: {  	[smem:$0x3F98] =	sst s1;
	(tag) =	ssettag s2;
	_ =	strace s9  }
0x27: {  	s1 =	sld [smem:$0x3FA8]  }
0x28: {  	s2 =	sld [smem:$0x3FA9]  }
0x29: {  	s4 =	sld [smem:$0x3FAB]  }
0x2a: {  	p0 =	seq.s32 s5, $0x0;
	s5 =	sld [smem:$0x3FAC]  }
0x2b: {  	s6 =	sld [smem:$0x3FAD]  }
0x2c: {  	s7 =	sld [smem:$0x3FAE]  }
0x2d: {  	s3 =	simm.s32 $0x108;
	s8 =	sld [smem:$0x3FAF]  }
0x2e: {  	s3 =	simm.s32 @!p0 $0x1082;
	s9 =	sld [smem:$0x3FB0]  }
0x2f: {  	lr =	sadd.s32 s0, s3;
	s0 =	sld [smem:$0x3FA7]  }
0x30: {  	s3 =	sld [smem:$0x3FAA]  }
0x31: {  	[smem:$0x3FB3] =	sst s10  }
0x32: {  	s10 =	sld [smem:$0x3FB1];
	_ =	sdelay $0x3  }
0x33: {  	p0 =	seq.s32 s10, $0x1;
	s10 =	sld [smem:$0x3FB3];
	_ =	sdelay $0x3  }
0x34: {  	[smem:$0x3FB3] =	sst s10  }
0x35: {  	s10 =	sld [smem:$0x3FB2];
	_ =	sdelay $0x3  }
0x36: {  	p1 =	seq.s32 s10, $0x1;
	s10 =	sld [smem:$0x3FB3];
	_ =	sdelay $0x3  }
0x37: {  	[smem:$0x3FB3] =	sst s10  }
0x38: {  	s10 =	sld [smem:$0x3FB4]  }
0x39: {  	_ = 	snop;
	(pc) =	sbr.ind lr, $3  }
0x3a: {  	_ = 	snop  }
0x3b: {  	_ = 	snop  }
0x3c: {  	p2 =	seq.s32 s10, $0x1;
	s10 =	sld [smem:$0x3FB3]  }
0x3d: {  	_ =	shalt  }
0x3e: {  	_ =	shalt  }
0x3f: {  	_ =	shalt  }
0x40: {  	_ =	shalt  }
0x41: {  	_ =	shalt  }
0x42: {  	_ =	shalt  }
0x43: {  	_ =	shalt  }
0x44: {  	_ =	shalt  }
0x45: {  	_ =	shalt  }
0x46: {  	_ =	shalt  }
0x47: {  	_ =	shalt  }
0x48: {  	_ =	shalt  }
0x49: {  	_ =	shalt  }
0x4a: {  	_ =	shalt  }
0x4b: {  	_ =	shalt  }
0x4c: {  	_ =	shalt  }
0x4d: {  	_ =	shalt  }
0x4e: {  	_ =	shalt  }
0x4f: {  	_ =	shalt  }
0x50: {  	_ =	shalt  }
0x51: {  	_ =	shalt  }
0x52: {  	_ =	shalt  }
0x53: {  	_ =	shalt  }
0x54: {  	_ =	shalt  }
0x55: {  	_ =	shalt  }
0x56: {  	_ =	shalt  }
0x57: {  	_ =	shalt  }
0x58: {  	_ =	shalt  }
0x59: {  	_ =	shalt  }
0x5a: {  	_ =	shalt  }
0x5b: {  	_ =	shalt  }
0x5c: {  	_ =	shalt  }
0x5d: {  	_ =	shalt  }
0x5e: {  	_ =	shalt  }
0x5f: {  	_ =	shalt  }
0x60: {  	_ =	shalt  }
0x61: {  	_ =	shalt  }
0x62: {  	_ =	shalt  }
0x63: {  	_ =	shalt  }
0x64: {  	_ =	shalt  }
0x65: {  	_ =	shalt  }
0x66: {  	_ =	shalt  }
0x67: {  	_ =	shalt  }
0x68: {  	_ =	shalt  }
0x69: {  	_ =	shalt  }
0x6a: {  	_ =	shalt  }
0x6b: {  	_ =	shalt  }
0x6c: {  	_ =	shalt  }
0x6d: {  	_ =	shalt  }
0x6e: {  	_ =	shalt  }
0x6f: {  	_ =	shalt  }
0x70: {  	_ =	shalt  }
0x71: {  	_ =	shalt  }
0x72: {  	_ =	shalt  }
0x73: {  	_ =	shalt  }
0x74: {  	_ =	shalt  }
0x75: {  	_ =	shalt  }
0x76: {  	_ =	shalt  }
0x77: {  	_ =	shalt  }
0x78: {  	_ =	shalt  }
0x79: {  	_ =	shalt  }
0x7a: {  	_ =	shalt  }
0x7b: {  	_ =	shalt  }
0x7c: {  	_ =	shalt  }
0x7d: {  	_ =	shalt  }
0x7e: {  	_ =	shalt  }
0x7f: {  	_ =	shalt  }
0x80: {  	_ =	shalt  }
0x81: {  	_ =	shalt  }
0x82: {  	_ =	shalt  }
0x83: {  	_ =	shalt  }
0x84: {  	_ =	shalt  }
0x85: {  	_ =	shalt  }
0x86: {  	_ =	shalt  }
0x87: {  	_ =	shalt  }
.Lfunc_end0:
.L_simem_size_0:
called_computation.1_lowered:
.L_overlay_start_0:
0x88: {  	s2 =	sld [smem:$0x3FD9]  }
0x89: {  	s3 =	sld [smem:$0x3FFE];
	_ =	sdelay $0x1  }
0x8a: {  	s1 =	srdreg.scid  }
0x8b: {  	s0 =	sand.u32 $0x1, s1  }
0x8c: {  	s17 =	sshll.u32 s0, $0xA;
	s2 =	sadd.s32 s3, s2  }
0x8d: {  	s2 =	sadd.s32 s2, s17  }
0x8e: {  	[smem:$0x3FBF] =	sst s2  }
0x8f: {  	_ = 	snop  }
0x90: {  	s2 =	sld [smem:$0x3FD0];
	(tm) =	ssettm $0x1  }
0x91: {  	s18 =	sld [smem:$0x3FFB];
	_ =	sdelay $0x3  }
0x92: {  	_ =	strace s18  }
0x93: {  	s3 =	sld [smem:$0x3FFC];
	_ =	sdelay $0x3  }
0x94: {  	_ =	strace s3  }
0x95: {  	s3 =	sld [smem:$0x3FFD];
	_ =	sdelay $0x3  }
0x96: {  	_ =	strace s3  }
0x97: {  	_ =	strace $0x8FFFFFFF  }
0x98: {  	s19 =	sld [smem:$0x3FDB];
	_ =	sdelay $0x1  }
0x99: {  	s4 =	simm.s32 $_scs_section_size  }
0x9a: {  	s5 =	simm.s32 $_size__tile_overlayer_lowered;
	s6 =	simm.s32 $_tile_overlayer_lowered  }
0x9b: {  	s22 =	simm.s32 $0x1BFF;
	s21 =	sshll.u32 s6, $0x1;
	s3 =	sadd.s32 s4, s19  }
0x9c: {  	s7 =	simm.s32 $0x0;
	s20 =	sshll.u32 s5, $0x1;
	s5 =	sadd.s32 s21, s3  }
0x9d: {  	[timem:s7], [sflag:s22] =	dma.local [hbm:s5], s20  }
0x9e: {  	_ =	swait.ge [sflag:s22], s20  }
0x9f: {  	s4 =	ssub.s32 $0x0, s20;
	[sflag:s22] =	ssyncset.done $0x0  }
0xa0: {  	[sflag:s22] =	ssyncadd.s32 s4;
	_ =	sdelay $0x1  }
0xa1: {  	s23 =	simm.s32 $0x1B8B  }
0xa2: {  	_ =	swait.ge [sflag:s23], $0x1  }
0xa3: {  	[sflag:s23] =	ssyncset.done $0x0  }
0xa4: {  	s25 =	simm.s32 $0x1B8E;
	s24 =	sld [smem:$0x3FFE];
	[sflag:s23] =	ssyncadd.s32 $0xFFFFFFFF  }
0xa5: {  	s26 =	simm.s32 $execute0_lowered;
	[smem:$0x3FD2] =	sst s25  }
0xa6: {  	s5 =	sshll.u32 s26, $0x1;
	_ =	strace $0x80000049;
	[dreg:$0x1] =	wrdreg $0xFFFFFFFF  }
0xa7: {  	s28 =	simm.s32 $_size_execute0_lowered;
	s3 =	sadd.s32 s3, s5;
	[dreg:$0x0] =	wrdreg $0x0  }
0xa8: {  	s5 =	sshll.u32 s28, $0x1;
	[dreg:$0x2] =	wrdreg s3  }
0xa9: {  	[dreg:$0x3] =	wrdreg s5  }
0xaa: {  	[dreg:$0x4] =	wrdreg $0xC0  }
0xab: {  	_ =	task [dreg:s7], $0x5FFFF  }
0xac: {  	[dreg:$0x1] =	wrdreg $0xFFFFFFFF  }
0xad: {  	[dreg:$0x0] =	wrdreg $0x60  }
0xae: {  	[dreg:$0x2] =	wrdreg s24  }
0xaf: {  	[dreg:$0x3] =	wrdreg s2  }
0xb0: {  	[dreg:$0x4] =	wrdreg $0x90000  }
0xb1: {  	[dreg:$0x5] =	wrdreg $0x9  }
0xb2: {  	_ =	task.clear_ibuf [dreg:s7], $0x6FFFF;
	_ =	strace $0x90000049  }
0xb3: {  	s29 =	simm.s32 $0x9;
	_ =	strace $0x8000004B  }
0xb4: {  	_ =	swait.ge [sflag:s29], $0x1  }
0xb5: {  	[sflag:s29] =	ssyncadd.s32 $0xFFFFFFFF  }
0xb6: {  	_ =	strace $0x9000004B  }
0xb7: {  	_ =	sfence  }
0xb8: {  	s30 =	sld [smem:$0x0];
	_ =	sdelay $0x2  }
0xb9: {  	s31 =	sshll.u32 s1, $0xD;
	s1 =	sshrl.u32 s1, $0x2  }
0xba: {  	s3 =	sand.u32 $0x4000, s31;
	s1 =	sadd.s32 s1, s30  }
0xbb: {  	s0 =	sor.u32 s3, s0;
	s1 =	sshll.u32 s1, $0x11  }
0xbc: {  	s0 =	sor.u32 s1, s0  }
0xbd: {  	s0 =	sadd.s32 $0x8F2B, s0  }
0xbe: {  	[sflag:s0] =	ssyncadd.remote.s32 $0x1  }
0xbf: {  	_ =	sfence.sel $0xFFFF  }
0xc0: {  	[dreg:$0x0] =	wrdreg $0xFFFFFFFF;
	(pc) =	sbr.abs _section_cstart, $3  }
0xc1: {  	[dreg:$0x1] =	wrdreg $0xFFFFFFFF  }
0xc2: {  	_ =	task.clear_ibuf [dreg:s7], $0x2FFFF;
	_ =	strace $0x9FFFFFFF  }
0xc3: {  	(tm) =	ssettm $0x7FFFFFFF  }
tec
execute0_lowered:
.L_overlay_start_1:
0x0: {  	(tag) =	ssettag $0x1  }
0x1: {  	s0 =	rddreg [dreg:$0x0]  }
0x2: {  	s1 =	rddreg [dreg:$0x1]  }
0x3: {  	s21 =	rddreg [dreg:$0x2];
	s2 =	simm.s32 $0x0;
	s3 =	srdreg.scid  }
0x4: {  	s22 =	stileid.u32;
	s31 =	simm.s32 $0x2;
	s30 =	simm.s32 $0x6000  }
0x5: {  	[smem:$0x7FF] =	sst s2;
	s3 =	sand.u32 $0x1, s3;
	s5 =	sshll.u32 s22, $0x9  }
0x6: {  	s7 =	smul.u32 $0x61C00, s22;
	s18 =	sshll.u32 s22, $0x1;
	s8 =	sadd.s32 $0x24A80, s21  }
0x7: {  	s9 =	sadd.s32 $0x30E00, s21;
	s10 =	sadd.s32 $0x3D180, s21;
	s11 =	sadd.s32 $0x49500, s21  }
0x8: {  	s12 =	sadd.s32 $0x55880, s21;
	s13 =	sadd.s32 $0x61C00, s21;
	s15 =	sshll.u32 s22, $0x3  }
0x9: {  	s14 =	sadd.s32 $0x6DF80, s21;
	s20 =	smul.u32 $0xC380, s22;
	s16 =	sadd.s32 $0x86680, s21  }
0xa: {  	s17 =	sadd.s32 $0x92A00, s21;
	s26 =	smul.u32 $0x187000, s22;
	p0 =	sgt.u32 s22, $0x2  }
0xb: {  	s28 =	sadd.s32 $0xAB100, s21;
	s29 =	sadd.s32 $0xB7480, s21;
	_ =	strace $0x8000004A  }
0xc: {  	s4 =	ssub.s32 $0x2, s3;
	s5 =	sadd.s32 s5, s0;
	s25 =	smul.u32 $0x30, s3  }
0xd: {  	s0 =	sadd.s32 $0x1F200, s0;
	s19 =	smul.u32 $0x49500, s3;
	s6 =	sshrl.u32 s4, $0x1  }
0xe: {  	s23 =	sadd.s32 s7, s21;
	s24 =	sshrl.u32 s7, $0x3;
	s7 =	sadd.s32 $0x18700, s21  }
0xf: {  	s4 =	ssub.s32 s4, s6;
	[dreg:$0x4] =	wrdreg s23;
	s1 =	sadd.s32 s1, s24  }
0x10: {  	s6 =	sadd.s32 $0xC380, s21;
	s19 =	sadd.s32 s20, s19;
	s23 =	sshrl.u32 s26, $0x2  }
0x11: {  	s26 =	sadd.s32 $0x9ED80, s21;
	s20 =	simm.s32 $0x1;
	[dreg:$0x5] =	wrdreg s1  }
0x12: {  	s1 =	sadd.s32 s15, s25;
	s15 =	sadd.s32 $0x7A300, s21;
	s19 =	sadd.s32 s0, s19  }
0x13: {  	s4 =	smax.u32 s4, $0x1;
	s25 =	sadd.s32 $0xC3800, s21;
	[dreg:$0x6] =	wrdreg s19  }
0x14: {  	s1 =	smul.u32 $0x1870, s1;
	s19 =	sshll.u32 s3, $0x8;
	[dreg:$0x8] =	wrdreg s4  }
0x15: {  	s3 =	sor.u32 s3, s18;
	[dreg:$0xd] =	wrdreg s25;
	s4 =	simm.s32 $0x7000  }
0x16: {  	s18 =	simm.s32 $0x7800;
	[dreg:$0xa] =	wrdreg s3;
	s0 =	sadd.s32 s0, s1  }
0x17: {  	s3 =	simm.s32 $0x800;
	s1 =	sadd.s32 s19, s5;
	s0 =	sadd.s32 $0x24A80, s0  }
.Ltmp0:
0x18: {  	s24 =	sadd.s32 $0x407200, s1;
	[dreg:$0x7] =	wrdreg s0;
	(pc) =	sbr.rel .LBB2_1-.Ltmp0, $4  }
0x19: {  	s19 =	simm.s32 $0x8000;
	s0 =	sadd.s32 s23, s21;
	[dreg:$0x9] =	wrdreg s24  }
0x1a: {  	s23 =	sadd.s32 $0x6200, s1;
	s1 =	sadd.s32 $0x597200, s1;
	s21 =	simm.s32 $0x5000  }
0x1b: {  	s24 =	simm.s32 $0x5800;
	[dreg:$0xb] =	wrdreg s1;
	s0 =	sshrl.u32 @!p0 s0, $0x3  }
0x1c: {  	s1 =	simm.s32 $0x0;
	[dreg:$0xc] =	wrdreg s0;
	s0 =	simm.s32 $0x6800  }
.LBB2_9:
0x1d: {  	[bflag:$0x0] =	sbarrier.arrive $0xFFFF  }
0x1e: {  	s5 =	rddreg [dreg:$0x7]  }
0x1f: {  	s22 =	rddreg [dreg:$0xc]  }
0x20: {  	s1 =	rddreg [dreg:$0xf]  }
0x21: {  	[hbm:s5], [sflag:s1] =	dma.local @!p0 [spmem:s22], $0xC380  }
0x22: {  	s5 =	simm.s32 @!p0 $0x2  }
0x23: {  	_ =	swait.ge @!p0 [sflag:s5], $0xC380  }
0x24: {  	s22 =	rddreg [dreg:$0xe]  }
0x25: {  	s25 =	rddreg [dreg:$0x8];
	s1 =	sadd.s32 $0x1, s22  }
0x26: {  	p1 =	sne.s32 s1, s25  }
.Ltmp1:
0x27: {  	_ = 	snop;
	(pc) =	sbr.rel @!p1 .LBB2_10-.Ltmp1, $3  }
0x28: {  	[sflag:s5] =	ssyncset.done @!p0 $0x0  }
0x29: {  	[sflag:s5] =	ssyncadd.s32 @!p0 $0xFFFF3C80  }
0x2a: {  	[bflag:$0x0] =	sbarrier.arrive $0xFFFF;
	_ =	sdelay $0x1  }
.LBB2_1:
0x2b: {  	s5 =	stileid.u32  }
0x2c: {  	[dreg:$0xe] =	wrdreg s1;
	s5 =	sshll.u32 @!p0 s5, $0x6  }
0x2d: {  	s1 =	sor.u32 @!p0 $0x1C02, s5;
	s5 =	rddreg [dreg:$0x4]  }
0x2e: {  	s22 =	sshrl.u32 @!p0 s5, $0x3;
	s5 =	rddreg [dreg:$0x5]  }
0x2f: {  	[dreg:$0xf] =	wrdreg s1  }
0x30: {  	[dreg:$0x10] =	wrdreg s22  }
0x31: {  	[spmem:s22], [sflag:s1] =	dma.local @!p0 [hbm:s5], $0xC380  }
0x32: {  	s5 =	simm.s32 @!p0 $0x2  }
.Ltmp2:
0x33: {  	_ =	swait.ge @!p0 [sflag:s5], $0xC380;
	(pc) =	sbr.rel .LBB2_2-.Ltmp2, $4  }
0x34: {  	[sflag:s5] =	ssyncset.done @!p0 $0x0  }
0x35: {  	[sflag:s5] =	ssyncadd.s32 @!p0 $0xFFFF3C80  }
0x36: {  	[bflag:$0x0] =	sbarrier.arrive $0xFFFF  }
0x37: {  	s25 =	simm.s32 $0x0;
	s5 =	rddreg [dreg:$0xa]  }
.LBB2_4:
0x38: {  	s25 =	sadd.s32 $0x2000, s25  }
0x39: {  	p1 =	sne.s32 s25, $0x1A000  }
.Ltmp3:
0x3a: {  	_ = 	snop;
	(pc) =	sbr.rel @!p1 .LBB2_5-.Ltmp3, $2  }
0x3b: {  	_ =	sdelay $0x2  }
0x3c: {  	s5 =	sadd.s32 $0x20, s5  }
.LBB2_2:
0x3d: {  	p1 =	sgt.u32 s5, $0x18F  }
.Ltmp4:
0x3e: {  	_ = 	snop;
	(pc) =	sbr.rel @p1 .LBB2_4-.Ltmp4, $1  }
0x3f: {  	_ =	sdelay $0x3  }
0x40: {  	s22 =	sadd.s32 s25, s23  }
0x41: {  	[tilespmem:s2], [sflag:$0x2] =	stream.linear.gather [hbm4b:s22+s2], $0x800, $0x38;
	[tilespmem:$0x1B540] =	vst v63  }
0x42: {  	_ =	swait.ge [sflag:s31], $0x800  }
0x43: {  	[sflag:s31] =	ssyncset.done $0x0;
	s1 =	rddreg [dreg:$0x9]  }
0x44: {  	[sflag:s31] =	ssyncadd.s32 $0xFFFFF800;
	s22 =	sadd.s32 s25, s1;
	s1 =	simm.s32 $0xC8000  }
0x45: {  	[tilespmem:s3], [sflag:$0x2] =	stream.strided.gather [hbm4b:s22+s3], $0x8000, s1, s3, $0x38;
	[tilespmem:$0x1B540] =	vst v63  }
0x46: {  	_ =	swait.ge [sflag:s31], $0x8000  }
0x47: {  	[sflag:s31] =	ssyncset.done $0x0  }
0x48: {  	[sflag:s31] =	ssyncadd.s32 $0xFFFF8000  }
0x49: {  	s1 =	rddreg [dreg:$0x2]  }
0x4a: {  	[spmem:s1] =	stream.indirect.scatter.add.f32 [tilespmem:s3], [sflag:$0x1], $0x1, s2, s3, $0xb8;
	[tilespmem:$0x1B540] =	vst v63  }
0x4b: {  	s22 =	simm.s32 $0x1000  }
0x4c: {  	[spmem:s6] =	stream.indirect.scatter.add.f32 [tilespmem:s22], [sflag:$0x1], $0x1, s2, s3, $0xb8;
	[tilespmem:$0x1B540] =	vst v63  }
0x4d: {  	s22 =	simm.s32 $0x1800  }
0x4e: {  	[spmem:s7] =	stream.indirect.scatter.add.f32 [tilespmem:s22], [sflag:$0x1], $0x1, s2, s3, $0xb8;
	[tilespmem:$0x1B540] =	vst v63  }
0x4f: {  	s22 =	simm.s32 $0x2000  }
0x50: {  	[spmem:s8] =	stream.indirect.scatter.add.f32 [tilespmem:s22], [sflag:$0x1], $0x1, s2, s3, $0xb8;
	[tilespmem:$0x1B540] =	vst v63  }
0x51: {  	s22 =	simm.s32 $0x2800  }
0x52: {  	[spmem:s9] =	stream.indirect.scatter.add.f32 [tilespmem:s22], [sflag:$0x1], $0x1, s2, s3, $0xb8;
	[tilespmem:$0x1B540] =	vst v63  }
0x53: {  	s22 =	simm.s32 $0x3000  }
0x54: {  	[spmem:s10] =	stream.indirect.scatter.add.f32 [tilespmem:s22], [sflag:$0x1], $0x1, s2, s3, $0xb8;
	[tilespmem:$0x1B540] =	vst v63  }
0x55: {  	s22 =	simm.s32 $0x3800  }
0x56: {  	[spmem:s11] =	stream.indirect.scatter.add.f32 [tilespmem:s22], [sflag:$0x1], $0x1, s2, s3, $0xb8;
	[tilespmem:$0x1B540] =	vst v63  }
0x57: {  	s22 =	simm.s32 $0x4000  }
0x58: {  	[spmem:s12] =	stream.indirect.scatter.add.f32 [tilespmem:s22], [sflag:$0x1], $0x1, s2, s3, $0xb8;
	[tilespmem:$0x1B540] =	vst v63  }
0x59: {  	s22 =	simm.s32 $0x4800  }
0x5a: {  	[spmem:s13] =	stream.indirect.scatter.add.f32 [tilespmem:s22], [sflag:$0x1], $0x1, s2, s3, $0xb8;
	[tilespmem:$0x1B540] =	vst v63  }
0x5b: {  	_ = 	snop  }
0x5c: {  	[spmem:s14] =	stream.indirect.scatter.add.f32 [tilespmem:s21], [sflag:$0x1], $0x1, s2, s3, $0xb8;
	[tilespmem:$0x1B540] =	vst v63  }
0x5d: {  	_ = 	snop  }
0x5e: {  	[spmem:s15] =	stream.indirect.scatter.add.f32 [tilespmem:s24], [sflag:$0x1], $0x1, s2, s3, $0xb8;
	[tilespmem:$0x1B540] =	vst v63  }
0x5f: {  	_ = 	snop  }
0x60: {  	[spmem:s16] =	stream.indirect.scatter.add.f32 [tilespmem:s30], [sflag:$0x1], $0x1, s2, s3, $0xb8;
	[tilespmem:$0x1B540] =	vst v63  }
0x61: {  	_ = 	snop  }
0x62: {  	[spmem:s17] =	stream.indirect.scatter.add.f32 [tilespmem:s0], [sflag:$0x1], $0x1, s2, s3, $0xb8;
	[tilespmem:$0x1B540] =	vst v63  }
0x63: {  	_ = 	snop  }
0x64: {  	[spmem:s26] =	stream.indirect.scatter.add.f32 [tilespmem:s4], [sflag:$0x1], $0x1, s2, s3, $0xb8;
	[tilespmem:$0x1B540] =	vst v63  }
0x65: {  	_ = 	snop  }
0x66: {  	[spmem:s28] =	stream.indirect.scatter.add.f32 [tilespmem:s18], [sflag:$0x1], $0x1, s2, s3, $0xb8;
	[tilespmem:$0x1B540] =	vst v63  }
0x67: {  	_ = 	snop  }
0x68: {  	[spmem:s29] =	stream.indirect.scatter.add.f32 [tilespmem:s19], [sflag:$0x1], $0x1, s2, s3, $0xb8;
	[tilespmem:$0x1B540] =	vst v63  }
0x69: {  	_ =	swait.ge [sflag:s20], $0x800  }
0x6a: {  	[sflag:s20] =	ssyncset.done $0x0  }
0x6b: {  	[sflag:s20] =	ssyncadd.s32 $0xFFFFF800  }
0x6c: {  	_ =	swait.ge [sflag:s20], $0x800  }
0x6d: {  	[sflag:s20] =	ssyncset.done $0x0  }
0x6e: {  	[sflag:s20] =	ssyncadd.s32 $0xFFFFF800  }
0x6f: {  	_ =	swait.ge [sflag:s20], $0x800  }
0x70: {  	[sflag:s20] =	ssyncset.done $0x0  }
0x71: {  	[sflag:s20] =	ssyncadd.s32 $0xFFFFF800  }
0x72: {  	_ =	swait.ge [sflag:s20], $0x800  }
0x73: {  	[sflag:s20] =	ssyncset.done $0x0  }
0x74: {  	[sflag:s20] =	ssyncadd.s32 $0xFFFFF800  }
0x75: {  	_ =	swait.ge [sflag:s20], $0x800  }
0x76: {  	[sflag:s20] =	ssyncset.done $0x0  }
0x77: {  	[sflag:s20] =	ssyncadd.s32 $0xFFFFF800  }
0x78: {  	_ =	swait.ge [sflag:s20], $0x800  }
0x79: {  	[sflag:s20] =	ssyncset.done $0x0  }
0x7a: {  	[sflag:s20] =	ssyncadd.s32 $0xFFFFF800  }
0x7b: {  	_ =	swait.ge [sflag:s20], $0x800  }
0x7c: {  	[sflag:s20] =	ssyncset.done $0x0  }
0x7d: {  	[sflag:s20] =	ssyncadd.s32 $0xFFFFF800  }
0x7e: {  	_ =	swait.ge [sflag:s20], $0x800  }
0x7f: {  	[sflag:s20] =	ssyncset.done $0x0  }
0x80: {  	[sflag:s20] =	ssyncadd.s32 $0xFFFFF800  }
0x81: {  	_ =	swait.ge [sflag:s20], $0x800  }
0x82: {  	[sflag:s20] =	ssyncset.done $0x0  }
0x83: {  	[sflag:s20] =	ssyncadd.s32 $0xFFFFF800  }
0x84: {  	_ =	swait.ge [sflag:s20], $0x800  }
0x85: {  	[sflag:s20] =	ssyncset.done $0x0  }
0x86: {  	[sflag:s20] =	ssyncadd.s32 $0xFFFFF800  }
0x87: {  	_ =	swait.ge [sflag:s20], $0x800  }
0x88: {  	[sflag:s20] =	ssyncset.done $0x0  }
0x89: {  	[sflag:s20] =	ssyncadd.s32 $0xFFFFF800  }
0x8a: {  	_ =	swait.ge [sflag:s20], $0x800  }
0x8b: {  	[sflag:s20] =	ssyncset.done $0x0  }
0x8c: {  	[sflag:s20] =	ssyncadd.s32 $0xFFFFF800  }
0x8d: {  	_ =	swait.ge [sflag:s20], $0x800  }
0x8e: {  	[sflag:s20] =	ssyncset.done $0x0  }
0x8f: {  	[sflag:s20] =	ssyncadd.s32 $0xFFFFF800  }
0x90: {  	_ =	swait.ge [sflag:s20], $0x800  }
0x91: {  	[sflag:s20] =	ssyncset.done $0x0  }
0x92: {  	[sflag:s20] =	ssyncadd.s32 $0xFFFFF800  }
0x93: {  	_ =	swait.ge [sflag:s20], $0x800  }
.Ltmp5:
0x94: {  	[sflag:s20] =	ssyncset.done $0x0;
	(pc) =	sbr.rel .LBB2_4-.Ltmp5, $4  }
0x95: {  	[sflag:s20] =	ssyncadd.s32 $0xFFFFF800  }
0x96: {  	_ =	swait.ge [sflag:s20], $0x800  }
0x97: {  	[sflag:s20] =	ssyncset.done $0x0  }
0x98: {  	[sflag:s20] =	ssyncadd.s32 $0xFFFFF800  }
.LBB2_5:
0x99: {  	[bflag:$0x0] =	sbarrier.arrive $0xFFFF  }
0x9a: {  	[bflag:$0x0] =	sbarrier.arrive @p0 $0xFFFF  }
0x9b: {  	s5 =	rddreg [dreg:$0x6]  }
0x9c: {  	s1 =	rddreg [dreg:$0xf]  }
0x9d: {  	s25 =	rddreg [dreg:$0x10]  }
0x9e: {  	[hbm:s5], [sflag:s1] =	dma.local @!p0 [spmem:s25], $0xC380  }
0x9f: {  	s5 =	simm.s32 @!p0 $0x2  }
0xa0: {  	_ =	swait.ge @!p0 [sflag:s5], $0xC380  }
0xa1: {  	[sflag:s5] =	ssyncset.done @!p0 $0x0  }
0xa2: {  	[sflag:s5] =	ssyncadd.s32 @!p0 $0xFFFF3C80  }
0xa3: {  	[bflag:$0x0] =	sbarrier.arrive @!p0 $0xFFFF  }
0xa4: {  	s22 =	rddreg [dreg:$0x5]  }
0xa5: {  	[spmem:s25], [sflag:s1] =	dma.local @!p0 [hbm:s22], $0xC380  }
.Ltmp6:
0xa6: {  	_ =	swait.ge @!p0 [sflag:s5], $0xC380;
	(pc) =	sbr.rel .LBB2_6-.Ltmp6, $4  }
0xa7: {  	[sflag:s5] =	ssyncset.done @!p0 $0x0  }
0xa8: {  	[sflag:s5] =	ssyncadd.s32 @!p0 $0xFFFF3C80  }
0xa9: {  	[bflag:$0x0] =	sbarrier.arrive $0xFFFF  }
0xaa: {  	s25 =	simm.s32 $0x0;
	s5 =	rddreg [dreg:$0xa]  }
.LBB2_8:
0xab: {  	s25 =	sadd.s32 $0x2000, s25  }
0xac: {  	p1 =	sne.s32 s25, $0x1A000  }
.Ltmp7:
0xad: {  	_ = 	snop;
	(pc) =	sbr.rel @!p1 .LBB2_9-.Ltmp7, $2  }
0xae: {  	_ =	sdelay $0x2  }
0xaf: {  	s5 =	sadd.s32 $0x20, s5  }
.LBB2_6:
0xb0: {  	p1 =	sgt.u32 s5, $0x18F  }
.Ltmp8:
0xb1: {  	_ = 	snop;
	(pc) =	sbr.rel @p1 .LBB2_8-.Ltmp8, $1  }
0xb2: {  	_ =	sdelay $0x3  }
0xb3: {  	s22 =	sadd.s32 s25, s23  }
0xb4: {  	[tilespmem:s2], [sflag:$0x2] =	stream.linear.gather [hbm4b:s22+s2], $0x800, $0x38;
	[tilespmem:$0x1B540] =	vst v63  }
0xb5: {  	_ =	swait.ge [sflag:s31], $0x800  }
0xb6: {  	[sflag:s31] =	ssyncset.done $0x0;
	s1 =	rddreg [dreg:$0xb]  }
0xb7: {  	[sflag:s31] =	ssyncadd.s32 $0xFFFFF800;
	s22 =	sadd.s32 s25, s1;
	s1 =	simm.s32 $0xC8000  }
0xb8: {  	[tilespmem:s3], [sflag:$0x2] =	stream.strided.gather [hbm4b:s22+s3], $0x8800, s1, s3, $0x38;
	[tilespmem:$0x1B540] =	vst v63  }
0xb9: {  	_ =	swait.ge [sflag:s31], $0x8800  }
0xba: {  	[sflag:s31] =	ssyncset.done $0x0  }
0xbb: {  	[sflag:s31] =	ssyncadd.s32 $0xFFFF7800  }
0xbc: {  	s1 =	rddreg [dreg:$0x2]  }
0xbd: {  	[spmem:s1] =	stream.indirect.scatter.add.f32 [tilespmem:s3], [sflag:$0x1], $0x1, s2, s3, $0xb8;
	[tilespmem:$0x1B540] =	vst v63  }
0xbe: {  	s22 =	simm.s32 $0x1000  }
0xbf: {  	[spmem:s6] =	stream.indirect.scatter.add.f32 [tilespmem:s22], [sflag:$0x1], $0x1, s2, s3, $0xb8;
	[tilespmem:$0x1B540] =	vst v63  }
0xc0: {  	s22 =	simm.s32 $0x1800  }
0xc1: {  	[spmem:s7] =	stream.indirect.scatter.add.f32 [tilespmem:s22], [sflag:$0x1], $0x1, s2, s3, $0xb8;
	[tilespmem:$0x1B540] =	vst v63  }
0xc2: {  	s22 =	simm.s32 $0x2000  }
0xc3: {  	[spmem:s8] =	stream.indirect.scatter.add.f32 [tilespmem:s22], [sflag:$0x1], $0x1, s2, s3, $0xb8;
	[tilespmem:$0x1B540] =	vst v63  }
0xc4: {  	s22 =	simm.s32 $0x2800  }
0xc5: {  	[spmem:s9] =	stream.indirect.scatter.add.f32 [tilespmem:s22], [sflag:$0x1], $0x1, s2, s3, $0xb8;
	[tilespmem:$0x1B540] =	vst v63  }
0xc6: {  	s22 =	simm.s32 $0x3000  }
0xc7: {  	[spmem:s10] =	stream.indirect.scatter.add.f32 [tilespmem:s22], [sflag:$0x1], $0x1, s2, s3, $0xb8;
	[tilespmem:$0x1B540] =	vst v63  }
0xc8: {  	s22 =	simm.s32 $0x3800  }
0xc9: {  	[spmem:s11] =	stream.indirect.scatter.add.f32 [tilespmem:s22], [sflag:$0x1], $0x1, s2, s3, $0xb8;
	[tilespmem:$0x1B540] =	vst v63  }
0xca: {  	s22 =	simm.s32 $0x4000  }
0xcb: {  	[spmem:s12] =	stream.indirect.scatter.add.f32 [tilespmem:s22], [sflag:$0x1], $0x1, s2, s3, $0xb8;
	[tilespmem:$0x1B540] =	vst v63  }
0xcc: {  	s22 =	simm.s32 $0x4800  }
0xcd: {  	[spmem:s13] =	stream.indirect.scatter.add.f32 [tilespmem:s22], [sflag:$0x1], $0x1, s2, s3, $0xb8;
	[tilespmem:$0x1B540] =	vst v63  }
0xce: {  	_ = 	snop  }
0xcf: {  	[spmem:s14] =	stream.indirect.scatter.add.f32 [tilespmem:s21], [sflag:$0x1], $0x1, s2, s3, $0xb8;
	[tilespmem:$0x1B540] =	vst v63  }
0xd0: {  	_ = 	snop  }
0xd1: {  	[spmem:s15] =	stream.indirect.scatter.add.f32 [tilespmem:s24], [sflag:$0x1], $0x1, s2, s3, $0xb8;
	[tilespmem:$0x1B540] =	vst v63  }
0xd2: {  	_ = 	snop  }
0xd3: {  	[spmem:s16] =	stream.indirect.scatter.add.f32 [tilespmem:s30], [sflag:$0x1], $0x1, s2, s3, $0xb8;
	[tilespmem:$0x1B540] =	vst v63  }
0xd4: {  	_ = 	snop  }
0xd5: {  	[spmem:s17] =	stream.indirect.scatter.add.f32 [tilespmem:s0], [sflag:$0x1], $0x1, s2, s3, $0xb8;
	[tilespmem:$0x1B540] =	vst v63  }
0xd6: {  	_ = 	snop  }
0xd7: {  	[spmem:s26] =	stream.indirect.scatter.add.f32 [tilespmem:s4], [sflag:$0x1], $0x1, s2, s3, $0xb8;
	[tilespmem:$0x1B540] =	vst v63  }
0xd8: {  	_ = 	snop  }
0xd9: {  	[spmem:s28] =	stream.indirect.scatter.add.f32 [tilespmem:s18], [sflag:$0x1], $0x1, s2, s3, $0xb8;
	[tilespmem:$0x1B540] =	vst v63  }
0xda: {  	_ = 	snop  }
0xdb: {  	[spmem:s29] =	stream.indirect.scatter.add.f32 [tilespmem:s19], [sflag:$0x1], $0x1, s2, s3, $0xb8;
	[tilespmem:$0x1B540] =	vst v63  }
0xdc: {  	s1 =	simm.s32 $0x8800;
	s22 =	rddreg [dreg:$0xd]  }
0xdd: {  	[spmem:s22] =	stream.indirect.scatter.add.f32 [tilespmem:s1], [sflag:$0x1], $0x1, s2, s3, $0xb8;
	[tilespmem:$0x1B540] =	vst v63  }
0xde: {  	_ =	swait.ge [sflag:s20], $0x800  }
0xdf: {  	[sflag:s20] =	ssyncset.done $0x0  }
0xe0: {  	[sflag:s20] =	ssyncadd.s32 $0xFFFFF800  }
0xe1: {  	_ =	swait.ge [sflag:s20], $0x800  }
0xe2: {  	[sflag:s20] =	ssyncset.done $0x0  }
0xe3: {  	[sflag:s20] =	ssyncadd.s32 $0xFFFFF800  }
0xe4: {  	_ =	swait.ge [sflag:s20], $0x800  }
0xe5: {  	[sflag:s20] =	ssyncset.done $0x0  }
0xe6: {  	[sflag:s20] =	ssyncadd.s32 $0xFFFFF800  }
0xe7: {  	_ =	swait.ge [sflag:s20], $0x800  }
0xe8: {  	[sflag:s20] =	ssyncset.done $0x0  }
0xe9: {  	[sflag:s20] =	ssyncadd.s32 $0xFFFFF800  }
0xea: {  	_ =	swait.ge [sflag:s20], $0x800  }
0xeb: {  	[sflag:s20] =	ssyncset.done $0x0  }
0xec: {  	[sflag:s20] =	ssyncadd.s32 $0xFFFFF800  }
0xed: {  	_ =	swait.ge [sflag:s20], $0x800  }
0xee: {  	[sflag:s20] =	ssyncset.done $0x0  }
0xef: {  	[sflag:s20] =	ssyncadd.s32 $0xFFFFF800  }
0xf0: {  	_ =	swait.ge [sflag:s20], $0x800  }
0xf1: {  	[sflag:s20] =	ssyncset.done $0x0  }
0xf2: {  	[sflag:s20] =	ssyncadd.s32 $0xFFFFF800  }
0xf3: {  	_ =	swait.ge [sflag:s20], $0x800  }
0xf4: {  	[sflag:s20] =	ssyncset.done $0x0  }
0xf5: {  	[sflag:s20] =	ssyncadd.s32 $0xFFFFF800  }
0xf6: {  	_ =	swait.ge [sflag:s20], $0x800  }
0xf7: {  	[sflag:s20] =	ssyncset.done $0x0  }
0xf8: {  	[sflag:s20] =	ssyncadd.s32 $0xFFFFF800  }
0xf9: {  	_ =	swait.ge [sflag:s20], $0x800  }
0xfa: {  	[sflag:s20] =	ssyncset.done $0x0  }
0xfb: {  	[sflag:s20] =	ssyncadd.s32 $0xFFFFF800  }
0xfc: {  	_ =	swait.ge [sflag:s20], $0x800  }
0xfd: {  	[sflag:s20] =	ssyncset.done $0x0  }
0xfe: {  	[sflag:s20] =	ssyncadd.s32 $0xFFFFF800  }
0xff: {  	_ =	swait.ge [sflag:s20], $0x800  }
0x100: {  	[sflag:s20] =	ssyncset.done $0x0  }
0x101: {  	[sflag:s20] =	ssyncadd.s32 $0xFFFFF800  }
0x102: {  	_ =	swait.ge [sflag:s20], $0x800  }
0x103: {  	[sflag:s20] =	ssyncset.done $0x0  }
0x104: {  	[sflag:s20] =	ssyncadd.s32 $0xFFFFF800  }
0x105: {  	_ =	swait.ge [sflag:s20], $0x800  }
0x106: {  	[sflag:s20] =	ssyncset.done $0x0  }
0x107: {  	[sflag:s20] =	ssyncadd.s32 $0xFFFFF800  }
0x108: {  	_ =	swait.ge [sflag:s20], $0x800  }
0x109: {  	[sflag:s20] =	ssyncset.done $0x0  }
0x10a: {  	[sflag:s20] =	ssyncadd.s32 $0xFFFFF800  }
0x10b: {  	_ =	swait.ge [sflag:s20], $0x800  }
.Ltmp9:
0x10c: {  	[sflag:s20] =	ssyncset.done $0x0;
	(pc) =	sbr.rel .LBB2_8-.Ltmp9, $4  }
0x10d: {  	[sflag:s20] =	ssyncadd.s32 $0xFFFFF800  }
0x10e: {  	_ =	swait.ge [sflag:s20], $0x800  }
0x10f: {  	[sflag:s20] =	ssyncset.done $0x0  }
0x110: {  	[sflag:s20] =	ssyncadd.s32 $0xFFFFF800  }
.LBB2_10:
0x111: {  	_ =	sfence.sel $0x180000  }
0x112: {  	[bflag:$0x0] =	sbarrier.arrive $0xFFFF  }
0x113: {  	_ =	strace $0x9000004A  }
0x114: {  	s0 =	stileid.u32;
	[bflag:$0x2] =	sbarrier.arrive $0xFFFF  }
0x115: {  	p0 =	sne.s32 s0, $0x0;
	s0 =	rddreg [dreg:$0x3]  }
0x116: {  	s0 =	sadd.s32 @!p0 $0x100000, s0  }
0x117: {  	[sflag:s0] =	ssyncadd.tile.s32 @!p0 $0x1;
	_ =	shalt  }
.Lfunc_end2:
_tile_overlayer_lowered:
.L_overlay_start_2:
0x118: {  	(tag) =	ssettag $0x2  }
0x119: {  	s0 =	rddreg [dreg:$0x0];
	s2 =	stileid.u32  }
0x11a: {  	s1 =	rddreg [dreg:$0x1];
	p0 =	sne.s32 s2, $0x0  }
0x11b: {  	s3 =	rddreg [dreg:$0x2];
	[bflag:$0x3] =	sbarrier.arrive $0xFFFF;
	s2 =	simm.s32 @!p0 $0x1C02  }
0x11c: {  	[timem:s3], [sflag:s2] =	dma.local @!p0 [hbm:s0], s1  }
0x11d: {  	s0 =	simm.s32 @!p0 $0x2  }
0x11e: {  	_ =	swait.ge @!p0 [sflag:s0], s1  }
0x11f: {  	s1 =	ssub.s32 @!p0 $0x0, s1;
	[sflag:s0] =	ssyncset.done @!p0 $0x0  }
0x120: {  	[sflag:s0] =	ssyncadd.s32 @!p0 s1  }
0x121: {  	[bflag:$0x3] =	sbarrier.arrive $0xFFFF  }
0x122: {  	_ =	shalt  }

</sc_bundles>
